<compile_context>
chip_gen: v7x
topology: tpu7x:2x2x1
jax: 0.10.2.dev20260603
libtpu: 0.0.44.dev20260713+nightly
codegen_flags: <defaults>
</compile_context>

<pallas_src>
import dataclasses
import functools

import jax
import jax.numpy as jnp
from jax import lax
from jax.experimental import pallas as pl
from jax.experimental.pallas import tpu as pltpu
from jax.experimental.pallas import tpu_sc as plsc

_NC = 2
_NS = 16
_L = 16
_NW = _NC * _NS

_W = 32
_NB = 4


def _pack_table(feats32):
    RT, C = feats32.shape
    C2 = C // 2
    RB = 4096

    def body(x_ref, o_ref):
        ua = jax.lax.bitcast_convert_type(x_ref[:, :C2], jnp.uint32)
        ub = jax.lax.bitcast_convert_type(x_ref[:, C2:], jnp.uint32)
        ra = (ua + 0x7FFF + ((ua >> 16) & 1)) >> 16
        rb = (ub + 0x7FFF + ((ub >> 16) & 1)) >> 16
        o_ref[...] = jax.lax.bitcast_convert_type(ra | (rb << 16), jnp.int32)

    return pl.pallas_call(
        body,
        out_shape=jax.ShapeDtypeStruct((RT, C2), jnp.int32),
        grid=(RT // RB,),
        in_specs=[pl.BlockSpec((RB, C), lambda i: (i, 0))],
        out_specs=pl.BlockSpec((RB, C2), lambda i: (i, 0)),
    )(feats32)


def _sc_interpolate(feats, planes, M, N, K, C):
    P = M // _NW
    T = P // _W
    C2 = C // 2
    mesh = plsc.VectorSubcoreMesh(core_axis_name="c", subcore_axis_name="s")
    cp = pltpu.CompilerParams()
    if "needs_layout_passes" in pltpu.CompilerParams.__dataclass_fields__:
        cp = dataclasses.replace(cp, needs_layout_passes=False)

    @functools.partial(
        pl.kernel,
        out_type=jax.ShapeDtypeStruct((M, C), jnp.float32),
        mesh=mesh,
        scratch_types=[
            pltpu.VMEM((K, P), jnp.int32),
            pltpu.VMEM((K, P), jnp.int32),
            *[pltpu.VMEM((K * _W, C2), jnp.int32)
              for _ in range(_NB)],
            pltpu.VMEM((_W, C), jnp.float32),
            pltpu.VMEM((_W, C), jnp.float32),
            *[pltpu.SemaphoreType.DMA for _ in range(_NB)],
            pltpu.SemaphoreType.DMA,
            pltpu.SemaphoreType.DMA,
        ],
        compiler_params=cp,
    )
    def body(feats_hbm, p0_hbm, p1_hbm, p2_hbm, out_hbm,
             pw, idxs, rows0, rows1, rows2, rows3, outv0, outv1,
             sg0, sg1, sg2, sg3, so0, so1):
        wid = lax.axis_index("s") * _NC + lax.axis_index("c")
        base_pt = wid * P
        bb = base_pt // N
        n0 = base_pt - bb * N
        rows = (rows0, rows1, rows2, rows3)
        outv = (outv0, outv1)
        sg = (sg0, sg1, sg2, sg3)
        so = (so0, so1)

        for k, p_hbm in enumerate((p0_hbm, p1_hbm, p2_hbm)):
            pltpu.sync_copy(p_hbm.at[pl.ds(bb, 1), pl.ds(n0, P)],
                            pw.at[pl.ds(k, 1)])

        @plsc.parallel_loop(0, P, step=_L)
        def _gl(j):
            for k in range(K):
                idxs[k, pl.ds(j, _L)] = pw[k, pl.ds(j, _L)] & 0xFFFF

        def start_gather(t, b):
            for k in range(K):
                pltpu.async_copy(
                    feats_hbm.at[idxs.at[k, pl.ds(t * _W, _W)]],
                    rows[b].at[pl.ds(k * _W, _W)], sg[b])

        def wait_gather(t, b):
            for k in range(K):
                pltpu.make_async_copy(
                    feats_hbm.at[idxs.at[k, pl.ds(t * _W, _W)]],
                    rows[b].at[pl.ds(k * _W, _W)], sg[b]).wait()

        def compute(t, rb, b):
            @plsc.parallel_loop(0, _W, unroll=2)
            def _pt(i):
                pt = jnp.full((_L,), t * _W + i, dtype=jnp.int32)
                wbs = []
                for k in range(K):
                    spw = plsc.load_gather(
                        pw, [jnp.full((_L,), k, dtype=jnp.int32), pt])
                    hi = spw & jnp.int32(-65536)
                    both = hi | lax.shift_right_logical(hi, 16)
                    wbs.append(plsc.bitcast(both, jnp.bfloat16))
                for c in range(C2 // _L):
                    sl = pl.ds(c * _L, _L)
                    acc = plsc.bitcast(rows[rb][i, sl], jnp.bfloat16) * wbs[0]
                    for k in range(1, K):
                        acc += plsc.bitcast(rows[rb][k * _W + i, sl],
                                            jnp.bfloat16) * wbs[k]
                    lo, hi2 = plsc.unpack(acc, format=plsc.PackFormat.INTERLEAVED)
                    outv[b][i, sl] = lo
                    outv[b][i, pl.ds(C2 + c * _L, _L)] = hi2

        for b in range(_NB):
            start_gather(b, b)

        @pl.loop(0, T, step=_NB)
        def _win(t):
            for b in range(_NB):
                tt = t + b
                ob = b % 2
                wait_gather(tt, b)
                @pl.when(tt >= 2)
                def _():
                    pltpu.make_async_copy(
                        outv[ob],
                        out_hbm.at[pl.ds(base_pt + (tt - 2) * _W, _W)],
                        so[ob]).wait()
                compute(tt, b, ob)
                pltpu.async_copy(
                    outv[ob],
                    out_hbm.at[pl.ds(base_pt + tt * _W, _W)], so[ob])
                @pl.when(tt + _NB < T)
                def _():
                    start_gather(tt + _NB, b)

        for b in range(2):
            pltpu.make_async_copy(
                outv[b],
                out_hbm.at[pl.ds(base_pt + (T - 2 + b) * _W, _W)],
                so[b]).wait()

    return body(feats, *planes)


def kernel(features, idx, weight):
    B, N, K = idx.shape
    R, C = features.shape[1], features.shape[2]
    M = B * N
    feats = _pack_table(features.reshape(B * R, C))
    wu = jax.lax.bitcast_convert_type(weight, jnp.uint32)
    wbits = (wu + 0x7FFF + ((wu >> 16) & 1)) & jnp.uint32(0xFFFF0000)
    gidx = (idx.astype(jnp.uint32)
            + (jnp.arange(B, dtype=jnp.uint32) * R)[:, None, None])
    word = jax.lax.bitcast_convert_type(wbits | gidx, jnp.int32)
    planes = [word[:, :, k] for k in range(K)]
    out = _sc_interpolate(feats, planes, M, N, K, C)
    return out.reshape(B, N, C)

# --- scband reference (transcript-rebuilt; emitter-appended) ---
"""Pipeline reference for scband-interpolate-47845935677707 (READ-ONLY COPY).

The authoritative reference and input builder live on the scoring server;
editing this copy changes nothing except your own understanding.
"""

import jax, jax.numpy as jnp
import numpy as np


def setup_inputs(seed: int = 0) -> dict:
    key = jax.random.key(seed)
    k1, k2, k3 = jax.random.split(key, 3)
    features = jax.random.normal(k1, (16, 1024, 256), dtype=jnp.float32)
    idx = jax.random.randint(k2, (16, 4096, 3), 0, 1024, dtype=jnp.int64)
    weight = jax.random.uniform(k3, (16, 4096, 3), dtype=jnp.float32)
    return {"features": features, "idx": idx, "weight": weight}


def reference(features, idx, weight):
    B, N, K = idx.shape
    C = features.shape[-1]
    # torch.gather(features, 1, idx.view(B,-1,1).expand(-1,-1,C)) equivalent:
    gathered = jnp.take_along_axis(features, idx.reshape(B, N * K, 1), axis=1)
    gathered = gathered.reshape(B, N, K, C)
    return (gathered * weight[..., None]).sum(axis=2)

if __name__ == "__main__":
    import jax
    _d = setup_inputs()
    print(jax.jit(kernel)(*tuple(_d.values())))

</pallas_src>

<mosaic_0001>
#map = affine_map<(d0, d1) -> (0, 0)>
module attributes {stable_mosaic.version = 14 : i64} {
  func.func @body(%arg0: i32, %arg1: i32, %arg2: memref<16384x128xi32, #tpu.memory_space<hbm>>, %arg3: memref<16x4096xi32, #tpu.memory_space<hbm>>, %arg4: memref<16x4096xi32, #tpu.memory_space<hbm>>, %arg5: memref<16x4096xi32, #tpu.memory_space<hbm>>, %arg6: memref<65536x256xf32, #tpu.memory_space<hbm>>, %arg7: memref<3x2048xi32, #tpu.memory_space<vmem>>, %arg8: memref<3x2048xi32, #tpu.memory_space<vmem>>, %arg9: memref<96x128xi32, #tpu.memory_space<vmem>>, %arg10: memref<96x128xi32, #tpu.memory_space<vmem>>, %arg11: memref<96x128xi32, #tpu.memory_space<vmem>>, %arg12: memref<96x128xi32, #tpu.memory_space<vmem>>, %arg13: memref<32x256xf32, #tpu.memory_space<vmem>>, %arg14: memref<32x256xf32, #tpu.memory_space<vmem>>, %arg15: memref<!tpu.dma_semaphore, #tpu.memory_space<semaphore_mem>>, %arg16: memref<!tpu.dma_semaphore, #tpu.memory_space<semaphore_mem>>, %arg17: memref<!tpu.dma_semaphore, #tpu.memory_space<semaphore_mem>>, %arg18: memref<!tpu.dma_semaphore, #tpu.memory_space<semaphore_mem>>, %arg19: memref<!tpu.dma_semaphore, #tpu.memory_space<semaphore_mem>>, %arg20: memref<!tpu.dma_semaphore, #tpu.memory_space<semaphore_mem>>) attributes {dimension_semantics = [#tpu.dimension_semantics<core_parallel>, #tpu.dimension_semantics<subcore_parallel>], iteration_bounds = array<i64: 2, 16>, scalar_prefetch = 0 : i64, scratch_operands = 14 : i64, tpu.core_type = #tpu.core_type<sc_vector_subcore>, window_params = [{transform_indices = #map}, {transform_indices = #map}, {transform_indices = #map}, {transform_indices = #map}, {transform_indices = #map}]} {
    %mul3A = arith.constant 2 : i32
    %mul3A_0 = arith.muli %arg1, %mul3A : i32
    %add3A = arith.addi %mul3A_0, %arg0 : i32
    %mul3A_1 = arith.constant 2048 : i32
    %mul3A_2 = arith.muli %add3A, %mul3A_1 : i32
    %jit3A = arith.constant 4096 : i32
    %div3A = arith.divsi %mul3A_2, %jit3A : i32
    %sign3A = arith.constant 0 : i32
    %sign3A_3 = arith.cmpi sgt, %mul3A_2, %sign3A : i32
    %sign3A_4 = arith.extui %sign3A_3 : i1 to i32
    %sign3A_5 = arith.constant 0 : i32
    %sign3A_6 = arith.cmpi slt, %mul3A_2, %sign3A_5 : i32
    %sign3A_7 = arith.extui %sign3A_6 : i1 to i32
    %sign3A_8 = arith.subi %sign3A_4, %sign3A_7 : i32
    %sign3A_9 = arith.constant 0 : i32
    %sign3A_10 = arith.cmpi sgt, %jit3A, %sign3A_9 : i32
    %sign3A_11 = arith.extui %sign3A_10 : i1 to i32
    %sign3A_12 = arith.constant 0 : i32
    %sign3A_13 = arith.cmpi slt, %jit3A, %sign3A_12 : i32
    %sign3A_14 = arith.extui %sign3A_13 : i1 to i32
    %sign3A_15 = arith.subi %sign3A_11, %sign3A_14 : i32
    %ne3A = arith.cmpi ne, %sign3A_8, %sign3A_15 : i32
    %rem3A = arith.remsi %mul3A_2, %jit3A : i32
    %ne3A_16 = arith.constant 0 : i32
    %ne3A_17 = arith.cmpi ne, %rem3A, %ne3A_16 : i32
    %and3A = arith.andi %ne3A, %ne3A_17 : i1
    %sub3A = arith.constant 1 : i32
    %sub3A_18 = arith.subi %div3A, %sub3A : i32
    %select_n3A = arith.select %and3A, %sub3A_18, %div3A : i32
    %mul3A_19 = arith.constant 4096 : i32
    %mul3A_20 = arith.muli %select_n3A, %mul3A_19 : i32
    %sub3A_21 = arith.subi %mul3A_2, %mul3A_20 : i32
    "tpu.region"() ({
      %run_scoped3A = tpu.sem_alloc : memref<!tpu.dma_semaphore, #tpu.memory_space<semaphore_mem>>
      %dma_start3A_158 = arith.constant 0 : i32
      %dma_start3A_159 = arith.constant 0 : i32
      %dma_start3A_160 = tpu.memref_slice %arg7[%dma_start3A_158, %dma_start3A_159] : memref<3x2048xi32, #tpu.memory_space<vmem>> -> memref<1x2048xi32, #tpu.memory_space<vmem>>
      %dma_start3A_161 = tpu.memref_slice %arg3[%select_n3A, %sub3A_21] : memref<16x4096xi32, #tpu.memory_space<hbm>> -> memref<1x2048xi32, #tpu.memory_space<hbm>>
      %dma_start3A_162 = arith.constant 0 : i32
      %dma_start3A_163 = arith.constant 0 : i32
      %dma_start3A_164 = tpu.memref_slice %arg7[%dma_start3A_162, %dma_start3A_163] : memref<3x2048xi32, #tpu.memory_space<vmem>> -> memref<1x2048xi32, #tpu.memory_space<vmem>>
      %dma_start3A_165 = tpu.memref_slice %arg3[%select_n3A, %sub3A_21] : memref<16x4096xi32, #tpu.memory_space<hbm>> -> memref<1x2048xi32, #tpu.memory_space<hbm>>
      tpu.enqueue_dma source(%dma_start3A_165 : memref<1x2048xi32, #tpu.memory_space<hbm>>) target(%dma_start3A_164 : memref<1x2048xi32, #tpu.memory_space<vmem>>) target_semaphore(%run_scoped3A : memref<!tpu.dma_semaphore, #tpu.memory_space<semaphore_mem>>)
      %dma_wait3A_166 = arith.constant 0 : i32
      %dma_wait3A_167 = arith.constant 0 : i32
      %dma_wait3A_168 = tpu.memref_slice %arg7[%dma_wait3A_166, %dma_wait3A_167] : memref<3x2048xi32, #tpu.memory_space<vmem>> -> memref<1x2048xi32, #tpu.memory_space<vmem>>
      %dma_wait3A_169 = tpu.memref_slice %arg3[%select_n3A, %sub3A_21] : memref<16x4096xi32, #tpu.memory_space<hbm>> -> memref<1x2048xi32, #tpu.memory_space<hbm>>
      %dma_wait3A_170 = arith.constant 0 : i32
      %dma_wait3A_171 = arith.constant 0 : i32
      %dma_wait3A_172 = tpu.memref_slice %arg7[%dma_wait3A_170, %dma_wait3A_171] : memref<3x2048xi32, #tpu.memory_space<vmem>> -> memref<1x2048xi32, #tpu.memory_space<vmem>>
      %dma_wait3A_173 = tpu.memref_slice %arg3[%select_n3A, %sub3A_21] : memref<16x4096xi32, #tpu.memory_space<hbm>> -> memref<1x2048xi32, #tpu.memory_space<hbm>>
      tpu.wait_dma2 semaphore(%run_scoped3A : memref<!tpu.dma_semaphore, #tpu.memory_space<semaphore_mem>>) src(%dma_wait3A_173 : memref<1x2048xi32, #tpu.memory_space<hbm>>) dst(%dma_wait3A_172 : memref<1x2048xi32, #tpu.memory_space<vmem>>)
      tpu.yield
    }) : () -> ()
    "tpu.region"() ({
      %run_scoped3A = tpu.sem_alloc : memref<!tpu.dma_semaphore, #tpu.memory_space<semaphore_mem>>
      %dma_start3A_158 = arith.constant 1 : i32
      %dma_start3A_159 = arith.constant 0 : i32
      %dma_start3A_160 = tpu.memref_slice %arg7[%dma_start3A_158, %dma_start3A_159] : memref<3x2048xi32, #tpu.memory_space<vmem>> -> memref<1x2048xi32, #tpu.memory_space<vmem>>
      %dma_start3A_161 = tpu.memref_slice %arg4[%select_n3A, %sub3A_21] : memref<16x4096xi32, #tpu.memory_space<hbm>> -> memref<1x2048xi32, #tpu.memory_space<hbm>>
      %dma_start3A_162 = arith.constant 1 : i32
      %dma_start3A_163 = arith.constant 0 : i32
      %dma_start3A_164 = tpu.memref_slice %arg7[%dma_start3A_162, %dma_start3A_163] : memref<3x2048xi32, #tpu.memory_space<vmem>> -> memref<1x2048xi32, #tpu.memory_space<vmem>>
      %dma_start3A_165 = tpu.memref_slice %arg4[%select_n3A, %sub3A_21] : memref<16x4096xi32, #tpu.memory_space<hbm>> -> memref<1x2048xi32, #tpu.memory_space<hbm>>
      tpu.enqueue_dma source(%dma_start3A_165 : memref<1x2048xi32, #tpu.memory_space<hbm>>) target(%dma_start3A_164 : memref<1x2048xi32, #tpu.memory_space<vmem>>) target_semaphore(%run_scoped3A : memref<!tpu.dma_semaphore, #tpu.memory_space<semaphore_mem>>)
      %dma_wait3A_166 = arith.constant 1 : i32
      %dma_wait3A_167 = arith.constant 0 : i32
      %dma_wait3A_168 = tpu.memref_slice %arg7[%dma_wait3A_166, %dma_wait3A_167] : memref<3x2048xi32, #tpu.memory_space<vmem>> -> memref<1x2048xi32, #tpu.memory_space<vmem>>
      %dma_wait3A_169 = tpu.memref_slice %arg4[%select_n3A, %sub3A_21] : memref<16x4096xi32, #tpu.memory_space<hbm>> -> memref<1x2048xi32, #tpu.memory_space<hbm>>
      %dma_wait3A_170 = arith.constant 1 : i32
      %dma_wait3A_171 = arith.constant 0 : i32
      %dma_wait3A_172 = tpu.memref_slice %arg7[%dma_wait3A_170, %dma_wait3A_171] : memref<3x2048xi32, #tpu.memory_space<vmem>> -> memref<1x2048xi32, #tpu.memory_space<vmem>>
      %dma_wait3A_173 = tpu.memref_slice %arg4[%select_n3A, %sub3A_21] : memref<16x4096xi32, #tpu.memory_space<hbm>> -> memref<1x2048xi32, #tpu.memory_space<hbm>>
      tpu.wait_dma2 semaphore(%run_scoped3A : memref<!tpu.dma_semaphore, #tpu.memory_space<semaphore_mem>>) src(%dma_wait3A_173 : memref<1x2048xi32, #tpu.memory_space<hbm>>) dst(%dma_wait3A_172 : memref<1x2048xi32, #tpu.memory_space<vmem>>)
      tpu.yield
    }) : () -> ()
    "tpu.region"() ({
      %run_scoped3A = tpu.sem_alloc : memref<!tpu.dma_semaphore, #tpu.memory_space<semaphore_mem>>
      %dma_start3A_158 = arith.constant 2 : i32
      %dma_start3A_159 = arith.constant 0 : i32
      %dma_start3A_160 = tpu.memref_slice %arg7[%dma_start3A_158, %dma_start3A_159] : memref<3x2048xi32, #tpu.memory_space<vmem>> -> memref<1x2048xi32, #tpu.memory_space<vmem>>
      %dma_start3A_161 = tpu.memref_slice %arg5[%select_n3A, %sub3A_21] : memref<16x4096xi32, #tpu.memory_space<hbm>> -> memref<1x2048xi32, #tpu.memory_space<hbm>>
      %dma_start3A_162 = arith.constant 2 : i32
      %dma_start3A_163 = arith.constant 0 : i32
      %dma_start3A_164 = tpu.memref_slice %arg7[%dma_start3A_162, %dma_start3A_163] : memref<3x2048xi32, #tpu.memory_space<vmem>> -> memref<1x2048xi32, #tpu.memory_space<vmem>>
      %dma_start3A_165 = tpu.memref_slice %arg5[%select_n3A, %sub3A_21] : memref<16x4096xi32, #tpu.memory_space<hbm>> -> memref<1x2048xi32, #tpu.memory_space<hbm>>
      tpu.enqueue_dma source(%dma_start3A_165 : memref<1x2048xi32, #tpu.memory_space<hbm>>) target(%dma_start3A_164 : memref<1x2048xi32, #tpu.memory_space<vmem>>) target_semaphore(%run_scoped3A : memref<!tpu.dma_semaphore, #tpu.memory_space<semaphore_mem>>)
      %dma_wait3A_166 = arith.constant 2 : i32
      %dma_wait3A_167 = arith.constant 0 : i32
      %dma_wait3A_168 = tpu.memref_slice %arg7[%dma_wait3A_166, %dma_wait3A_167] : memref<3x2048xi32, #tpu.memory_space<vmem>> -> memref<1x2048xi32, #tpu.memory_space<vmem>>
      %dma_wait3A_169 = tpu.memref_slice %arg5[%select_n3A, %sub3A_21] : memref<16x4096xi32, #tpu.memory_space<hbm>> -> memref<1x2048xi32, #tpu.memory_space<hbm>>
      %dma_wait3A_170 = arith.constant 2 : i32
      %dma_wait3A_171 = arith.constant 0 : i32
      %dma_wait3A_172 = tpu.memref_slice %arg7[%dma_wait3A_170, %dma_wait3A_171] : memref<3x2048xi32, #tpu.memory_space<vmem>> -> memref<1x2048xi32, #tpu.memory_space<vmem>>
      %dma_wait3A_173 = tpu.memref_slice %arg5[%select_n3A, %sub3A_21] : memref<16x4096xi32, #tpu.memory_space<hbm>> -> memref<1x2048xi32, #tpu.memory_space<hbm>>
      tpu.wait_dma2 semaphore(%run_scoped3A : memref<!tpu.dma_semaphore, #tpu.memory_space<semaphore_mem>>) src(%dma_wait3A_173 : memref<1x2048xi32, #tpu.memory_space<hbm>>) dst(%dma_wait3A_172 : memref<1x2048xi32, #tpu.memory_space<vmem>>)
      tpu.yield
    }) : () -> ()
    %parallel_loop3A = arith.constant 0 : i32
    %parallel_loop3A_22 = arith.constant 2048 : i32
    %parallel_loop3A_23 = arith.constant 16 : i32
    scf.for %parallel_loop3A_158 = %parallel_loop3A to %parallel_loop3A_22 step %parallel_loop3A_23  : i32 {
      %parallel_loop3A_159 = arith.constant 0 : i32
      %parallel_loop3A_160 = arith.index_cast %parallel_loop3A_159 : i32 to index
      %parallel_loop3A_161 = arith.index_cast %parallel_loop3A_158 : i32 to index
      %parallel_loop3A_162 = tpu.vector_load %arg7[%parallel_loop3A_160, %parallel_loop3A_161] {strides = array<i32>} : memref<3x2048xi32, #tpu.memory_space<vmem>>, vector<16xi32>,
      %parallel_loop3A_163 = arith.constant 65535 : i32
      %parallel_loop3A_164 = vector.broadcast %parallel_loop3A_163 : i32 to vector<16xi32>
      %parallel_loop3A_165 = arith.andi %parallel_loop3A_162, %parallel_loop3A_164 : vector<16xi32>
      %parallel_loop3A_166 = arith.constant 0 : i32
      %parallel_loop3A_167 = arith.index_cast %parallel_loop3A_166 : i32 to index
      %parallel_loop3A_168 = arith.index_cast %parallel_loop3A_158 : i32 to index
      %parallel_loop3A_169 = tpu.vector_load %arg8[%parallel_loop3A_167, %parallel_loop3A_168] {strides = array<i32>} : memref<3x2048xi32, #tpu.memory_space<vmem>>, vector<16xi32>,
      tpu.vector_store %arg8[%parallel_loop3A_167, %parallel_loop3A_168], %parallel_loop3A_165 {strides = array<i32>} : memref<3x2048xi32, #tpu.memory_space<vmem>>, vector<16xi32>,
      %parallel_loop3A_170 = arith.constant 1 : i32
      %parallel_loop3A_171 = arith.index_cast %parallel_loop3A_170 : i32 to index
      %parallel_loop3A_172 = arith.index_cast %parallel_loop3A_158 : i32 to index
      %parallel_loop3A_173 = tpu.vector_load %arg7[%parallel_loop3A_171, %parallel_loop3A_172] {strides = array<i32>} : memref<3x2048xi32, #tpu.memory_space<vmem>>, vector<16xi32>,
      %parallel_loop3A_174 = arith.constant 65535 : i32
      %parallel_loop3A_175 = vector.broadcast %parallel_loop3A_174 : i32 to vector<16xi32>
      %parallel_loop3A_176 = arith.andi %parallel_loop3A_173, %parallel_loop3A_175 : vector<16xi32>
      %parallel_loop3A_177 = arith.constant 1 : i32
      %parallel_loop3A_178 = arith.index_cast %parallel_loop3A_177 : i32 to index
      %parallel_loop3A_179 = arith.index_cast %parallel_loop3A_158 : i32 to index
      %parallel_loop3A_180 = tpu.vector_load %arg8[%parallel_loop3A_178, %parallel_loop3A_179] {strides = array<i32>} : memref<3x2048xi32, #tpu.memory_space<vmem>>, vector<16xi32>,
      tpu.vector_store %arg8[%parallel_loop3A_178, %parallel_loop3A_179], %parallel_loop3A_176 {strides = array<i32>} : memref<3x2048xi32, #tpu.memory_space<vmem>>, vector<16xi32>,
      %parallel_loop3A_181 = arith.constant 2 : i32
      %parallel_loop3A_182 = arith.index_cast %parallel_loop3A_181 : i32 to index
      %parallel_loop3A_183 = arith.index_cast %parallel_loop3A_158 : i32 to index
      %parallel_loop3A_184 = tpu.vector_load %arg7[%parallel_loop3A_182, %parallel_loop3A_183] {strides = array<i32>} : memref<3x2048xi32, #tpu.memory_space<vmem>>, vector<16xi32>,
      %parallel_loop3A_185 = arith.constant 65535 : i32
      %parallel_loop3A_186 = vector.broadcast %parallel_loop3A_185 : i32 to vector<16xi32>
      %parallel_loop3A_187 = arith.andi %parallel_loop3A_184, %parallel_loop3A_186 : vector<16xi32>
      %parallel_loop3A_188 = arith.constant 2 : i32
      %parallel_loop3A_189 = arith.index_cast %parallel_loop3A_188 : i32 to index
      %parallel_loop3A_190 = arith.index_cast %parallel_loop3A_158 : i32 to index
      %parallel_loop3A_191 = tpu.vector_load %arg8[%parallel_loop3A_189, %parallel_loop3A_190] {strides = array<i32>} : memref<3x2048xi32, #tpu.memory_space<vmem>>, vector<16xi32>,
      tpu.vector_store %arg8[%parallel_loop3A_189, %parallel_loop3A_190], %parallel_loop3A_187 {strides = array<i32>} : memref<3x2048xi32, #tpu.memory_space<vmem>>, vector<16xi32>,
    } {sc.loop_unroll_factor = 1 : i64, sc.parallel_access}
    %dma_start3A = arith.constant 0 : i32
    %dma_start3A_24 = arith.constant 0 : i32
    %dma_start3A_25 = arith.constant 0 : i32
    %dma_start3A_26 = tpu.memref_slice %arg9[%dma_start3A_24, %dma_start3A_25] : memref<96x128xi32, #tpu.memory_space<vmem>> -> memref<32x128xi32, #tpu.memory_space<vmem>>
    %dma_start3A_27 = arith.constant 0 : i32
    %dma_start3A_28 = tpu.memref_slice %arg8[%dma_start3A, %dma_start3A_27] : memref<3x2048xi32, #tpu.memory_space<vmem>> -> memref<1x32xi32, #tpu.memory_space<vmem>>
    %dma_start3A_29 = tpu.memref_squeeze %dma_start3A_28 : memref<1x32xi32, #tpu.memory_space<vmem>> -> memref<32xi32, #tpu.memory_space<vmem>>
    %dma_start3A_30 = arith.constant 0 : i32
    %dma_start3A_31 = arith.constant 0 : i32
    %dma_start3A_32 = tpu.memref_slice %arg2[%dma_start3A_30, %dma_start3A_31] : memref<16384x128xi32, #tpu.memory_space<hbm>> -> memref<16384x128xi32, #tpu.memory_space<hbm>>
    tpu.enqueue_indirect_dma source(%dma_start3A_32 : memref<16384x128xi32, #tpu.memory_space<hbm>>) target(%dma_start3A_26 : memref<32x128xi32, #tpu.memory_space<vmem>>) offsets(%dma_start3A_29 : memref<32xi32, #tpu.memory_space<vmem>>) semaphore(%arg15 : memref<!tpu.dma_semaphore, #tpu.memory_space<semaphore_mem>>)
    %dma_start3A_33 = arith.constant 1 : i32
    %dma_start3A_34 = arith.constant 32 : i32
    %dma_start3A_35 = arith.constant 0 : i32
    %dma_start3A_36 = tpu.memref_slice %arg9[%dma_start3A_34, %dma_start3A_35] : memref<96x128xi32, #tpu.memory_space<vmem>> -> memref<32x128xi32, #tpu.memory_space<vmem>>
    %dma_start3A_37 = arith.constant 0 : i32
    %dma_start3A_38 = tpu.memref_slice %arg8[%dma_start3A_33, %dma_start3A_37] : memref<3x2048xi32, #tpu.memory_space<vmem>> -> memref<1x32xi32, #tpu.memory_space<vmem>>
    %dma_start3A_39 = tpu.memref_squeeze %dma_start3A_38 : memref<1x32xi32, #tpu.memory_space<vmem>> -> memref<32xi32, #tpu.memory_space<vmem>>
    %dma_start3A_40 = arith.constant 0 : i32
    %dma_start3A_41 = arith.constant 0 : i32
    %dma_start3A_42 = tpu.memref_slice %arg2[%dma_start3A_40, %dma_start3A_41] : memref<16384x128xi32, #tpu.memory_space<hbm>> -> memref<16384x128xi32, #tpu.memory_space<hbm>>
    tpu.enqueue_indirect_dma source(%dma_start3A_42 : memref<16384x128xi32, #tpu.memory_space<hbm>>) target(%dma_start3A_36 : memref<32x128xi32, #tpu.memory_space<vmem>>) offsets(%dma_start3A_39 : memref<32xi32, #tpu.memory_space<vmem>>) semaphore(%arg15 : memref<!tpu.dma_semaphore, #tpu.memory_space<semaphore_mem>>)
    %dma_start3A_43 = arith.constant 2 : i32
    %dma_start3A_44 = arith.constant 64 : i32
    %dma_start3A_45 = arith.constant 0 : i32
    %dma_start3A_46 = tpu.memref_slice %arg9[%dma_start3A_44, %dma_start3A_45] : memref<96x128xi32, #tpu.memory_space<vmem>> -> memref<32x128xi32, #tpu.memory_space<vmem>>
    %dma_start3A_47 = arith.constant 0 : i32
    %dma_start3A_48 = tpu.memref_slice %arg8[%dma_start3A_43, %dma_start3A_47] : memref<3x2048xi32, #tpu.memory_space<vmem>> -> memref<1x32xi32, #tpu.memory_space<vmem>>
    %dma_start3A_49 = tpu.memref_squeeze %dma_start3A_48 : memref<1x32xi32, #tpu.memory_space<vmem>> -> memref<32xi32, #tpu.memory_space<vmem>>
    %dma_start3A_50 = arith.constant 0 : i32
    %dma_start3A_51 = arith.constant 0 : i32
    %dma_start3A_52 = tpu.memref_slice %arg2[%dma_start3A_50, %dma_start3A_51] : memref<16384x128xi32, #tpu.memory_space<hbm>> -> memref<16384x128xi32, #tpu.memory_space<hbm>>
    tpu.enqueue_indirect_dma source(%dma_start3A_52 : memref<16384x128xi32, #tpu.memory_space<hbm>>) target(%dma_start3A_46 : memref<32x128xi32, #tpu.memory_space<vmem>>) offsets(%dma_start3A_49 : memref<32xi32, #tpu.memory_space<vmem>>) semaphore(%arg15 : memref<!tpu.dma_semaphore, #tpu.memory_space<semaphore_mem>>)
    %dma_start3A_53 = arith.constant 0 : i32
    %dma_start3A_54 = arith.constant 0 : i32
    %dma_start3A_55 = arith.constant 0 : i32
    %dma_start3A_56 = tpu.memref_slice %arg10[%dma_start3A_54, %dma_start3A_55] : memref<96x128xi32, #tpu.memory_space<vmem>> -> memref<32x128xi32, #tpu.memory_space<vmem>>
    %dma_start3A_57 = arith.constant 32 : i32
    %dma_start3A_58 = tpu.memref_slice %arg8[%dma_start3A_53, %dma_start3A_57] : memref<3x2048xi32, #tpu.memory_space<vmem>> -> memref<1x32xi32, #tpu.memory_space<vmem>>
    %dma_start3A_59 = tpu.memref_squeeze %dma_start3A_58 : memref<1x32xi32, #tpu.memory_space<vmem>> -> memref<32xi32, #tpu.memory_space<vmem>>
    %dma_start3A_60 = arith.constant 0 : i32
    %dma_start3A_61 = arith.constant 0 : i32
    %dma_start3A_62 = tpu.memref_slice %arg2[%dma_start3A_60, %dma_start3A_61] : memref<16384x128xi32, #tpu.memory_space<hbm>> -> memref<16384x128xi32, #tpu.memory_space<hbm>>
    tpu.enqueue_indirect_dma source(%dma_start3A_62 : memref<16384x128xi32, #tpu.memory_space<hbm>>) target(%dma_start3A_56 : memref<32x128xi32, #tpu.memory_space<vmem>>) offsets(%dma_start3A_59 : memref<32xi32, #tpu.memory_space<vmem>>) semaphore(%arg16 : memref<!tpu.dma_semaphore, #tpu.memory_space<semaphore_mem>>)
    %dma_start3A_63 = arith.constant 1 : i32
    %dma_start3A_64 = arith.constant 32 : i32
    %dma_start3A_65 = arith.constant 0 : i32
    %dma_start3A_66 = tpu.memref_slice %arg10[%dma_start3A_64, %dma_start3A_65] : memref<96x128xi32, #tpu.memory_space<vmem>> -> memref<32x128xi32, #tpu.memory_space<vmem>>
    %dma_start3A_67 = arith.constant 32 : i32
    %dma_start3A_68 = tpu.memref_slice %arg8[%dma_start3A_63, %dma_start3A_67] : memref<3x2048xi32, #tpu.memory_space<vmem>> -> memref<1x32xi32, #tpu.memory_space<vmem>>
    %dma_start3A_69 = tpu.memref_squeeze %dma_start3A_68 : memref<1x32xi32, #tpu.memory_space<vmem>> -> memref<32xi32, #tpu.memory_space<vmem>>
    %dma_start3A_70 = arith.constant 0 : i32
    %dma_start3A_71 = arith.constant 0 : i32
    %dma_start3A_72 = tpu.memref_slice %arg2[%dma_start3A_70, %dma_start3A_71] : memref<16384x128xi32, #tpu.memory_space<hbm>> -> memref<16384x128xi32, #tpu.memory_space<hbm>>
    tpu.enqueue_indirect_dma source(%dma_start3A_72 : memref<16384x128xi32, #tpu.memory_space<hbm>>) target(%dma_start3A_66 : memref<32x128xi32, #tpu.memory_space<vmem>>) offsets(%dma_start3A_69 : memref<32xi32, #tpu.memory_space<vmem>>) semaphore(%arg16 : memref<!tpu.dma_semaphore, #tpu.memory_space<semaphore_mem>>)
    %dma_start3A_73 = arith.constant 2 : i32
    %dma_start3A_74 = arith.constant 64 : i32
    %dma_start3A_75 = arith.constant 0 : i32
    %dma_start3A_76 = tpu.memref_slice %arg10[%dma_start3A_74, %dma_start3A_75] : memref<96x128xi32, #tpu.memory_space<vmem>> -> memref<32x128xi32, #tpu.memory_space<vmem>>
    %dma_start3A_77 = arith.constant 32 : i32
    %dma_start3A_78 = tpu.memref_slice %arg8[%dma_start3A_73, %dma_start3A_77] : memref<3x2048xi32, #tpu.memory_space<vmem>> -> memref<1x32xi32, #tpu.memory_space<vmem>>
    %dma_start3A_79 = tpu.memref_squeeze %dma_start3A_78 : memref<1x32xi32, #tpu.memory_space<vmem>> -> memref<32xi32, #tpu.memory_space<vmem>>
    %dma_start3A_80 = arith.constant 0 : i32
    %dma_start3A_81 = arith.constant 0 : i32
    %dma_start3A_82 = tpu.memref_slice %arg2[%dma_start3A_80, %dma_start3A_81] : memref<16384x128xi32, #tpu.memory_space<hbm>> -> memref<16384x128xi32, #tpu.memory_space<hbm>>
    tpu.enqueue_indirect_dma source(%dma_start3A_82 : memref<16384x128xi32, #tpu.memory_space<hbm>>) target(%dma_start3A_76 : memref<32x128xi32, #tpu.memory_space<vmem>>) offsets(%dma_start3A_79 : memref<32xi32, #tpu.memory_space<vmem>>) semaphore(%arg16 : memref<!tpu.dma_semaphore, #tpu.memory_space<semaphore_mem>>)
    %dma_start3A_83 = arith.constant 0 : i32
    %dma_start3A_84 = arith.constant 0 : i32
    %dma_start3A_85 = arith.constant 0 : i32
    %dma_start3A_86 = tpu.memref_slice %arg11[%dma_start3A_84, %dma_start3A_85] : memref<96x128xi32, #tpu.memory_space<vmem>> -> memref<32x128xi32, #tpu.memory_space<vmem>>
    %dma_start3A_87 = arith.constant 64 : i32
    %dma_start3A_88 = tpu.memref_slice %arg8[%dma_start3A_83, %dma_start3A_87] : memref<3x2048xi32, #tpu.memory_space<vmem>> -> memref<1x32xi32, #tpu.memory_space<vmem>>
    %dma_start3A_89 = tpu.memref_squeeze %dma_start3A_88 : memref<1x32xi32, #tpu.memory_space<vmem>> -> memref<32xi32, #tpu.memory_space<vmem>>
    %dma_start3A_90 = arith.constant 0 : i32
    %dma_start3A_91 = arith.constant 0 : i32
    %dma_start3A_92 = tpu.memref_slice %arg2[%dma_start3A_90, %dma_start3A_91] : memref<16384x128xi32, #tpu.memory_space<hbm>> -> memref<16384x128xi32, #tpu.memory_space<hbm>>
    tpu.enqueue_indirect_dma source(%dma_start3A_92 : memref<16384x128xi32, #tpu.memory_space<hbm>>) target(%dma_start3A_86 : memref<32x128xi32, #tpu.memory_space<vmem>>) offsets(%dma_start3A_89 : memref<32xi32, #tpu.memory_space<vmem>>) semaphore(%arg17 : memref<!tpu.dma_semaphore, #tpu.memory_space<semaphore_mem>>)
    %dma_start3A_93 = arith.constant 1 : i32
    %dma_start3A_94 = arith.constant 32 : i32
    %dma_start3A_95 = arith.constant 0 : i32
    %dma_start3A_96 = tpu.memref_slice %arg11[%dma_start3A_94, %dma_start3A_95] : memref<96x128xi32, #tpu.memory_space<vmem>> -> memref<32x128xi32, #tpu.memory_space<vmem>>
    %dma_start3A_97 = arith.constant 64 : i32
    %dma_start3A_98 = tpu.memref_slice %arg8[%dma_start3A_93, %dma_start3A_97] : memref<3x2048xi32, #tpu.memory_space<vmem>> -> memref<1x32xi32, #tpu.memory_space<vmem>>
    %dma_start3A_99 = tpu.memref_squeeze %dma_start3A_98 : memref<1x32xi32, #tpu.memory_space<vmem>> -> memref<32xi32, #tpu.memory_space<vmem>>
    %dma_start3A_100 = arith.constant 0 : i32
    %dma_start3A_101 = arith.constant 0 : i32
    %dma_start3A_102 = tpu.memref_slice %arg2[%dma_start3A_100, %dma_start3A_101] : memref<16384x128xi32, #tpu.memory_space<hbm>> -> memref<16384x128xi32, #tpu.memory_space<hbm>>
    tpu.enqueue_indirect_dma source(%dma_start3A_102 : memref<16384x128xi32, #tpu.memory_space<hbm>>) target(%dma_start3A_96 : memref<32x128xi32, #tpu.memory_space<vmem>>) offsets(%dma_start3A_99 : memref<32xi32, #tpu.memory_space<vmem>>) semaphore(%arg17 : memref<!tpu.dma_semaphore, #tpu.memory_space<semaphore_mem>>)
    %dma_start3A_103 = arith.constant 2 : i32
    %dma_start3A_104 = arith.constant 64 : i32
    %dma_start3A_105 = arith.constant 0 : i32
    %dma_start3A_106 = tpu.memref_slice %arg11[%dma_start3A_104, %dma_start3A_105] : memref<96x128xi32, #tpu.memory_space<vmem>> -> memref<32x128xi32, #tpu.memory_space<vmem>>
    %dma_start3A_107 = arith.constant 64 : i32
    %dma_start3A_108 = tpu.memref_slice %arg8[%dma_start3A_103, %dma_start3A_107] : memref<3x2048xi32, #tpu.memory_space<vmem>> -> memref<1x32xi32, #tpu.memory_space<vmem>>
    %dma_start3A_109 = tpu.memref_squeeze %dma_start3A_108 : memref<1x32xi32, #tpu.memory_space<vmem>> -> memref<32xi32, #tpu.memory_space<vmem>>
    %dma_start3A_110 = arith.constant 0 : i32
    %dma_start3A_111 = arith.constant 0 : i32
    %dma_start3A_112 = tpu.memref_slice %arg2[%dma_start3A_110, %dma_start3A_111] : memref<16384x128xi32, #tpu.memory_space<hbm>> -> memref<16384x128xi32, #tpu.memory_space<hbm>>
    tpu.enqueue_indirect_dma source(%dma_start3A_112 : memref<16384x128xi32, #tpu.memory_space<hbm>>) target(%dma_start3A_106 : memref<32x128xi32, #tpu.memory_space<vmem>>) offsets(%dma_start3A_109 : memref<32xi32, #tpu.memory_space<vmem>>) semaphore(%arg17 : memref<!tpu.dma_semaphore, #tpu.memory_space<semaphore_mem>>)
    %dma_start3A_113 = arith.constant 0 : i32
    %dma_start3A_114 = arith.constant 0 : i32
    %dma_start3A_115 = arith.constant 0 : i32
    %dma_start3A_116 = tpu.memref_slice %arg12[%dma_start3A_114, %dma_start3A_115] : memref<96x128xi32, #tpu.memory_space<vmem>> -> memref<32x128xi32, #tpu.memory_space<vmem>>
    %dma_start3A_117 = arith.constant 96 : i32
    %dma_start3A_118 = tpu.memref_slice %arg8[%dma_start3A_113, %dma_start3A_117] : memref<3x2048xi32, #tpu.memory_space<vmem>> -> memref<1x32xi32, #tpu.memory_space<vmem>>
    %dma_start3A_119 = tpu.memref_squeeze %dma_start3A_118 : memref<1x32xi32, #tpu.memory_space<vmem>> -> memref<32xi32, #tpu.memory_space<vmem>>
    %dma_start3A_120 = arith.constant 0 : i32
    %dma_start3A_121 = arith.constant 0 : i32
    %dma_start3A_122 = tpu.memref_slice %arg2[%dma_start3A_120, %dma_start3A_121] : memref<16384x128xi32, #tpu.memory_space<hbm>> -> memref<16384x128xi32, #tpu.memory_space<hbm>>
    tpu.enqueue_indirect_dma source(%dma_start3A_122 : memref<16384x128xi32, #tpu.memory_space<hbm>>) target(%dma_start3A_116 : memref<32x128xi32, #tpu.memory_space<vmem>>) offsets(%dma_start3A_119 : memref<32xi32, #tpu.memory_space<vmem>>) semaphore(%arg18 : memref<!tpu.dma_semaphore, #tpu.memory_space<semaphore_mem>>)
    %dma_start3A_123 = arith.constant 1 : i32
    %dma_start3A_124 = arith.constant 32 : i32
    %dma_start3A_125 = arith.constant 0 : i32
    %dma_start3A_126 = tpu.memref_slice %arg12[%dma_start3A_124, %dma_start3A_125] : memref<96x128xi32, #tpu.memory_space<vmem>> -> memref<32x128xi32, #tpu.memory_space<vmem>>
    %dma_start3A_127 = arith.constant 96 : i32
    %dma_start3A_128 = tpu.memref_slice %arg8[%dma_start3A_123, %dma_start3A_127] : memref<3x2048xi32, #tpu.memory_space<vmem>> -> memref<1x32xi32, #tpu.memory_space<vmem>>
    %dma_start3A_129 = tpu.memref_squeeze %dma_start3A_128 : memref<1x32xi32, #tpu.memory_space<vmem>> -> memref<32xi32, #tpu.memory_space<vmem>>
    %dma_start3A_130 = arith.constant 0 : i32
    %dma_start3A_131 = arith.constant 0 : i32
    %dma_start3A_132 = tpu.memref_slice %arg2[%dma_start3A_130, %dma_start3A_131] : memref<16384x128xi32, #tpu.memory_space<hbm>> -> memref<16384x128xi32, #tpu.memory_space<hbm>>
    tpu.enqueue_indirect_dma source(%dma_start3A_132 : memref<16384x128xi32, #tpu.memory_space<hbm>>) target(%dma_start3A_126 : memref<32x128xi32, #tpu.memory_space<vmem>>) offsets(%dma_start3A_129 : memref<32xi32, #tpu.memory_space<vmem>>) semaphore(%arg18 : memref<!tpu.dma_semaphore, #tpu.memory_space<semaphore_mem>>)
    %dma_start3A_133 = arith.constant 2 : i32
    %dma_start3A_134 = arith.constant 64 : i32
    %dma_start3A_135 = arith.constant 0 : i32
    %dma_start3A_136 = tpu.memref_slice %arg12[%dma_start3A_134, %dma_start3A_135] : memref<96x128xi32, #tpu.memory_space<vmem>> -> memref<32x128xi32, #tpu.memory_space<vmem>>
    %dma_start3A_137 = arith.constant 96 : i32
    %dma_start3A_138 = tpu.memref_slice %arg8[%dma_start3A_133, %dma_start3A_137] : memref<3x2048xi32, #tpu.memory_space<vmem>> -> memref<1x32xi32, #tpu.memory_space<vmem>>
    %dma_start3A_139 = tpu.memref_squeeze %dma_start3A_138 : memref<1x32xi32, #tpu.memory_space<vmem>> -> memref<32xi32, #tpu.memory_space<vmem>>
    %dma_start3A_140 = arith.constant 0 : i32
    %dma_start3A_141 = arith.constant 0 : i32
    %dma_start3A_142 = tpu.memref_slice %arg2[%dma_start3A_140, %dma_start3A_141] : memref<16384x128xi32, #tpu.memory_space<hbm>> -> memref<16384x128xi32, #tpu.memory_space<hbm>>
    tpu.enqueue_indirect_dma source(%dma_start3A_142 : memref<16384x128xi32, #tpu.memory_space<hbm>>) target(%dma_start3A_136 : memref<32x128xi32, #tpu.memory_space<vmem>>) offsets(%dma_start3A_139 : memref<32xi32, #tpu.memory_space<vmem>>) semaphore(%arg18 : memref<!tpu.dma_semaphore, #tpu.memory_space<semaphore_mem>>)
    %scan3A = arith.constant 0 : i32
    %scan3A_143 = arith.constant 16 : i32
    %scan3A_144 = arith.addi %scan3A, %scan3A_143 : i32
    %scan3A_145 = arith.constant 1 : i32
    scf.for %scan3A_158 = %scan3A to %scan3A_144 step %scan3A_145  : i32 {
      %mul3A_159 = arith.constant 4 : i32
      %mul3A_160 = arith.muli %scan3A_158, %mul3A_159 : i32
      %add3A_161 = arith.constant 0 : i32
      %add3A_162 = arith.addi %add3A_161, %mul3A_160 : i32
      %add3A_163 = arith.constant 0 : i32
      %add3A_164 = arith.addi %add3A_162, %add3A_163 : i32
      %mul3A_165 = arith.constant 32 : i32
      %mul3A_166 = arith.muli %add3A_164, %mul3A_165 : i32
      %dma_wait3A_167 = arith.constant 0 : i32
      %dma_wait3A_168 = arith.constant 0 : i32
      %dma_wait3A_169 = arith.constant 0 : i32
      %dma_wait3A_170 = tpu.memref_slice %arg9[%dma_wait3A_168, %dma_wait3A_169] : memref<96x128xi32, #tpu.memory_space<vmem>> -> memref<32x128xi32, #tpu.memory_space<vmem>>
      %dma_wait3A_171 = tpu.memref_slice %arg8[%dma_wait3A_167, %mul3A_166] : memref<3x2048xi32, #tpu.memory_space<vmem>> -> memref<1x32xi32, #tpu.memory_space<vmem>>
      %dma_wait3A_172 = tpu.memref_squeeze %dma_wait3A_171 : memref<1x32xi32, #tpu.memory_space<vmem>> -> memref<32xi32, #tpu.memory_space<vmem>>
      %dma_wait3A_173 = arith.constant 0 : i32
      %dma_wait3A_174 = arith.constant 0 : i32
      %dma_wait3A_175 = tpu.memref_slice %arg2[%dma_wait3A_173, %dma_wait3A_174] : memref<16384x128xi32, #tpu.memory_space<hbm>> -> memref<16384x128xi32, #tpu.memory_space<hbm>>
      tpu.wait_indirect_dma semaphore(%arg15 : memref<!tpu.dma_semaphore, #tpu.memory_space<semaphore_mem>>) src(%dma_wait3A_175 : memref<16384x128xi32, #tpu.memory_space<hbm>>) dst(%dma_wait3A_170 : memref<32x128xi32, #tpu.memory_space<vmem>>)
      %mul3A_176 = arith.constant 32 : i32
      %mul3A_177 = arith.muli %add3A_164, %mul3A_176 : i32
      %dma_wait3A_178 = arith.constant 1 : i32
      %dma_wait3A_179 = arith.constant 32 : i32
      %dma_wait3A_180 = arith.constant 0 : i32
      %dma_wait3A_181 = tpu.memref_slice %arg9[%dma_wait3A_179, %dma_wait3A_180] : memref<96x128xi32, #tpu.memory_space<vmem>> -> memref<32x128xi32, #tpu.memory_space<vmem>>
      %dma_wait3A_182 = tpu.memref_slice %arg8[%dma_wait3A_178, %mul3A_177] : memref<3x2048xi32, #tpu.memory_space<vmem>> -> memref<1x32xi32, #tpu.memory_space<vmem>>
      %dma_wait3A_183 = tpu.memref_squeeze %dma_wait3A_182 : memref<1x32xi32, #tpu.memory_space<vmem>> -> memref<32xi32, #tpu.memory_space<vmem>>
      %dma_wait3A_184 = arith.constant 0 : i32
      %dma_wait3A_185 = arith.constant 0 : i32
      %dma_wait3A_186 = tpu.memref_slice %arg2[%dma_wait3A_184, %dma_wait3A_185] : memref<16384x128xi32, #tpu.memory_space<hbm>> -> memref<16384x128xi32, #tpu.memory_space<hbm>>
      tpu.wait_indirect_dma semaphore(%arg15 : memref<!tpu.dma_semaphore, #tpu.memory_space<semaphore_mem>>) src(%dma_wait3A_186 : memref<16384x128xi32, #tpu.memory_space<hbm>>) dst(%dma_wait3A_181 : memref<32x128xi32, #tpu.memory_space<vmem>>)
      %mul3A_187 = arith.constant 32 : i32
      %mul3A_188 = arith.muli %add3A_164, %mul3A_187 : i32
      %dma_wait3A_189 = arith.constant 2 : i32
      %dma_wait3A_190 = arith.constant 64 : i32
      %dma_wait3A_191 = arith.constant 0 : i32
      %dma_wait3A_192 = tpu.memref_slice %arg9[%dma_wait3A_190, %dma_wait3A_191] : memref<96x128xi32, #tpu.memory_space<vmem>> -> memref<32x128xi32, #tpu.memory_space<vmem>>
      %dma_wait3A_193 = tpu.memref_slice %arg8[%dma_wait3A_189, %mul3A_188] : memref<3x2048xi32, #tpu.memory_space<vmem>> -> memref<1x32xi32, #tpu.memory_space<vmem>>
      %dma_wait3A_194 = tpu.memref_squeeze %dma_wait3A_193 : memref<1x32xi32, #tpu.memory_space<vmem>> -> memref<32xi32, #tpu.memory_space<vmem>>
      %dma_wait3A_195 = arith.constant 0 : i32
      %dma_wait3A_196 = arith.constant 0 : i32
      %dma_wait3A_197 = tpu.memref_slice %arg2[%dma_wait3A_195, %dma_wait3A_196] : memref<16384x128xi32, #tpu.memory_space<hbm>> -> memref<16384x128xi32, #tpu.memory_space<hbm>>
      tpu.wait_indirect_dma semaphore(%arg15 : memref<!tpu.dma_semaphore, #tpu.memory_space<semaphore_mem>>) src(%dma_wait3A_197 : memref<16384x128xi32, #tpu.memory_space<hbm>>) dst(%dma_wait3A_192 : memref<32x128xi32, #tpu.memory_space<vmem>>)
      %ge3A = arith.constant 2 : i32
      %ge3A_198 = arith.cmpi sge, %add3A_164, %ge3A : i32
      %convert_element_type3A = arith.extui %ge3A_198 : i1 to i32
      %cond3A = arith.constant 0 : i32
      %cond3A_199 = arith.cmpi ne, %convert_element_type3A, %cond3A : i32
      scf.if %cond3A_199 {
        %sub3A_387 = arith.constant 2 : i32
        %sub3A_388 = arith.subi %add3A_164, %sub3A_387 : i32
        %mul3A_389 = arith.constant 32 : i32
        %mul3A_390 = arith.muli %sub3A_388, %mul3A_389 : i32
        %add3A_391 = arith.addi %mul3A_2, %mul3A_390 : i32
        %dma_wait3A_392 = arith.constant 0 : i32
        %dma_wait3A_393 = tpu.memref_slice %arg6[%add3A_391, %dma_wait3A_392] : memref<65536x256xf32, #tpu.memory_space<hbm>> -> memref<32x256xf32, #tpu.memory_space<hbm>>
        %dma_wait3A_394 = arith.constant 0 : i32
        %dma_wait3A_395 = tpu.memref_slice %arg6[%add3A_391, %dma_wait3A_394] : memref<65536x256xf32, #tpu.memory_space<hbm>> -> memref<32x256xf32, #tpu.memory_space<hbm>>
        tpu.wait_dma2 semaphore(%arg19 : memref<!tpu.dma_semaphore, #tpu.memory_space<semaphore_mem>>) src(%arg13 : memref<32x256xf32, #tpu.memory_space<vmem>>) dst(%dma_wait3A_395 : memref<32x256xf32, #tpu.memory_space<hbm>>)
      } else {
      }
      %parallel_loop3A_200 = arith.constant 0 : i32
      %parallel_loop3A_201 = arith.constant 32 : i32
      %parallel_loop3A_202 = arith.constant 1 : i32
      scf.for %parallel_loop3A_387 = %parallel_loop3A_200 to %parallel_loop3A_201 step %parallel_loop3A_202  : i32 {
        %parallel_loop3A_388 = arith.constant 32 : i32
        %parallel_loop3A_389 = arith.muli %add3A_164, %parallel_loop3A_388 : i32
        %parallel_loop3A_390 = arith.addi %parallel_loop3A_389, %parallel_loop3A_387 : i32
        %parallel_loop3A_391 = vector.broadcast %parallel_loop3A_390 : i32 to vector<16xi32>
        %parallel_loop3A_392 = arith.constant 0 : i32
        %parallel_loop3A_393 = vector.broadcast %parallel_loop3A_392 : i32 to vector<16xi32>
        %parallel_loop3A_394 = tpu.vector_load_idx %arg7[%parallel_loop3A_393, %parallel_loop3A_391] : memref<3x2048xi32, #tpu.memory_space<vmem>>[vector<16xi32>, vector<16xi32>], vector<16xi32>,
        %parallel_loop3A_395 = arith.constant -65536 : i32
        %parallel_loop3A_396 = vector.broadcast %parallel_loop3A_395 : i32 to vector<16xi32>
        %parallel_loop3A_397 = arith.andi %parallel_loop3A_394, %parallel_loop3A_396 : vector<16xi32>
        %parallel_loop3A_398 = arith.constant 16 : i32
        %parallel_loop3A_399 = vector.broadcast %parallel_loop3A_398 : i32 to vector<16xi32>
        %parallel_loop3A_400 = arith.shrui %parallel_loop3A_397, %parallel_loop3A_399 : vector<16xi32>
        %parallel_loop3A_401 = arith.ori %parallel_loop3A_397, %parallel_loop3A_400 : vector<16xi32>
        %parallel_loop3A_402 = vector.bitcast %parallel_loop3A_401 : vector<16xi32> to vector<32xbf16>
        %parallel_loop3A_403 = arith.constant 1 : i32
        %parallel_loop3A_404 = vector.broadcast %parallel_loop3A_403 : i32 to vector<16xi32>
        %parallel_loop3A_405 = tpu.vector_load_idx %arg7[%parallel_loop3A_404, %parallel_loop3A_391] : memref<3x2048xi32, #tpu.memory_space<vmem>>[vector<16xi32>, vector<16xi32>], vector<16xi32>,
        %parallel_loop3A_406 = arith.constant -65536 : i32
        %parallel_loop3A_407 = vector.broadcast %parallel_loop3A_406 : i32 to vector<16xi32>
        %parallel_loop3A_408 = arith.andi %parallel_loop3A_405, %parallel_loop3A_407 : vector<16xi32>
        %parallel_loop3A_409 = arith.constant 16 : i32
        %parallel_loop3A_410 = vector.broadcast %parallel_loop3A_409 : i32 to vector<16xi32>
        %parallel_loop3A_411 = arith.shrui %parallel_loop3A_408, %parallel_loop3A_410 : vector<16xi32>
        %parallel_loop3A_412 = arith.ori %parallel_loop3A_408, %parallel_loop3A_411 : vector<16xi32>
        %parallel_loop3A_413 = vector.bitcast %parallel_loop3A_412 : vector<16xi32> to vector<32xbf16>
        %parallel_loop3A_414 = arith.constant 2 : i32
        %parallel_loop3A_415 = vector.broadcast %parallel_loop3A_414 : i32 to vector<16xi32>
        %parallel_loop3A_416 = tpu.vector_load_idx %arg7[%parallel_loop3A_415, %parallel_loop3A_391] : memref<3x2048xi32, #tpu.memory_space<vmem>>[vector<16xi32>, vector<16xi32>], vector<16xi32>,
        %parallel_loop3A_417 = arith.constant -65536 : i32
        %parallel_loop3A_418 = vector.broadcast %parallel_loop3A_417 : i32 to vector<16xi32>
        %parallel_loop3A_419 = arith.andi %parallel_loop3A_416, %parallel_loop3A_418 : vector<16xi32>
        %parallel_loop3A_420 = arith.constant 16 : i32
        %parallel_loop3A_421 = vector.broadcast %parallel_loop3A_420 : i32 to vector<16xi32>
        %parallel_loop3A_422 = arith.shrui %parallel_loop3A_419, %parallel_loop3A_421 : vector<16xi32>
        %parallel_loop3A_423 = arith.ori %parallel_loop3A_419, %parallel_loop3A_422 : vector<16xi32>
        %parallel_loop3A_424 = vector.bitcast %parallel_loop3A_423 : vector<16xi32> to vector<32xbf16>
        %parallel_loop3A_425 = arith.index_cast %parallel_loop3A_387 : i32 to index
        %parallel_loop3A_426 = arith.constant 0 : index
        %parallel_loop3A_427 = tpu.vector_load %arg9[%parallel_loop3A_425, %parallel_loop3A_426] {strides = array<i32>} : memref<96x128xi32, #tpu.memory_space<vmem>>, vector<16xi32>,
        %parallel_loop3A_428 = vector.bitcast %parallel_loop3A_427 : vector<16xi32> to vector<32xbf16>
        %parallel_loop3A_429 = arith.mulf %parallel_loop3A_428, %parallel_loop3A_402 : vector<32xbf16>
        %parallel_loop3A_430 = arith.constant 32 : i32
        %parallel_loop3A_431 = arith.addi %parallel_loop3A_430, %parallel_loop3A_387 : i32
        %parallel_loop3A_432 = arith.index_cast %parallel_loop3A_431 : i32 to index
        %parallel_loop3A_433 = arith.constant 0 : index
        %parallel_loop3A_434 = tpu.vector_load %arg9[%parallel_loop3A_432, %parallel_loop3A_433] {strides = array<i32>} : memref<96x128xi32, #tpu.memory_space<vmem>>, vector<16xi32>,
        %parallel_loop3A_435 = vector.bitcast %parallel_loop3A_434 : vector<16xi32> to vector<32xbf16>
        %parallel_loop3A_436 = arith.mulf %parallel_loop3A_435, %parallel_loop3A_413 : vector<32xbf16>
        %parallel_loop3A_437 = arith.addf %parallel_loop3A_429, %parallel_loop3A_436 : vector<32xbf16>
        %parallel_loop3A_438 = arith.constant 64 : i32
        %parallel_loop3A_439 = arith.addi %parallel_loop3A_438, %parallel_loop3A_387 : i32
        %parallel_loop3A_440 = arith.index_cast %parallel_loop3A_439 : i32 to index
        %parallel_loop3A_441 = arith.constant 0 : index
        %parallel_loop3A_442 = tpu.vector_load %arg9[%parallel_loop3A_440, %parallel_loop3A_441] {strides = array<i32>} : memref<96x128xi32, #tpu.memory_space<vmem>>, vector<16xi32>,
        %parallel_loop3A_443 = vector.bitcast %parallel_loop3A_442 : vector<16xi32> to vector<32xbf16>
        %parallel_loop3A_444 = arith.mulf %parallel_loop3A_443, %parallel_loop3A_424 : vector<32xbf16>
        %parallel_loop3A_445 = arith.addf %parallel_loop3A_437, %parallel_loop3A_444 : vector<32xbf16>
        %parallel_loop3A_446 = tpu.unpack_subelements %parallel_loop3A_445, 0 {pack_format = #tpu.pack_format<interleaved>} : vector<32xbf16> -> vector<16xf32>
        %parallel_loop3A_447 = tpu.unpack_subelements %parallel_loop3A_445, 1 {pack_format = #tpu.pack_format<interleaved>} : vector<32xbf16> -> vector<16xf32>
        %parallel_loop3A_448 = arith.index_cast %parallel_loop3A_387 : i32 to index
        %parallel_loop3A_449 = arith.constant 0 : index
        %parallel_loop3A_450 = tpu.vector_load %arg13[%parallel_loop3A_448, %parallel_loop3A_449] {strides = array<i32>} : memref<32x256xf32, #tpu.memory_space<vmem>>, vector<16xf32>,
        tpu.vector_store %arg13[%parallel_loop3A_448, %parallel_loop3A_449], %parallel_loop3A_446 {strides = array<i32>} : memref<32x256xf32, #tpu.memory_space<vmem>>, vector<16xf32>,
        %parallel_loop3A_451 = arith.index_cast %parallel_loop3A_387 : i32 to index
        %parallel_loop3A_452 = arith.constant 128 : index
        %parallel_loop3A_453 = tpu.vector_load %arg13[%parallel_loop3A_451, %parallel_loop3A_452] {strides = array<i32>} : memref<32x256xf32, #tpu.memory_space<vmem>>, vector<16xf32>,
        tpu.vector_store %arg13[%parallel_loop3A_451, %parallel_loop3A_452], %parallel_loop3A_447 {strides = array<i32>} : memref<32x256xf32, #tpu.memory_space<vmem>>, vector<16xf32>,
        %parallel_loop3A_454 = arith.index_cast %parallel_loop3A_387 : i32 to index
        %parallel_loop3A_455 = arith.constant 16 : index
        %parallel_loop3A_456 = tpu.vector_load %arg9[%parallel_loop3A_454, %parallel_loop3A_455] {strides = array<i32>} : memref<96x128xi32, #tpu.memory_space<vmem>>, vector<16xi32>,
        %parallel_loop3A_457 = vector.bitcast %parallel_loop3A_456 : vector<16xi32> to vector<32xbf16>
        %parallel_loop3A_458 = arith.mulf %parallel_loop3A_457, %parallel_loop3A_402 : vector<32xbf16>
        %parallel_loop3A_459 = arith.constant 32 : i32
        %parallel_loop3A_460 = arith.addi %parallel_loop3A_459, %parallel_loop3A_387 : i32
        %parallel_loop3A_461 = arith.index_cast %parallel_loop3A_460 : i32 to index
        %parallel_loop3A_462 = arith.constant 16 : index
        %parallel_loop3A_463 = tpu.vector_load %arg9[%parallel_loop3A_461, %parallel_loop3A_462] {strides = array<i32>} : memref<96x128xi32, #tpu.memory_space<vmem>>, vector<16xi32>,
        %parallel_loop3A_464 = vector.bitcast %parallel_loop3A_463 : vector<16xi32> to vector<32xbf16>
        %parallel_loop3A_465 = arith.mulf %parallel_loop3A_464, %parallel_loop3A_413 : vector<32xbf16>
        %parallel_loop3A_466 = arith.addf %parallel_loop3A_458, %parallel_loop3A_465 : vector<32xbf16>
        %parallel_loop3A_467 = arith.constant 64 : i32
        %parallel_loop3A_468 = arith.addi %parallel_loop3A_467, %parallel_loop3A_387 : i32
        %parallel_loop3A_469 = arith.index_cast %parallel_loop3A_468 : i32 to index
        %parallel_loop3A_470 = arith.constant 16 : index
        %parallel_loop3A_471 = tpu.vector_load %arg9[%parallel_loop3A_469, %parallel_loop3A_470] {strides = array<i32>} : memref<96x128xi32, #tpu.memory_space<vmem>>, vector<16xi32>,
        %parallel_loop3A_472 = vector.bitcast %parallel_loop3A_471 : vector<16xi32> to vector<32xbf16>
        %parallel_loop3A_473 = arith.mulf %parallel_loop3A_472, %parallel_loop3A_424 : vector<32xbf16>
        %parallel_loop3A_474 = arith.addf %parallel_loop3A_466, %parallel_loop3A_473 : vector<32xbf16>
        %parallel_loop3A_475 = tpu.unpack_subelements %parallel_loop3A_474, 0 {pack_format = #tpu.pack_format<interleaved>} : vector<32xbf16> -> vector<16xf32>
        %parallel_loop3A_476 = tpu.unpack_subelements %parallel_loop3A_474, 1 {pack_format = #tpu.pack_format<interleaved>} : vector<32xbf16> -> vector<16xf32>
        %parallel_loop3A_477 = arith.index_cast %parallel_loop3A_387 : i32 to index
        %parallel_loop3A_478 = arith.constant 16 : index
        %parallel_loop3A_479 = tpu.vector_load %arg13[%parallel_loop3A_477, %parallel_loop3A_478] {strides = array<i32>} : memref<32x256xf32, #tpu.memory_space<vmem>>, vector<16xf32>,
        tpu.vector_store %arg13[%parallel_loop3A_477, %parallel_loop3A_478], %parallel_loop3A_475 {strides = array<i32>} : memref<32x256xf32, #tpu.memory_space<vmem>>, vector<16xf32>,
        %parallel_loop3A_480 = arith.index_cast %parallel_loop3A_387 : i32 to index
        %parallel_loop3A_481 = arith.constant 144 : index
        %parallel_loop3A_482 = tpu.vector_load %arg13[%parallel_loop3A_480, %parallel_loop3A_481] {strides = array<i32>} : memref<32x256xf32, #tpu.memory_space<vmem>>, vector<16xf32>,
        tpu.vector_store %arg13[%parallel_loop3A_480, %parallel_loop3A_481], %parallel_loop3A_476 {strides = array<i32>} : memref<32x256xf32, #tpu.memory_space<vmem>>, vector<16xf32>,
        %parallel_loop3A_483 = arith.index_cast %parallel_loop3A_387 : i32 to index
        %parallel_loop3A_484 = arith.constant 32 : index
        %parallel_loop3A_485 = tpu.vector_load %arg9[%parallel_loop3A_483, %parallel_loop3A_484] {strides = array<i32>} : memref<96x128xi32, #tpu.memory_space<vmem>>, vector<16xi32>,
        %parallel_loop3A_486 = vector.bitcast %parallel_loop3A_485 : vector<16xi32> to vector<32xbf16>
        %parallel_loop3A_487 = arith.mulf %parallel_loop3A_486, %parallel_loop3A_402 : vector<32xbf16>
        %parallel_loop3A_488 = arith.constant 32 : i32
        %parallel_loop3A_489 = arith.addi %parallel_loop3A_488, %parallel_loop3A_387 : i32
        %parallel_loop3A_490 = arith.index_cast %parallel_loop3A_489 : i32 to index
        %parallel_loop3A_491 = arith.constant 32 : index
        %parallel_loop3A_492 = tpu.vector_load %arg9[%parallel_loop3A_490, %parallel_loop3A_491] {strides = array<i32>} : memref<96x128xi32, #tpu.memory_space<vmem>>, vector<16xi32>,
        %parallel_loop3A_493 = vector.bitcast %parallel_loop3A_492 : vector<16xi32> to vector<32xbf16>
        %parallel_loop3A_494 = arith.mulf %parallel_loop3A_493, %parallel_loop3A_413 : vector<32xbf16>
        %parallel_loop3A_495 = arith.addf %parallel_loop3A_487, %parallel_loop3A_494 : vector<32xbf16>
        %parallel_loop3A_496 = arith.constant 64 : i32
        %parallel_loop3A_497 = arith.addi %parallel_loop3A_496, %parallel_loop3A_387 : i32
        %parallel_loop3A_498 = arith.index_cast %parallel_loop3A_497 : i32 to index
        %parallel_loop3A_499 = arith.constant 32 : index
        %parallel_loop3A_500 = tpu.vector_load %arg9[%parallel_loop3A_498, %parallel_loop3A_499] {strides = array<i32>} : memref<96x128xi32, #tpu.memory_space<vmem>>, vector<16xi32>,
        %parallel_loop3A_501 = vector.bitcast %parallel_loop3A_500 : vector<16xi32> to vector<32xbf16>
        %parallel_loop3A_502 = arith.mulf %parallel_loop3A_501, %parallel_loop3A_424 : vector<32xbf16>
        %parallel_loop3A_503 = arith.addf %parallel_loop3A_495, %parallel_loop3A_502 : vector<32xbf16>
        %parallel_loop3A_504 = tpu.unpack_subelements %parallel_loop3A_503, 0 {pack_format = #tpu.pack_format<interleaved>} : vector<32xbf16> -> vector<16xf32>
        %parallel_loop3A_505 = tpu.unpack_subelements %parallel_loop3A_503, 1 {pack_format = #tpu.pack_format<interleaved>} : vector<32xbf16> -> vector<16xf32>
        %parallel_loop3A_506 = arith.index_cast %parallel_loop3A_387 : i32 to index
        %parallel_loop3A_507 = arith.constant 32 : index
        %parallel_loop3A_508 = tpu.vector_load %arg13[%parallel_loop3A_506, %parallel_loop3A_507] {strides = array<i32>} : memref<32x256xf32, #tpu.memory_space<vmem>>, vector<16xf32>,
        tpu.vector_store %arg13[%parallel_loop3A_506, %parallel_loop3A_507], %parallel_loop3A_504 {strides = array<i32>} : memref<32x256xf32, #tpu.memory_space<vmem>>, vector<16xf32>,
        %parallel_loop3A_509 = arith.index_cast %parallel_loop3A_387 : i32 to index
        %parallel_loop3A_510 = arith.constant 160 : index
        %parallel_loop3A_511 = tpu.vector_load %arg13[%parallel_loop3A_509, %parallel_loop3A_510] {strides = array<i32>} : memref<32x256xf32, #tpu.memory_space<vmem>>, vector<16xf32>,
        tpu.vector_store %arg13[%parallel_loop3A_509, %parallel_loop3A_510], %parallel_loop3A_505 {strides = array<i32>} : memref<32x256xf32, #tpu.memory_space<vmem>>, vector<16xf32>,
        %parallel_loop3A_512 = arith.index_cast %parallel_loop3A_387 : i32 to index
        %parallel_loop3A_513 = arith.constant 48 : index
        %parallel_loop3A_514 = tpu.vector_load %arg9[%parallel_loop3A_512, %parallel_loop3A_513] {strides = array<i32>} : memref<96x128xi32, #tpu.memory_space<vmem>>, vector<16xi32>,
        %parallel_loop3A_515 = vector.bitcast %parallel_loop3A_514 : vector<16xi32> to vector<32xbf16>
        %parallel_loop3A_516 = arith.mulf %parallel_loop3A_515, %parallel_loop3A_402 : vector<32xbf16>
        %parallel_loop3A_517 = arith.constant 32 : i32
        %parallel_loop3A_518 = arith.addi %parallel_loop3A_517, %parallel_loop3A_387 : i32
        %parallel_loop3A_519 = arith.index_cast %parallel_loop3A_518 : i32 to index
        %parallel_loop3A_520 = arith.constant 48 : index
        %parallel_loop3A_521 = tpu.vector_load %arg9[%parallel_loop3A_519, %parallel_loop3A_520] {strides = array<i32>} : memref<96x128xi32, #tpu.memory_space<vmem>>, vector<16xi32>,
        %parallel_loop3A_522 = vector.bitcast %parallel_loop3A_521 : vector<16xi32> to vector<32xbf16>
        %parallel_loop3A_523 = arith.mulf %parallel_loop3A_522, %parallel_loop3A_413 : vector<32xbf16>
        %parallel_loop3A_524 = arith.addf %parallel_loop3A_516, %parallel_loop3A_523 : vector<32xbf16>
        %parallel_loop3A_525 = arith.constant 64 : i32
        %parallel_loop3A_526 = arith.addi %parallel_loop3A_525, %parallel_loop3A_387 : i32
        %parallel_loop3A_527 = arith.index_cast %parallel_loop3A_526 : i32 to index
        %parallel_loop3A_528 = arith.constant 48 : index
        %parallel_loop3A_529 = tpu.vector_load %arg9[%parallel_loop3A_527, %parallel_loop3A_528] {strides = array<i32>} : memref<96x128xi32, #tpu.memory_space<vmem>>, vector<16xi32>,
        %parallel_loop3A_530 = vector.bitcast %parallel_loop3A_529 : vector<16xi32> to vector<32xbf16>
        %parallel_loop3A_531 = arith.mulf %parallel_loop3A_530, %parallel_loop3A_424 : vector<32xbf16>
        %parallel_loop3A_532 = arith.addf %parallel_loop3A_524, %parallel_loop3A_531 : vector<32xbf16>
        %parallel_loop3A_533 = tpu.unpack_subelements %parallel_loop3A_532, 0 {pack_format = #tpu.pack_format<interleaved>} : vector<32xbf16> -> vector<16xf32>
        %parallel_loop3A_534 = tpu.unpack_subelements %parallel_loop3A_532, 1 {pack_format = #tpu.pack_format<interleaved>} : vector<32xbf16> -> vector<16xf32>
        %parallel_loop3A_535 = arith.index_cast %parallel_loop3A_387 : i32 to index
        %parallel_loop3A_536 = arith.constant 48 : index
        %parallel_loop3A_537 = tpu.vector_load %arg13[%parallel_loop3A_535, %parallel_loop3A_536] {strides = array<i32>} : memref<32x256xf32, #tpu.memory_space<vmem>>, vector<16xf32>,
        tpu.vector_store %arg13[%parallel_loop3A_535, %parallel_loop3A_536], %parallel_loop3A_533 {strides = array<i32>} : memref<32x256xf32, #tpu.memory_space<vmem>>, vector<16xf32>,
        %parallel_loop3A_538 = arith.index_cast %parallel_loop3A_387 : i32 to index
        %parallel_loop3A_539 = arith.constant 176 : index
        %parallel_loop3A_540 = tpu.vector_load %arg13[%parallel_loop3A_538, %parallel_loop3A_539] {strides = array<i32>} : memref<32x256xf32, #tpu.memory_space<vmem>>, vector<16xf32>,
        tpu.vector_store %arg13[%parallel_loop3A_538, %parallel_loop3A_539], %parallel_loop3A_534 {strides = array<i32>} : memref<32x256xf32, #tpu.memory_space<vmem>>, vector<16xf32>,
        %parallel_loop3A_541 = arith.index_cast %parallel_loop3A_387 : i32 to index
        %parallel_loop3A_542 = arith.constant 64 : index
        %parallel_loop3A_543 = tpu.vector_load %arg9[%parallel_loop3A_541, %parallel_loop3A_542] {strides = array<i32>} : memref<96x128xi32, #tpu.memory_space<vmem>>, vector<16xi32>,
        %parallel_loop3A_544 = vector.bitcast %parallel_loop3A_543 : vector<16xi32> to vector<32xbf16>
        %parallel_loop3A_545 = arith.mulf %parallel_loop3A_544, %parallel_loop3A_402 : vector<32xbf16>
        %parallel_loop3A_546 = arith.constant 32 : i32
        %parallel_loop3A_547 = arith.addi %parallel_loop3A_546, %parallel_loop3A_387 : i32
        %parallel_loop3A_548 = arith.index_cast %parallel_loop3A_547 : i32 to index
        %parallel_loop3A_549 = arith.constant 64 : index
        %parallel_loop3A_550 = tpu.vector_load %arg9[%parallel_loop3A_548, %parallel_loop3A_549] {strides = array<i32>} : memref<96x128xi32, #tpu.memory_space<vmem>>, vector<16xi32>,
        %parallel_loop3A_551 = vector.bitcast %parallel_loop3A_550 : vector<16xi32> to vector<32xbf16>
        %parallel_loop3A_552 = arith.mulf %parallel_loop3A_551, %parallel_loop3A_413 : vector<32xbf16>
        %parallel_loop3A_553 = arith.addf %parallel_loop3A_545, %parallel_loop3A_552 : vector<32xbf16>
        %parallel_loop3A_554 = arith.constant 64 : i32
        %parallel_loop3A_555 = arith.addi %parallel_loop3A_554, %parallel_loop3A_387 : i32
        %parallel_loop3A_556 = arith.index_cast %parallel_loop3A_555 : i32 to index
        %parallel_loop3A_557 = arith.constant 64 : index
        %parallel_loop3A_558 = tpu.vector_load %arg9[%parallel_loop3A_556, %parallel_loop3A_557] {strides = array<i32>} : memref<96x128xi32, #tpu.memory_space<vmem>>, vector<16xi32>,
        %parallel_loop3A_559 = vector.bitcast %parallel_loop3A_558 : vector<16xi32> to vector<32xbf16>
        %parallel_loop3A_560 = arith.mulf %parallel_loop3A_559, %parallel_loop3A_424 : vector<32xbf16>
        %parallel_loop3A_561 = arith.addf %parallel_loop3A_553, %parallel_loop3A_560 : vector<32xbf16>
        %parallel_loop3A_562 = tpu.unpack_subelements %parallel_loop3A_561, 0 {pack_format = #tpu.pack_format<interleaved>} : vector<32xbf16> -> vector<16xf32>
        %parallel_loop3A_563 = tpu.unpack_subelements %parallel_loop3A_561, 1 {pack_format = #tpu.pack_format<interleaved>} : vector<32xbf16> -> vector<16xf32>
        %parallel_loop3A_564 = arith.index_cast %parallel_loop3A_387 : i32 to index
        %parallel_loop3A_565 = arith.constant 64 : index
        %parallel_loop3A_566 = tpu.vector_load %arg13[%parallel_loop3A_564, %parallel_loop3A_565] {strides = array<i32>} : memref<32x256xf32, #tpu.memory_space<vmem>>, vector<16xf32>,
        tpu.vector_store %arg13[%parallel_loop3A_564, %parallel_loop3A_565], %parallel_loop3A_562 {strides = array<i32>} : memref<32x256xf32, #tpu.memory_space<vmem>>, vector<16xf32>,
        %parallel_loop3A_567 = arith.index_cast %parallel_loop3A_387 : i32 to index
        %parallel_loop3A_568 = arith.constant 192 : index
        %parallel_loop3A_569 = tpu.vector_load %arg13[%parallel_loop3A_567, %parallel_loop3A_568] {strides = array<i32>} : memref<32x256xf32, #tpu.memory_space<vmem>>, vector<16xf32>,
        tpu.vector_store %arg13[%parallel_loop3A_567, %parallel_loop3A_568], %parallel_loop3A_563 {strides = array<i32>} : memref<32x256xf32, #tpu.memory_space<vmem>>, vector<16xf32>,
        %parallel_loop3A_570 = arith.index_cast %parallel_loop3A_387 : i32 to index
        %parallel_loop3A_571 = arith.constant 80 : index
        %parallel_loop3A_572 = tpu.vector_load %arg9[%parallel_loop3A_570, %parallel_loop3A_571] {strides = array<i32>} : memref<96x128xi32, #tpu.memory_space<vmem>>, vector<16xi32>,
        %parallel_loop3A_573 = vector.bitcast %parallel_loop3A_572 : vector<16xi32> to vector<32xbf16>
        %parallel_loop3A_574 = arith.mulf %parallel_loop3A_573, %parallel_loop3A_402 : vector<32xbf16>
        %parallel_loop3A_575 = arith.constant 32 : i32
        %parallel_loop3A_576 = arith.addi %parallel_loop3A_575, %parallel_loop3A_387 : i32
        %parallel_loop3A_577 = arith.index_cast %parallel_loop3A_576 : i32 to index
        %parallel_loop3A_578 = arith.constant 80 : index
        %parallel_loop3A_579 = tpu.vector_load %arg9[%parallel_loop3A_577, %parallel_loop3A_578] {strides = array<i32>} : memref<96x128xi32, #tpu.memory_space<vmem>>, vector<16xi32>,
        %parallel_loop3A_580 = vector.bitcast %parallel_loop3A_579 : vector<16xi32> to vector<32xbf16>
        %parallel_loop3A_581 = arith.mulf %parallel_loop3A_580, %parallel_loop3A_413 : vector<32xbf16>
        %parallel_loop3A_582 = arith.addf %parallel_loop3A_574, %parallel_loop3A_581 : vector<32xbf16>
        %parallel_loop3A_583 = arith.constant 64 : i32
        %parallel_loop3A_584 = arith.addi %parallel_loop3A_583, %parallel_loop3A_387 : i32
        %parallel_loop3A_585 = arith.index_cast %parallel_loop3A_584 : i32 to index
        %parallel_loop3A_586 = arith.constant 80 : index
        %parallel_loop3A_587 = tpu.vector_load %arg9[%parallel_loop3A_585, %parallel_loop3A_586] {strides = array<i32>} : memref<96x128xi32, #tpu.memory_space<vmem>>, vector<16xi32>,
        %parallel_loop3A_588 = vector.bitcast %parallel_loop3A_587 : vector<16xi32> to vector<32xbf16>
        %parallel_loop3A_589 = arith.mulf %parallel_loop3A_588, %parallel_loop3A_424 : vector<32xbf16>
        %parallel_loop3A_590 = arith.addf %parallel_loop3A_582, %parallel_loop3A_589 : vector<32xbf16>
        %parallel_loop3A_591 = tpu.unpack_subelements %parallel_loop3A_590, 0 {pack_format = #tpu.pack_format<interleaved>} : vector<32xbf16> -> vector<16xf32>
        %parallel_loop3A_592 = tpu.unpack_subelements %parallel_loop3A_590, 1 {pack_format = #tpu.pack_format<interleaved>} : vector<32xbf16> -> vector<16xf32>
        %parallel_loop3A_593 = arith.index_cast %parallel_loop3A_387 : i32 to index
        %parallel_loop3A_594 = arith.constant 80 : index
        %parallel_loop3A_595 = tpu.vector_load %arg13[%parallel_loop3A_593, %parallel_loop3A_594] {strides = array<i32>} : memref<32x256xf32, #tpu.memory_space<vmem>>, vector<16xf32>,
        tpu.vector_store %arg13[%parallel_loop3A_593, %parallel_loop3A_594], %parallel_loop3A_591 {strides = array<i32>} : memref<32x256xf32, #tpu.memory_space<vmem>>, vector<16xf32>,
        %parallel_loop3A_596 = arith.index_cast %parallel_loop3A_387 : i32 to index
        %parallel_loop3A_597 = arith.constant 208 : index
        %parallel_loop3A_598 = tpu.vector_load %arg13[%parallel_loop3A_596, %parallel_loop3A_597] {strides = array<i32>} : memref<32x256xf32, #tpu.memory_space<vmem>>, vector<16xf32>,
        tpu.vector_store %arg13[%parallel_loop3A_596, %parallel_loop3A_597], %parallel_loop3A_592 {strides = array<i32>} : memref<32x256xf32, #tpu.memory_space<vmem>>, vector<16xf32>,
        %parallel_loop3A_599 = arith.index_cast %parallel_loop3A_387 : i32 to index
        %parallel_loop3A_600 = arith.constant 96 : index
        %parallel_loop3A_601 = tpu.vector_load %arg9[%parallel_loop3A_599, %parallel_loop3A_600] {strides = array<i32>} : memref<96x128xi32, #tpu.memory_space<vmem>>, vector<16xi32>,
        %parallel_loop3A_602 = vector.bitcast %parallel_loop3A_601 : vector<16xi32> to vector<32xbf16>
        %parallel_loop3A_603 = arith.mulf %parallel_loop3A_602, %parallel_loop3A_402 : vector<32xbf16>
        %parallel_loop3A_604 = arith.constant 32 : i32
        %parallel_loop3A_605 = arith.addi %parallel_loop3A_604, %parallel_loop3A_387 : i32
        %parallel_loop3A_606 = arith.index_cast %parallel_loop3A_605 : i32 to index
        %parallel_loop3A_607 = arith.constant 96 : index
        %parallel_loop3A_608 = tpu.vector_load %arg9[%parallel_loop3A_606, %parallel_loop3A_607] {strides = array<i32>} : memref<96x128xi32, #tpu.memory_space<vmem>>, vector<16xi32>,
        %parallel_loop3A_609 = vector.bitcast %parallel_loop3A_608 : vector<16xi32> to vector<32xbf16>
        %parallel_loop3A_610 = arith.mulf %parallel_loop3A_609, %parallel_loop3A_413 : vector<32xbf16>
        %parallel_loop3A_611 = arith.addf %parallel_loop3A_603, %parallel_loop3A_610 : vector<32xbf16>
        %parallel_loop3A_612 = arith.constant 64 : i32
        %parallel_loop3A_613 = arith.addi %parallel_loop3A_612, %parallel_loop3A_387 : i32
        %parallel_loop3A_614 = arith.index_cast %parallel_loop3A_613 : i32 to index
        %parallel_loop3A_615 = arith.constant 96 : index
        %parallel_loop3A_616 = tpu.vector_load %arg9[%parallel_loop3A_614, %parallel_loop3A_615] {strides = array<i32>} : memref<96x128xi32, #tpu.memory_space<vmem>>, vector<16xi32>,
        %parallel_loop3A_617 = vector.bitcast %parallel_loop3A_616 : vector<16xi32> to vector<32xbf16>
        %parallel_loop3A_618 = arith.mulf %parallel_loop3A_617, %parallel_loop3A_424 : vector<32xbf16>
        %parallel_loop3A_619 = arith.addf %parallel_loop3A_611, %parallel_loop3A_618 : vector<32xbf16>
        %parallel_loop3A_620 = tpu.unpack_subelements %parallel_loop3A_619, 0 {pack_format = #tpu.pack_format<interleaved>} : vector<32xbf16> -> vector<16xf32>
        %parallel_loop3A_621 = tpu.unpack_subelements %parallel_loop3A_619, 1 {pack_format = #tpu.pack_format<interleaved>} : vector<32xbf16> -> vector<16xf32>
        %parallel_loop3A_622 = arith.index_cast %parallel_loop3A_387 : i32 to index
        %parallel_loop3A_623 = arith.constant 96 : index
        %parallel_loop3A_624 = tpu.vector_load %arg13[%parallel_loop3A_622, %parallel_loop3A_623] {strides = array<i32>} : memref<32x256xf32, #tpu.memory_space<vmem>>, vector<16xf32>,
        tpu.vector_store %arg13[%parallel_loop3A_622, %parallel_loop3A_623], %parallel_loop3A_620 {strides = array<i32>} : memref<32x256xf32, #tpu.memory_space<vmem>>, vector<16xf32>,
        %parallel_loop3A_625 = arith.index_cast %parallel_loop3A_387 : i32 to index
        %parallel_loop3A_626 = arith.constant 224 : index
        %parallel_loop3A_627 = tpu.vector_load %arg13[%parallel_loop3A_625, %parallel_loop3A_626] {strides = array<i32>} : memref<32x256xf32, #tpu.memory_space<vmem>>, vector<16xf32>,
        tpu.vector_store %arg13[%parallel_loop3A_625, %parallel_loop3A_626], %parallel_loop3A_621 {strides = array<i32>} : memref<32x256xf32, #tpu.memory_space<vmem>>, vector<16xf32>,
        %parallel_loop3A_628 = arith.index_cast %parallel_loop3A_387 : i32 to index
        %parallel_loop3A_629 = arith.constant 112 : index
        %parallel_loop3A_630 = tpu.vector_load %arg9[%parallel_loop3A_628, %parallel_loop3A_629] {strides = array<i32>} : memref<96x128xi32, #tpu.memory_space<vmem>>, vector<16xi32>,
        %parallel_loop3A_631 = vector.bitcast %parallel_loop3A_630 : vector<16xi32> to vector<32xbf16>
        %parallel_loop3A_632 = arith.mulf %parallel_loop3A_631, %parallel_loop3A_402 : vector<32xbf16>
        %parallel_loop3A_633 = arith.constant 32 : i32
        %parallel_loop3A_634 = arith.addi %parallel_loop3A_633, %parallel_loop3A_387 : i32
        %parallel_loop3A_635 = arith.index_cast %parallel_loop3A_634 : i32 to index
        %parallel_loop3A_636 = arith.constant 112 : index
        %parallel_loop3A_637 = tpu.vector_load %arg9[%parallel_loop3A_635, %parallel_loop3A_636] {strides = array<i32>} : memref<96x128xi32, #tpu.memory_space<vmem>>, vector<16xi32>,
        %parallel_loop3A_638 = vector.bitcast %parallel_loop3A_637 : vector<16xi32> to vector<32xbf16>
        %parallel_loop3A_639 = arith.mulf %parallel_loop3A_638, %parallel_loop3A_413 : vector<32xbf16>
        %parallel_loop3A_640 = arith.addf %parallel_loop3A_632, %parallel_loop3A_639 : vector<32xbf16>
        %parallel_loop3A_641 = arith.constant 64 : i32
        %parallel_loop3A_642 = arith.addi %parallel_loop3A_641, %parallel_loop3A_387 : i32
        %parallel_loop3A_643 = arith.index_cast %parallel_loop3A_642 : i32 to index
        %parallel_loop3A_644 = arith.constant 112 : index
        %parallel_loop3A_645 = tpu.vector_load %arg9[%parallel_loop3A_643, %parallel_loop3A_644] {strides = array<i32>} : memref<96x128xi32, #tpu.memory_space<vmem>>, vector<16xi32>,
        %parallel_loop3A_646 = vector.bitcast %parallel_loop3A_645 : vector<16xi32> to vector<32xbf16>
        %parallel_loop3A_647 = arith.mulf %parallel_loop3A_646, %parallel_loop3A_424 : vector<32xbf16>
        %parallel_loop3A_648 = arith.addf %parallel_loop3A_640, %parallel_loop3A_647 : vector<32xbf16>
        %parallel_loop3A_649 = tpu.unpack_subelements %parallel_loop3A_648, 0 {pack_format = #tpu.pack_format<interleaved>} : vector<32xbf16> -> vector<16xf32>
        %parallel_loop3A_650 = tpu.unpack_subelements %parallel_loop3A_648, 1 {pack_format = #tpu.pack_format<interleaved>} : vector<32xbf16> -> vector<16xf32>
        %parallel_loop3A_651 = arith.index_cast %parallel_loop3A_387 : i32 to index
        %parallel_loop3A_652 = arith.constant 112 : index
        %parallel_loop3A_653 = tpu.vector_load %arg13[%parallel_loop3A_651, %parallel_loop3A_652] {strides = array<i32>} : memref<32x256xf32, #tpu.memory_space<vmem>>, vector<16xf32>,
        tpu.vector_store %arg13[%parallel_loop3A_651, %parallel_loop3A_652], %parallel_loop3A_649 {strides = array<i32>} : memref<32x256xf32, #tpu.memory_space<vmem>>, vector<16xf32>,
        %parallel_loop3A_654 = arith.index_cast %parallel_loop3A_387 : i32 to index
        %parallel_loop3A_655 = arith.constant 240 : index
        %parallel_loop3A_656 = tpu.vector_load %arg13[%parallel_loop3A_654, %parallel_loop3A_655] {strides = array<i32>} : memref<32x256xf32, #tpu.memory_space<vmem>>, vector<16xf32>,
        tpu.vector_store %arg13[%parallel_loop3A_654, %parallel_loop3A_655], %parallel_loop3A_650 {strides = array<i32>} : memref<32x256xf32, #tpu.memory_space<vmem>>, vector<16xf32>,
      } {sc.loop_unroll_factor = 2 : i64, sc.parallel_access}
      %mul3A_203 = arith.constant 32 : i32
      %mul3A_204 = arith.muli %add3A_164, %mul3A_203 : i32
      %add3A_205 = arith.addi %mul3A_2, %mul3A_204 : i32
      %dma_start3A_206 = arith.constant 0 : i32
      %dma_start3A_207 = tpu.memref_slice %arg6[%add3A_205, %dma_start3A_206] : memref<65536x256xf32, #tpu.memory_space<hbm>> -> memref<32x256xf32, #tpu.memory_space<hbm>>
      %dma_start3A_208 = arith.constant 0 : i32
      %dma_start3A_209 = tpu.memref_slice %arg6[%add3A_205, %dma_start3A_208] : memref<65536x256xf32, #tpu.memory_space<hbm>> -> memref<32x256xf32, #tpu.memory_space<hbm>>
      tpu.enqueue_dma source(%arg13 : memref<32x256xf32, #tpu.memory_space<vmem>>) target(%dma_start3A_209 : memref<32x256xf32, #tpu.memory_space<hbm>>) target_semaphore(%arg19 : memref<!tpu.dma_semaphore, #tpu.memory_space<semaphore_mem>>)
      %add3A_210 = arith.constant 4 : i32
      %add3A_211 = arith.addi %add3A_164, %add3A_210 : i32
      %lt3A = arith.constant 64 : i32
      %lt3A_212 = arith.cmpi slt, %add3A_211, %lt3A : i32
      %convert_element_type3A_213 = arith.extui %lt3A_212 : i1 to i32
      %cond3A_214 = arith.constant 0 : i32
      %cond3A_215 = arith.cmpi ne, %convert_element_type3A_213, %cond3A_214 : i32
      scf.if %cond3A_215 {
        %add3A_387 = arith.constant 4 : i32
        %add3A_388 = arith.addi %add3A_164, %add3A_387 : i32
        %mul3A_389 = arith.constant 32 : i32
        %mul3A_390 = arith.muli %add3A_388, %mul3A_389 : i32
        %dma_start3A_391 = arith.constant 0 : i32
        %dma_start3A_392 = arith.constant 0 : i32
        %dma_start3A_393 = arith.constant 0 : i32
        %dma_start3A_394 = tpu.memref_slice %arg9[%dma_start3A_392, %dma_start3A_393] : memref<96x128xi32, #tpu.memory_space<vmem>> -> memref<32x128xi32, #tpu.memory_space<vmem>>
        %dma_start3A_395 = tpu.memref_slice %arg8[%dma_start3A_391, %mul3A_390] : memref<3x2048xi32, #tpu.memory_space<vmem>> -> memref<1x32xi32, #tpu.memory_space<vmem>>
        %dma_start3A_396 = tpu.memref_squeeze %dma_start3A_395 : memref<1x32xi32, #tpu.memory_space<vmem>> -> memref<32xi32, #tpu.memory_space<vmem>>
        %dma_start3A_397 = arith.constant 0 : i32
        %dma_start3A_398 = arith.constant 0 : i32
        %dma_start3A_399 = tpu.memref_slice %arg2[%dma_start3A_397, %dma_start3A_398] : memref<16384x128xi32, #tpu.memory_space<hbm>> -> memref<16384x128xi32, #tpu.memory_space<hbm>>
        tpu.enqueue_indirect_dma source(%dma_start3A_399 : memref<16384x128xi32, #tpu.memory_space<hbm>>) target(%dma_start3A_394 : memref<32x128xi32, #tpu.memory_space<vmem>>) offsets(%dma_start3A_396 : memref<32xi32, #tpu.memory_space<vmem>>) semaphore(%arg15 : memref<!tpu.dma_semaphore, #tpu.memory_space<semaphore_mem>>)
        %mul3A_400 = arith.constant 32 : i32
        %mul3A_401 = arith.muli %add3A_388, %mul3A_400 : i32
        %dma_start3A_402 = arith.constant 1 : i32
        %dma_start3A_403 = arith.constant 32 : i32
        %dma_start3A_404 = arith.constant 0 : i32
        %dma_start3A_405 = tpu.memref_slice %arg9[%dma_start3A_403, %dma_start3A_404] : memref<96x128xi32, #tpu.memory_space<vmem>> -> memref<32x128xi32, #tpu.memory_space<vmem>>
        %dma_start3A_406 = tpu.memref_slice %arg8[%dma_start3A_402, %mul3A_401] : memref<3x2048xi32, #tpu.memory_space<vmem>> -> memref<1x32xi32, #tpu.memory_space<vmem>>
        %dma_start3A_407 = tpu.memref_squeeze %dma_start3A_406 : memref<1x32xi32, #tpu.memory_space<vmem>> -> memref<32xi32, #tpu.memory_space<vmem>>
        %dma_start3A_408 = arith.constant 0 : i32
        %dma_start3A_409 = arith.constant 0 : i32
        %dma_start3A_410 = tpu.memref_slice %arg2[%dma_start3A_408, %dma_start3A_409] : memref<16384x128xi32, #tpu.memory_space<hbm>> -> memref<16384x128xi32, #tpu.memory_space<hbm>>
        tpu.enqueue_indirect_dma source(%dma_start3A_410 : memref<16384x128xi32, #tpu.memory_space<hbm>>) target(%dma_start3A_405 : memref<32x128xi32, #tpu.memory_space<vmem>>) offsets(%dma_start3A_407 : memref<32xi32, #tpu.memory_space<vmem>>) semaphore(%arg15 : memref<!tpu.dma_semaphore, #tpu.memory_space<semaphore_mem>>)
        %mul3A_411 = arith.constant 32 : i32
        %mul3A_412 = arith.muli %add3A_388, %mul3A_411 : i32
        %dma_start3A_413 = arith.constant 2 : i32
        %dma_start3A_414 = arith.constant 64 : i32
        %dma_start3A_415 = arith.constant 0 : i32
        %dma_start3A_416 = tpu.memref_slice %arg9[%dma_start3A_414, %dma_start3A_415] : memref<96x128xi32, #tpu.memory_space<vmem>> -> memref<32x128xi32, #tpu.memory_space<vmem>>
        %dma_start3A_417 = tpu.memref_slice %arg8[%dma_start3A_413, %mul3A_412] : memref<3x2048xi32, #tpu.memory_space<vmem>> -> memref<1x32xi32, #tpu.memory_space<vmem>>
        %dma_start3A_418 = tpu.memref_squeeze %dma_start3A_417 : memref<1x32xi32, #tpu.memory_space<vmem>> -> memref<32xi32, #tpu.memory_space<vmem>>
        %dma_start3A_419 = arith.constant 0 : i32
        %dma_start3A_420 = arith.constant 0 : i32
        %dma_start3A_421 = tpu.memref_slice %arg2[%dma_start3A_419, %dma_start3A_420] : memref<16384x128xi32, #tpu.memory_space<hbm>> -> memref<16384x128xi32, #tpu.memory_space<hbm>>
        tpu.enqueue_indirect_dma source(%dma_start3A_421 : memref<16384x128xi32, #tpu.memory_space<hbm>>) target(%dma_start3A_416 : memref<32x128xi32, #tpu.memory_space<vmem>>) offsets(%dma_start3A_418 : memref<32xi32, #tpu.memory_space<vmem>>) semaphore(%arg15 : memref<!tpu.dma_semaphore, #tpu.memory_space<semaphore_mem>>)
      } else {
      }
      %add3A_216 = arith.constant 1 : i32
      %add3A_217 = arith.addi %add3A_162, %add3A_216 : i32
      %mul3A_218 = arith.constant 32 : i32
      %mul3A_219 = arith.muli %add3A_217, %mul3A_218 : i32
      %dma_wait3A_220 = arith.constant 0 : i32
      %dma_wait3A_221 = arith.constant 0 : i32
      %dma_wait3A_222 = arith.constant 0 : i32
      %dma_wait3A_223 = tpu.memref_slice %arg10[%dma_wait3A_221, %dma_wait3A_222] : memref<96x128xi32, #tpu.memory_space<vmem>> -> memref<32x128xi32, #tpu.memory_space<vmem>>
      %dma_wait3A_224 = tpu.memref_slice %arg8[%dma_wait3A_220, %mul3A_219] : memref<3x2048xi32, #tpu.memory_space<vmem>> -> memref<1x32xi32, #tpu.memory_space<vmem>>
      %dma_wait3A_225 = tpu.memref_squeeze %dma_wait3A_224 : memref<1x32xi32, #tpu.memory_space<vmem>> -> memref<32xi32, #tpu.memory_space<vmem>>
      %dma_wait3A_226 = arith.constant 0 : i32
      %dma_wait3A_227 = arith.constant 0 : i32
      %dma_wait3A_228 = tpu.memref_slice %arg2[%dma_wait3A_226, %dma_wait3A_227] : memref<16384x128xi32, #tpu.memory_space<hbm>> -> memref<16384x128xi32, #tpu.memory_space<hbm>>
      tpu.wait_indirect_dma semaphore(%arg16 : memref<!tpu.dma_semaphore, #tpu.memory_space<semaphore_mem>>) src(%dma_wait3A_228 : memref<16384x128xi32, #tpu.memory_space<hbm>>) dst(%dma_wait3A_223 : memref<32x128xi32, #tpu.memory_space<vmem>>)
      %mul3A_229 = arith.constant 32 : i32
      %mul3A_230 = arith.muli %add3A_217, %mul3A_229 : i32
      %dma_wait3A_231 = arith.constant 1 : i32
      %dma_wait3A_232 = arith.constant 32 : i32
      %dma_wait3A_233 = arith.constant 0 : i32
      %dma_wait3A_234 = tpu.memref_slice %arg10[%dma_wait3A_232, %dma_wait3A_233] : memref<96x128xi32, #tpu.memory_space<vmem>> -> memref<32x128xi32, #tpu.memory_space<vmem>>
      %dma_wait3A_235 = tpu.memref_slice %arg8[%dma_wait3A_231, %mul3A_230] : memref<3x2048xi32, #tpu.memory_space<vmem>> -> memref<1x32xi32, #tpu.memory_space<vmem>>
      %dma_wait3A_236 = tpu.memref_squeeze %dma_wait3A_235 : memref<1x32xi32, #tpu.memory_space<vmem>> -> memref<32xi32, #tpu.memory_space<vmem>>
      %dma_wait3A_237 = arith.constant 0 : i32
      %dma_wait3A_238 = arith.constant 0 : i32
      %dma_wait3A_239 = tpu.memref_slice %arg2[%dma_wait3A_237, %dma_wait3A_238] : memref<16384x128xi32, #tpu.memory_space<hbm>> -> memref<16384x128xi32, #tpu.memory_space<hbm>>
      tpu.wait_indirect_dma semaphore(%arg16 : memref<!tpu.dma_semaphore, #tpu.memory_space<semaphore_mem>>) src(%dma_wait3A_239 : memref<16384x128xi32, #tpu.memory_space<hbm>>) dst(%dma_wait3A_234 : memref<32x128xi32, #tpu.memory_space<vmem>>)
      %mul3A_240 = arith.constant 32 : i32
      %mul3A_241 = arith.muli %add3A_217, %mul3A_240 : i32
      %dma_wait3A_242 = arith.constant 2 : i32
      %dma_wait3A_243 = arith.constant 64 : i32
      %dma_wait3A_244 = arith.constant 0 : i32
      %dma_wait3A_245 = tpu.memref_slice %arg10[%dma_wait3A_243, %dma_wait3A_244] : memref<96x128xi32, #tpu.memory_space<vmem>> -> memref<32x128xi32, #tpu.memory_space<vmem>>
      %dma_wait3A_246 = tpu.memref_slice %arg8[%dma_wait3A_242, %mul3A_241] : memref<3x2048xi32, #tpu.memory_space<vmem>> -> memref<1x32xi32, #tpu.memory_space<vmem>>
      %dma_wait3A_247 = tpu.memref_squeeze %dma_wait3A_246 : memref<1x32xi32, #tpu.memory_space<vmem>> -> memref<32xi32, #tpu.memory_space<vmem>>
      %dma_wait3A_248 = arith.constant 0 : i32
      %dma_wait3A_249 = arith.constant 0 : i32
      %dma_wait3A_250 = tpu.memref_slice %arg2[%dma_wait3A_248, %dma_wait3A_249] : memref<16384x128xi32, #tpu.memory_space<hbm>> -> memref<16384x128xi32, #tpu.memory_space<hbm>>
      tpu.wait_indirect_dma semaphore(%arg16 : memref<!tpu.dma_semaphore, #tpu.memory_space<semaphore_mem>>) src(%dma_wait3A_250 : memref<16384x128xi32, #tpu.memory_space<hbm>>) dst(%dma_wait3A_245 : memref<32x128xi32, #tpu.memory_space<vmem>>)
      %ge3A_251 = arith.constant 2 : i32
      %ge3A_252 = arith.cmpi sge, %add3A_217, %ge3A_251 : i32
      %convert_element_type3A_253 = arith.extui %ge3A_252 : i1 to i32
      %cond3A_254 = arith.constant 0 : i32
      %cond3A_255 = arith.cmpi ne, %convert_element_type3A_253, %cond3A_254 : i32
      scf.if %cond3A_255 {
        %sub3A_387 = arith.constant 2 : i32
        %sub3A_388 = arith.subi %add3A_217, %sub3A_387 : i32
        %mul3A_389 = arith.constant 32 : i32
        %mul3A_390 = arith.muli %sub3A_388, %mul3A_389 : i32
        %add3A_391 = arith.addi %mul3A_2, %mul3A_390 : i32
        %dma_wait3A_392 = arith.constant 0 : i32
        %dma_wait3A_393 = tpu.memref_slice %arg6[%add3A_391, %dma_wait3A_392] : memref<65536x256xf32, #tpu.memory_space<hbm>> -> memref<32x256xf32, #tpu.memory_space<hbm>>
        %dma_wait3A_394 = arith.constant 0 : i32
        %dma_wait3A_395 = tpu.memref_slice %arg6[%add3A_391, %dma_wait3A_394] : memref<65536x256xf32, #tpu.memory_space<hbm>> -> memref<32x256xf32, #tpu.memory_space<hbm>>
        tpu.wait_dma2 semaphore(%arg20 : memref<!tpu.dma_semaphore, #tpu.memory_space<semaphore_mem>>) src(%arg14 : memref<32x256xf32, #tpu.memory_space<vmem>>) dst(%dma_wait3A_395 : memref<32x256xf32, #tpu.memory_space<hbm>>)
      } else {
      }
      %parallel_loop3A_256 = arith.constant 0 : i32
      %parallel_loop3A_257 = arith.constant 32 : i32
      %parallel_loop3A_258 = arith.constant 1 : i32
      scf.for %parallel_loop3A_387 = %parallel_loop3A_256 to %parallel_loop3A_257 step %parallel_loop3A_258  : i32 {
        %parallel_loop3A_388 = arith.constant 32 : i32
        %parallel_loop3A_389 = arith.muli %add3A_217, %parallel_loop3A_388 : i32
        %parallel_loop3A_390 = arith.addi %parallel_loop3A_389, %parallel_loop3A_387 : i32
        %parallel_loop3A_391 = vector.broadcast %parallel_loop3A_390 : i32 to vector<16xi32>
        %parallel_loop3A_392 = arith.constant 0 : i32
        %parallel_loop3A_393 = vector.broadcast %parallel_loop3A_392 : i32 to vector<16xi32>
        %parallel_loop3A_394 = tpu.vector_load_idx %arg7[%parallel_loop3A_393, %parallel_loop3A_391] : memref<3x2048xi32, #tpu.memory_space<vmem>>[vector<16xi32>, vector<16xi32>], vector<16xi32>,
        %parallel_loop3A_395 = arith.constant -65536 : i32
        %parallel_loop3A_396 = vector.broadcast %parallel_loop3A_395 : i32 to vector<16xi32>
        %parallel_loop3A_397 = arith.andi %parallel_loop3A_394, %parallel_loop3A_396 : vector<16xi32>
        %parallel_loop3A_398 = arith.constant 16 : i32
        %parallel_loop3A_399 = vector.broadcast %parallel_loop3A_398 : i32 to vector<16xi32>
        %parallel_loop3A_400 = arith.shrui %parallel_loop3A_397, %parallel_loop3A_399 : vector<16xi32>
        %parallel_loop3A_401 = arith.ori %parallel_loop3A_397, %parallel_loop3A_400 : vector<16xi32>
        %parallel_loop3A_402 = vector.bitcast %parallel_loop3A_401 : vector<16xi32> to vector<32xbf16>
        %parallel_loop3A_403 = arith.constant 1 : i32
        %parallel_loop3A_404 = vector.broadcast %parallel_loop3A_403 : i32 to vector<16xi32>
        %parallel_loop3A_405 = tpu.vector_load_idx %arg7[%parallel_loop3A_404, %parallel_loop3A_391] : memref<3x2048xi32, #tpu.memory_space<vmem>>[vector<16xi32>, vector<16xi32>], vector<16xi32>,
        %parallel_loop3A_406 = arith.constant -65536 : i32
        %parallel_loop3A_407 = vector.broadcast %parallel_loop3A_406 : i32 to vector<16xi32>
        %parallel_loop3A_408 = arith.andi %parallel_loop3A_405, %parallel_loop3A_407 : vector<16xi32>
        %parallel_loop3A_409 = arith.constant 16 : i32
        %parallel_loop3A_410 = vector.broadcast %parallel_loop3A_409 : i32 to vector<16xi32>
        %parallel_loop3A_411 = arith.shrui %parallel_loop3A_408, %parallel_loop3A_410 : vector<16xi32>
        %parallel_loop3A_412 = arith.ori %parallel_loop3A_408, %parallel_loop3A_411 : vector<16xi32>
        %parallel_loop3A_413 = vector.bitcast %parallel_loop3A_412 : vector<16xi32> to vector<32xbf16>
        %parallel_loop3A_414 = arith.constant 2 : i32
        %parallel_loop3A_415 = vector.broadcast %parallel_loop3A_414 : i32 to vector<16xi32>
        %parallel_loop3A_416 = tpu.vector_load_idx %arg7[%parallel_loop3A_415, %parallel_loop3A_391] : memref<3x2048xi32, #tpu.memory_space<vmem>>[vector<16xi32>, vector<16xi32>], vector<16xi32>,
        %parallel_loop3A_417 = arith.constant -65536 : i32
        %parallel_loop3A_418 = vector.broadcast %parallel_loop3A_417 : i32 to vector<16xi32>
        %parallel_loop3A_419 = arith.andi %parallel_loop3A_416, %parallel_loop3A_418 : vector<16xi32>
        %parallel_loop3A_420 = arith.constant 16 : i32
        %parallel_loop3A_421 = vector.broadcast %parallel_loop3A_420 : i32 to vector<16xi32>
        %parallel_loop3A_422 = arith.shrui %parallel_loop3A_419, %parallel_loop3A_421 : vector<16xi32>
        %parallel_loop3A_423 = arith.ori %parallel_loop3A_419, %parallel_loop3A_422 : vector<16xi32>
        %parallel_loop3A_424 = vector.bitcast %parallel_loop3A_423 : vector<16xi32> to vector<32xbf16>
        %parallel_loop3A_425 = arith.index_cast %parallel_loop3A_387 : i32 to index
        %parallel_loop3A_426 = arith.constant 0 : index
        %parallel_loop3A_427 = tpu.vector_load %arg10[%parallel_loop3A_425, %parallel_loop3A_426] {strides = array<i32>} : memref<96x128xi32, #tpu.memory_space<vmem>>, vector<16xi32>,
        %parallel_loop3A_428 = vector.bitcast %parallel_loop3A_427 : vector<16xi32> to vector<32xbf16>
        %parallel_loop3A_429 = arith.mulf %parallel_loop3A_428, %parallel_loop3A_402 : vector<32xbf16>
        %parallel_loop3A_430 = arith.constant 32 : i32
        %parallel_loop3A_431 = arith.addi %parallel_loop3A_430, %parallel_loop3A_387 : i32
        %parallel_loop3A_432 = arith.index_cast %parallel_loop3A_431 : i32 to index
        %parallel_loop3A_433 = arith.constant 0 : index
        %parallel_loop3A_434 = tpu.vector_load %arg10[%parallel_loop3A_432, %parallel_loop3A_433] {strides = array<i32>} : memref<96x128xi32, #tpu.memory_space<vmem>>, vector<16xi32>,
        %parallel_loop3A_435 = vector.bitcast %parallel_loop3A_434 : vector<16xi32> to vector<32xbf16>
        %parallel_loop3A_436 = arith.mulf %parallel_loop3A_435, %parallel_loop3A_413 : vector<32xbf16>
        %parallel_loop3A_437 = arith.addf %parallel_loop3A_429, %parallel_loop3A_436 : vector<32xbf16>
        %parallel_loop3A_438 = arith.constant 64 : i32
        %parallel_loop3A_439 = arith.addi %parallel_loop3A_438, %parallel_loop3A_387 : i32
        %parallel_loop3A_440 = arith.index_cast %parallel_loop3A_439 : i32 to index
        %parallel_loop3A_441 = arith.constant 0 : index
        %parallel_loop3A_442 = tpu.vector_load %arg10[%parallel_loop3A_440, %parallel_loop3A_441] {strides = array<i32>} : memref<96x128xi32, #tpu.memory_space<vmem>>, vector<16xi32>,
        %parallel_loop3A_443 = vector.bitcast %parallel_loop3A_442 : vector<16xi32> to vector<32xbf16>
        %parallel_loop3A_444 = arith.mulf %parallel_loop3A_443, %parallel_loop3A_424 : vector<32xbf16>
        %parallel_loop3A_445 = arith.addf %parallel_loop3A_437, %parallel_loop3A_444 : vector<32xbf16>
        %parallel_loop3A_446 = tpu.unpack_subelements %parallel_loop3A_445, 0 {pack_format = #tpu.pack_format<interleaved>} : vector<32xbf16> -> vector<16xf32>
        %parallel_loop3A_447 = tpu.unpack_subelements %parallel_loop3A_445, 1 {pack_format = #tpu.pack_format<interleaved>} : vector<32xbf16> -> vector<16xf32>
        %parallel_loop3A_448 = arith.index_cast %parallel_loop3A_387 : i32 to index
        %parallel_loop3A_449 = arith.constant 0 : index
        %parallel_loop3A_450 = tpu.vector_load %arg14[%parallel_loop3A_448, %parallel_loop3A_449] {strides = array<i32>} : memref<32x256xf32, #tpu.memory_space<vmem>>, vector<16xf32>,
        tpu.vector_store %arg14[%parallel_loop3A_448, %parallel_loop3A_449], %parallel_loop3A_446 {strides = array<i32>} : memref<32x256xf32, #tpu.memory_space<vmem>>, vector<16xf32>,
        %parallel_loop3A_451 = arith.index_cast %parallel_loop3A_387 : i32 to index
        %parallel_loop3A_452 = arith.constant 128 : index
        %parallel_loop3A_453 = tpu.vector_load %arg14[%parallel_loop3A_451, %parallel_loop3A_452] {strides = array<i32>} : memref<32x256xf32, #tpu.memory_space<vmem>>, vector<16xf32>,
        tpu.vector_store %arg14[%parallel_loop3A_451, %parallel_loop3A_452], %parallel_loop3A_447 {strides = array<i32>} : memref<32x256xf32, #tpu.memory_space<vmem>>, vector<16xf32>,
        %parallel_loop3A_454 = arith.index_cast %parallel_loop3A_387 : i32 to index
        %parallel_loop3A_455 = arith.constant 16 : index
        %parallel_loop3A_456 = tpu.vector_load %arg10[%parallel_loop3A_454, %parallel_loop3A_455] {strides = array<i32>} : memref<96x128xi32, #tpu.memory_space<vmem>>, vector<16xi32>,
        %parallel_loop3A_457 = vector.bitcast %parallel_loop3A_456 : vector<16xi32> to vector<32xbf16>
        %parallel_loop3A_458 = arith.mulf %parallel_loop3A_457, %parallel_loop3A_402 : vector<32xbf16>
        %parallel_loop3A_459 = arith.constant 32 : i32
        %parallel_loop3A_460 = arith.addi %parallel_loop3A_459, %parallel_loop3A_387 : i32
        %parallel_loop3A_461 = arith.index_cast %parallel_loop3A_460 : i32 to index
        %parallel_loop3A_462 = arith.constant 16 : index
        %parallel_loop3A_463 = tpu.vector_load %arg10[%parallel_loop3A_461, %parallel_loop3A_462] {strides = array<i32>} : memref<96x128xi32, #tpu.memory_space<vmem>>, vector<16xi32>,
        %parallel_loop3A_464 = vector.bitcast %parallel_loop3A_463 : vector<16xi32> to vector<32xbf16>
        %parallel_loop3A_465 = arith.mulf %parallel_loop3A_464, %parallel_loop3A_413 : vector<32xbf16>
        %parallel_loop3A_466 = arith.addf %parallel_loop3A_458, %parallel_loop3A_465 : vector<32xbf16>
        %parallel_loop3A_467 = arith.constant 64 : i32
        %parallel_loop3A_468 = arith.addi %parallel_loop3A_467, %parallel_loop3A_387 : i32
        %parallel_loop3A_469 = arith.index_cast %parallel_loop3A_468 : i32 to index
        %parallel_loop3A_470 = arith.constant 16 : index
        %parallel_loop3A_471 = tpu.vector_load %arg10[%parallel_loop3A_469, %parallel_loop3A_470] {strides = array<i32>} : memref<96x128xi32, #tpu.memory_space<vmem>>, vector<16xi32>,
        %parallel_loop3A_472 = vector.bitcast %parallel_loop3A_471 : vector<16xi32> to vector<32xbf16>
        %parallel_loop3A_473 = arith.mulf %parallel_loop3A_472, %parallel_loop3A_424 : vector<32xbf16>
        %parallel_loop3A_474 = arith.addf %parallel_loop3A_466, %parallel_loop3A_473 : vector<32xbf16>
        %parallel_loop3A_475 = tpu.unpack_subelements %parallel_loop3A_474, 0 {pack_format = #tpu.pack_format<interleaved>} : vector<32xbf16> -> vector<16xf32>
        %parallel_loop3A_476 = tpu.unpack_subelements %parallel_loop3A_474, 1 {pack_format = #tpu.pack_format<interleaved>} : vector<32xbf16> -> vector<16xf32>
        %parallel_loop3A_477 = arith.index_cast %parallel_loop3A_387 : i32 to index
        %parallel_loop3A_478 = arith.constant 16 : index
        %parallel_loop3A_479 = tpu.vector_load %arg14[%parallel_loop3A_477, %parallel_loop3A_478] {strides = array<i32>} : memref<32x256xf32, #tpu.memory_space<vmem>>, vector<16xf32>,
        tpu.vector_store %arg14[%parallel_loop3A_477, %parallel_loop3A_478], %parallel_loop3A_475 {strides = array<i32>} : memref<32x256xf32, #tpu.memory_space<vmem>>, vector<16xf32>,
        %parallel_loop3A_480 = arith.index_cast %parallel_loop3A_387 : i32 to index
        %parallel_loop3A_481 = arith.constant 144 : index
        %parallel_loop3A_482 = tpu.vector_load %arg14[%parallel_loop3A_480, %parallel_loop3A_481] {strides = array<i32>} : memref<32x256xf32, #tpu.memory_space<vmem>>, vector<16xf32>,
        tpu.vector_store %arg14[%parallel_loop3A_480, %parallel_loop3A_481], %parallel_loop3A_476 {strides = array<i32>} : memref<32x256xf32, #tpu.memory_space<vmem>>, vector<16xf32>,
        %parallel_loop3A_483 = arith.index_cast %parallel_loop3A_387 : i32 to index
        %parallel_loop3A_484 = arith.constant 32 : index
        %parallel_loop3A_485 = tpu.vector_load %arg10[%parallel_loop3A_483, %parallel_loop3A_484] {strides = array<i32>} : memref<96x128xi32, #tpu.memory_space<vmem>>, vector<16xi32>,
        %parallel_loop3A_486 = vector.bitcast %parallel_loop3A_485 : vector<16xi32> to vector<32xbf16>
        %parallel_loop3A_487 = arith.mulf %parallel_loop3A_486, %parallel_loop3A_402 : vector<32xbf16>
        %parallel_loop3A_488 = arith.constant 32 : i32
        %parallel_loop3A_489 = arith.addi %parallel_loop3A_488, %parallel_loop3A_387 : i32
        %parallel_loop3A_490 = arith.index_cast %parallel_loop3A_489 : i32 to index
        %parallel_loop3A_491 = arith.constant 32 : index
        %parallel_loop3A_492 = tpu.vector_load %arg10[%parallel_loop3A_490, %parallel_loop3A_491] {strides = array<i32>} : memref<96x128xi32, #tpu.memory_space<vmem>>, vector<16xi32>,
        %parallel_loop3A_493 = vector.bitcast %parallel_loop3A_492 : vector<16xi32> to vector<32xbf16>
        %parallel_loop3A_494 = arith.mulf %parallel_loop3A_493, %parallel_loop3A_413 : vector<32xbf16>
        %parallel_loop3A_495 = arith.addf %parallel_loop3A_487, %parallel_loop3A_494 : vector<32xbf16>
        %parallel_loop3A_496 = arith.constant 64 : i32
        %parallel_loop3A_497 = arith.addi %parallel_loop3A_496, %parallel_loop3A_387 : i32
        %parallel_loop3A_498 = arith.index_cast %parallel_loop3A_497 : i32 to index
        %parallel_loop3A_499 = arith.constant 32 : index
        %parallel_loop3A_500 = tpu.vector_load %arg10[%parallel_loop3A_498, %parallel_loop3A_499] {strides = array<i32>} : memref<96x128xi32, #tpu.memory_space<vmem>>, vector<16xi32>,
        %parallel_loop3A_501 = vector.bitcast %parallel_loop3A_500 : vector<16xi32> to vector<32xbf16>
        %parallel_loop3A_502 = arith.mulf %parallel_loop3A_501, %parallel_loop3A_424 : vector<32xbf16>
        %parallel_loop3A_503 = arith.addf %parallel_loop3A_495, %parallel_loop3A_502 : vector<32xbf16>
        %parallel_loop3A_504 = tpu.unpack_subelements %parallel_loop3A_503, 0 {pack_format = #tpu.pack_format<interleaved>} : vector<32xbf16> -> vector<16xf32>
        %parallel_loop3A_505 = tpu.unpack_subelements %parallel_loop3A_503, 1 {pack_format = #tpu.pack_format<interleaved>} : vector<32xbf16> -> vector<16xf32>
        %parallel_loop3A_506 = arith.index_cast %parallel_loop3A_387 : i32 to index
        %parallel_loop3A_507 = arith.constant 32 : index
        %parallel_loop3A_508 = tpu.vector_load %arg14[%parallel_loop3A_506, %parallel_loop3A_507] {strides = array<i32>} : memref<32x256xf32, #tpu.memory_space<vmem>>, vector<16xf32>,
        tpu.vector_store %arg14[%parallel_loop3A_506, %parallel_loop3A_507], %parallel_loop3A_504 {strides = array<i32>} : memref<32x256xf32, #tpu.memory_space<vmem>>, vector<16xf32>,
        %parallel_loop3A_509 = arith.index_cast %parallel_loop3A_387 : i32 to index
        %parallel_loop3A_510 = arith.constant 160 : index
        %parallel_loop3A_511 = tpu.vector_load %arg14[%parallel_loop3A_509, %parallel_loop3A_510] {strides = array<i32>} : memref<32x256xf32, #tpu.memory_space<vmem>>, vector<16xf32>,
        tpu.vector_store %arg14[%parallel_loop3A_509, %parallel_loop3A_510], %parallel_loop3A_505 {strides = array<i32>} : memref<32x256xf32, #tpu.memory_space<vmem>>, vector<16xf32>,
        %parallel_loop3A_512 = arith.index_cast %parallel_loop3A_387 : i32 to index
        %parallel_loop3A_513 = arith.constant 48 : index
        %parallel_loop3A_514 = tpu.vector_load %arg10[%parallel_loop3A_512, %parallel_loop3A_513] {strides = array<i32>} : memref<96x128xi32, #tpu.memory_space<vmem>>, vector<16xi32>,
        %parallel_loop3A_515 = vector.bitcast %parallel_loop3A_514 : vector<16xi32> to vector<32xbf16>
        %parallel_loop3A_516 = arith.mulf %parallel_loop3A_515, %parallel_loop3A_402 : vector<32xbf16>
        %parallel_loop3A_517 = arith.constant 32 : i32
        %parallel_loop3A_518 = arith.addi %parallel_loop3A_517, %parallel_loop3A_387 : i32
        %parallel_loop3A_519 = arith.index_cast %parallel_loop3A_518 : i32 to index
        %parallel_loop3A_520 = arith.constant 48 : index
        %parallel_loop3A_521 = tpu.vector_load %arg10[%parallel_loop3A_519, %parallel_loop3A_520] {strides = array<i32>} : memref<96x128xi32, #tpu.memory_space<vmem>>, vector<16xi32>,
        %parallel_loop3A_522 = vector.bitcast %parallel_loop3A_521 : vector<16xi32> to vector<32xbf16>
        %parallel_loop3A_523 = arith.mulf %parallel_loop3A_522, %parallel_loop3A_413 : vector<32xbf16>
        %parallel_loop3A_524 = arith.addf %parallel_loop3A_516, %parallel_loop3A_523 : vector<32xbf16>
        %parallel_loop3A_525 = arith.constant 64 : i32
        %parallel_loop3A_526 = arith.addi %parallel_loop3A_525, %parallel_loop3A_387 : i32
        %parallel_loop3A_527 = arith.index_cast %parallel_loop3A_526 : i32 to index
        %parallel_loop3A_528 = arith.constant 48 : index
        %parallel_loop3A_529 = tpu.vector_load %arg10[%parallel_loop3A_527, %parallel_loop3A_528] {strides = array<i32>} : memref<96x128xi32, #tpu.memory_space<vmem>>, vector<16xi32>,
        %parallel_loop3A_530 = vector.bitcast %parallel_loop3A_529 : vector<16xi32> to vector<32xbf16>
        %parallel_loop3A_531 = arith.mulf %parallel_loop3A_530, %parallel_loop3A_424 : vector<32xbf16>
        %parallel_loop3A_532 = arith.addf %parallel_loop3A_524, %parallel_loop3A_531 : vector<32xbf16>
        %parallel_loop3A_533 = tpu.unpack_subelements %parallel_loop3A_532, 0 {pack_format = #tpu.pack_format<interleaved>} : vector<32xbf16> -> vector<16xf32>
        %parallel_loop3A_534 = tpu.unpack_subelements %parallel_loop3A_532, 1 {pack_format = #tpu.pack_format<interleaved>} : vector<32xbf16> -> vector<16xf32>
        %parallel_loop3A_535 = arith.index_cast %parallel_loop3A_387 : i32 to index
        %parallel_loop3A_536 = arith.constant 48 : index
        %parallel_loop3A_537 = tpu.vector_load %arg14[%parallel_loop3A_535, %parallel_loop3A_536] {strides = array<i32>} : memref<32x256xf32, #tpu.memory_space<vmem>>, vector<16xf32>,
        tpu.vector_store %arg14[%parallel_loop3A_535, %parallel_loop3A_536], %parallel_loop3A_533 {strides = array<i32>} : memref<32x256xf32, #tpu.memory_space<vmem>>, vector<16xf32>,
        %parallel_loop3A_538 = arith.index_cast %parallel_loop3A_387 : i32 to index
        %parallel_loop3A_539 = arith.constant 176 : index
        %parallel_loop3A_540 = tpu.vector_load %arg14[%parallel_loop3A_538, %parallel_loop3A_539] {strides = array<i32>} : memref<32x256xf32, #tpu.memory_space<vmem>>, vector<16xf32>,
        tpu.vector_store %arg14[%parallel_loop3A_538, %parallel_loop3A_539], %parallel_loop3A_534 {strides = array<i32>} : memref<32x256xf32, #tpu.memory_space<vmem>>, vector<16xf32>,
        %parallel_loop3A_541 = arith.index_cast %parallel_loop3A_387 : i32 to index
        %parallel_loop3A_542 = arith.constant 64 : index
        %parallel_loop3A_543 = tpu.vector_load %arg10[%parallel_loop3A_541, %parallel_loop3A_542] {strides = array<i32>} : memref<96x128xi32, #tpu.memory_space<vmem>>, vector<16xi32>,
        %parallel_loop3A_544 = vector.bitcast %parallel_loop3A_543 : vector<16xi32> to vector<32xbf16>
        %parallel_loop3A_545 = arith.mulf %parallel_loop3A_544, %parallel_loop3A_402 : vector<32xbf16>
        %parallel_loop3A_546 = arith.constant 32 : i32
        %parallel_loop3A_547 = arith.addi %parallel_loop3A_546, %parallel_loop3A_387 : i32
        %parallel_loop3A_548 = arith.index_cast %parallel_loop3A_547 : i32 to index
        %parallel_loop3A_549 = arith.constant 64 : index
        %parallel_loop3A_550 = tpu.vector_load %arg10[%parallel_loop3A_548, %parallel_loop3A_549] {strides = array<i32>} : memref<96x128xi32, #tpu.memory_space<vmem>>, vector<16xi32>,
        %parallel_loop3A_551 = vector.bitcast %parallel_loop3A_550 : vector<16xi32> to vector<32xbf16>
        %parallel_loop3A_552 = arith.mulf %parallel_loop3A_551, %parallel_loop3A_413 : vector<32xbf16>
        %parallel_loop3A_553 = arith.addf %parallel_loop3A_545, %parallel_loop3A_552 : vector<32xbf16>
        %parallel_loop3A_554 = arith.constant 64 : i32
        %parallel_loop3A_555 = arith.addi %parallel_loop3A_554, %parallel_loop3A_387 : i32
        %parallel_loop3A_556 = arith.index_cast %parallel_loop3A_555 : i32 to index
        %parallel_loop3A_557 = arith.constant 64 : index
        %parallel_loop3A_558 = tpu.vector_load %arg10[%parallel_loop3A_556, %parallel_loop3A_557] {strides = array<i32>} : memref<96x128xi32, #tpu.memory_space<vmem>>, vector<16xi32>,
        %parallel_loop3A_559 = vector.bitcast %parallel_loop3A_558 : vector<16xi32> to vector<32xbf16>
        %parallel_loop3A_560 = arith.mulf %parallel_loop3A_559, %parallel_loop3A_424 : vector<32xbf16>
        %parallel_loop3A_561 = arith.addf %parallel_loop3A_553, %parallel_loop3A_560 : vector<32xbf16>
        %parallel_loop3A_562 = tpu.unpack_subelements %parallel_loop3A_561, 0 {pack_format = #tpu.pack_format<interleaved>} : vector<32xbf16> -> vector<16xf32>
        %parallel_loop3A_563 = tpu.unpack_subelements %parallel_loop3A_561, 1 {pack_format = #tpu.pack_format<interleaved>} : vector<32xbf16> -> vector<16xf32>
        %parallel_loop3A_564 = arith.index_cast %parallel_loop3A_387 : i32 to index
        %parallel_loop3A_565 = arith.constant 64 : index
        %parallel_loop3A_566 = tpu.vector_load %arg14[%parallel_loop3A_564, %parallel_loop3A_565] {strides = array<i32>} : memref<32x256xf32, #tpu.memory_space<vmem>>, vector<16xf32>,
        tpu.vector_store %arg14[%parallel_loop3A_564, %parallel_loop3A_565], %parallel_loop3A_562 {strides = array<i32>} : memref<32x256xf32, #tpu.memory_space<vmem>>, vector<16xf32>,
        %parallel_loop3A_567 = arith.index_cast %parallel_loop3A_387 : i32 to index
        %parallel_loop3A_568 = arith.constant 192 : index
        %parallel_loop3A_569 = tpu.vector_load %arg14[%parallel_loop3A_567, %parallel_loop3A_568] {strides = array<i32>} : memref<32x256xf32, #tpu.memory_space<vmem>>, vector<16xf32>,
        tpu.vector_store %arg14[%parallel_loop3A_567, %parallel_loop3A_568], %parallel_loop3A_563 {strides = array<i32>} : memref<32x256xf32, #tpu.memory_space<vmem>>, vector<16xf32>,
        %parallel_loop3A_570 = arith.index_cast %parallel_loop3A_387 : i32 to index
        %parallel_loop3A_571 = arith.constant 80 : index
        %parallel_loop3A_572 = tpu.vector_load %arg10[%parallel_loop3A_570, %parallel_loop3A_571] {strides = array<i32>} : memref<96x128xi32, #tpu.memory_space<vmem>>, vector<16xi32>,
        %parallel_loop3A_573 = vector.bitcast %parallel_loop3A_572 : vector<16xi32> to vector<32xbf16>
        %parallel_loop3A_574 = arith.mulf %parallel_loop3A_573, %parallel_loop3A_402 : vector<32xbf16>
        %parallel_loop3A_575 = arith.constant 32 : i32
        %parallel_loop3A_576 = arith.addi %parallel_loop3A_575, %parallel_loop3A_387 : i32
        %parallel_loop3A_577 = arith.index_cast %parallel_loop3A_576 : i32 to index
        %parallel_loop3A_578 = arith.constant 80 : index
        %parallel_loop3A_579 = tpu.vector_load %arg10[%parallel_loop3A_577, %parallel_loop3A_578] {strides = array<i32>} : memref<96x128xi32, #tpu.memory_space<vmem>>, vector<16xi32>,
        %parallel_loop3A_580 = vector.bitcast %parallel_loop3A_579 : vector<16xi32> to vector<32xbf16>
        %parallel_loop3A_581 = arith.mulf %parallel_loop3A_580, %parallel_loop3A_413 : vector<32xbf16>
        %parallel_loop3A_582 = arith.addf %parallel_loop3A_574, %parallel_loop3A_581 : vector<32xbf16>
        %parallel_loop3A_583 = arith.constant 64 : i32
        %parallel_loop3A_584 = arith.addi %parallel_loop3A_583, %parallel_loop3A_387 : i32
        %parallel_loop3A_585 = arith.index_cast %parallel_loop3A_584 : i32 to index
        %parallel_loop3A_586 = arith.constant 80 : index
        %parallel_loop3A_587 = tpu.vector_load %arg10[%parallel_loop3A_585, %parallel_loop3A_586] {strides = array<i32>} : memref<96x128xi32, #tpu.memory_space<vmem>>, vector<16xi32>,
        %parallel_loop3A_588 = vector.bitcast %parallel_loop3A_587 : vector<16xi32> to vector<32xbf16>
        %parallel_loop3A_589 = arith.mulf %parallel_loop3A_588, %parallel_loop3A_424 : vector<32xbf16>
        %parallel_loop3A_590 = arith.addf %parallel_loop3A_582, %parallel_loop3A_589 : vector<32xbf16>
        %parallel_loop3A_591 = tpu.unpack_subelements %parallel_loop3A_590, 0 {pack_format = #tpu.pack_format<interleaved>} : vector<32xbf16> -> vector<16xf32>
        %parallel_loop3A_592 = tpu.unpack_subelements %parallel_loop3A_590, 1 {pack_format = #tpu.pack_format<interleaved>} : vector<32xbf16> -> vector<16xf32>
        %parallel_loop3A_593 = arith.index_cast %parallel_loop3A_387 : i32 to index
        %parallel_loop3A_594 = arith.constant 80 : index
        %parallel_loop3A_595 = tpu.vector_load %arg14[%parallel_loop3A_593, %parallel_loop3A_594] {strides = array<i32>} : memref<32x256xf32, #tpu.memory_space<vmem>>, vector<16xf32>,
        tpu.vector_store %arg14[%parallel_loop3A_593, %parallel_loop3A_594], %parallel_loop3A_591 {strides = array<i32>} : memref<32x256xf32, #tpu.memory_space<vmem>>, vector<16xf32>,
        %parallel_loop3A_596 = arith.index_cast %parallel_loop3A_387 : i32 to index
        %parallel_loop3A_597 = arith.constant 208 : index
        %parallel_loop3A_598 = tpu.vector_load %arg14[%parallel_loop3A_596, %parallel_loop3A_597] {strides = array<i32>} : memref<32x256xf32, #tpu.memory_space<vmem>>, vector<16xf32>,
        tpu.vector_store %arg14[%parallel_loop3A_596, %parallel_loop3A_597], %parallel_loop3A_592 {strides = array<i32>} : memref<32x256xf32, #tpu.memory_space<vmem>>, vector<16xf32>,
        %parallel_loop3A_599 = arith.index_cast %parallel_loop3A_387 : i32 to index
        %parallel_loop3A_600 = arith.constant 96 : index
        %parallel_loop3A_601 = tpu.vector_load %arg10[%parallel_loop3A_599, %parallel_loop3A_600] {strides = array<i32>} : memref<96x128xi32, #tpu.memory_space<vmem>>, vector<16xi32>,
        %parallel_loop3A_602 = vector.bitcast %parallel_loop3A_601 : vector<16xi32> to vector<32xbf16>
        %parallel_loop3A_603 = arith.mulf %parallel_loop3A_602, %parallel_loop3A_402 : vector<32xbf16>
        %parallel_loop3A_604 = arith.constant 32 : i32
        %parallel_loop3A_605 = arith.addi %parallel_loop3A_604, %parallel_loop3A_387 : i32
        %parallel_loop3A_606 = arith.index_cast %parallel_loop3A_605 : i32 to index
        %parallel_loop3A_607 = arith.constant 96 : index
        %parallel_loop3A_608 = tpu.vector_load %arg10[%parallel_loop3A_606, %parallel_loop3A_607] {strides = array<i32>} : memref<96x128xi32, #tpu.memory_space<vmem>>, vector<16xi32>,
        %parallel_loop3A_609 = vector.bitcast %parallel_loop3A_608 : vector<16xi32> to vector<32xbf16>
        %parallel_loop3A_610 = arith.mulf %parallel_loop3A_609, %parallel_loop3A_413 : vector<32xbf16>
        %parallel_loop3A_611 = arith.addf %parallel_loop3A_603, %parallel_loop3A_610 : vector<32xbf16>
        %parallel_loop3A_612 = arith.constant 64 : i32
        %parallel_loop3A_613 = arith.addi %parallel_loop3A_612, %parallel_loop3A_387 : i32
        %parallel_loop3A_614 = arith.index_cast %parallel_loop3A_613 : i32 to index
        %parallel_loop3A_615 = arith.constant 96 : index
        %parallel_loop3A_616 = tpu.vector_load %arg10[%parallel_loop3A_614, %parallel_loop3A_615] {strides = array<i32>} : memref<96x128xi32, #tpu.memory_space<vmem>>, vector<16xi32>,
        %parallel_loop3A_617 = vector.bitcast %parallel_loop3A_616 : vector<16xi32> to vector<32xbf16>
        %parallel_loop3A_618 = arith.mulf %parallel_loop3A_617, %parallel_loop3A_424 : vector<32xbf16>
        %parallel_loop3A_619 = arith.addf %parallel_loop3A_611, %parallel_loop3A_618 : vector<32xbf16>
        %parallel_loop3A_620 = tpu.unpack_subelements %parallel_loop3A_619, 0 {pack_format = #tpu.pack_format<interleaved>} : vector<32xbf16> -> vector<16xf32>
        %parallel_loop3A_621 = tpu.unpack_subelements %parallel_loop3A_619, 1 {pack_format = #tpu.pack_format<interleaved>} : vector<32xbf16> -> vector<16xf32>
        %parallel_loop3A_622 = arith.index_cast %parallel_loop3A_387 : i32 to index
        %parallel_loop3A_623 = arith.constant 96 : index
        %parallel_loop3A_624 = tpu.vector_load %arg14[%parallel_loop3A_622, %parallel_loop3A_623] {strides = array<i32>} : memref<32x256xf32, #tpu.memory_space<vmem>>, vector<16xf32>,
        tpu.vector_store %arg14[%parallel_loop3A_622, %parallel_loop3A_623], %parallel_loop3A_620 {strides = array<i32>} : memref<32x256xf32, #tpu.memory_space<vmem>>, vector<16xf32>,
        %parallel_loop3A_625 = arith.index_cast %parallel_loop3A_387 : i32 to index
        %parallel_loop3A_626 = arith.constant 224 : index
        %parallel_loop3A_627 = tpu.vector_load %arg14[%parallel_loop3A_625, %parallel_loop3A_626] {strides = array<i32>} : memref<32x256xf32, #tpu.memory_space<vmem>>, vector<16xf32>,
        tpu.vector_store %arg14[%parallel_loop3A_625, %parallel_loop3A_626], %parallel_loop3A_621 {strides = array<i32>} : memref<32x256xf32, #tpu.memory_space<vmem>>, vector<16xf32>,
        %parallel_loop3A_628 = arith.index_cast %parallel_loop3A_387 : i32 to index
        %parallel_loop3A_629 = arith.constant 112 : index
        %parallel_loop3A_630 = tpu.vector_load %arg10[%parallel_loop3A_628, %parallel_loop3A_629] {strides = array<i32>} : memref<96x128xi32, #tpu.memory_space<vmem>>, vector<16xi32>,
        %parallel_loop3A_631 = vector.bitcast %parallel_loop3A_630 : vector<16xi32> to vector<32xbf16>
        %parallel_loop3A_632 = arith.mulf %parallel_loop3A_631, %parallel_loop3A_402 : vector<32xbf16>
        %parallel_loop3A_633 = arith.constant 32 : i32
        %parallel_loop3A_634 = arith.addi %parallel_loop3A_633, %parallel_loop3A_387 : i32
        %parallel_loop3A_635 = arith.index_cast %parallel_loop3A_634 : i32 to index
        %parallel_loop3A_636 = arith.constant 112 : index
        %parallel_loop3A_637 = tpu.vector_load %arg10[%parallel_loop3A_635, %parallel_loop3A_636] {strides = array<i32>} : memref<96x128xi32, #tpu.memory_space<vmem>>, vector<16xi32>,
        %parallel_loop3A_638 = vector.bitcast %parallel_loop3A_637 : vector<16xi32> to vector<32xbf16>
        %parallel_loop3A_639 = arith.mulf %parallel_loop3A_638, %parallel_loop3A_413 : vector<32xbf16>
        %parallel_loop3A_640 = arith.addf %parallel_loop3A_632, %parallel_loop3A_639 : vector<32xbf16>
        %parallel_loop3A_641 = arith.constant 64 : i32
        %parallel_loop3A_642 = arith.addi %parallel_loop3A_641, %parallel_loop3A_387 : i32
        %parallel_loop3A_643 = arith.index_cast %parallel_loop3A_642 : i32 to index
        %parallel_loop3A_644 = arith.constant 112 : index
        %parallel_loop3A_645 = tpu.vector_load %arg10[%parallel_loop3A_643, %parallel_loop3A_644] {strides = array<i32>} : memref<96x128xi32, #tpu.memory_space<vmem>>, vector<16xi32>,
        %parallel_loop3A_646 = vector.bitcast %parallel_loop3A_645 : vector<16xi32> to vector<32xbf16>
        %parallel_loop3A_647 = arith.mulf %parallel_loop3A_646, %parallel_loop3A_424 : vector<32xbf16>
        %parallel_loop3A_648 = arith.addf %parallel_loop3A_640, %parallel_loop3A_647 : vector<32xbf16>
        %parallel_loop3A_649 = tpu.unpack_subelements %parallel_loop3A_648, 0 {pack_format = #tpu.pack_format<interleaved>} : vector<32xbf16> -> vector<16xf32>
        %parallel_loop3A_650 = tpu.unpack_subelements %parallel_loop3A_648, 1 {pack_format = #tpu.pack_format<interleaved>} : vector<32xbf16> -> vector<16xf32>
        %parallel_loop3A_651 = arith.index_cast %parallel_loop3A_387 : i32 to index
        %parallel_loop3A_652 = arith.constant 112 : index
        %parallel_loop3A_653 = tpu.vector_load %arg14[%parallel_loop3A_651, %parallel_loop3A_652] {strides = array<i32>} : memref<32x256xf32, #tpu.memory_space<vmem>>, vector<16xf32>,
        tpu.vector_store %arg14[%parallel_loop3A_651, %parallel_loop3A_652], %parallel_loop3A_649 {strides = array<i32>} : memref<32x256xf32, #tpu.memory_space<vmem>>, vector<16xf32>,
        %parallel_loop3A_654 = arith.index_cast %parallel_loop3A_387 : i32 to index
        %parallel_loop3A_655 = arith.constant 240 : index
        %parallel_loop3A_656 = tpu.vector_load %arg14[%parallel_loop3A_654, %parallel_loop3A_655] {strides = array<i32>} : memref<32x256xf32, #tpu.memory_space<vmem>>, vector<16xf32>,
        tpu.vector_store %arg14[%parallel_loop3A_654, %parallel_loop3A_655], %parallel_loop3A_650 {strides = array<i32>} : memref<32x256xf32, #tpu.memory_space<vmem>>, vector<16xf32>,
      } {sc.loop_unroll_factor = 2 : i64, sc.parallel_access}
      %mul3A_259 = arith.constant 32 : i32
      %mul3A_260 = arith.muli %add3A_217, %mul3A_259 : i32
      %add3A_261 = arith.addi %mul3A_2, %mul3A_260 : i32
      %dma_start3A_262 = arith.constant 0 : i32
      %dma_start3A_263 = tpu.memref_slice %arg6[%add3A_261, %dma_start3A_262] : memref<65536x256xf32, #tpu.memory_space<hbm>> -> memref<32x256xf32, #tpu.memory_space<hbm>>
      %dma_start3A_264 = arith.constant 0 : i32
      %dma_start3A_265 = tpu.memref_slice %arg6[%add3A_261, %dma_start3A_264] : memref<65536x256xf32, #tpu.memory_space<hbm>> -> memref<32x256xf32, #tpu.memory_space<hbm>>
      tpu.enqueue_dma source(%arg14 : memref<32x256xf32, #tpu.memory_space<vmem>>) target(%dma_start3A_265 : memref<32x256xf32, #tpu.memory_space<hbm>>) target_semaphore(%arg20 : memref<!tpu.dma_semaphore, #tpu.memory_space<semaphore_mem>>)
      %add3A_266 = arith.constant 4 : i32
      %add3A_267 = arith.addi %add3A_217, %add3A_266 : i32
      %lt3A_268 = arith.constant 64 : i32
      %lt3A_269 = arith.cmpi slt, %add3A_267, %lt3A_268 : i32
      %convert_element_type3A_270 = arith.extui %lt3A_269 : i1 to i32
      %cond3A_271 = arith.constant 0 : i32
      %cond3A_272 = arith.cmpi ne, %convert_element_type3A_270, %cond3A_271 : i32
      scf.if %cond3A_272 {
        %add3A_387 = arith.constant 4 : i32
        %add3A_388 = arith.addi %add3A_217, %add3A_387 : i32
        %mul3A_389 = arith.constant 32 : i32
        %mul3A_390 = arith.muli %add3A_388, %mul3A_389 : i32
        %dma_start3A_391 = arith.constant 0 : i32
        %dma_start3A_392 = arith.constant 0 : i32
        %dma_start3A_393 = arith.constant 0 : i32
        %dma_start3A_394 = tpu.memref_slice %arg10[%dma_start3A_392, %dma_start3A_393] : memref<96x128xi32, #tpu.memory_space<vmem>> -> memref<32x128xi32, #tpu.memory_space<vmem>>
        %dma_start3A_395 = tpu.memref_slice %arg8[%dma_start3A_391, %mul3A_390] : memref<3x2048xi32, #tpu.memory_space<vmem>> -> memref<1x32xi32, #tpu.memory_space<vmem>>
        %dma_start3A_396 = tpu.memref_squeeze %dma_start3A_395 : memref<1x32xi32, #tpu.memory_space<vmem>> -> memref<32xi32, #tpu.memory_space<vmem>>
        %dma_start3A_397 = arith.constant 0 : i32
        %dma_start3A_398 = arith.constant 0 : i32
        %dma_start3A_399 = tpu.memref_slice %arg2[%dma_start3A_397, %dma_start3A_398] : memref<16384x128xi32, #tpu.memory_space<hbm>> -> memref<16384x128xi32, #tpu.memory_space<hbm>>
        tpu.enqueue_indirect_dma source(%dma_start3A_399 : memref<16384x128xi32, #tpu.memory_space<hbm>>) target(%dma_start3A_394 : memref<32x128xi32, #tpu.memory_space<vmem>>) offsets(%dma_start3A_396 : memref<32xi32, #tpu.memory_space<vmem>>) semaphore(%arg16 : memref<!tpu.dma_semaphore, #tpu.memory_space<semaphore_mem>>)
        %mul3A_400 = arith.constant 32 : i32
        %mul3A_401 = arith.muli %add3A_388, %mul3A_400 : i32
        %dma_start3A_402 = arith.constant 1 : i32
        %dma_start3A_403 = arith.constant 32 : i32
        %dma_start3A_404 = arith.constant 0 : i32
        %dma_start3A_405 = tpu.memref_slice %arg10[%dma_start3A_403, %dma_start3A_404] : memref<96x128xi32, #tpu.memory_space<vmem>> -> memref<32x128xi32, #tpu.memory_space<vmem>>
        %dma_start3A_406 = tpu.memref_slice %arg8[%dma_start3A_402, %mul3A_401] : memref<3x2048xi32, #tpu.memory_space<vmem>> -> memref<1x32xi32, #tpu.memory_space<vmem>>
        %dma_start3A_407 = tpu.memref_squeeze %dma_start3A_406 : memref<1x32xi32, #tpu.memory_space<vmem>> -> memref<32xi32, #tpu.memory_space<vmem>>
        %dma_start3A_408 = arith.constant 0 : i32
        %dma_start3A_409 = arith.constant 0 : i32
        %dma_start3A_410 = tpu.memref_slice %arg2[%dma_start3A_408, %dma_start3A_409] : memref<16384x128xi32, #tpu.memory_space<hbm>> -> memref<16384x128xi32, #tpu.memory_space<hbm>>
        tpu.enqueue_indirect_dma source(%dma_start3A_410 : memref<16384x128xi32, #tpu.memory_space<hbm>>) target(%dma_start3A_405 : memref<32x128xi32, #tpu.memory_space<vmem>>) offsets(%dma_start3A_407 : memref<32xi32, #tpu.memory_space<vmem>>) semaphore(%arg16 : memref<!tpu.dma_semaphore, #tpu.memory_space<semaphore_mem>>)
        %mul3A_411 = arith.constant 32 : i32
        %mul3A_412 = arith.muli %add3A_388, %mul3A_411 : i32
        %dma_start3A_413 = arith.constant 2 : i32
        %dma_start3A_414 = arith.constant 64 : i32
        %dma_start3A_415 = arith.constant 0 : i32
        %dma_start3A_416 = tpu.memref_slice %arg10[%dma_start3A_414, %dma_start3A_415] : memref<96x128xi32, #tpu.memory_space<vmem>> -> memref<32x128xi32, #tpu.memory_space<vmem>>
        %dma_start3A_417 = tpu.memref_slice %arg8[%dma_start3A_413, %mul3A_412] : memref<3x2048xi32, #tpu.memory_space<vmem>> -> memref<1x32xi32, #tpu.memory_space<vmem>>
        %dma_start3A_418 = tpu.memref_squeeze %dma_start3A_417 : memref<1x32xi32, #tpu.memory_space<vmem>> -> memref<32xi32, #tpu.memory_space<vmem>>
        %dma_start3A_419 = arith.constant 0 : i32
        %dma_start3A_420 = arith.constant 0 : i32
        %dma_start3A_421 = tpu.memref_slice %arg2[%dma_start3A_419, %dma_start3A_420] : memref<16384x128xi32, #tpu.memory_space<hbm>> -> memref<16384x128xi32, #tpu.memory_space<hbm>>
        tpu.enqueue_indirect_dma source(%dma_start3A_421 : memref<16384x128xi32, #tpu.memory_space<hbm>>) target(%dma_start3A_416 : memref<32x128xi32, #tpu.memory_space<vmem>>) offsets(%dma_start3A_418 : memref<32xi32, #tpu.memory_space<vmem>>) semaphore(%arg16 : memref<!tpu.dma_semaphore, #tpu.memory_space<semaphore_mem>>)
      } else {
      }
      %add3A_273 = arith.constant 2 : i32
      %add3A_274 = arith.addi %add3A_162, %add3A_273 : i32
      %mul3A_275 = arith.constant 32 : i32
      %mul3A_276 = arith.muli %add3A_274, %mul3A_275 : i32
      %dma_wait3A_277 = arith.constant 0 : i32
      %dma_wait3A_278 = arith.constant 0 : i32
      %dma_wait3A_279 = arith.constant 0 : i32
      %dma_wait3A_280 = tpu.memref_slice %arg11[%dma_wait3A_278, %dma_wait3A_279] : memref<96x128xi32, #tpu.memory_space<vmem>> -> memref<32x128xi32, #tpu.memory_space<vmem>>
      %dma_wait3A_281 = tpu.memref_slice %arg8[%dma_wait3A_277, %mul3A_276] : memref<3x2048xi32, #tpu.memory_space<vmem>> -> memref<1x32xi32, #tpu.memory_space<vmem>>
      %dma_wait3A_282 = tpu.memref_squeeze %dma_wait3A_281 : memref<1x32xi32, #tpu.memory_space<vmem>> -> memref<32xi32, #tpu.memory_space<vmem>>
      %dma_wait3A_283 = arith.constant 0 : i32
      %dma_wait3A_284 = arith.constant 0 : i32
      %dma_wait3A_285 = tpu.memref_slice %arg2[%dma_wait3A_283, %dma_wait3A_284] : memref<16384x128xi32, #tpu.memory_space<hbm>> -> memref<16384x128xi32, #tpu.memory_space<hbm>>
      tpu.wait_indirect_dma semaphore(%arg17 : memref<!tpu.dma_semaphore, #tpu.memory_space<semaphore_mem>>) src(%dma_wait3A_285 : memref<16384x128xi32, #tpu.memory_space<hbm>>) dst(%dma_wait3A_280 : memref<32x128xi32, #tpu.memory_space<vmem>>)
      %mul3A_286 = arith.constant 32 : i32
      %mul3A_287 = arith.muli %add3A_274, %mul3A_286 : i32
      %dma_wait3A_288 = arith.constant 1 : i32
      %dma_wait3A_289 = arith.constant 32 : i32
      %dma_wait3A_290 = arith.constant 0 : i32
      %dma_wait3A_291 = tpu.memref_slice %arg11[%dma_wait3A_289, %dma_wait3A_290] : memref<96x128xi32, #tpu.memory_space<vmem>> -> memref<32x128xi32, #tpu.memory_space<vmem>>
      %dma_wait3A_292 = tpu.memref_slice %arg8[%dma_wait3A_288, %mul3A_287] : memref<3x2048xi32, #tpu.memory_space<vmem>> -> memref<1x32xi32, #tpu.memory_space<vmem>>
      %dma_wait3A_293 = tpu.memref_squeeze %dma_wait3A_292 : memref<1x32xi32, #tpu.memory_space<vmem>> -> memref<32xi32, #tpu.memory_space<vmem>>
      %dma_wait3A_294 = arith.constant 0 : i32
      %dma_wait3A_295 = arith.constant 0 : i32
      %dma_wait3A_296 = tpu.memref_slice %arg2[%dma_wait3A_294, %dma_wait3A_295] : memref<16384x128xi32, #tpu.memory_space<hbm>> -> memref<16384x128xi32, #tpu.memory_space<hbm>>
      tpu.wait_indirect_dma semaphore(%arg17 : memref<!tpu.dma_semaphore, #tpu.memory_space<semaphore_mem>>) src(%dma_wait3A_296 : memref<16384x128xi32, #tpu.memory_space<hbm>>) dst(%dma_wait3A_291 : memref<32x128xi32, #tpu.memory_space<vmem>>)
      %mul3A_297 = arith.constant 32 : i32
      %mul3A_298 = arith.muli %add3A_274, %mul3A_297 : i32
      %dma_wait3A_299 = arith.constant 2 : i32
      %dma_wait3A_300 = arith.constant 64 : i32
      %dma_wait3A_301 = arith.constant 0 : i32
      %dma_wait3A_302 = tpu.memref_slice %arg11[%dma_wait3A_300, %dma_wait3A_301] : memref<96x128xi32, #tpu.memory_space<vmem>> -> memref<32x128xi32, #tpu.memory_space<vmem>>
      %dma_wait3A_303 = tpu.memref_slice %arg8[%dma_wait3A_299, %mul3A_298] : memref<3x2048xi32, #tpu.memory_space<vmem>> -> memref<1x32xi32, #tpu.memory_space<vmem>>
      %dma_wait3A_304 = tpu.memref_squeeze %dma_wait3A_303 : memref<1x32xi32, #tpu.memory_space<vmem>> -> memref<32xi32, #tpu.memory_space<vmem>>
      %dma_wait3A_305 = arith.constant 0 : i32
      %dma_wait3A_306 = arith.constant 0 : i32
      %dma_wait3A_307 = tpu.memref_slice %arg2[%dma_wait3A_305, %dma_wait3A_306] : memref<16384x128xi32, #tpu.memory_space<hbm>> -> memref<16384x128xi32, #tpu.memory_space<hbm>>
      tpu.wait_indirect_dma semaphore(%arg17 : memref<!tpu.dma_semaphore, #tpu.memory_space<semaphore_mem>>) src(%dma_wait3A_307 : memref<16384x128xi32, #tpu.memory_space<hbm>>) dst(%dma_wait3A_302 : memref<32x128xi32, #tpu.memory_space<vmem>>)
      %ge3A_308 = arith.constant 2 : i32
      %ge3A_309 = arith.cmpi sge, %add3A_274, %ge3A_308 : i32
      %convert_element_type3A_310 = arith.extui %ge3A_309 : i1 to i32
      %cond3A_311 = arith.constant 0 : i32
      %cond3A_312 = arith.cmpi ne, %convert_element_type3A_310, %cond3A_311 : i32
      scf.if %cond3A_312 {
        %sub3A_387 = arith.constant 2 : i32
        %sub3A_388 = arith.subi %add3A_274, %sub3A_387 : i32
        %mul3A_389 = arith.constant 32 : i32
        %mul3A_390 = arith.muli %sub3A_388, %mul3A_389 : i32
        %add3A_391 = arith.addi %mul3A_2, %mul3A_390 : i32
        %dma_wait3A_392 = arith.constant 0 : i32
        %dma_wait3A_393 = tpu.memref_slice %arg6[%add3A_391, %dma_wait3A_392] : memref<65536x256xf32, #tpu.memory_space<hbm>> -> memref<32x256xf32, #tpu.memory_space<hbm>>
        %dma_wait3A_394 = arith.constant 0 : i32
        %dma_wait3A_395 = tpu.memref_slice %arg6[%add3A_391, %dma_wait3A_394] : memref<65536x256xf32, #tpu.memory_space<hbm>> -> memref<32x256xf32, #tpu.memory_space<hbm>>
        tpu.wait_dma2 semaphore(%arg19 : memref<!tpu.dma_semaphore, #tpu.memory_space<semaphore_mem>>) src(%arg13 : memref<32x256xf32, #tpu.memory_space<vmem>>) dst(%dma_wait3A_395 : memref<32x256xf32, #tpu.memory_space<hbm>>)
      } else {
      }
      %parallel_loop3A_313 = arith.constant 0 : i32
      %parallel_loop3A_314 = arith.constant 32 : i32
      %parallel_loop3A_315 = arith.constant 1 : i32
      scf.for %parallel_loop3A_387 = %parallel_loop3A_313 to %parallel_loop3A_314 step %parallel_loop3A_315  : i32 {
        %parallel_loop3A_388 = arith.constant 32 : i32
        %parallel_loop3A_389 = arith.muli %add3A_274, %parallel_loop3A_388 : i32
        %parallel_loop3A_390 = arith.addi %parallel_loop3A_389, %parallel_loop3A_387 : i32
        %parallel_loop3A_391 = vector.broadcast %parallel_loop3A_390 : i32 to vector<16xi32>
        %parallel_loop3A_392 = arith.constant 0 : i32
        %parallel_loop3A_393 = vector.broadcast %parallel_loop3A_392 : i32 to vector<16xi32>
        %parallel_loop3A_394 = tpu.vector_load_idx %arg7[%parallel_loop3A_393, %parallel_loop3A_391] : memref<3x2048xi32, #tpu.memory_space<vmem>>[vector<16xi32>, vector<16xi32>], vector<16xi32>,
        %parallel_loop3A_395 = arith.constant -65536 : i32
        %parallel_loop3A_396 = vector.broadcast %parallel_loop3A_395 : i32 to vector<16xi32>
        %parallel_loop3A_397 = arith.andi %parallel_loop3A_394, %parallel_loop3A_396 : vector<16xi32>
        %parallel_loop3A_398 = arith.constant 16 : i32
        %parallel_loop3A_399 = vector.broadcast %parallel_loop3A_398 : i32 to vector<16xi32>
        %parallel_loop3A_400 = arith.shrui %parallel_loop3A_397, %parallel_loop3A_399 : vector<16xi32>
        %parallel_loop3A_401 = arith.ori %parallel_loop3A_397, %parallel_loop3A_400 : vector<16xi32>
        %parallel_loop3A_402 = vector.bitcast %parallel_loop3A_401 : vector<16xi32> to vector<32xbf16>
        %parallel_loop3A_403 = arith.constant 1 : i32
        %parallel_loop3A_404 = vector.broadcast %parallel_loop3A_403 : i32 to vector<16xi32>
        %parallel_loop3A_405 = tpu.vector_load_idx %arg7[%parallel_loop3A_404, %parallel_loop3A_391] : memref<3x2048xi32, #tpu.memory_space<vmem>>[vector<16xi32>, vector<16xi32>], vector<16xi32>,
        %parallel_loop3A_406 = arith.constant -65536 : i32
        %parallel_loop3A_407 = vector.broadcast %parallel_loop3A_406 : i32 to vector<16xi32>
        %parallel_loop3A_408 = arith.andi %parallel_loop3A_405, %parallel_loop3A_407 : vector<16xi32>
        %parallel_loop3A_409 = arith.constant 16 : i32
        %parallel_loop3A_410 = vector.broadcast %parallel_loop3A_409 : i32 to vector<16xi32>
        %parallel_loop3A_411 = arith.shrui %parallel_loop3A_408, %parallel_loop3A_410 : vector<16xi32>
        %parallel_loop3A_412 = arith.ori %parallel_loop3A_408, %parallel_loop3A_411 : vector<16xi32>
        %parallel_loop3A_413 = vector.bitcast %parallel_loop3A_412 : vector<16xi32> to vector<32xbf16>
        %parallel_loop3A_414 = arith.constant 2 : i32
        %parallel_loop3A_415 = vector.broadcast %parallel_loop3A_414 : i32 to vector<16xi32>
        %parallel_loop3A_416 = tpu.vector_load_idx %arg7[%parallel_loop3A_415, %parallel_loop3A_391] : memref<3x2048xi32, #tpu.memory_space<vmem>>[vector<16xi32>, vector<16xi32>], vector<16xi32>,
        %parallel_loop3A_417 = arith.constant -65536 : i32
        %parallel_loop3A_418 = vector.broadcast %parallel_loop3A_417 : i32 to vector<16xi32>
        %parallel_loop3A_419 = arith.andi %parallel_loop3A_416, %parallel_loop3A_418 : vector<16xi32>
        %parallel_loop3A_420 = arith.constant 16 : i32
        %parallel_loop3A_421 = vector.broadcast %parallel_loop3A_420 : i32 to vector<16xi32>
        %parallel_loop3A_422 = arith.shrui %parallel_loop3A_419, %parallel_loop3A_421 : vector<16xi32>
        %parallel_loop3A_423 = arith.ori %parallel_loop3A_419, %parallel_loop3A_422 : vector<16xi32>
        %parallel_loop3A_424 = vector.bitcast %parallel_loop3A_423 : vector<16xi32> to vector<32xbf16>
        %parallel_loop3A_425 = arith.index_cast %parallel_loop3A_387 : i32 to index
        %parallel_loop3A_426 = arith.constant 0 : index
        %parallel_loop3A_427 = tpu.vector_load %arg11[%parallel_loop3A_425, %parallel_loop3A_426] {strides = array<i32>} : memref<96x128xi32, #tpu.memory_space<vmem>>, vector<16xi32>,
        %parallel_loop3A_428 = vector.bitcast %parallel_loop3A_427 : vector<16xi32> to vector<32xbf16>
        %parallel_loop3A_429 = arith.mulf %parallel_loop3A_428, %parallel_loop3A_402 : vector<32xbf16>
        %parallel_loop3A_430 = arith.constant 32 : i32
        %parallel_loop3A_431 = arith.addi %parallel_loop3A_430, %parallel_loop3A_387 : i32
        %parallel_loop3A_432 = arith.index_cast %parallel_loop3A_431 : i32 to index
        %parallel_loop3A_433 = arith.constant 0 : index
        %parallel_loop3A_434 = tpu.vector_load %arg11[%parallel_loop3A_432, %parallel_loop3A_433] {strides = array<i32>} : memref<96x128xi32, #tpu.memory_space<vmem>>, vector<16xi32>,
        %parallel_loop3A_435 = vector.bitcast %parallel_loop3A_434 : vector<16xi32> to vector<32xbf16>
        %parallel_loop3A_436 = arith.mulf %parallel_loop3A_435, %parallel_loop3A_413 : vector<32xbf16>
        %parallel_loop3A_437 = arith.addf %parallel_loop3A_429, %parallel_loop3A_436 : vector<32xbf16>
        %parallel_loop3A_438 = arith.constant 64 : i32
        %parallel_loop3A_439 = arith.addi %parallel_loop3A_438, %parallel_loop3A_387 : i32
        %parallel_loop3A_440 = arith.index_cast %parallel_loop3A_439 : i32 to index
        %parallel_loop3A_441 = arith.constant 0 : index
        %parallel_loop3A_442 = tpu.vector_load %arg11[%parallel_loop3A_440, %parallel_loop3A_441] {strides = array<i32>} : memref<96x128xi32, #tpu.memory_space<vmem>>, vector<16xi32>,
        %parallel_loop3A_443 = vector.bitcast %parallel_loop3A_442 : vector<16xi32> to vector<32xbf16>
        %parallel_loop3A_444 = arith.mulf %parallel_loop3A_443, %parallel_loop3A_424 : vector<32xbf16>
        %parallel_loop3A_445 = arith.addf %parallel_loop3A_437, %parallel_loop3A_444 : vector<32xbf16>
        %parallel_loop3A_446 = tpu.unpack_subelements %parallel_loop3A_445, 0 {pack_format = #tpu.pack_format<interleaved>} : vector<32xbf16> -> vector<16xf32>
        %parallel_loop3A_447 = tpu.unpack_subelements %parallel_loop3A_445, 1 {pack_format = #tpu.pack_format<interleaved>} : vector<32xbf16> -> vector<16xf32>
        %parallel_loop3A_448 = arith.index_cast %parallel_loop3A_387 : i32 to index
        %parallel_loop3A_449 = arith.constant 0 : index
        %parallel_loop3A_450 = tpu.vector_load %arg13[%parallel_loop3A_448, %parallel_loop3A_449] {strides = array<i32>} : memref<32x256xf32, #tpu.memory_space<vmem>>, vector<16xf32>,
        tpu.vector_store %arg13[%parallel_loop3A_448, %parallel_loop3A_449], %parallel_loop3A_446 {strides = array<i32>} : memref<32x256xf32, #tpu.memory_space<vmem>>, vector<16xf32>,
        %parallel_loop3A_451 = arith.index_cast %parallel_loop3A_387 : i32 to index
        %parallel_loop3A_452 = arith.constant 128 : index
        %parallel_loop3A_453 = tpu.vector_load %arg13[%parallel_loop3A_451, %parallel_loop3A_452] {strides = array<i32>} : memref<32x256xf32, #tpu.memory_space<vmem>>, vector<16xf32>,
        tpu.vector_store %arg13[%parallel_loop3A_451, %parallel_loop3A_452], %parallel_loop3A_447 {strides = array<i32>} : memref<32x256xf32, #tpu.memory_space<vmem>>, vector<16xf32>,
        %parallel_loop3A_454 = arith.index_cast %parallel_loop3A_387 : i32 to index
        %parallel_loop3A_455 = arith.constant 16 : index
        %parallel_loop3A_456 = tpu.vector_load %arg11[%parallel_loop3A_454, %parallel_loop3A_455] {strides = array<i32>} : memref<96x128xi32, #tpu.memory_space<vmem>>, vector<16xi32>,
        %parallel_loop3A_457 = vector.bitcast %parallel_loop3A_456 : vector<16xi32> to vector<32xbf16>
        %parallel_loop3A_458 = arith.mulf %parallel_loop3A_457, %parallel_loop3A_402 : vector<32xbf16>
        %parallel_loop3A_459 = arith.constant 32 : i32
        %parallel_loop3A_460 = arith.addi %parallel_loop3A_459, %parallel_loop3A_387 : i32
        %parallel_loop3A_461 = arith.index_cast %parallel_loop3A_460 : i32 to index
        %parallel_loop3A_462 = arith.constant 16 : index
        %parallel_loop3A_463 = tpu.vector_load %arg11[%parallel_loop3A_461, %parallel_loop3A_462] {strides = array<i32>} : memref<96x128xi32, #tpu.memory_space<vmem>>, vector<16xi32>,
        %parallel_loop3A_464 = vector.bitcast %parallel_loop3A_463 : vector<16xi32> to vector<32xbf16>
        %parallel_loop3A_465 = arith.mulf %parallel_loop3A_464, %parallel_loop3A_413 : vector<32xbf16>
        %parallel_loop3A_466 = arith.addf %parallel_loop3A_458, %parallel_loop3A_465 : vector<32xbf16>
        %parallel_loop3A_467 = arith.constant 64 : i32
        %parallel_loop3A_468 = arith.addi %parallel_loop3A_467, %parallel_loop3A_387 : i32
        %parallel_loop3A_469 = arith.index_cast %parallel_loop3A_468 : i32 to index
        %parallel_loop3A_470 = arith.constant 16 : index
        %parallel_loop3A_471 = tpu.vector_load %arg11[%parallel_loop3A_469, %parallel_loop3A_470] {strides = array<i32>} : memref<96x128xi32, #tpu.memory_space<vmem>>, vector<16xi32>,
        %parallel_loop3A_472 = vector.bitcast %parallel_loop3A_471 : vector<16xi32> to vector<32xbf16>
        %parallel_loop3A_473 = arith.mulf %parallel_loop3A_472, %parallel_loop3A_424 : vector<32xbf16>
        %parallel_loop3A_474 = arith.addf %parallel_loop3A_466, %parallel_loop3A_473 : vector<32xbf16>
        %parallel_loop3A_475 = tpu.unpack_subelements %parallel_loop3A_474, 0 {pack_format = #tpu.pack_format<interleaved>} : vector<32xbf16> -> vector<16xf32>
        %parallel_loop3A_476 = tpu.unpack_subelements %parallel_loop3A_474, 1 {pack_format = #tpu.pack_format<interleaved>} : vector<32xbf16> -> vector<16xf32>
        %parallel_loop3A_477 = arith.index_cast %parallel_loop3A_387 : i32 to index
        %parallel_loop3A_478 = arith.constant 16 : index
        %parallel_loop3A_479 = tpu.vector_load %arg13[%parallel_loop3A_477, %parallel_loop3A_478] {strides = array<i32>} : memref<32x256xf32, #tpu.memory_space<vmem>>, vector<16xf32>,
        tpu.vector_store %arg13[%parallel_loop3A_477, %parallel_loop3A_478], %parallel_loop3A_475 {strides = array<i32>} : memref<32x256xf32, #tpu.memory_space<vmem>>, vector<16xf32>,
        %parallel_loop3A_480 = arith.index_cast %parallel_loop3A_387 : i32 to index
        %parallel_loop3A_481 = arith.constant 144 : index
        %parallel_loop3A_482 = tpu.vector_load %arg13[%parallel_loop3A_480, %parallel_loop3A_481] {strides = array<i32>} : memref<32x256xf32, #tpu.memory_space<vmem>>, vector<16xf32>,
        tpu.vector_store %arg13[%parallel_loop3A_480, %parallel_loop3A_481], %parallel_loop3A_476 {strides = array<i32>} : memref<32x256xf32, #tpu.memory_space<vmem>>, vector<16xf32>,
        %parallel_loop3A_483 = arith.index_cast %parallel_loop3A_387 : i32 to index
        %parallel_loop3A_484 = arith.constant 32 : index
        %parallel_loop3A_485 = tpu.vector_load %arg11[%parallel_loop3A_483, %parallel_loop3A_484] {strides = array<i32>} : memref<96x128xi32, #tpu.memory_space<vmem>>, vector<16xi32>,
        %parallel_loop3A_486 = vector.bitcast %parallel_loop3A_485 : vector<16xi32> to vector<32xbf16>
        %parallel_loop3A_487 = arith.mulf %parallel_loop3A_486, %parallel_loop3A_402 : vector<32xbf16>
        %parallel_loop3A_488 = arith.constant 32 : i32
        %parallel_loop3A_489 = arith.addi %parallel_loop3A_488, %parallel_loop3A_387 : i32
        %parallel_loop3A_490 = arith.index_cast %parallel_loop3A_489 : i32 to index
        %parallel_loop3A_491 = arith.constant 32 : index
        %parallel_loop3A_492 = tpu.vector_load %arg11[%parallel_loop3A_490, %parallel_loop3A_491] {strides = array<i32>} : memref<96x128xi32, #tpu.memory_space<vmem>>, vector<16xi32>,
        %parallel_loop3A_493 = vector.bitcast %parallel_loop3A_492 : vector<16xi32> to vector<32xbf16>
        %parallel_loop3A_494 = arith.mulf %parallel_loop3A_493, %parallel_loop3A_413 : vector<32xbf16>
        %parallel_loop3A_495 = arith.addf %parallel_loop3A_487, %parallel_loop3A_494 : vector<32xbf16>
        %parallel_loop3A_496 = arith.constant 64 : i32
        %parallel_loop3A_497 = arith.addi %parallel_loop3A_496, %parallel_loop3A_387 : i32
        %parallel_loop3A_498 = arith.index_cast %parallel_loop3A_497 : i32 to index
        %parallel_loop3A_499 = arith.constant 32 : index
        %parallel_loop3A_500 = tpu.vector_load %arg11[%parallel_loop3A_498, %parallel_loop3A_499] {strides = array<i32>} : memref<96x128xi32, #tpu.memory_space<vmem>>, vector<16xi32>,
        %parallel_loop3A_501 = vector.bitcast %parallel_loop3A_500 : vector<16xi32> to vector<32xbf16>
        %parallel_loop3A_502 = arith.mulf %parallel_loop3A_501, %parallel_loop3A_424 : vector<32xbf16>
        %parallel_loop3A_503 = arith.addf %parallel_loop3A_495, %parallel_loop3A_502 : vector<32xbf16>
        %parallel_loop3A_504 = tpu.unpack_subelements %parallel_loop3A_503, 0 {pack_format = #tpu.pack_format<interleaved>} : vector<32xbf16> -> vector<16xf32>
        %parallel_loop3A_505 = tpu.unpack_subelements %parallel_loop3A_503, 1 {pack_format = #tpu.pack_format<interleaved>} : vector<32xbf16> -> vector<16xf32>
        %parallel_loop3A_506 = arith.index_cast %parallel_loop3A_387 : i32 to index
        %parallel_loop3A_507 = arith.constant 32 : index
        %parallel_loop3A_508 = tpu.vector_load %arg13[%parallel_loop3A_506, %parallel_loop3A_507] {strides = array<i32>} : memref<32x256xf32, #tpu.memory_space<vmem>>, vector<16xf32>,
        tpu.vector_store %arg13[%parallel_loop3A_506, %parallel_loop3A_507], %parallel_loop3A_504 {strides = array<i32>} : memref<32x256xf32, #tpu.memory_space<vmem>>, vector<16xf32>,
        %parallel_loop3A_509 = arith.index_cast %parallel_loop3A_387 : i32 to index
        %parallel_loop3A_510 = arith.constant 160 : index
        %parallel_loop3A_511 = tpu.vector_load %arg13[%parallel_loop3A_509, %parallel_loop3A_510] {strides = array<i32>} : memref<32x256xf32, #tpu.memory_space<vmem>>, vector<16xf32>,
        tpu.vector_store %arg13[%parallel_loop3A_509, %parallel_loop3A_510], %parallel_loop3A_505 {strides = array<i32>} : memref<32x256xf32, #tpu.memory_space<vmem>>, vector<16xf32>,
        %parallel_loop3A_512 = arith.index_cast %parallel_loop3A_387 : i32 to index
        %parallel_loop3A_513 = arith.constant 48 : index
        %parallel_loop3A_514 = tpu.vector_load %arg11[%parallel_loop3A_512, %parallel_loop3A_513] {strides = array<i32>} : memref<96x128xi32, #tpu.memory_space<vmem>>, vector<16xi32>,
        %parallel_loop3A_515 = vector.bitcast %parallel_loop3A_514 : vector<16xi32> to vector<32xbf16>
        %parallel_loop3A_516 = arith.mulf %parallel_loop3A_515, %parallel_loop3A_402 : vector<32xbf16>
        %parallel_loop3A_517 = arith.constant 32 : i32
        %parallel_loop3A_518 = arith.addi %parallel_loop3A_517, %parallel_loop3A_387 : i32
        %parallel_loop3A_519 = arith.index_cast %parallel_loop3A_518 : i32 to index
        %parallel_loop3A_520 = arith.constant 48 : index
        %parallel_loop3A_521 = tpu.vector_load %arg11[%parallel_loop3A_519, %parallel_loop3A_520] {strides = array<i32>} : memref<96x128xi32, #tpu.memory_space<vmem>>, vector<16xi32>,
        %parallel_loop3A_522 = vector.bitcast %parallel_loop3A_521 : vector<16xi32> to vector<32xbf16>
        %parallel_loop3A_523 = arith.mulf %parallel_loop3A_522, %parallel_loop3A_413 : vector<32xbf16>
        %parallel_loop3A_524 = arith.addf %parallel_loop3A_516, %parallel_loop3A_523 : vector<32xbf16>
        %parallel_loop3A_525 = arith.constant 64 : i32
        %parallel_loop3A_526 = arith.addi %parallel_loop3A_525, %parallel_loop3A_387 : i32
        %parallel_loop3A_527 = arith.index_cast %parallel_loop3A_526 : i32 to index
        %parallel_loop3A_528 = arith.constant 48 : index
        %parallel_loop3A_529 = tpu.vector_load %arg11[%parallel_loop3A_527, %parallel_loop3A_528] {strides = array<i32>} : memref<96x128xi32, #tpu.memory_space<vmem>>, vector<16xi32>,
        %parallel_loop3A_530 = vector.bitcast %parallel_loop3A_529 : vector<16xi32> to vector<32xbf16>
        %parallel_loop3A_531 = arith.mulf %parallel_loop3A_530, %parallel_loop3A_424 : vector<32xbf16>
        %parallel_loop3A_532 = arith.addf %parallel_loop3A_524, %parallel_loop3A_531 : vector<32xbf16>
        %parallel_loop3A_533 = tpu.unpack_subelements %parallel_loop3A_532, 0 {pack_format = #tpu.pack_format<interleaved>} : vector<32xbf16> -> vector<16xf32>
        %parallel_loop3A_534 = tpu.unpack_subelements %parallel_loop3A_532, 1 {pack_format = #tpu.pack_format<interleaved>} : vector<32xbf16> -> vector<16xf32>
        %parallel_loop3A_535 = arith.index_cast %parallel_loop3A_387 : i32 to index
        %parallel_loop3A_536 = arith.constant 48 : index
        %parallel_loop3A_537 = tpu.vector_load %arg13[%parallel_loop3A_535, %parallel_loop3A_536] {strides = array<i32>} : memref<32x256xf32, #tpu.memory_space<vmem>>, vector<16xf32>,
        tpu.vector_store %arg13[%parallel_loop3A_535, %parallel_loop3A_536], %parallel_loop3A_533 {strides = array<i32>} : memref<32x256xf32, #tpu.memory_space<vmem>>, vector<16xf32>,
        %parallel_loop3A_538 = arith.index_cast %parallel_loop3A_387 : i32 to index
        %parallel_loop3A_539 = arith.constant 176 : index
        %parallel_loop3A_540 = tpu.vector_load %arg13[%parallel_loop3A_538, %parallel_loop3A_539] {strides = array<i32>} : memref<32x256xf32, #tpu.memory_space<vmem>>, vector<16xf32>,
        tpu.vector_store %arg13[%parallel_loop3A_538, %parallel_loop3A_539], %parallel_loop3A_534 {strides = array<i32>} : memref<32x256xf32, #tpu.memory_space<vmem>>, vector<16xf32>,
        %parallel_loop3A_541 = arith.index_cast %parallel_loop3A_387 : i32 to index
        %parallel_loop3A_542 = arith.constant 64 : index
        %parallel_loop3A_543 = tpu.vector_load %arg11[%parallel_loop3A_541, %parallel_loop3A_542] {strides = array<i32>} : memref<96x128xi32, #tpu.memory_space<vmem>>, vector<16xi32>,
        %parallel_loop3A_544 = vector.bitcast %parallel_loop3A_543 : vector<16xi32> to vector<32xbf16>
        %parallel_loop3A_545 = arith.mulf %parallel_loop3A_544, %parallel_loop3A_402 : vector<32xbf16>
        %parallel_loop3A_546 = arith.constant 32 : i32
        %parallel_loop3A_547 = arith.addi %parallel_loop3A_546, %parallel_loop3A_387 : i32
        %parallel_loop3A_548 = arith.index_cast %parallel_loop3A_547 : i32 to index
        %parallel_loop3A_549 = arith.constant 64 : index
        %parallel_loop3A_550 = tpu.vector_load %arg11[%parallel_loop3A_548, %parallel_loop3A_549] {strides = array<i32>} : memref<96x128xi32, #tpu.memory_space<vmem>>, vector<16xi32>,
        %parallel_loop3A_551 = vector.bitcast %parallel_loop3A_550 : vector<16xi32> to vector<32xbf16>
        %parallel_loop3A_552 = arith.mulf %parallel_loop3A_551, %parallel_loop3A_413 : vector<32xbf16>
        %parallel_loop3A_553 = arith.addf %parallel_loop3A_545, %parallel_loop3A_552 : vector<32xbf16>
        %parallel_loop3A_554 = arith.constant 64 : i32
        %parallel_loop3A_555 = arith.addi %parallel_loop3A_554, %parallel_loop3A_387 : i32
        %parallel_loop3A_556 = arith.index_cast %parallel_loop3A_555 : i32 to index
        %parallel_loop3A_557 = arith.constant 64 : index
        %parallel_loop3A_558 = tpu.vector_load %arg11[%parallel_loop3A_556, %parallel_loop3A_557] {strides = array<i32>} : memref<96x128xi32, #tpu.memory_space<vmem>>, vector<16xi32>,
        %parallel_loop3A_559 = vector.bitcast %parallel_loop3A_558 : vector<16xi32> to vector<32xbf16>
        %parallel_loop3A_560 = arith.mulf %parallel_loop3A_559, %parallel_loop3A_424 : vector<32xbf16>
        %parallel_loop3A_561 = arith.addf %parallel_loop3A_553, %parallel_loop3A_560 : vector<32xbf16>
        %parallel_loop3A_562 = tpu.unpack_subelements %parallel_loop3A_561, 0 {pack_format = #tpu.pack_format<interleaved>} : vector<32xbf16> -> vector<16xf32>
        %parallel_loop3A_563 = tpu.unpack_subelements %parallel_loop3A_561, 1 {pack_format = #tpu.pack_format<interleaved>} : vector<32xbf16> -> vector<16xf32>
        %parallel_loop3A_564 = arith.index_cast %parallel_loop3A_387 : i32 to index
        %parallel_loop3A_565 = arith.constant 64 : index
        %parallel_loop3A_566 = tpu.vector_load %arg13[%parallel_loop3A_564, %parallel_loop3A_565] {strides = array<i32>} : memref<32x256xf32, #tpu.memory_space<vmem>>, vector<16xf32>,
        tpu.vector_store %arg13[%parallel_loop3A_564, %parallel_loop3A_565], %parallel_loop3A_562 {strides = array<i32>} : memref<32x256xf32, #tpu.memory_space<vmem>>, vector<16xf32>,
        %parallel_loop3A_567 = arith.index_cast %parallel_loop3A_387 : i32 to index
        %parallel_loop3A_568 = arith.constant 192 : index
        %parallel_loop3A_569 = tpu.vector_load %arg13[%parallel_loop3A_567, %parallel_loop3A_568] {strides = array<i32>} : memref<32x256xf32, #tpu.memory_space<vmem>>, vector<16xf32>,
        tpu.vector_store %arg13[%parallel_loop3A_567, %parallel_loop3A_568], %parallel_loop3A_563 {strides = array<i32>} : memref<32x256xf32, #tpu.memory_space<vmem>>, vector<16xf32>,
        %parallel_loop3A_570 = arith.index_cast %parallel_loop3A_387 : i32 to index
        %parallel_loop3A_571 = arith.constant 80 : index
        %parallel_loop3A_572 = tpu.vector_load %arg11[%parallel_loop3A_570, %parallel_loop3A_571] {strides = array<i32>} : memref<96x128xi32, #tpu.memory_space<vmem>>, vector<16xi32>,
        %parallel_loop3A_573 = vector.bitcast %parallel_loop3A_572 : vector<16xi32> to vector<32xbf16>
        %parallel_loop3A_574 = arith.mulf %parallel_loop3A_573, %parallel_loop3A_402 : vector<32xbf16>
        %parallel_loop3A_575 = arith.constant 32 : i32
        %parallel_loop3A_576 = arith.addi %parallel_loop3A_575, %parallel_loop3A_387 : i32
        %parallel_loop3A_577 = arith.index_cast %parallel_loop3A_576 : i32 to index
        %parallel_loop3A_578 = arith.constant 80 : index
        %parallel_loop3A_579 = tpu.vector_load %arg11[%parallel_loop3A_577, %parallel_loop3A_578] {strides = array<i32>} : memref<96x128xi32, #tpu.memory_space<vmem>>, vector<16xi32>,
        %parallel_loop3A_580 = vector.bitcast %parallel_loop3A_579 : vector<16xi32> to vector<32xbf16>
        %parallel_loop3A_581 = arith.mulf %parallel_loop3A_580, %parallel_loop3A_413 : vector<32xbf16>
        %parallel_loop3A_582 = arith.addf %parallel_loop3A_574, %parallel_loop3A_581 : vector<32xbf16>
        %parallel_loop3A_583 = arith.constant 64 : i32
        %parallel_loop3A_584 = arith.addi %parallel_loop3A_583, %parallel_loop3A_387 : i32
        %parallel_loop3A_585 = arith.index_cast %parallel_loop3A_584 : i32 to index
        %parallel_loop3A_586 = arith.constant 80 : index
        %parallel_loop3A_587 = tpu.vector_load %arg11[%parallel_loop3A_585, %parallel_loop3A_586] {strides = array<i32>} : memref<96x128xi32, #tpu.memory_space<vmem>>, vector<16xi32>,
        %parallel_loop3A_588 = vector.bitcast %parallel_loop3A_587 : vector<16xi32> to vector<32xbf16>
        %parallel_loop3A_589 = arith.mulf %parallel_loop3A_588, %parallel_loop3A_424 : vector<32xbf16>
        %parallel_loop3A_590 = arith.addf %parallel_loop3A_582, %parallel_loop3A_589 : vector<32xbf16>
        %parallel_loop3A_591 = tpu.unpack_subelements %parallel_loop3A_590, 0 {pack_format = #tpu.pack_format<interleaved>} : vector<32xbf16> -> vector<16xf32>
        %parallel_loop3A_592 = tpu.unpack_subelements %parallel_loop3A_590, 1 {pack_format = #tpu.pack_format<interleaved>} : vector<32xbf16> -> vector<16xf32>
        %parallel_loop3A_593 = arith.index_cast %parallel_loop3A_387 : i32 to index
        %parallel_loop3A_594 = arith.constant 80 : index
        %parallel_loop3A_595 = tpu.vector_load %arg13[%parallel_loop3A_593, %parallel_loop3A_594] {strides = array<i32>} : memref<32x256xf32, #tpu.memory_space<vmem>>, vector<16xf32>,
        tpu.vector_store %arg13[%parallel_loop3A_593, %parallel_loop3A_594], %parallel_loop3A_591 {strides = array<i32>} : memref<32x256xf32, #tpu.memory_space<vmem>>, vector<16xf32>,
        %parallel_loop3A_596 = arith.index_cast %parallel_loop3A_387 : i32 to index
        %parallel_loop3A_597 = arith.constant 208 : index
        %parallel_loop3A_598 = tpu.vector_load %arg13[%parallel_loop3A_596, %parallel_loop3A_597] {strides = array<i32>} : memref<32x256xf32, #tpu.memory_space<vmem>>, vector<16xf32>,
        tpu.vector_store %arg13[%parallel_loop3A_596, %parallel_loop3A_597], %parallel_loop3A_592 {strides = array<i32>} : memref<32x256xf32, #tpu.memory_space<vmem>>, vector<16xf32>,
        %parallel_loop3A_599 = arith.index_cast %parallel_loop3A_387 : i32 to index
        %parallel_loop3A_600 = arith.constant 96 : index
        %parallel_loop3A_601 = tpu.vector_load %arg11[%parallel_loop3A_599, %parallel_loop3A_600] {strides = array<i32>} : memref<96x128xi32, #tpu.memory_space<vmem>>, vector<16xi32>,
        %parallel_loop3A_602 = vector.bitcast %parallel_loop3A_601 : vector<16xi32> to vector<32xbf16>
        %parallel_loop3A_603 = arith.mulf %parallel_loop3A_602, %parallel_loop3A_402 : vector<32xbf16>
        %parallel_loop3A_604 = arith.constant 32 : i32
        %parallel_loop3A_605 = arith.addi %parallel_loop3A_604, %parallel_loop3A_387 : i32
        %parallel_loop3A_606 = arith.index_cast %parallel_loop3A_605 : i32 to index
        %parallel_loop3A_607 = arith.constant 96 : index
        %parallel_loop3A_608 = tpu.vector_load %arg11[%parallel_loop3A_606, %parallel_loop3A_607] {strides = array<i32>} : memref<96x128xi32, #tpu.memory_space<vmem>>, vector<16xi32>,
        %parallel_loop3A_609 = vector.bitcast %parallel_loop3A_608 : vector<16xi32> to vector<32xbf16>
        %parallel_loop3A_610 = arith.mulf %parallel_loop3A_609, %parallel_loop3A_413 : vector<32xbf16>
        %parallel_loop3A_611 = arith.addf %parallel_loop3A_603, %parallel_loop3A_610 : vector<32xbf16>
        %parallel_loop3A_612 = arith.constant 64 : i32
        %parallel_loop3A_613 = arith.addi %parallel_loop3A_612, %parallel_loop3A_387 : i32
        %parallel_loop3A_614 = arith.index_cast %parallel_loop3A_613 : i32 to index
        %parallel_loop3A_615 = arith.constant 96 : index
        %parallel_loop3A_616 = tpu.vector_load %arg11[%parallel_loop3A_614, %parallel_loop3A_615] {strides = array<i32>} : memref<96x128xi32, #tpu.memory_space<vmem>>, vector<16xi32>,
        %parallel_loop3A_617 = vector.bitcast %parallel_loop3A_616 : vector<16xi32> to vector<32xbf16>
        %parallel_loop3A_618 = arith.mulf %parallel_loop3A_617, %parallel_loop3A_424 : vector<32xbf16>
        %parallel_loop3A_619 = arith.addf %parallel_loop3A_611, %parallel_loop3A_618 : vector<32xbf16>
        %parallel_loop3A_620 = tpu.unpack_subelements %parallel_loop3A_619, 0 {pack_format = #tpu.pack_format<interleaved>} : vector<32xbf16> -> vector<16xf32>
        %parallel_loop3A_621 = tpu.unpack_subelements %parallel_loop3A_619, 1 {pack_format = #tpu.pack_format<interleaved>} : vector<32xbf16> -> vector<16xf32>
        %parallel_loop3A_622 = arith.index_cast %parallel_loop3A_387 : i32 to index
        %parallel_loop3A_623 = arith.constant 96 : index
        %parallel_loop3A_624 = tpu.vector_load %arg13[%parallel_loop3A_622, %parallel_loop3A_623] {strides = array<i32>} : memref<32x256xf32, #tpu.memory_space<vmem>>, vector<16xf32>,
        tpu.vector_store %arg13[%parallel_loop3A_622, %parallel_loop3A_623], %parallel_loop3A_620 {strides = array<i32>} : memref<32x256xf32, #tpu.memory_space<vmem>>, vector<16xf32>,
        %parallel_loop3A_625 = arith.index_cast %parallel_loop3A_387 : i32 to index
        %parallel_loop3A_626 = arith.constant 224 : index
        %parallel_loop3A_627 = tpu.vector_load %arg13[%parallel_loop3A_625, %parallel_loop3A_626] {strides = array<i32>} : memref<32x256xf32, #tpu.memory_space<vmem>>, vector<16xf32>,
        tpu.vector_store %arg13[%parallel_loop3A_625, %parallel_loop3A_626], %parallel_loop3A_621 {strides = array<i32>} : memref<32x256xf32, #tpu.memory_space<vmem>>, vector<16xf32>,
        %parallel_loop3A_628 = arith.index_cast %parallel_loop3A_387 : i32 to index
        %parallel_loop3A_629 = arith.constant 112 : index
        %parallel_loop3A_630 = tpu.vector_load %arg11[%parallel_loop3A_628, %parallel_loop3A_629] {strides = array<i32>} : memref<96x128xi32, #tpu.memory_space<vmem>>, vector<16xi32>,
        %parallel_loop3A_631 = vector.bitcast %parallel_loop3A_630 : vector<16xi32> to vector<32xbf16>
        %parallel_loop3A_632 = arith.mulf %parallel_loop3A_631, %parallel_loop3A_402 : vector<32xbf16>
        %parallel_loop3A_633 = arith.constant 32 : i32
        %parallel_loop3A_634 = arith.addi %parallel_loop3A_633, %parallel_loop3A_387 : i32
        %parallel_loop3A_635 = arith.index_cast %parallel_loop3A_634 : i32 to index
        %parallel_loop3A_636 = arith.constant 112 : index
        %parallel_loop3A_637 = tpu.vector_load %arg11[%parallel_loop3A_635, %parallel_loop3A_636] {strides = array<i32>} : memref<96x128xi32, #tpu.memory_space<vmem>>, vector<16xi32>,
        %parallel_loop3A_638 = vector.bitcast %parallel_loop3A_637 : vector<16xi32> to vector<32xbf16>
        %parallel_loop3A_639 = arith.mulf %parallel_loop3A_638, %parallel_loop3A_413 : vector<32xbf16>
        %parallel_loop3A_640 = arith.addf %parallel_loop3A_632, %parallel_loop3A_639 : vector<32xbf16>
        %parallel_loop3A_641 = arith.constant 64 : i32
        %parallel_loop3A_642 = arith.addi %parallel_loop3A_641, %parallel_loop3A_387 : i32
        %parallel_loop3A_643 = arith.index_cast %parallel_loop3A_642 : i32 to index
        %parallel_loop3A_644 = arith.constant 112 : index
        %parallel_loop3A_645 = tpu.vector_load %arg11[%parallel_loop3A_643, %parallel_loop3A_644] {strides = array<i32>} : memref<96x128xi32, #tpu.memory_space<vmem>>, vector<16xi32>,
        %parallel_loop3A_646 = vector.bitcast %parallel_loop3A_645 : vector<16xi32> to vector<32xbf16>
        %parallel_loop3A_647 = arith.mulf %parallel_loop3A_646, %parallel_loop3A_424 : vector<32xbf16>
        %parallel_loop3A_648 = arith.addf %parallel_loop3A_640, %parallel_loop3A_647 : vector<32xbf16>
        %parallel_loop3A_649 = tpu.unpack_subelements %parallel_loop3A_648, 0 {pack_format = #tpu.pack_format<interleaved>} : vector<32xbf16> -> vector<16xf32>
        %parallel_loop3A_650 = tpu.unpack_subelements %parallel_loop3A_648, 1 {pack_format = #tpu.pack_format<interleaved>} : vector<32xbf16> -> vector<16xf32>
        %parallel_loop3A_651 = arith.index_cast %parallel_loop3A_387 : i32 to index
        %parallel_loop3A_652 = arith.constant 112 : index
        %parallel_loop3A_653 = tpu.vector_load %arg13[%parallel_loop3A_651, %parallel_loop3A_652] {strides = array<i32>} : memref<32x256xf32, #tpu.memory_space<vmem>>, vector<16xf32>,
        tpu.vector_store %arg13[%parallel_loop3A_651, %parallel_loop3A_652], %parallel_loop3A_649 {strides = array<i32>} : memref<32x256xf32, #tpu.memory_space<vmem>>, vector<16xf32>,
        %parallel_loop3A_654 = arith.index_cast %parallel_loop3A_387 : i32 to index
        %parallel_loop3A_655 = arith.constant 240 : index
        %parallel_loop3A_656 = tpu.vector_load %arg13[%parallel_loop3A_654, %parallel_loop3A_655] {strides = array<i32>} : memref<32x256xf32, #tpu.memory_space<vmem>>, vector<16xf32>,
        tpu.vector_store %arg13[%parallel_loop3A_654, %parallel_loop3A_655], %parallel_loop3A_650 {strides = array<i32>} : memref<32x256xf32, #tpu.memory_space<vmem>>, vector<16xf32>,
      } {sc.loop_unroll_factor = 2 : i64, sc.parallel_access}
      %mul3A_316 = arith.constant 32 : i32
      %mul3A_317 = arith.muli %add3A_274, %mul3A_316 : i32
      %add3A_318 = arith.addi %mul3A_2, %mul3A_317 : i32
      %dma_start3A_319 = arith.constant 0 : i32
      %dma_start3A_320 = tpu.memref_slice %arg6[%add3A_318, %dma_start3A_319] : memref<65536x256xf32, #tpu.memory_space<hbm>> -> memref<32x256xf32, #tpu.memory_space<hbm>>
      %dma_start3A_321 = arith.constant 0 : i32
      %dma_start3A_322 = tpu.memref_slice %arg6[%add3A_318, %dma_start3A_321] : memref<65536x256xf32, #tpu.memory_space<hbm>> -> memref<32x256xf32, #tpu.memory_space<hbm>>
      tpu.enqueue_dma source(%arg13 : memref<32x256xf32, #tpu.memory_space<vmem>>) target(%dma_start3A_322 : memref<32x256xf32, #tpu.memory_space<hbm>>) target_semaphore(%arg19 : memref<!tpu.dma_semaphore, #tpu.memory_space<semaphore_mem>>)
      %add3A_323 = arith.constant 4 : i32
      %add3A_324 = arith.addi %add3A_274, %add3A_323 : i32
      %lt3A_325 = arith.constant 64 : i32
      %lt3A_326 = arith.cmpi slt, %add3A_324, %lt3A_325 : i32
      %convert_element_type3A_327 = arith.extui %lt3A_326 : i1 to i32
      %cond3A_328 = arith.constant 0 : i32
      %cond3A_329 = arith.cmpi ne, %convert_element_type3A_327, %cond3A_328 : i32
      scf.if %cond3A_329 {
        %add3A_387 = arith.constant 4 : i32
        %add3A_388 = arith.addi %add3A_274, %add3A_387 : i32
        %mul3A_389 = arith.constant 32 : i32
        %mul3A_390 = arith.muli %add3A_388, %mul3A_389 : i32
        %dma_start3A_391 = arith.constant 0 : i32
        %dma_start3A_392 = arith.constant 0 : i32
        %dma_start3A_393 = arith.constant 0 : i32
        %dma_start3A_394 = tpu.memref_slice %arg11[%dma_start3A_392, %dma_start3A_393] : memref<96x128xi32, #tpu.memory_space<vmem>> -> memref<32x128xi32, #tpu.memory_space<vmem>>
        %dma_start3A_395 = tpu.memref_slice %arg8[%dma_start3A_391, %mul3A_390] : memref<3x2048xi32, #tpu.memory_space<vmem>> -> memref<1x32xi32, #tpu.memory_space<vmem>>
        %dma_start3A_396 = tpu.memref_squeeze %dma_start3A_395 : memref<1x32xi32, #tpu.memory_space<vmem>> -> memref<32xi32, #tpu.memory_space<vmem>>
        %dma_start3A_397 = arith.constant 0 : i32
        %dma_start3A_398 = arith.constant 0 : i32
        %dma_start3A_399 = tpu.memref_slice %arg2[%dma_start3A_397, %dma_start3A_398] : memref<16384x128xi32, #tpu.memory_space<hbm>> -> memref<16384x128xi32, #tpu.memory_space<hbm>>
        tpu.enqueue_indirect_dma source(%dma_start3A_399 : memref<16384x128xi32, #tpu.memory_space<hbm>>) target(%dma_start3A_394 : memref<32x128xi32, #tpu.memory_space<vmem>>) offsets(%dma_start3A_396 : memref<32xi32, #tpu.memory_space<vmem>>) semaphore(%arg17 : memref<!tpu.dma_semaphore, #tpu.memory_space<semaphore_mem>>)
        %mul3A_400 = arith.constant 32 : i32
        %mul3A_401 = arith.muli %add3A_388, %mul3A_400 : i32
        %dma_start3A_402 = arith.constant 1 : i32
        %dma_start3A_403 = arith.constant 32 : i32
        %dma_start3A_404 = arith.constant 0 : i32
        %dma_start3A_405 = tpu.memref_slice %arg11[%dma_start3A_403, %dma_start3A_404] : memref<96x128xi32, #tpu.memory_space<vmem>> -> memref<32x128xi32, #tpu.memory_space<vmem>>
        %dma_start3A_406 = tpu.memref_slice %arg8[%dma_start3A_402, %mul3A_401] : memref<3x2048xi32, #tpu.memory_space<vmem>> -> memref<1x32xi32, #tpu.memory_space<vmem>>
        %dma_start3A_407 = tpu.memref_squeeze %dma_start3A_406 : memref<1x32xi32, #tpu.memory_space<vmem>> -> memref<32xi32, #tpu.memory_space<vmem>>
        %dma_start3A_408 = arith.constant 0 : i32
        %dma_start3A_409 = arith.constant 0 : i32
        %dma_start3A_410 = tpu.memref_slice %arg2[%dma_start3A_408, %dma_start3A_409] : memref<16384x128xi32, #tpu.memory_space<hbm>> -> memref<16384x128xi32, #tpu.memory_space<hbm>>
        tpu.enqueue_indirect_dma source(%dma_start3A_410 : memref<16384x128xi32, #tpu.memory_space<hbm>>) target(%dma_start3A_405 : memref<32x128xi32, #tpu.memory_space<vmem>>) offsets(%dma_start3A_407 : memref<32xi32, #tpu.memory_space<vmem>>) semaphore(%arg17 : memref<!tpu.dma_semaphore, #tpu.memory_space<semaphore_mem>>)
        %mul3A_411 = arith.constant 32 : i32
        %mul3A_412 = arith.muli %add3A_388, %mul3A_411 : i32
        %dma_start3A_413 = arith.constant 2 : i32
        %dma_start3A_414 = arith.constant 64 : i32
        %dma_start3A_415 = arith.constant 0 : i32
        %dma_start3A_416 = tpu.memref_slice %arg11[%dma_start3A_414, %dma_start3A_415] : memref<96x128xi32, #tpu.memory_space<vmem>> -> memref<32x128xi32, #tpu.memory_space<vmem>>
        %dma_start3A_417 = tpu.memref_slice %arg8[%dma_start3A_413, %mul3A_412] : memref<3x2048xi32, #tpu.memory_space<vmem>> -> memref<1x32xi32, #tpu.memory_space<vmem>>
        %dma_start3A_418 = tpu.memref_squeeze %dma_start3A_417 : memref<1x32xi32, #tpu.memory_space<vmem>> -> memref<32xi32, #tpu.memory_space<vmem>>
        %dma_start3A_419 = arith.constant 0 : i32
        %dma_start3A_420 = arith.constant 0 : i32
        %dma_start3A_421 = tpu.memref_slice %arg2[%dma_start3A_419, %dma_start3A_420] : memref<16384x128xi32, #tpu.memory_space<hbm>> -> memref<16384x128xi32, #tpu.memory_space<hbm>>
        tpu.enqueue_indirect_dma source(%dma_start3A_421 : memref<16384x128xi32, #tpu.memory_space<hbm>>) target(%dma_start3A_416 : memref<32x128xi32, #tpu.memory_space<vmem>>) offsets(%dma_start3A_418 : memref<32xi32, #tpu.memory_space<vmem>>) semaphore(%arg17 : memref<!tpu.dma_semaphore, #tpu.memory_space<semaphore_mem>>)
      } else {
      }
      %add3A_330 = arith.constant 3 : i32
      %add3A_331 = arith.addi %add3A_162, %add3A_330 : i32
      %mul3A_332 = arith.constant 32 : i32
      %mul3A_333 = arith.muli %add3A_331, %mul3A_332 : i32
      %dma_wait3A_334 = arith.constant 0 : i32
      %dma_wait3A_335 = arith.constant 0 : i32
      %dma_wait3A_336 = arith.constant 0 : i32
      %dma_wait3A_337 = tpu.memref_slice %arg12[%dma_wait3A_335, %dma_wait3A_336] : memref<96x128xi32, #tpu.memory_space<vmem>> -> memref<32x128xi32, #tpu.memory_space<vmem>>
      %dma_wait3A_338 = tpu.memref_slice %arg8[%dma_wait3A_334, %mul3A_333] : memref<3x2048xi32, #tpu.memory_space<vmem>> -> memref<1x32xi32, #tpu.memory_space<vmem>>
      %dma_wait3A_339 = tpu.memref_squeeze %dma_wait3A_338 : memref<1x32xi32, #tpu.memory_space<vmem>> -> memref<32xi32, #tpu.memory_space<vmem>>
      %dma_wait3A_340 = arith.constant 0 : i32
      %dma_wait3A_341 = arith.constant 0 : i32
      %dma_wait3A_342 = tpu.memref_slice %arg2[%dma_wait3A_340, %dma_wait3A_341] : memref<16384x128xi32, #tpu.memory_space<hbm>> -> memref<16384x128xi32, #tpu.memory_space<hbm>>
      tpu.wait_indirect_dma semaphore(%arg18 : memref<!tpu.dma_semaphore, #tpu.memory_space<semaphore_mem>>) src(%dma_wait3A_342 : memref<16384x128xi32, #tpu.memory_space<hbm>>) dst(%dma_wait3A_337 : memref<32x128xi32, #tpu.memory_space<vmem>>)
      %mul3A_343 = arith.constant 32 : i32
      %mul3A_344 = arith.muli %add3A_331, %mul3A_343 : i32
      %dma_wait3A_345 = arith.constant 1 : i32
      %dma_wait3A_346 = arith.constant 32 : i32
      %dma_wait3A_347 = arith.constant 0 : i32
      %dma_wait3A_348 = tpu.memref_slice %arg12[%dma_wait3A_346, %dma_wait3A_347] : memref<96x128xi32, #tpu.memory_space<vmem>> -> memref<32x128xi32, #tpu.memory_space<vmem>>
      %dma_wait3A_349 = tpu.memref_slice %arg8[%dma_wait3A_345, %mul3A_344] : memref<3x2048xi32, #tpu.memory_space<vmem>> -> memref<1x32xi32, #tpu.memory_space<vmem>>
      %dma_wait3A_350 = tpu.memref_squeeze %dma_wait3A_349 : memref<1x32xi32, #tpu.memory_space<vmem>> -> memref<32xi32, #tpu.memory_space<vmem>>
      %dma_wait3A_351 = arith.constant 0 : i32
      %dma_wait3A_352 = arith.constant 0 : i32
      %dma_wait3A_353 = tpu.memref_slice %arg2[%dma_wait3A_351, %dma_wait3A_352] : memref<16384x128xi32, #tpu.memory_space<hbm>> -> memref<16384x128xi32, #tpu.memory_space<hbm>>
      tpu.wait_indirect_dma semaphore(%arg18 : memref<!tpu.dma_semaphore, #tpu.memory_space<semaphore_mem>>) src(%dma_wait3A_353 : memref<16384x128xi32, #tpu.memory_space<hbm>>) dst(%dma_wait3A_348 : memref<32x128xi32, #tpu.memory_space<vmem>>)
      %mul3A_354 = arith.constant 32 : i32
      %mul3A_355 = arith.muli %add3A_331, %mul3A_354 : i32
      %dma_wait3A_356 = arith.constant 2 : i32
      %dma_wait3A_357 = arith.constant 64 : i32
      %dma_wait3A_358 = arith.constant 0 : i32
      %dma_wait3A_359 = tpu.memref_slice %arg12[%dma_wait3A_357, %dma_wait3A_358] : memref<96x128xi32, #tpu.memory_space<vmem>> -> memref<32x128xi32, #tpu.memory_space<vmem>>
      %dma_wait3A_360 = tpu.memref_slice %arg8[%dma_wait3A_356, %mul3A_355] : memref<3x2048xi32, #tpu.memory_space<vmem>> -> memref<1x32xi32, #tpu.memory_space<vmem>>
      %dma_wait3A_361 = tpu.memref_squeeze %dma_wait3A_360 : memref<1x32xi32, #tpu.memory_space<vmem>> -> memref<32xi32, #tpu.memory_space<vmem>>
      %dma_wait3A_362 = arith.constant 0 : i32
      %dma_wait3A_363 = arith.constant 0 : i32
      %dma_wait3A_364 = tpu.memref_slice %arg2[%dma_wait3A_362, %dma_wait3A_363] : memref<16384x128xi32, #tpu.memory_space<hbm>> -> memref<16384x128xi32, #tpu.memory_space<hbm>>
      tpu.wait_indirect_dma semaphore(%arg18 : memref<!tpu.dma_semaphore, #tpu.memory_space<semaphore_mem>>) src(%dma_wait3A_364 : memref<16384x128xi32, #tpu.memory_space<hbm>>) dst(%dma_wait3A_359 : memref<32x128xi32, #tpu.memory_space<vmem>>)
      %ge3A_365 = arith.constant 2 : i32
      %ge3A_366 = arith.cmpi sge, %add3A_331, %ge3A_365 : i32
      %convert_element_type3A_367 = arith.extui %ge3A_366 : i1 to i32
      %cond3A_368 = arith.constant 0 : i32
      %cond3A_369 = arith.cmpi ne, %convert_element_type3A_367, %cond3A_368 : i32
      scf.if %cond3A_369 {
        %sub3A_387 = arith.constant 2 : i32
        %sub3A_388 = arith.subi %add3A_331, %sub3A_387 : i32
        %mul3A_389 = arith.constant 32 : i32
        %mul3A_390 = arith.muli %sub3A_388, %mul3A_389 : i32
        %add3A_391 = arith.addi %mul3A_2, %mul3A_390 : i32
        %dma_wait3A_392 = arith.constant 0 : i32
        %dma_wait3A_393 = tpu.memref_slice %arg6[%add3A_391, %dma_wait3A_392] : memref<65536x256xf32, #tpu.memory_space<hbm>> -> memref<32x256xf32, #tpu.memory_space<hbm>>
        %dma_wait3A_394 = arith.constant 0 : i32
        %dma_wait3A_395 = tpu.memref_slice %arg6[%add3A_391, %dma_wait3A_394] : memref<65536x256xf32, #tpu.memory_space<hbm>> -> memref<32x256xf32, #tpu.memory_space<hbm>>
        tpu.wait_dma2 semaphore(%arg20 : memref<!tpu.dma_semaphore, #tpu.memory_space<semaphore_mem>>) src(%arg14 : memref<32x256xf32, #tpu.memory_space<vmem>>) dst(%dma_wait3A_395 : memref<32x256xf32, #tpu.memory_space<hbm>>)
      } else {
      }
      %parallel_loop3A_370 = arith.constant 0 : i32
      %parallel_loop3A_371 = arith.constant 32 : i32
      %parallel_loop3A_372 = arith.constant 1 : i32
      scf.for %parallel_loop3A_387 = %parallel_loop3A_370 to %parallel_loop3A_371 step %parallel_loop3A_372  : i32 {
        %parallel_loop3A_388 = arith.constant 32 : i32
        %parallel_loop3A_389 = arith.muli %add3A_331, %parallel_loop3A_388 : i32
        %parallel_loop3A_390 = arith.addi %parallel_loop3A_389, %parallel_loop3A_387 : i32
        %parallel_loop3A_391 = vector.broadcast %parallel_loop3A_390 : i32 to vector<16xi32>
        %parallel_loop3A_392 = arith.constant 0 : i32
        %parallel_loop3A_393 = vector.broadcast %parallel_loop3A_392 : i32 to vector<16xi32>
        %parallel_loop3A_394 = tpu.vector_load_idx %arg7[%parallel_loop3A_393, %parallel_loop3A_391] : memref<3x2048xi32, #tpu.memory_space<vmem>>[vector<16xi32>, vector<16xi32>], vector<16xi32>,
        %parallel_loop3A_395 = arith.constant -65536 : i32
        %parallel_loop3A_396 = vector.broadcast %parallel_loop3A_395 : i32 to vector<16xi32>
        %parallel_loop3A_397 = arith.andi %parallel_loop3A_394, %parallel_loop3A_396 : vector<16xi32>
        %parallel_loop3A_398 = arith.constant 16 : i32
        %parallel_loop3A_399 = vector.broadcast %parallel_loop3A_398 : i32 to vector<16xi32>
        %parallel_loop3A_400 = arith.shrui %parallel_loop3A_397, %parallel_loop3A_399 : vector<16xi32>
        %parallel_loop3A_401 = arith.ori %parallel_loop3A_397, %parallel_loop3A_400 : vector<16xi32>
        %parallel_loop3A_402 = vector.bitcast %parallel_loop3A_401 : vector<16xi32> to vector<32xbf16>
        %parallel_loop3A_403 = arith.constant 1 : i32
        %parallel_loop3A_404 = vector.broadcast %parallel_loop3A_403 : i32 to vector<16xi32>
        %parallel_loop3A_405 = tpu.vector_load_idx %arg7[%parallel_loop3A_404, %parallel_loop3A_391] : memref<3x2048xi32, #tpu.memory_space<vmem>>[vector<16xi32>, vector<16xi32>], vector<16xi32>,
        %parallel_loop3A_406 = arith.constant -65536 : i32
        %parallel_loop3A_407 = vector.broadcast %parallel_loop3A_406 : i32 to vector<16xi32>
        %parallel_loop3A_408 = arith.andi %parallel_loop3A_405, %parallel_loop3A_407 : vector<16xi32>
        %parallel_loop3A_409 = arith.constant 16 : i32
        %parallel_loop3A_410 = vector.broadcast %parallel_loop3A_409 : i32 to vector<16xi32>
        %parallel_loop3A_411 = arith.shrui %parallel_loop3A_408, %parallel_loop3A_410 : vector<16xi32>
        %parallel_loop3A_412 = arith.ori %parallel_loop3A_408, %parallel_loop3A_411 : vector<16xi32>
        %parallel_loop3A_413 = vector.bitcast %parallel_loop3A_412 : vector<16xi32> to vector<32xbf16>
        %parallel_loop3A_414 = arith.constant 2 : i32
        %parallel_loop3A_415 = vector.broadcast %parallel_loop3A_414 : i32 to vector<16xi32>
        %parallel_loop3A_416 = tpu.vector_load_idx %arg7[%parallel_loop3A_415, %parallel_loop3A_391] : memref<3x2048xi32, #tpu.memory_space<vmem>>[vector<16xi32>, vector<16xi32>], vector<16xi32>,
        %parallel_loop3A_417 = arith.constant -65536 : i32
        %parallel_loop3A_418 = vector.broadcast %parallel_loop3A_417 : i32 to vector<16xi32>
        %parallel_loop3A_419 = arith.andi %parallel_loop3A_416, %parallel_loop3A_418 : vector<16xi32>
        %parallel_loop3A_420 = arith.constant 16 : i32
        %parallel_loop3A_421 = vector.broadcast %parallel_loop3A_420 : i32 to vector<16xi32>
        %parallel_loop3A_422 = arith.shrui %parallel_loop3A_419, %parallel_loop3A_421 : vector<16xi32>
        %parallel_loop3A_423 = arith.ori %parallel_loop3A_419, %parallel_loop3A_422 : vector<16xi32>
        %parallel_loop3A_424 = vector.bitcast %parallel_loop3A_423 : vector<16xi32> to vector<32xbf16>
        %parallel_loop3A_425 = arith.index_cast %parallel_loop3A_387 : i32 to index
        %parallel_loop3A_426 = arith.constant 0 : index
        %parallel_loop3A_427 = tpu.vector_load %arg12[%parallel_loop3A_425, %parallel_loop3A_426] {strides = array<i32>} : memref<96x128xi32, #tpu.memory_space<vmem>>, vector<16xi32>,
        %parallel_loop3A_428 = vector.bitcast %parallel_loop3A_427 : vector<16xi32> to vector<32xbf16>
        %parallel_loop3A_429 = arith.mulf %parallel_loop3A_428, %parallel_loop3A_402 : vector<32xbf16>
        %parallel_loop3A_430 = arith.constant 32 : i32
        %parallel_loop3A_431 = arith.addi %parallel_loop3A_430, %parallel_loop3A_387 : i32
        %parallel_loop3A_432 = arith.index_cast %parallel_loop3A_431 : i32 to index
        %parallel_loop3A_433 = arith.constant 0 : index
        %parallel_loop3A_434 = tpu.vector_load %arg12[%parallel_loop3A_432, %parallel_loop3A_433] {strides = array<i32>} : memref<96x128xi32, #tpu.memory_space<vmem>>, vector<16xi32>,
        %parallel_loop3A_435 = vector.bitcast %parallel_loop3A_434 : vector<16xi32> to vector<32xbf16>
        %parallel_loop3A_436 = arith.mulf %parallel_loop3A_435, %parallel_loop3A_413 : vector<32xbf16>
        %parallel_loop3A_437 = arith.addf %parallel_loop3A_429, %parallel_loop3A_436 : vector<32xbf16>
        %parallel_loop3A_438 = arith.constant 64 : i32
        %parallel_loop3A_439 = arith.addi %parallel_loop3A_438, %parallel_loop3A_387 : i32
        %parallel_loop3A_440 = arith.index_cast %parallel_loop3A_439 : i32 to index
        %parallel_loop3A_441 = arith.constant 0 : index
        %parallel_loop3A_442 = tpu.vector_load %arg12[%parallel_loop3A_440, %parallel_loop3A_441] {strides = array<i32>} : memref<96x128xi32, #tpu.memory_space<vmem>>, vector<16xi32>,
        %parallel_loop3A_443 = vector.bitcast %parallel_loop3A_442 : vector<16xi32> to vector<32xbf16>
        %parallel_loop3A_444 = arith.mulf %parallel_loop3A_443, %parallel_loop3A_424 : vector<32xbf16>
        %parallel_loop3A_445 = arith.addf %parallel_loop3A_437, %parallel_loop3A_444 : vector<32xbf16>
        %parallel_loop3A_446 = tpu.unpack_subelements %parallel_loop3A_445, 0 {pack_format = #tpu.pack_format<interleaved>} : vector<32xbf16> -> vector<16xf32>
        %parallel_loop3A_447 = tpu.unpack_subelements %parallel_loop3A_445, 1 {pack_format = #tpu.pack_format<interleaved>} : vector<32xbf16> -> vector<16xf32>
        %parallel_loop3A_448 = arith.index_cast %parallel_loop3A_387 : i32 to index
        %parallel_loop3A_449 = arith.constant 0 : index
        %parallel_loop3A_450 = tpu.vector_load %arg14[%parallel_loop3A_448, %parallel_loop3A_449] {strides = array<i32>} : memref<32x256xf32, #tpu.memory_space<vmem>>, vector<16xf32>,
        tpu.vector_store %arg14[%parallel_loop3A_448, %parallel_loop3A_449], %parallel_loop3A_446 {strides = array<i32>} : memref<32x256xf32, #tpu.memory_space<vmem>>, vector<16xf32>,
        %parallel_loop3A_451 = arith.index_cast %parallel_loop3A_387 : i32 to index
        %parallel_loop3A_452 = arith.constant 128 : index
        %parallel_loop3A_453 = tpu.vector_load %arg14[%parallel_loop3A_451, %parallel_loop3A_452] {strides = array<i32>} : memref<32x256xf32, #tpu.memory_space<vmem>>, vector<16xf32>,
        tpu.vector_store %arg14[%parallel_loop3A_451, %parallel_loop3A_452], %parallel_loop3A_447 {strides = array<i32>} : memref<32x256xf32, #tpu.memory_space<vmem>>, vector<16xf32>,
        %parallel_loop3A_454 = arith.index_cast %parallel_loop3A_387 : i32 to index
        %parallel_loop3A_455 = arith.constant 16 : index
        %parallel_loop3A_456 = tpu.vector_load %arg12[%parallel_loop3A_454, %parallel_loop3A_455] {strides = array<i32>} : memref<96x128xi32, #tpu.memory_space<vmem>>, vector<16xi32>,
        %parallel_loop3A_457 = vector.bitcast %parallel_loop3A_456 : vector<16xi32> to vector<32xbf16>
        %parallel_loop3A_458 = arith.mulf %parallel_loop3A_457, %parallel_loop3A_402 : vector<32xbf16>
        %parallel_loop3A_459 = arith.constant 32 : i32
        %parallel_loop3A_460 = arith.addi %parallel_loop3A_459, %parallel_loop3A_387 : i32
        %parallel_loop3A_461 = arith.index_cast %parallel_loop3A_460 : i32 to index
        %parallel_loop3A_462 = arith.constant 16 : index
        %parallel_loop3A_463 = tpu.vector_load %arg12[%parallel_loop3A_461, %parallel_loop3A_462] {strides = array<i32>} : memref<96x128xi32, #tpu.memory_space<vmem>>, vector<16xi32>,
        %parallel_loop3A_464 = vector.bitcast %parallel_loop3A_463 : vector<16xi32> to vector<32xbf16>
        %parallel_loop3A_465 = arith.mulf %parallel_loop3A_464, %parallel_loop3A_413 : vector<32xbf16>
        %parallel_loop3A_466 = arith.addf %parallel_loop3A_458, %parallel_loop3A_465 : vector<32xbf16>
        %parallel_loop3A_467 = arith.constant 64 : i32
        %parallel_loop3A_468 = arith.addi %parallel_loop3A_467, %parallel_loop3A_387 : i32
        %parallel_loop3A_469 = arith.index_cast %parallel_loop3A_468 : i32 to index
        %parallel_loop3A_470 = arith.constant 16 : index
        %parallel_loop3A_471 = tpu.vector_load %arg12[%parallel_loop3A_469, %parallel_loop3A_470] {strides = array<i32>} : memref<96x128xi32, #tpu.memory_space<vmem>>, vector<16xi32>,
        %parallel_loop3A_472 = vector.bitcast %parallel_loop3A_471 : vector<16xi32> to vector<32xbf16>
        %parallel_loop3A_473 = arith.mulf %parallel_loop3A_472, %parallel_loop3A_424 : vector<32xbf16>
        %parallel_loop3A_474 = arith.addf %parallel_loop3A_466, %parallel_loop3A_473 : vector<32xbf16>
        %parallel_loop3A_475 = tpu.unpack_subelements %parallel_loop3A_474, 0 {pack_format = #tpu.pack_format<interleaved>} : vector<32xbf16> -> vector<16xf32>
        %parallel_loop3A_476 = tpu.unpack_subelements %parallel_loop3A_474, 1 {pack_format = #tpu.pack_format<interleaved>} : vector<32xbf16> -> vector<16xf32>
        %parallel_loop3A_477 = arith.index_cast %parallel_loop3A_387 : i32 to index
        %parallel_loop3A_478 = arith.constant 16 : index
        %parallel_loop3A_479 = tpu.vector_load %arg14[%parallel_loop3A_477, %parallel_loop3A_478] {strides = array<i32>} : memref<32x256xf32, #tpu.memory_space<vmem>>, vector<16xf32>,
        tpu.vector_store %arg14[%parallel_loop3A_477, %parallel_loop3A_478], %parallel_loop3A_475 {strides = array<i32>} : memref<32x256xf32, #tpu.memory_space<vmem>>, vector<16xf32>,
        %parallel_loop3A_480 = arith.index_cast %parallel_loop3A_387 : i32 to index
        %parallel_loop3A_481 = arith.constant 144 : index
        %parallel_loop3A_482 = tpu.vector_load %arg14[%parallel_loop3A_480, %parallel_loop3A_481] {strides = array<i32>} : memref<32x256xf32, #tpu.memory_space<vmem>>, vector<16xf32>,
        tpu.vector_store %arg14[%parallel_loop3A_480, %parallel_loop3A_481], %parallel_loop3A_476 {strides = array<i32>} : memref<32x256xf32, #tpu.memory_space<vmem>>, vector<16xf32>,
        %parallel_loop3A_483 = arith.index_cast %parallel_loop3A_387 : i32 to index
        %parallel_loop3A_484 = arith.constant 32 : index
        %parallel_loop3A_485 = tpu.vector_load %arg12[%parallel_loop3A_483, %parallel_loop3A_484] {strides = array<i32>} : memref<96x128xi32, #tpu.memory_space<vmem>>, vector<16xi32>,
        %parallel_loop3A_486 = vector.bitcast %parallel_loop3A_485 : vector<16xi32> to vector<32xbf16>
        %parallel_loop3A_487 = arith.mulf %parallel_loop3A_486, %parallel_loop3A_402 : vector<32xbf16>
        %parallel_loop3A_488 = arith.constant 32 : i32
        %parallel_loop3A_489 = arith.addi %parallel_loop3A_488, %parallel_loop3A_387 : i32
        %parallel_loop3A_490 = arith.index_cast %parallel_loop3A_489 : i32 to index
        %parallel_loop3A_491 = arith.constant 32 : index
        %parallel_loop3A_492 = tpu.vector_load %arg12[%parallel_loop3A_490, %parallel_loop3A_491] {strides = array<i32>} : memref<96x128xi32, #tpu.memory_space<vmem>>, vector<16xi32>,
        %parallel_loop3A_493 = vector.bitcast %parallel_loop3A_492 : vector<16xi32> to vector<32xbf16>
        %parallel_loop3A_494 = arith.mulf %parallel_loop3A_493, %parallel_loop3A_413 : vector<32xbf16>
        %parallel_loop3A_495 = arith.addf %parallel_loop3A_487, %parallel_loop3A_494 : vector<32xbf16>
        %parallel_loop3A_496 = arith.constant 64 : i32
        %parallel_loop3A_497 = arith.addi %parallel_loop3A_496, %parallel_loop3A_387 : i32
        %parallel_loop3A_498 = arith.index_cast %parallel_loop3A_497 : i32 to index
        %parallel_loop3A_499 = arith.constant 32 : index
        %parallel_loop3A_500 = tpu.vector_load %arg12[%parallel_loop3A_498, %parallel_loop3A_499] {strides = array<i32>} : memref<96x128xi32, #tpu.memory_space<vmem>>, vector<16xi32>,
        %parallel_loop3A_501 = vector.bitcast %parallel_loop3A_500 : vector<16xi32> to vector<32xbf16>
        %parallel_loop3A_502 = arith.mulf %parallel_loop3A_501, %parallel_loop3A_424 : vector<32xbf16>
        %parallel_loop3A_503 = arith.addf %parallel_loop3A_495, %parallel_loop3A_502 : vector<32xbf16>
        %parallel_loop3A_504 = tpu.unpack_subelements %parallel_loop3A_503, 0 {pack_format = #tpu.pack_format<interleaved>} : vector<32xbf16> -> vector<16xf32>
        %parallel_loop3A_505 = tpu.unpack_subelements %parallel_loop3A_503, 1 {pack_format = #tpu.pack_format<interleaved>} : vector<32xbf16> -> vector<16xf32>
        %parallel_loop3A_506 = arith.index_cast %parallel_loop3A_387 : i32 to index
        %parallel_loop3A_507 = arith.constant 32 : index
        %parallel_loop3A_508 = tpu.vector_load %arg14[%parallel_loop3A_506, %parallel_loop3A_507] {strides = array<i32>} : memref<32x256xf32, #tpu.memory_space<vmem>>, vector<16xf32>,
        tpu.vector_store %arg14[%parallel_loop3A_506, %parallel_loop3A_507], %parallel_loop3A_504 {strides = array<i32>} : memref<32x256xf32, #tpu.memory_space<vmem>>, vector<16xf32>,
        %parallel_loop3A_509 = arith.index_cast %parallel_loop3A_387 : i32 to index
        %parallel_loop3A_510 = arith.constant 160 : index
        %parallel_loop3A_511 = tpu.vector_load %arg14[%parallel_loop3A_509, %parallel_loop3A_510] {strides = array<i32>} : memref<32x256xf32, #tpu.memory_space<vmem>>, vector<16xf32>,
        tpu.vector_store %arg14[%parallel_loop3A_509, %parallel_loop3A_510], %parallel_loop3A_505 {strides = array<i32>} : memref<32x256xf32, #tpu.memory_space<vmem>>, vector<16xf32>,
        %parallel_loop3A_512 = arith.index_cast %parallel_loop3A_387 : i32 to index
        %parallel_loop3A_513 = arith.constant 48 : index
        %parallel_loop3A_514 = tpu.vector_load %arg12[%parallel_loop3A_512, %parallel_loop3A_513] {strides = array<i32>} : memref<96x128xi32, #tpu.memory_space<vmem>>, vector<16xi32>,
        %parallel_loop3A_515 = vector.bitcast %parallel_loop3A_514 : vector<16xi32> to vector<32xbf16>
        %parallel_loop3A_516 = arith.mulf %parallel_loop3A_515, %parallel_loop3A_402 : vector<32xbf16>
        %parallel_loop3A_517 = arith.constant 32 : i32
        %parallel_loop3A_518 = arith.addi %parallel_loop3A_517, %parallel_loop3A_387 : i32
        %parallel_loop3A_519 = arith.index_cast %parallel_loop3A_518 : i32 to index
        %parallel_loop3A_520 = arith.constant 48 : index
        %parallel_loop3A_521 = tpu.vector_load %arg12[%parallel_loop3A_519, %parallel_loop3A_520] {strides = array<i32>} : memref<96x128xi32, #tpu.memory_space<vmem>>, vector<16xi32>,
        %parallel_loop3A_522 = vector.bitcast %parallel_loop3A_521 : vector<16xi32> to vector<32xbf16>
        %parallel_loop3A_523 = arith.mulf %parallel_loop3A_522, %parallel_loop3A_413 : vector<32xbf16>
        %parallel_loop3A_524 = arith.addf %parallel_loop3A_516, %parallel_loop3A_523 : vector<32xbf16>
        %parallel_loop3A_525 = arith.constant 64 : i32
        %parallel_loop3A_526 = arith.addi %parallel_loop3A_525, %parallel_loop3A_387 : i32
        %parallel_loop3A_527 = arith.index_cast %parallel_loop3A_526 : i32 to index
        %parallel_loop3A_528 = arith.constant 48 : index
        %parallel_loop3A_529 = tpu.vector_load %arg12[%parallel_loop3A_527, %parallel_loop3A_528] {strides = array<i32>} : memref<96x128xi32, #tpu.memory_space<vmem>>, vector<16xi32>,
        %parallel_loop3A_530 = vector.bitcast %parallel_loop3A_529 : vector<16xi32> to vector<32xbf16>
        %parallel_loop3A_531 = arith.mulf %parallel_loop3A_530, %parallel_loop3A_424 : vector<32xbf16>
        %parallel_loop3A_532 = arith.addf %parallel_loop3A_524, %parallel_loop3A_531 : vector<32xbf16>
        %parallel_loop3A_533 = tpu.unpack_subelements %parallel_loop3A_532, 0 {pack_format = #tpu.pack_format<interleaved>} : vector<32xbf16> -> vector<16xf32>
        %parallel_loop3A_534 = tpu.unpack_subelements %parallel_loop3A_532, 1 {pack_format = #tpu.pack_format<interleaved>} : vector<32xbf16> -> vector<16xf32>
        %parallel_loop3A_535 = arith.index_cast %parallel_loop3A_387 : i32 to index
        %parallel_loop3A_536 = arith.constant 48 : index
        %parallel_loop3A_537 = tpu.vector_load %arg14[%parallel_loop3A_535, %parallel_loop3A_536] {strides = array<i32>} : memref<32x256xf32, #tpu.memory_space<vmem>>, vector<16xf32>,
        tpu.vector_store %arg14[%parallel_loop3A_535, %parallel_loop3A_536], %parallel_loop3A_533 {strides = array<i32>} : memref<32x256xf32, #tpu.memory_space<vmem>>, vector<16xf32>,
        %parallel_loop3A_538 = arith.index_cast %parallel_loop3A_387 : i32 to index
        %parallel_loop3A_539 = arith.constant 176 : index
        %parallel_loop3A_540 = tpu.vector_load %arg14[%parallel_loop3A_538, %parallel_loop3A_539] {strides = array<i32>} : memref<32x256xf32, #tpu.memory_space<vmem>>, vector<16xf32>,
        tpu.vector_store %arg14[%parallel_loop3A_538, %parallel_loop3A_539], %parallel_loop3A_534 {strides = array<i32>} : memref<32x256xf32, #tpu.memory_space<vmem>>, vector<16xf32>,
        %parallel_loop3A_541 = arith.index_cast %parallel_loop3A_387 : i32 to index
        %parallel_loop3A_542 = arith.constant 64 : index
        %parallel_loop3A_543 = tpu.vector_load %arg12[%parallel_loop3A_541, %parallel_loop3A_542] {strides = array<i32>} : memref<96x128xi32, #tpu.memory_space<vmem>>, vector<16xi32>,
        %parallel_loop3A_544 = vector.bitcast %parallel_loop3A_543 : vector<16xi32> to vector<32xbf16>
        %parallel_loop3A_545 = arith.mulf %parallel_loop3A_544, %parallel_loop3A_402 : vector<32xbf16>
        %parallel_loop3A_546 = arith.constant 32 : i32
        %parallel_loop3A_547 = arith.addi %parallel_loop3A_546, %parallel_loop3A_387 : i32
        %parallel_loop3A_548 = arith.index_cast %parallel_loop3A_547 : i32 to index
        %parallel_loop3A_549 = arith.constant 64 : index
        %parallel_loop3A_550 = tpu.vector_load %arg12[%parallel_loop3A_548, %parallel_loop3A_549] {strides = array<i32>} : memref<96x128xi32, #tpu.memory_space<vmem>>, vector<16xi32>,
        %parallel_loop3A_551 = vector.bitcast %parallel_loop3A_550 : vector<16xi32> to vector<32xbf16>
        %parallel_loop3A_552 = arith.mulf %parallel_loop3A_551, %parallel_loop3A_413 : vector<32xbf16>
        %parallel_loop3A_553 = arith.addf %parallel_loop3A_545, %parallel_loop3A_552 : vector<32xbf16>
        %parallel_loop3A_554 = arith.constant 64 : i32
        %parallel_loop3A_555 = arith.addi %parallel_loop3A_554, %parallel_loop3A_387 : i32
        %parallel_loop3A_556 = arith.index_cast %parallel_loop3A_555 : i32 to index
        %parallel_loop3A_557 = arith.constant 64 : index
        %parallel_loop3A_558 = tpu.vector_load %arg12[%parallel_loop3A_556, %parallel_loop3A_557] {strides = array<i32>} : memref<96x128xi32, #tpu.memory_space<vmem>>, vector<16xi32>,
        %parallel_loop3A_559 = vector.bitcast %parallel_loop3A_558 : vector<16xi32> to vector<32xbf16>
        %parallel_loop3A_560 = arith.mulf %parallel_loop3A_559, %parallel_loop3A_424 : vector<32xbf16>
        %parallel_loop3A_561 = arith.addf %parallel_loop3A_553, %parallel_loop3A_560 : vector<32xbf16>
        %parallel_loop3A_562 = tpu.unpack_subelements %parallel_loop3A_561, 0 {pack_format = #tpu.pack_format<interleaved>} : vector<32xbf16> -> vector<16xf32>
        %parallel_loop3A_563 = tpu.unpack_subelements %parallel_loop3A_561, 1 {pack_format = #tpu.pack_format<interleaved>} : vector<32xbf16> -> vector<16xf32>
        %parallel_loop3A_564 = arith.index_cast %parallel_loop3A_387 : i32 to index
        %parallel_loop3A_565 = arith.constant 64 : index
        %parallel_loop3A_566 = tpu.vector_load %arg14[%parallel_loop3A_564, %parallel_loop3A_565] {strides = array<i32>} : memref<32x256xf32, #tpu.memory_space<vmem>>, vector<16xf32>,
        tpu.vector_store %arg14[%parallel_loop3A_564, %parallel_loop3A_565], %parallel_loop3A_562 {strides = array<i32>} : memref<32x256xf32, #tpu.memory_space<vmem>>, vector<16xf32>,
        %parallel_loop3A_567 = arith.index_cast %parallel_loop3A_387 : i32 to index
        %parallel_loop3A_568 = arith.constant 192 : index
        %parallel_loop3A_569 = tpu.vector_load %arg14[%parallel_loop3A_567, %parallel_loop3A_568] {strides = array<i32>} : memref<32x256xf32, #tpu.memory_space<vmem>>, vector<16xf32>,
        tpu.vector_store %arg14[%parallel_loop3A_567, %parallel_loop3A_568], %parallel_loop3A_563 {strides = array<i32>} : memref<32x256xf32, #tpu.memory_space<vmem>>, vector<16xf32>,
        %parallel_loop3A_570 = arith.index_cast %parallel_loop3A_387 : i32 to index
        %parallel_loop3A_571 = arith.constant 80 : index
        %parallel_loop3A_572 = tpu.vector_load %arg12[%parallel_loop3A_570, %parallel_loop3A_571] {strides = array<i32>} : memref<96x128xi32, #tpu.memory_space<vmem>>, vector<16xi32>,
        %parallel_loop3A_573 = vector.bitcast %parallel_loop3A_572 : vector<16xi32> to vector<32xbf16>
        %parallel_loop3A_574 = arith.mulf %parallel_loop3A_573, %parallel_loop3A_402 : vector<32xbf16>
        %parallel_loop3A_575 = arith.constant 32 : i32
        %parallel_loop3A_576 = arith.addi %parallel_loop3A_575, %parallel_loop3A_387 : i32
        %parallel_loop3A_577 = arith.index_cast %parallel_loop3A_576 : i32 to index
        %parallel_loop3A_578 = arith.constant 80 : index
        %parallel_loop3A_579 = tpu.vector_load %arg12[%parallel_loop3A_577, %parallel_loop3A_578] {strides = array<i32>} : memref<96x128xi32, #tpu.memory_space<vmem>>, vector<16xi32>,
        %parallel_loop3A_580 = vector.bitcast %parallel_loop3A_579 : vector<16xi32> to vector<32xbf16>
        %parallel_loop3A_581 = arith.mulf %parallel_loop3A_580, %parallel_loop3A_413 : vector<32xbf16>
        %parallel_loop3A_582 = arith.addf %parallel_loop3A_574, %parallel_loop3A_581 : vector<32xbf16>
        %parallel_loop3A_583 = arith.constant 64 : i32
        %parallel_loop3A_584 = arith.addi %parallel_loop3A_583, %parallel_loop3A_387 : i32
        %parallel_loop3A_585 = arith.index_cast %parallel_loop3A_584 : i32 to index
        %parallel_loop3A_586 = arith.constant 80 : index
        %parallel_loop3A_587 = tpu.vector_load %arg12[%parallel_loop3A_585, %parallel_loop3A_586] {strides = array<i32>} : memref<96x128xi32, #tpu.memory_space<vmem>>, vector<16xi32>,
        %parallel_loop3A_588 = vector.bitcast %parallel_loop3A_587 : vector<16xi32> to vector<32xbf16>
        %parallel_loop3A_589 = arith.mulf %parallel_loop3A_588, %parallel_loop3A_424 : vector<32xbf16>
        %parallel_loop3A_590 = arith.addf %parallel_loop3A_582, %parallel_loop3A_589 : vector<32xbf16>
        %parallel_loop3A_591 = tpu.unpack_subelements %parallel_loop3A_590, 0 {pack_format = #tpu.pack_format<interleaved>} : vector<32xbf16> -> vector<16xf32>
        %parallel_loop3A_592 = tpu.unpack_subelements %parallel_loop3A_590, 1 {pack_format = #tpu.pack_format<interleaved>} : vector<32xbf16> -> vector<16xf32>
        %parallel_loop3A_593 = arith.index_cast %parallel_loop3A_387 : i32 to index
        %parallel_loop3A_594 = arith.constant 80 : index
        %parallel_loop3A_595 = tpu.vector_load %arg14[%parallel_loop3A_593, %parallel_loop3A_594] {strides = array<i32>} : memref<32x256xf32, #tpu.memory_space<vmem>>, vector<16xf32>,
        tpu.vector_store %arg14[%parallel_loop3A_593, %parallel_loop3A_594], %parallel_loop3A_591 {strides = array<i32>} : memref<32x256xf32, #tpu.memory_space<vmem>>, vector<16xf32>,
        %parallel_loop3A_596 = arith.index_cast %parallel_loop3A_387 : i32 to index
        %parallel_loop3A_597 = arith.constant 208 : index
        %parallel_loop3A_598 = tpu.vector_load %arg14[%parallel_loop3A_596, %parallel_loop3A_597] {strides = array<i32>} : memref<32x256xf32, #tpu.memory_space<vmem>>, vector<16xf32>,
        tpu.vector_store %arg14[%parallel_loop3A_596, %parallel_loop3A_597], %parallel_loop3A_592 {strides = array<i32>} : memref<32x256xf32, #tpu.memory_space<vmem>>, vector<16xf32>,
        %parallel_loop3A_599 = arith.index_cast %parallel_loop3A_387 : i32 to index
        %parallel_loop3A_600 = arith.constant 96 : index
        %parallel_loop3A_601 = tpu.vector_load %arg12[%parallel_loop3A_599, %parallel_loop3A_600] {strides = array<i32>} : memref<96x128xi32, #tpu.memory_space<vmem>>, vector<16xi32>,
        %parallel_loop3A_602 = vector.bitcast %parallel_loop3A_601 : vector<16xi32> to vector<32xbf16>
        %parallel_loop3A_603 = arith.mulf %parallel_loop3A_602, %parallel_loop3A_402 : vector<32xbf16>
        %parallel_loop3A_604 = arith.constant 32 : i32
        %parallel_loop3A_605 = arith.addi %parallel_loop3A_604, %parallel_loop3A_387 : i32
        %parallel_loop3A_606 = arith.index_cast %parallel_loop3A_605 : i32 to index
        %parallel_loop3A_607 = arith.constant 96 : index
        %parallel_loop3A_608 = tpu.vector_load %arg12[%parallel_loop3A_606, %parallel_loop3A_607] {strides = array<i32>} : memref<96x128xi32, #tpu.memory_space<vmem>>, vector<16xi32>,
        %parallel_loop3A_609 = vector.bitcast %parallel_loop3A_608 : vector<16xi32> to vector<32xbf16>
        %parallel_loop3A_610 = arith.mulf %parallel_loop3A_609, %parallel_loop3A_413 : vector<32xbf16>
        %parallel_loop3A_611 = arith.addf %parallel_loop3A_603, %parallel_loop3A_610 : vector<32xbf16>
        %parallel_loop3A_612 = arith.constant 64 : i32
        %parallel_loop3A_613 = arith.addi %parallel_loop3A_612, %parallel_loop3A_387 : i32
        %parallel_loop3A_614 = arith.index_cast %parallel_loop3A_613 : i32 to index
        %parallel_loop3A_615 = arith.constant 96 : index
        %parallel_loop3A_616 = tpu.vector_load %arg12[%parallel_loop3A_614, %parallel_loop3A_615] {strides = array<i32>} : memref<96x128xi32, #tpu.memory_space<vmem>>, vector<16xi32>,
        %parallel_loop3A_617 = vector.bitcast %parallel_loop3A_616 : vector<16xi32> to vector<32xbf16>
        %parallel_loop3A_618 = arith.mulf %parallel_loop3A_617, %parallel_loop3A_424 : vector<32xbf16>
        %parallel_loop3A_619 = arith.addf %parallel_loop3A_611, %parallel_loop3A_618 : vector<32xbf16>
        %parallel_loop3A_620 = tpu.unpack_subelements %parallel_loop3A_619, 0 {pack_format = #tpu.pack_format<interleaved>} : vector<32xbf16> -> vector<16xf32>
        %parallel_loop3A_621 = tpu.unpack_subelements %parallel_loop3A_619, 1 {pack_format = #tpu.pack_format<interleaved>} : vector<32xbf16> -> vector<16xf32>
        %parallel_loop3A_622 = arith.index_cast %parallel_loop3A_387 : i32 to index
        %parallel_loop3A_623 = arith.constant 96 : index
        %parallel_loop3A_624 = tpu.vector_load %arg14[%parallel_loop3A_622, %parallel_loop3A_623] {strides = array<i32>} : memref<32x256xf32, #tpu.memory_space<vmem>>, vector<16xf32>,
        tpu.vector_store %arg14[%parallel_loop3A_622, %parallel_loop3A_623], %parallel_loop3A_620 {strides = array<i32>} : memref<32x256xf32, #tpu.memory_space<vmem>>, vector<16xf32>,
        %parallel_loop3A_625 = arith.index_cast %parallel_loop3A_387 : i32 to index
        %parallel_loop3A_626 = arith.constant 224 : index
        %parallel_loop3A_627 = tpu.vector_load %arg14[%parallel_loop3A_625, %parallel_loop3A_626] {strides = array<i32>} : memref<32x256xf32, #tpu.memory_space<vmem>>, vector<16xf32>,
        tpu.vector_store %arg14[%parallel_loop3A_625, %parallel_loop3A_626], %parallel_loop3A_621 {strides = array<i32>} : memref<32x256xf32, #tpu.memory_space<vmem>>, vector<16xf32>,
        %parallel_loop3A_628 = arith.index_cast %parallel_loop3A_387 : i32 to index
        %parallel_loop3A_629 = arith.constant 112 : index
        %parallel_loop3A_630 = tpu.vector_load %arg12[%parallel_loop3A_628, %parallel_loop3A_629] {strides = array<i32>} : memref<96x128xi32, #tpu.memory_space<vmem>>, vector<16xi32>,
        %parallel_loop3A_631 = vector.bitcast %parallel_loop3A_630 : vector<16xi32> to vector<32xbf16>
        %parallel_loop3A_632 = arith.mulf %parallel_loop3A_631, %parallel_loop3A_402 : vector<32xbf16>
        %parallel_loop3A_633 = arith.constant 32 : i32
        %parallel_loop3A_634 = arith.addi %parallel_loop3A_633, %parallel_loop3A_387 : i32
        %parallel_loop3A_635 = arith.index_cast %parallel_loop3A_634 : i32 to index
        %parallel_loop3A_636 = arith.constant 112 : index
        %parallel_loop3A_637 = tpu.vector_load %arg12[%parallel_loop3A_635, %parallel_loop3A_636] {strides = array<i32>} : memref<96x128xi32, #tpu.memory_space<vmem>>, vector<16xi32>,
        %parallel_loop3A_638 = vector.bitcast %parallel_loop3A_637 : vector<16xi32> to vector<32xbf16>
        %parallel_loop3A_639 = arith.mulf %parallel_loop3A_638, %parallel_loop3A_413 : vector<32xbf16>
        %parallel_loop3A_640 = arith.addf %parallel_loop3A_632, %parallel_loop3A_639 : vector<32xbf16>
        %parallel_loop3A_641 = arith.constant 64 : i32
        %parallel_loop3A_642 = arith.addi %parallel_loop3A_641, %parallel_loop3A_387 : i32
        %parallel_loop3A_643 = arith.index_cast %parallel_loop3A_642 : i32 to index
        %parallel_loop3A_644 = arith.constant 112 : index
        %parallel_loop3A_645 = tpu.vector_load %arg12[%parallel_loop3A_643, %parallel_loop3A_644] {strides = array<i32>} : memref<96x128xi32, #tpu.memory_space<vmem>>, vector<16xi32>,
        %parallel_loop3A_646 = vector.bitcast %parallel_loop3A_645 : vector<16xi32> to vector<32xbf16>
        %parallel_loop3A_647 = arith.mulf %parallel_loop3A_646, %parallel_loop3A_424 : vector<32xbf16>
        %parallel_loop3A_648 = arith.addf %parallel_loop3A_640, %parallel_loop3A_647 : vector<32xbf16>
        %parallel_loop3A_649 = tpu.unpack_subelements %parallel_loop3A_648, 0 {pack_format = #tpu.pack_format<interleaved>} : vector<32xbf16> -> vector<16xf32>
        %parallel_loop3A_650 = tpu.unpack_subelements %parallel_loop3A_648, 1 {pack_format = #tpu.pack_format<interleaved>} : vector<32xbf16> -> vector<16xf32>
        %parallel_loop3A_651 = arith.index_cast %parallel_loop3A_387 : i32 to index
        %parallel_loop3A_652 = arith.constant 112 : index
        %parallel_loop3A_653 = tpu.vector_load %arg14[%parallel_loop3A_651, %parallel_loop3A_652] {strides = array<i32>} : memref<32x256xf32, #tpu.memory_space<vmem>>, vector<16xf32>,
        tpu.vector_store %arg14[%parallel_loop3A_651, %parallel_loop3A_652], %parallel_loop3A_649 {strides = array<i32>} : memref<32x256xf32, #tpu.memory_space<vmem>>, vector<16xf32>,
        %parallel_loop3A_654 = arith.index_cast %parallel_loop3A_387 : i32 to index
        %parallel_loop3A_655 = arith.constant 240 : index
        %parallel_loop3A_656 = tpu.vector_load %arg14[%parallel_loop3A_654, %parallel_loop3A_655] {strides = array<i32>} : memref<32x256xf32, #tpu.memory_space<vmem>>, vector<16xf32>,
        tpu.vector_store %arg14[%parallel_loop3A_654, %parallel_loop3A_655], %parallel_loop3A_650 {strides = array<i32>} : memref<32x256xf32, #tpu.memory_space<vmem>>, vector<16xf32>,
      } {sc.loop_unroll_factor = 2 : i64, sc.parallel_access}
      %mul3A_373 = arith.constant 32 : i32
      %mul3A_374 = arith.muli %add3A_331, %mul3A_373 : i32
      %add3A_375 = arith.addi %mul3A_2, %mul3A_374 : i32
      %dma_start3A_376 = arith.constant 0 : i32
      %dma_start3A_377 = tpu.memref_slice %arg6[%add3A_375, %dma_start3A_376] : memref<65536x256xf32, #tpu.memory_space<hbm>> -> memref<32x256xf32, #tpu.memory_space<hbm>>
      %dma_start3A_378 = arith.constant 0 : i32
      %dma_start3A_379 = tpu.memref_slice %arg6[%add3A_375, %dma_start3A_378] : memref<65536x256xf32, #tpu.memory_space<hbm>> -> memref<32x256xf32, #tpu.memory_space<hbm>>
      tpu.enqueue_dma source(%arg14 : memref<32x256xf32, #tpu.memory_space<vmem>>) target(%dma_start3A_379 : memref<32x256xf32, #tpu.memory_space<hbm>>) target_semaphore(%arg20 : memref<!tpu.dma_semaphore, #tpu.memory_space<semaphore_mem>>)
      %add3A_380 = arith.constant 4 : i32
      %add3A_381 = arith.addi %add3A_331, %add3A_380 : i32
      %lt3A_382 = arith.constant 64 : i32
      %lt3A_383 = arith.cmpi slt, %add3A_381, %lt3A_382 : i32
      %convert_element_type3A_384 = arith.extui %lt3A_383 : i1 to i32
      %cond3A_385 = arith.constant 0 : i32
      %cond3A_386 = arith.cmpi ne, %convert_element_type3A_384, %cond3A_385 : i32
      scf.if %cond3A_386 {
        %add3A_387 = arith.constant 4 : i32
        %add3A_388 = arith.addi %add3A_331, %add3A_387 : i32
        %mul3A_389 = arith.constant 32 : i32
        %mul3A_390 = arith.muli %add3A_388, %mul3A_389 : i32
        %dma_start3A_391 = arith.constant 0 : i32
        %dma_start3A_392 = arith.constant 0 : i32
        %dma_start3A_393 = arith.constant 0 : i32
        %dma_start3A_394 = tpu.memref_slice %arg12[%dma_start3A_392, %dma_start3A_393] : memref<96x128xi32, #tpu.memory_space<vmem>> -> memref<32x128xi32, #tpu.memory_space<vmem>>
        %dma_start3A_395 = tpu.memref_slice %arg8[%dma_start3A_391, %mul3A_390] : memref<3x2048xi32, #tpu.memory_space<vmem>> -> memref<1x32xi32, #tpu.memory_space<vmem>>
        %dma_start3A_396 = tpu.memref_squeeze %dma_start3A_395 : memref<1x32xi32, #tpu.memory_space<vmem>> -> memref<32xi32, #tpu.memory_space<vmem>>
        %dma_start3A_397 = arith.constant 0 : i32
        %dma_start3A_398 = arith.constant 0 : i32
        %dma_start3A_399 = tpu.memref_slice %arg2[%dma_start3A_397, %dma_start3A_398] : memref<16384x128xi32, #tpu.memory_space<hbm>> -> memref<16384x128xi32, #tpu.memory_space<hbm>>
        tpu.enqueue_indirect_dma source(%dma_start3A_399 : memref<16384x128xi32, #tpu.memory_space<hbm>>) target(%dma_start3A_394 : memref<32x128xi32, #tpu.memory_space<vmem>>) offsets(%dma_start3A_396 : memref<32xi32, #tpu.memory_space<vmem>>) semaphore(%arg18 : memref<!tpu.dma_semaphore, #tpu.memory_space<semaphore_mem>>)
        %mul3A_400 = arith.constant 32 : i32
        %mul3A_401 = arith.muli %add3A_388, %mul3A_400 : i32
        %dma_start3A_402 = arith.constant 1 : i32
        %dma_start3A_403 = arith.constant 32 : i32
        %dma_start3A_404 = arith.constant 0 : i32
        %dma_start3A_405 = tpu.memref_slice %arg12[%dma_start3A_403, %dma_start3A_404] : memref<96x128xi32, #tpu.memory_space<vmem>> -> memref<32x128xi32, #tpu.memory_space<vmem>>
        %dma_start3A_406 = tpu.memref_slice %arg8[%dma_start3A_402, %mul3A_401] : memref<3x2048xi32, #tpu.memory_space<vmem>> -> memref<1x32xi32, #tpu.memory_space<vmem>>
        %dma_start3A_407 = tpu.memref_squeeze %dma_start3A_406 : memref<1x32xi32, #tpu.memory_space<vmem>> -> memref<32xi32, #tpu.memory_space<vmem>>
        %dma_start3A_408 = arith.constant 0 : i32
        %dma_start3A_409 = arith.constant 0 : i32
        %dma_start3A_410 = tpu.memref_slice %arg2[%dma_start3A_408, %dma_start3A_409] : memref<16384x128xi32, #tpu.memory_space<hbm>> -> memref<16384x128xi32, #tpu.memory_space<hbm>>
        tpu.enqueue_indirect_dma source(%dma_start3A_410 : memref<16384x128xi32, #tpu.memory_space<hbm>>) target(%dma_start3A_405 : memref<32x128xi32, #tpu.memory_space<vmem>>) offsets(%dma_start3A_407 : memref<32xi32, #tpu.memory_space<vmem>>) semaphore(%arg18 : memref<!tpu.dma_semaphore, #tpu.memory_space<semaphore_mem>>)
        %mul3A_411 = arith.constant 32 : i32
        %mul3A_412 = arith.muli %add3A_388, %mul3A_411 : i32
        %dma_start3A_413 = arith.constant 2 : i32
        %dma_start3A_414 = arith.constant 64 : i32
        %dma_start3A_415 = arith.constant 0 : i32
        %dma_start3A_416 = tpu.memref_slice %arg12[%dma_start3A_414, %dma_start3A_415] : memref<96x128xi32, #tpu.memory_space<vmem>> -> memref<32x128xi32, #tpu.memory_space<vmem>>
        %dma_start3A_417 = tpu.memref_slice %arg8[%dma_start3A_413, %mul3A_412] : memref<3x2048xi32, #tpu.memory_space<vmem>> -> memref<1x32xi32, #tpu.memory_space<vmem>>
        %dma_start3A_418 = tpu.memref_squeeze %dma_start3A_417 : memref<1x32xi32, #tpu.memory_space<vmem>> -> memref<32xi32, #tpu.memory_space<vmem>>
        %dma_start3A_419 = arith.constant 0 : i32
        %dma_start3A_420 = arith.constant 0 : i32
        %dma_start3A_421 = tpu.memref_slice %arg2[%dma_start3A_419, %dma_start3A_420] : memref<16384x128xi32, #tpu.memory_space<hbm>> -> memref<16384x128xi32, #tpu.memory_space<hbm>>
        tpu.enqueue_indirect_dma source(%dma_start3A_421 : memref<16384x128xi32, #tpu.memory_space<hbm>>) target(%dma_start3A_416 : memref<32x128xi32, #tpu.memory_space<vmem>>) offsets(%dma_start3A_418 : memref<32xi32, #tpu.memory_space<vmem>>) semaphore(%arg18 : memref<!tpu.dma_semaphore, #tpu.memory_space<semaphore_mem>>)
      } else {
      }
    }
    %scan3A_146 = arith.constant 16 : i32
    %add3A_147 = arith.constant 1984 : i32
    %add3A_148 = arith.addi %mul3A_2, %add3A_147 : i32
    %dma_wait3A = arith.constant 0 : i32
    %dma_wait3A_149 = tpu.memref_slice %arg6[%add3A_148, %dma_wait3A] : memref<65536x256xf32, #tpu.memory_space<hbm>> -> memref<32x256xf32, #tpu.memory_space<hbm>>
    %dma_wait3A_150 = arith.constant 0 : i32
    %dma_wait3A_151 = tpu.memref_slice %arg6[%add3A_148, %dma_wait3A_150] : memref<65536x256xf32, #tpu.memory_space<hbm>> -> memref<32x256xf32, #tpu.memory_space<hbm>>
    tpu.wait_dma2 semaphore(%arg19 : memref<!tpu.dma_semaphore, #tpu.memory_space<semaphore_mem>>) src(%arg13 : memref<32x256xf32, #tpu.memory_space<vmem>>) dst(%dma_wait3A_151 : memref<32x256xf32, #tpu.memory_space<hbm>>)
    %add3A_152 = arith.constant 2016 : i32
    %add3A_153 = arith.addi %mul3A_2, %add3A_152 : i32
    %dma_wait3A_154 = arith.constant 0 : i32
    %dma_wait3A_155 = tpu.memref_slice %arg6[%add3A_153, %dma_wait3A_154] : memref<65536x256xf32, #tpu.memory_space<hbm>> -> memref<32x256xf32, #tpu.memory_space<hbm>>
    %dma_wait3A_156 = arith.constant 0 : i32
    %dma_wait3A_157 = tpu.memref_slice %arg6[%add3A_153, %dma_wait3A_156] : memref<65536x256xf32, #tpu.memory_space<hbm>> -> memref<32x256xf32, #tpu.memory_space<hbm>>
    tpu.wait_dma2 semaphore(%arg20 : memref<!tpu.dma_semaphore, #tpu.memory_space<semaphore_mem>>) src(%arg14 : memref<32x256xf32, #tpu.memory_space<vmem>>) dst(%dma_wait3A_157 : memref<32x256xf32, #tpu.memory_space<hbm>>)
    return
  }
}

module attributes {stable_mosaic.version = 14 : i64} {
  func.func @body(%arg0: i32, %arg1: memref<4096x256xf32, #tpu.memory_space<vmem>>, %arg2: memref<4096x128xi32, #tpu.memory_space<vmem>>) attributes {dimension_semantics = [#tpu.dimension_semantics<arbitrary>], iteration_bounds = array<i64: 4>, scalar_prefetch = 0 : i64, scratch_operands = 0 : i64, tpu.core_type = #tpu.core_type<tc>, window_params = [{transform_indices = @transform_0, window_bounds = array<i64: 4096, 256>}, {transform_indices = @transform_1, window_bounds = array<i64: 4096, 128>}]} {
    %get3A = arith.constant 0 : index
    %get3A_0 = arith.constant 0 : index
    %get3A_1 = vector.load %arg1[%get3A, %get3A_0] : memref<4096x256xf32, #tpu.memory_space<vmem>>, vector<4096x128xf32>
    %bitcast_convert_type3A = tpu.bitcast %get3A_1 : vector<4096x128xf32> -> vector<4096x128xi32>
    %get3A_2 = arith.constant 0 : index
    %get3A_3 = arith.constant 128 : index
    %get3A_4 = vector.load %arg1[%get3A_2, %get3A_3] : memref<4096x256xf32, #tpu.memory_space<vmem>>, vector<4096x128xf32>
    %bitcast_convert_type3A_5 = tpu.bitcast %get3A_4 : vector<4096x128xf32> -> vector<4096x128xi32>
    %add3A = arith.constant 32767 : i32
    %add3A_6 = vector.broadcast %add3A : i32 to vector<4096x128xi32>
    %add3A_7 = arith.addi %bitcast_convert_type3A, %add3A_6 : vector<4096x128xi32>
    %shift_right_logical3A = arith.constant 16 : i32
    %shift_right_logical3A_8 = vector.broadcast %shift_right_logical3A : i32 to vector<4096x128xi32>
    %shift_right_logical3A_9 = arith.shrui %bitcast_convert_type3A, %shift_right_logical3A_8 : vector<4096x128xi32>
    %and3A = arith.constant 1 : i32
    %and3A_10 = vector.broadcast %and3A : i32 to vector<4096x128xi32>
    %and3A_11 = arith.andi %shift_right_logical3A_9, %and3A_10 : vector<4096x128xi32>
    %add3A_12 = arith.addi %add3A_7, %and3A_11 : vector<4096x128xi32>
    %shift_right_logical3A_13 = arith.constant 16 : i32
    %shift_right_logical3A_14 = vector.broadcast %shift_right_logical3A_13 : i32 to vector<4096x128xi32>
    %shift_right_logical3A_15 = arith.shrui %add3A_12, %shift_right_logical3A_14 : vector<4096x128xi32>
    %add3A_16 = arith.constant 32767 : i32
    %add3A_17 = vector.broadcast %add3A_16 : i32 to vector<4096x128xi32>
    %add3A_18 = arith.addi %bitcast_convert_type3A_5, %add3A_17 : vector<4096x128xi32>
    %shift_right_logical3A_19 = arith.constant 16 : i32
    %shift_right_logical3A_20 = vector.broadcast %shift_right_logical3A_19 : i32 to vector<4096x128xi32>
    %shift_right_logical3A_21 = arith.shrui %bitcast_convert_type3A_5, %shift_right_logical3A_20 : vector<4096x128xi32>
    %and3A_22 = arith.constant 1 : i32
    %and3A_23 = vector.broadcast %and3A_22 : i32 to vector<4096x128xi32>
    %and3A_24 = arith.andi %shift_right_logical3A_21, %and3A_23 : vector<4096x128xi32>
    %add3A_25 = arith.addi %add3A_18, %and3A_24 : vector<4096x128xi32>
    %shift_right_logical3A_26 = arith.constant 16 : i32
    %shift_right_logical3A_27 = vector.broadcast %shift_right_logical3A_26 : i32 to vector<4096x128xi32>
    %shift_right_logical3A_28 = arith.shrui %add3A_25, %shift_right_logical3A_27 : vector<4096x128xi32>
    %shift_left3A = arith.constant 16 : i32
    %shift_left3A_29 = vector.broadcast %shift_left3A : i32 to vector<4096x128xi32>
    %shift_left3A_30 = arith.shli %shift_right_logical3A_28, %shift_left3A_29 : vector<4096x128xi32>
    %or3A = arith.ori %shift_right_logical3A_15, %shift_left3A_30 : vector<4096x128xi32>
    %bitcast_convert_type3A_31 = tpu.bitcast %or3A : vector<4096x128xi32> -> vector<4096x128xi32>
    %swap3A = arith.constant 0 : index
    %swap3A_32 = arith.constant 0 : index
    %swap3A_33 = vector.load %arg2[%swap3A, %swap3A_32] : memref<4096x128xi32, #tpu.memory_space<vmem>>, vector<4096x128xi32>
    tpu.vector_store %arg2[%swap3A, %swap3A_32], %bitcast_convert_type3A_31 {strides = array<i32>} : memref<4096x128xi32, #tpu.memory_space<vmem>>, vector<4096x128xi32>,
    return
  }
  func.func @transform_0(%arg0: i32) -> (i32, i32) {
    %c0_i32 = arith.constant 0 : i32
    %c0_i32_0 = arith.constant 0 : i32
    return %arg0, %c0_i32 : i32, i32
  }
  func.func @transform_1(%arg0: i32) -> (i32, i32) {
    %c0_i32 = arith.constant 0 : i32
    %c0_i32_0 = arith.constant 0 : i32
    return %arg0, %c0_i32 : i32, i32
  }
}

</mosaic_0001>

<sc_bundles>
// kernel: kernel.4.cloned.1.call-start
scs
__scs_entry_jumppad:
0x0: {  	(pc) =	sbr.rel $0x88, $3  }
0x1: {  	(tag) =	ssettag $0x0;
	lr =	simm.s32 $0x1  }
0x2: {  	[smem:$0x3F9E] =	sst lr;
	_ =	strace $0xD0000000  }
0x3: {  	_ = 	snop  }
0x4: {  	_ = 	snop  }
0x5: {  	_ = 	snop  }
0x6: {  	_ = 	snop  }
0x7: {  	_ = 	snop  }
__scs_overlays_trampoline_lowered:
0x8: {  	[smem:$0x3FAD] =	sst s0  }
0x9: {  	[smem:$0x3FAE] =	sst s1  }
0xa: {  	[smem:$0x3FAF] =	sst s2  }
0xb: {  	[smem:$0x3FB0] =	sst s3  }
0xc: {  	[smem:$0x3FB1] =	sst s4  }
0xd: {  	[smem:$0x3FB2] =	sst s5  }
0xe: {  	[smem:$0x3FB3] =	sst s6  }
0xf: {  	[smem:$0x3FB4] =	sst s7  }
0x10: {  	[smem:$0x3FB5] =	sst s8  }
0x11: {  	[smem:$0x3FB6] =	sst s9;
	s0 =	simm.s32 @!p0 $0x0  }
0x12: {  	s1 =	sld [smem:$0x3F9C];
	s0 =	simm.s32 @p0 $0x1  }
0x13: {  	[smem:$0x3FB7] =	sst s0;
	s0 =	simm.s32 @!p1 $0x0  }
0x14: {  	s2 =	sld [smem:$0x3F9B];
	s0 =	simm.s32 @p1 $0x1  }
0x15: {  	[smem:$0x3FB8] =	sst s0;
	s0 =	simm.s32 @!p2 $0x0  }
0x16: {  	s3 =	sld [smem:$0x3FDB];
	s0 =	simm.s32 @p2 $0x1  }
0x17: {  	s4 =	simm.s32 $0x1BF5;
	[smem:$0x3FBA] =	sst s0  }
0x18: {  	s0 =	sld [smem:$0x3F9D];
	_ =	swait.ge [sflag:s4], $0x0  }
0x19: {  	s7 =	sld [smem:$0x3F9E]  }
0x1a: {  	s8 =	sadd.s32 $0xFFFFE003, lr  }
0x1b: {  	s9 =	sadd.s32 $0xFFFFFEF7, lr;
	s5 =	simm.s32 $0xFFFFFFFF;
	p2 =	slt.u32 s8, $0xFFFFF086  }
0x1c: {  	p1 =	slt.u32 s9, $0xF7A;
	s5 =	simm.s32 @!p2 $0x0  }
0x1d: {  	s5 =	simm.s32 @p1 $0x1;
	p0 =	seq.s32 s7, s2  }
0x1e: {  	s7 =	smul.u32 @!p0 $0xF7A, s2;
	p2 =	seq.s32 @!p0 s5, $0x0  }
0x1f: {  	s9 =	smul.u32 $0xF7A, s1;
	s8 =	simm.s32 @!p0 $0x1BF5;
	p2 =	por !p2, p0  }
0x20: {  	[sflag:s8] =	ssyncset.s32 @!p0 $0xFFFFF086;
	s6 =	sadd.s32 @!p0 s3, s7;
	s7 =	simm.s32 @!p0 $0x108  }
0x21: {  	s3 =	sadd.s32 s3, s9;
	s6 =	sadd.s32 @!p0 $0x88, s6;
	s7 =	simm.s32 @p2 $0x1082  }
0x22: {  	[simem:s7], [sflag:s8] =	dma.local @!p0 [hbm:s6], $0xF7A  }
0x23: {  	s9 =	sor.u32 $0xD0000000, s2;
	s6 =	simm.s32 $0x108;
	_ =	swait.ge @!p0 [sflag:s8], $0x0  }
0x24: {  	s3 =	sadd.s32 $0x88, s3;
	s6 =	simm.s32 @!p1 $0x1082;
	[sflag:s4] =	ssyncset.s32 $0xFFFFF086  }
0x25: {  	[simem:s6], [sflag:s4] =	dma.local [hbm:s3], $0xF7A  }
0x26: {  	[smem:$0x3F9E] =	sst s1;
	(tag) =	ssettag s2;
	_ =	strace s9  }
0x27: {  	s1 =	sld [smem:$0x3FAE]  }
0x28: {  	s2 =	sld [smem:$0x3FAF]  }
0x29: {  	s4 =	sld [smem:$0x3FB1]  }
0x2a: {  	p0 =	seq.s32 s5, $0x0;
	s5 =	sld [smem:$0x3FB2]  }
0x2b: {  	s6 =	sld [smem:$0x3FB3]  }
0x2c: {  	s7 =	sld [smem:$0x3FB4]  }
0x2d: {  	s3 =	simm.s32 $0x108;
	s8 =	sld [smem:$0x3FB5]  }
0x2e: {  	s3 =	simm.s32 @!p0 $0x1082;
	s9 =	sld [smem:$0x3FB6]  }
0x2f: {  	lr =	sadd.s32 s0, s3;
	s0 =	sld [smem:$0x3FAD]  }
0x30: {  	s3 =	sld [smem:$0x3FB0]  }
0x31: {  	[smem:$0x3FB9] =	sst s10  }
0x32: {  	s10 =	sld [smem:$0x3FB7];
	_ =	sdelay $0x3  }
0x33: {  	p0 =	seq.s32 s10, $0x1;
	s10 =	sld [smem:$0x3FB9];
	_ =	sdelay $0x3  }
0x34: {  	[smem:$0x3FB9] =	sst s10  }
0x35: {  	s10 =	sld [smem:$0x3FB8];
	_ =	sdelay $0x3  }
0x36: {  	p1 =	seq.s32 s10, $0x1;
	s10 =	sld [smem:$0x3FB9];
	_ =	sdelay $0x3  }
0x37: {  	[smem:$0x3FB9] =	sst s10  }
0x38: {  	s10 =	sld [smem:$0x3FBA]  }
0x39: {  	_ = 	snop;
	(pc) =	sbr.ind lr, $3  }
0x3a: {  	_ = 	snop  }
0x3b: {  	_ = 	snop  }
0x3c: {  	p2 =	seq.s32 s10, $0x1;
	s10 =	sld [smem:$0x3FB9]  }
0x3d: {  	_ =	shalt  }
0x3e: {  	_ =	shalt  }
0x3f: {  	_ =	shalt  }
0x40: {  	_ =	shalt  }
0x41: {  	_ =	shalt  }
0x42: {  	_ =	shalt  }
0x43: {  	_ =	shalt  }
0x44: {  	_ =	shalt  }
0x45: {  	_ =	shalt  }
0x46: {  	_ =	shalt  }
0x47: {  	_ =	shalt  }
0x48: {  	_ =	shalt  }
0x49: {  	_ =	shalt  }
0x4a: {  	_ =	shalt  }
0x4b: {  	_ =	shalt  }
0x4c: {  	_ =	shalt  }
0x4d: {  	_ =	shalt  }
0x4e: {  	_ =	shalt  }
0x4f: {  	_ =	shalt  }
0x50: {  	_ =	shalt  }
0x51: {  	_ =	shalt  }
0x52: {  	_ =	shalt  }
0x53: {  	_ =	shalt  }
0x54: {  	_ =	shalt  }
0x55: {  	_ =	shalt  }
0x56: {  	_ =	shalt  }
0x57: {  	_ =	shalt  }
0x58: {  	_ =	shalt  }
0x59: {  	_ =	shalt  }
0x5a: {  	_ =	shalt  }
0x5b: {  	_ =	shalt  }
0x5c: {  	_ =	shalt  }
0x5d: {  	_ =	shalt  }
0x5e: {  	_ =	shalt  }
0x5f: {  	_ =	shalt  }
0x60: {  	_ =	shalt  }
0x61: {  	_ =	shalt  }
0x62: {  	_ =	shalt  }
0x63: {  	_ =	shalt  }
0x64: {  	_ =	shalt  }
0x65: {  	_ =	shalt  }
0x66: {  	_ =	shalt  }
0x67: {  	_ =	shalt  }
0x68: {  	_ =	shalt  }
0x69: {  	_ =	shalt  }
0x6a: {  	_ =	shalt  }
0x6b: {  	_ =	shalt  }
0x6c: {  	_ =	shalt  }
0x6d: {  	_ =	shalt  }
0x6e: {  	_ =	shalt  }
0x6f: {  	_ =	shalt  }
0x70: {  	_ =	shalt  }
0x71: {  	_ =	shalt  }
0x72: {  	_ =	shalt  }
0x73: {  	_ =	shalt  }
0x74: {  	_ =	shalt  }
0x75: {  	_ =	shalt  }
0x76: {  	_ =	shalt  }
0x77: {  	_ =	shalt  }
0x78: {  	_ =	shalt  }
0x79: {  	_ =	shalt  }
0x7a: {  	_ =	shalt  }
0x7b: {  	_ =	shalt  }
0x7c: {  	_ =	shalt  }
0x7d: {  	_ =	shalt  }
0x7e: {  	_ =	shalt  }
0x7f: {  	_ =	shalt  }
0x80: {  	_ =	shalt  }
0x81: {  	_ =	shalt  }
0x82: {  	_ =	shalt  }
0x83: {  	_ =	shalt  }
0x84: {  	_ =	shalt  }
0x85: {  	_ =	shalt  }
0x86: {  	_ =	shalt  }
0x87: {  	_ =	shalt  }
.Lfunc_end0:
.L_simem_size_0:
called_computation_lowered:
.L_overlay_start_0:
0x88: {  	s2 =	sld [smem:$0x3FD9]  }
0x89: {  	s3 =	sld [smem:$0x3FFE];
	_ =	sdelay $0x1  }
0x8a: {  	s1 =	srdreg.scid  }
0x8b: {  	s0 =	sand.u32 $0x1, s1  }
0x8c: {  	s17 =	sshll.u32 s0, $0xA;
	s2 =	sadd.s32 s3, s2  }
0x8d: {  	s2 =	sadd.s32 s2, s17  }
0x8e: {  	[smem:$0x3FC5] =	sst s2  }
0x8f: {  	_ = 	snop  }
0x90: {  	s2 =	sld [smem:$0x3FD0];
	(tm) =	ssettm $0x1  }
0x91: {  	s18 =	sld [smem:$0x3FFB];
	_ =	sdelay $0x3  }
0x92: {  	_ =	strace s18  }
0x93: {  	s3 =	sld [smem:$0x3FFC];
	_ =	sdelay $0x3  }
0x94: {  	_ =	strace s3  }
0x95: {  	s3 =	sld [smem:$0x3FFD];
	_ =	sdelay $0x3  }
0x96: {  	_ =	strace s3  }
0x97: {  	_ =	strace $0x8FFFFFFF  }
0x98: {  	s19 =	sld [smem:$0x3FDB];
	_ =	sdelay $0x1  }
0x99: {  	s4 =	simm.s32 $_scs_section_size  }
0x9a: {  	s5 =	simm.s32 $_size__tile_overlayer_lowered;
	s6 =	simm.s32 $_tile_overlayer_lowered  }
0x9b: {  	s22 =	simm.s32 $0x1BFF;
	s21 =	sshll.u32 s6, $0x1;
	s3 =	sadd.s32 s4, s19  }
0x9c: {  	s7 =	simm.s32 $0x0;
	s20 =	sshll.u32 s5, $0x1;
	s5 =	sadd.s32 s21, s3  }
0x9d: {  	[timem:s7], [sflag:s22] =	dma.local [hbm:s5], s20  }
0x9e: {  	_ =	swait.ge [sflag:s22], s20  }
0x9f: {  	s4 =	ssub.s32 $0x0, s20;
	[sflag:s22] =	ssyncset.done $0x0  }
0xa0: {  	[sflag:s22] =	ssyncadd.s32 s4;
	_ =	sdelay $0x1  }
0xa1: {  	s23 =	simm.s32 $0x1B8B  }
0xa2: {  	_ =	swait.ge [sflag:s23], $0x1  }
0xa3: {  	[sflag:s23] =	ssyncset.done $0x0  }
0xa4: {  	s25 =	simm.s32 $0x1B8E;
	s24 =	sld [smem:$0x3FFE];
	[sflag:s23] =	ssyncadd.s32 $0xFFFFFFFF  }
0xa5: {  	s26 =	simm.s32 $execute0_lowered;
	[smem:$0x3FD2] =	sst s25  }
0xa6: {  	s5 =	sshll.u32 s26, $0x1;
	_ =	strace $0x80000046;
	[dreg:$0x1] =	wrdreg $0xFFFFFFFF  }
0xa7: {  	s28 =	simm.s32 $_size_execute0_lowered;
	s3 =	sadd.s32 s3, s5;
	[dreg:$0x0] =	wrdreg $0x0  }
0xa8: {  	s5 =	sshll.u32 s28, $0x1;
	[dreg:$0x2] =	wrdreg s3  }
0xa9: {  	[dreg:$0x3] =	wrdreg s5  }
0xaa: {  	[dreg:$0x4] =	wrdreg $0xC0  }
0xab: {  	_ =	task [dreg:s7], $0x5FFFF  }
0xac: {  	[dreg:$0x1] =	wrdreg $0xFFFFFFFF  }
0xad: {  	[dreg:$0x0] =	wrdreg $0x60  }
0xae: {  	[dreg:$0x2] =	wrdreg s24  }
0xaf: {  	[dreg:$0x3] =	wrdreg s2  }
0xb0: {  	[dreg:$0x4] =	wrdreg $0x9  }
0xb1: {  	_ =	task.clear_ibuf [dreg:s7], $0x5FFFF;
	_ =	strace $0x90000046  }
0xb2: {  	s29 =	simm.s32 $0x9;
	_ =	strace $0x80000048  }
0xb3: {  	_ =	swait.ge [sflag:s29], $0x1  }
0xb4: {  	[sflag:s29] =	ssyncadd.s32 $0xFFFFFFFF  }
0xb5: {  	_ =	strace $0x90000048  }
0xb6: {  	_ =	sfence  }
0xb7: {  	s30 =	sld [smem:$0x0];
	_ =	sdelay $0x2  }
0xb8: {  	s31 =	sshll.u32 s1, $0xD;
	s1 =	sshrl.u32 s1, $0x2  }
0xb9: {  	s3 =	sand.u32 $0x4000, s31;
	s1 =	sadd.s32 s1, s30  }
0xba: {  	s0 =	sor.u32 s3, s0;
	s1 =	sshll.u32 s1, $0x11  }
0xbb: {  	s0 =	sor.u32 s1, s0  }
0xbc: {  	s0 =	sadd.s32 $0x8F2B, s0  }
0xbd: {  	[sflag:s0] =	ssyncadd.remote.s32 $0x1  }
0xbe: {  	_ =	sfence.sel $0xFFFF  }
0xbf: {  	[dreg:$0x0] =	wrdreg $0xFFFFFFFF;
	(pc) =	sbr.abs _section_cstart, $3  }
0xc0: {  	[dreg:$0x1] =	wrdreg $0xFFFFFFFF  }
0xc1: {  	_ =	task.clear_ibuf [dreg:s7], $0x2FFFF;
	_ =	strace $0x9FFFFFFF  }
0xc2: {  	(tm) =	ssettm $0x7FFFFFFF  }
0xc3: {  	_ =	shalt  }
tec
execute0_lowered:
.L_overlay_start_1:
0x0: {  	(tag) =	ssettag $0x1  }
0x1: {  	s0 =	srdreg.scid  }
0x2: {  	s4 =	stileid.u32;
	s0 =	sand.u32 $0x1, s0  }
0x3: {  	s1 =	sshll.u32 s4, $0xC;
	s2 =	sshll.u32 s0, $0xB  }
0x4: {  	s1 =	sor.u32 s2, s1  }
0x5: {  	p1 =	seq.s32 s0, $0x1;
	p0 =	seq.s32 s1, $0x0  }
0x6: {  	p0 =	por !p0, !p1  }
0x7: {  	s3 =	simm.s32 $0x1;
	p0 =	por !p0, !p0  }
0x8: {  	s5 =	rddreg [dreg:$0x0];
	s3 =	simm.s32 @!p0 $0x0  }
0x9: {  	s6 =	rddreg [dreg:$0x1];
	s3 =	ssub.s32 s4, s3  }
0xa: {  	s7 =	sshll.u32 s1, $0x3;
	s4 =	sshll.u32 s3, $0xC;
	s8 =	sshll.u32 s3, $0xF  }
0xb: {  	s3 =	sshll.u32 s3, $0x7;
	s4 =	sand.u32 $0xFFFF8000, s4;
	s7 =	ssub.s32 s7, s8  }
0xc: {  	s0 =	ssub.s32 $0x2, s0;
	s3 =	sand.u32 $0x380, s3;
	s4 =	sadd.s32 s4, s7  }
0xd: {  	s2 =	simm.s32 $0x0;
	s11 =	sshrl.u32 s0, $0x1;
	s4 =	sor.u32 s3, s4  }
0xe: {  	[smem:$0x7FF] =	sst s2;
	s0 =	ssub.s32 s0, s11;
	s10 =	sshrl.u32 s4, $0x3  }
0xf: {  	s0 =	smax.u32 s0, $0x1;
	s3 =	sadd.s32 $0x6800, s5;
	s5 =	sadd.s32 s10, s5  }
0x10: {  	_ =	strace $0x80000047;
	[dreg:$0x6] =	wrdreg s0;
	s7 =	sadd.s32 $0x4800, s5  }
0x11: {  	s12 =	sadd.s32 $0x2800, s5;
	[dreg:$0x3] =	wrdreg s7  }
0x12: {  	s13 =	sadd.s32 $0x800, s5;
	[dreg:$0x4] =	wrdreg s12  }
0x13: {  	s14 =	sadd.s32 $0x4880, s5;
	[dreg:$0x5] =	wrdreg s13  }
0x14: {  	s15 =	sadd.s32 $0x4900, s5;
	[dreg:$0x7] =	wrdreg s14  }
0x15: {  	s16 =	sadd.s32 $0x4980, s5;
	[dreg:$0x8] =	wrdreg s15  }
0x16: {  	s17 =	sadd.s32 $0x4A00, s5;
	[dreg:$0x9] =	wrdreg s16  }
0x17: {  	s18 =	sadd.s32 $0x4A80, s5;
	[dreg:$0xa] =	wrdreg s17  }
0x18: {  	s30 =	simm.s32 $0x20;
	s19 =	sadd.s32 $0x4B00, s5;
	[dreg:$0xb] =	wrdreg s18  }
0x19: {  	s31 =	simm.s32 $0x10000;
	s20 =	sadd.s32 $0x4B80, s5;
	[dreg:$0xc] =	wrdreg s19  }
0x1a: {  	s9 =	simm.s32 $0x5;
	s21 =	sadd.s32 $0x4C00, s5;
	[dreg:$0xd] =	wrdreg s20  }
0x1b: {  	s1 =	sshll.u32 s1, $0x5;
	s22 =	sadd.s32 $0x4C80, s5;
	[dreg:$0xe] =	wrdreg s21  }
0x1c: {  	s11 =	simm.s32 $0x6;
	s23 =	sadd.s32 $0x4D00, s5;
	[dreg:$0xf] =	wrdreg s22  }
0x1d: {  	s8 =	sadd.s32 s6, s1;
	s24 =	sadd.s32 $0x4D80, s5;
	[dreg:$0x10] =	wrdreg s23  }
.Ltmp0:
0x1e: {  	s25 =	sadd.s32 $0x4E00, s5;
	[dreg:$0x11] =	wrdreg s24;
	(pc) =	sbr.rel .LBB2_1-.Ltmp0, $4  }
0x1f: {  	s1 =	simm.s32 $0x0;
	s26 =	sadd.s32 $0x4E80, s5;
	[dreg:$0x12] =	wrdreg s25  }
0x20: {  	s4 =	simm.s32 $0x1;
	s28 =	sadd.s32 $0x4F00, s5;
	[dreg:$0x13] =	wrdreg s26  }
0x21: {  	s10 =	simm.s32 $0x4;
	s29 =	sadd.s32 $0x4F80, s5;
	[dreg:$0x14] =	wrdreg s28  }
0x22: {  	s5 =	simm.s32 $0x3;
	[dreg:$0x15] =	wrdreg s29;
	s25 =	simm.s32 $0x2  }
.LBB2_14:
0x23: {  	_ =	swait.ge [sflag:s9], $0x2000  }
0x24: {  	[sflag:s9] =	ssyncset.done $0x0  }
0x25: {  	[sflag:s9] =	ssyncadd.s32 $0xFFFFE000  }
0x26: {  	_ =	swait.ge [sflag:s11], $0x2000  }
0x27: {  	s1 =	rddreg [dreg:$0x16]  }
0x28: {  	s0 =	rddreg [dreg:$0x6];
	s1 =	sadd.s32 $0x1, s1  }
0x29: {  	p0 =	sne.s32 s1, s0  }
.Ltmp1:
0x2a: {  	_ = 	snop;
	(pc) =	sbr.rel @!p0 .LBB2_15-.Ltmp1, $3  }
0x2b: {  	_ =	sdelay $0x1  }
0x2c: {  	[sflag:s11] =	ssyncset.done $0x0  }
0x2d: {  	[sflag:s11] =	ssyncadd.s32 $0xFFFFE000  }
.LBB2_1:
0x2e: {  	[dreg:$0x16] =	wrdreg s1  }
0x2f: {  	s0 =	rddreg [dreg:$0x3]  }
0x30: {  	[tilespmem:s2], [sflag:$0x7] =	stream.linear.gather [hbm4b:s0+s2], $0x80, $0x38;
	[tilespmem:$0x14000] =	vst v63  }
0x31: {  	s20 =	rddreg [dreg:$0x7];
	s21 =	simm.s32 $0x200  }
0x32: {  	[tilespmem:s21], [sflag:$0x7] =	stream.linear.gather [hbm4b:s20+s2], $0x80, $0x38;
	[tilespmem:$0x14000] =	vst v63  }
0x33: {  	s22 =	rddreg [dreg:$0x8];
	s23 =	simm.s32 $0x400  }
0x34: {  	[tilespmem:s23], [sflag:$0x7] =	stream.linear.gather [hbm4b:s22+s2], $0x80, $0x38;
	[tilespmem:$0x14000] =	vst v63  }
0x35: {  	s24 =	rddreg [dreg:$0x9];
	s26 =	simm.s32 $0x600  }
0x36: {  	[tilespmem:s26], [sflag:$0x7] =	stream.linear.gather [hbm4b:s24+s2], $0x80, $0x38;
	[tilespmem:$0x14000] =	vst v63  }
0x37: {  	s28 =	rddreg [dreg:$0xa];
	s29 =	simm.s32 $0x800  }
0x38: {  	[tilespmem:s29], [sflag:$0x7] =	stream.linear.gather [hbm4b:s28+s2], $0x80, $0x38;
	[tilespmem:$0x14000] =	vst v63  }
0x39: {  	s6 =	rddreg [dreg:$0xb];
	s7 =	simm.s32 $0xA00  }
0x3a: {  	[tilespmem:s7], [sflag:$0x7] =	stream.linear.gather [hbm4b:s6+s2], $0x80, $0x38;
	[tilespmem:$0x14000] =	vst v63  }
0x3b: {  	s12 =	rddreg [dreg:$0xc];
	s13 =	simm.s32 $0xC00  }
0x3c: {  	[tilespmem:s13], [sflag:$0x7] =	stream.linear.gather [hbm4b:s12+s2], $0x80, $0x38;
	[tilespmem:$0x14000] =	vst v63  }
0x3d: {  	s14 =	rddreg [dreg:$0xd];
	s15 =	simm.s32 $0xE00  }
0x3e: {  	[tilespmem:s15], [sflag:$0x7] =	stream.linear.gather [hbm4b:s14+s2], $0x80, $0x38;
	[tilespmem:$0x14000] =	vst v63  }
0x3f: {  	s16 =	rddreg [dreg:$0xe];
	s17 =	simm.s32 $0x1000  }
0x40: {  	[tilespmem:s17], [sflag:$0x7] =	stream.linear.gather [hbm4b:s16+s2], $0x80, $0x38;
	[tilespmem:$0x14000] =	vst v63  }
0x41: {  	s18 =	rddreg [dreg:$0xf];
	s19 =	simm.s32 $0x1200  }
0x42: {  	[tilespmem:s19], [sflag:$0x7] =	stream.linear.gather [hbm4b:s18+s2], $0x80, $0x38;
	[tilespmem:$0x14000] =	vst v63  }
0x43: {  	s20 =	rddreg [dreg:$0x10];
	s21 =	simm.s32 $0x1400  }
0x44: {  	[tilespmem:s21], [sflag:$0x7] =	stream.linear.gather [hbm4b:s20+s2], $0x80, $0x38;
	[tilespmem:$0x14000] =	vst v63  }
0x45: {  	s22 =	rddreg [dreg:$0x11];
	s23 =	simm.s32 $0x1600  }
0x46: {  	[tilespmem:s23], [sflag:$0x7] =	stream.linear.gather [hbm4b:s22+s2], $0x80, $0x38;
	[tilespmem:$0x14000] =	vst v63  }
0x47: {  	s24 =	rddreg [dreg:$0x12];
	s26 =	simm.s32 $0x1800  }
0x48: {  	[tilespmem:s26], [sflag:$0x7] =	stream.linear.gather [hbm4b:s24+s2], $0x80, $0x38;
	[tilespmem:$0x14000] =	vst v63  }
0x49: {  	s28 =	rddreg [dreg:$0x13];
	s29 =	simm.s32 $0x1A00  }
0x4a: {  	[tilespmem:s29], [sflag:$0x7] =	stream.linear.gather [hbm4b:s28+s2], $0x80, $0x38;
	[tilespmem:$0x14000] =	vst v63  }
0x4b: {  	s6 =	rddreg [dreg:$0x14];
	s7 =	simm.s32 $0x1C00  }
0x4c: {  	[tilespmem:s7], [sflag:$0x7] =	stream.linear.gather [hbm4b:s6+s2], $0x80, $0x38;
	[tilespmem:$0x14000] =	vst v63  }
0x4d: {  	s12 =	rddreg [dreg:$0x15];
	s13 =	simm.s32 $0x1E00;
	s7 =	simm.s32 $0x7  }
0x4e: {  	[tilespmem:s13], [sflag:$0x7] =	stream.linear.gather [hbm4b:s12+s2], $0x80, $0x38;
	[tilespmem:$0x14000] =	vst v63  }
0x4f: {  	_ =	swait.ge [sflag:s7], $0x800  }
0x50: {  	[sflag:s7] =	ssyncset.done $0x0  }
0x51: {  	s14 =	simm.s32 $0x80;
	s1 =	rddreg [dreg:$0x4];
	[sflag:s7] =	ssyncadd.s32 $0xFFFFF800  }
0x52: {  	[tilespmem:s14], [sflag:$0x7] =	stream.linear.gather [hbm4b:s1+s2], $0x80, $0x38;
	[tilespmem:$0x14000] =	vst v63  }
0x53: {  	s6 =	simm.s32 $0x280;
	s15 =	sadd.s32 $0x80, s1  }
0x54: {  	[tilespmem:s6], [sflag:$0x7] =	stream.linear.gather [hbm4b:s15+s2], $0x80, $0x38;
	[tilespmem:$0x14000] =	vst v63  }
0x55: {  	s17 =	simm.s32 $0x480;
	s16 =	sadd.s32 $0x100, s1  }
0x56: {  	[tilespmem:s17], [sflag:$0x7] =	stream.linear.gather [hbm4b:s16+s2], $0x80, $0x38;
	[tilespmem:$0x14000] =	vst v63  }
0x57: {  	s19 =	simm.s32 $0x680;
	s18 =	sadd.s32 $0x180, s1  }
0x58: {  	[tilespmem:s19], [sflag:$0x7] =	stream.linear.gather [hbm4b:s18+s2], $0x80, $0x38;
	[tilespmem:$0x14000] =	vst v63  }
0x59: {  	s21 =	simm.s32 $0x880;
	s20 =	sadd.s32 $0x200, s1  }
0x5a: {  	[tilespmem:s21], [sflag:$0x7] =	stream.linear.gather [hbm4b:s20+s2], $0x80, $0x38;
	[tilespmem:$0x14000] =	vst v63  }
0x5b: {  	s23 =	simm.s32 $0xA80;
	s22 =	sadd.s32 $0x280, s1  }
0x5c: {  	[tilespmem:s23], [sflag:$0x7] =	stream.linear.gather [hbm4b:s22+s2], $0x80, $0x38;
	[tilespmem:$0x14000] =	vst v63  }
0x5d: {  	s26 =	simm.s32 $0xC80;
	s24 =	sadd.s32 $0x300, s1  }
0x5e: {  	[tilespmem:s26], [sflag:$0x7] =	stream.linear.gather [hbm4b:s24+s2], $0x80, $0x38;
	[tilespmem:$0x14000] =	vst v63  }
0x5f: {  	s29 =	simm.s32 $0xE80;
	s28 =	sadd.s32 $0x380, s1  }
0x60: {  	[tilespmem:s29], [sflag:$0x7] =	stream.linear.gather [hbm4b:s28+s2], $0x80, $0x38;
	[tilespmem:$0x14000] =	vst v63  }
0x61: {  	s13 =	simm.s32 $0x1080;
	s12 =	sadd.s32 $0x400, s1  }
0x62: {  	[tilespmem:s13], [sflag:$0x7] =	stream.linear.gather [hbm4b:s12+s2], $0x80, $0x38;
	[tilespmem:$0x14000] =	vst v63  }
0x63: {  	s14 =	sadd.s32 $0x480, s1;
	s15 =	simm.s32 $0x1280  }
0x64: {  	[tilespmem:s15], [sflag:$0x7] =	stream.linear.gather [hbm4b:s14+s2], $0x80, $0x38;
	[tilespmem:$0x14000] =	vst v63  }
0x65: {  	s16 =	sadd.s32 $0x500, s1;
	s17 =	simm.s32 $0x1480  }
0x66: {  	[tilespmem:s17], [sflag:$0x7] =	stream.linear.gather [hbm4b:s16+s2], $0x80, $0x38;
	[tilespmem:$0x14000] =	vst v63  }
0x67: {  	s18 =	sadd.s32 $0x580, s1;
	s19 =	simm.s32 $0x1680  }
0x68: {  	[tilespmem:s19], [sflag:$0x7] =	stream.linear.gather [hbm4b:s18+s2], $0x80, $0x38;
	[tilespmem:$0x14000] =	vst v63  }
0x69: {  	s20 =	sadd.s32 $0x600, s1;
	s21 =	simm.s32 $0x1880  }
0x6a: {  	[tilespmem:s21], [sflag:$0x7] =	stream.linear.gather [hbm4b:s20+s2], $0x80, $0x38;
	[tilespmem:$0x14000] =	vst v63  }
0x6b: {  	s22 =	sadd.s32 $0x680, s1;
	s23 =	simm.s32 $0x1A80  }
0x6c: {  	[tilespmem:s23], [sflag:$0x7] =	stream.linear.gather [hbm4b:s22+s2], $0x80, $0x38;
	[tilespmem:$0x14000] =	vst v63  }
0x6d: {  	s24 =	sadd.s32 $0x700, s1;
	s26 =	simm.s32 $0x1C80  }
0x6e: {  	[tilespmem:s26], [sflag:$0x7] =	stream.linear.gather [hbm4b:s24+s2], $0x80, $0x38;
	[tilespmem:$0x14000] =	vst v63  }
0x6f: {  	s28 =	sadd.s32 $0x780, s1;
	s29 =	simm.s32 $0x1E80  }
0x70: {  	[tilespmem:s29], [sflag:$0x7] =	stream.linear.gather [hbm4b:s28+s2], $0x80, $0x38;
	[tilespmem:$0x14000] =	vst v63  }
0x71: {  	_ =	swait.ge [sflag:s7], $0x800  }
0x72: {  	[sflag:s7] =	ssyncset.done $0x0  }
0x73: {  	s6 =	simm.s32 $0x100;
	s1 =	rddreg [dreg:$0x5];
	[sflag:s7] =	ssyncadd.s32 $0xFFFFF800  }
0x74: {  	[tilespmem:s6], [sflag:$0x7] =	stream.linear.gather [hbm4b:s1+s2], $0x80, $0x38;
	[tilespmem:$0x14000] =	vst v63  }
0x75: {  	s13 =	simm.s32 $0x300;
	s12 =	sadd.s32 $0x80, s1  }
0x76: {  	[tilespmem:s13], [sflag:$0x7] =	stream.linear.gather [hbm4b:s12+s2], $0x80, $0x38;
	[tilespmem:$0x14000] =	vst v63  }
0x77: {  	s15 =	simm.s32 $0x500;
	s14 =	sadd.s32 $0x100, s1  }
0x78: {  	[tilespmem:s15], [sflag:$0x7] =	stream.linear.gather [hbm4b:s14+s2], $0x80, $0x38;
	[tilespmem:$0x14000] =	vst v63  }
0x79: {  	s17 =	simm.s32 $0x700;
	s16 =	sadd.s32 $0x180, s1  }
0x7a: {  	[tilespmem:s17], [sflag:$0x7] =	stream.linear.gather [hbm4b:s16+s2], $0x80, $0x38;
	[tilespmem:$0x14000] =	vst v63  }
0x7b: {  	s19 =	simm.s32 $0x900;
	s18 =	sadd.s32 $0x200, s1  }
0x7c: {  	[tilespmem:s19], [sflag:$0x7] =	stream.linear.gather [hbm4b:s18+s2], $0x80, $0x38;
	[tilespmem:$0x14000] =	vst v63  }
0x7d: {  	s21 =	simm.s32 $0xB00;
	s20 =	sadd.s32 $0x280, s1  }
0x7e: {  	[tilespmem:s21], [sflag:$0x7] =	stream.linear.gather [hbm4b:s20+s2], $0x80, $0x38;
	[tilespmem:$0x14000] =	vst v63  }
0x7f: {  	s23 =	simm.s32 $0xD00;
	s22 =	sadd.s32 $0x300, s1  }
0x80: {  	[tilespmem:s23], [sflag:$0x7] =	stream.linear.gather [hbm4b:s22+s2], $0x80, $0x38;
	[tilespmem:$0x14000] =	vst v63  }
0x81: {  	s26 =	simm.s32 $0xF00;
	s24 =	sadd.s32 $0x380, s1  }
0x82: {  	[tilespmem:s26], [sflag:$0x7] =	stream.linear.gather [hbm4b:s24+s2], $0x80, $0x38;
	[tilespmem:$0x14000] =	vst v63  }
0x83: {  	s29 =	simm.s32 $0x1100;
	s28 =	sadd.s32 $0x400, s1  }
0x84: {  	[tilespmem:s29], [sflag:$0x7] =	stream.linear.gather [hbm4b:s28+s2], $0x80, $0x38;
	[tilespmem:$0x14000] =	vst v63  }
0x85: {  	s12 =	sadd.s32 $0x480, s1;
	s13 =	simm.s32 $0x1300  }
0x86: {  	[tilespmem:s13], [sflag:$0x7] =	stream.linear.gather [hbm4b:s12+s2], $0x80, $0x38;
	[tilespmem:$0x14000] =	vst v63  }
0x87: {  	s14 =	sadd.s32 $0x500, s1;
	s15 =	simm.s32 $0x1500  }
0x88: {  	[tilespmem:s15], [sflag:$0x7] =	stream.linear.gather [hbm4b:s14+s2], $0x80, $0x38;
	[tilespmem:$0x14000] =	vst v63  }
0x89: {  	s16 =	sadd.s32 $0x580, s1;
	s17 =	simm.s32 $0x1700  }
0x8a: {  	[tilespmem:s17], [sflag:$0x7] =	stream.linear.gather [hbm4b:s16+s2], $0x80, $0x38;
	[tilespmem:$0x14000] =	vst v63  }
0x8b: {  	s18 =	sadd.s32 $0x600, s1;
	s19 =	simm.s32 $0x1900  }
0x8c: {  	[tilespmem:s19], [sflag:$0x7] =	stream.linear.gather [hbm4b:s18+s2], $0x80, $0x38;
	[tilespmem:$0x14000] =	vst v63  }
0x8d: {  	s20 =	sadd.s32 $0x680, s1;
	s21 =	simm.s32 $0x1B00  }
0x8e: {  	[tilespmem:s21], [sflag:$0x7] =	stream.linear.gather [hbm4b:s20+s2], $0x80, $0x38;
	[tilespmem:$0x14000] =	vst v63  }
0x8f: {  	s22 =	sadd.s32 $0x700, s1;
	s23 =	simm.s32 $0x1D00  }
0x90: {  	[tilespmem:s23], [sflag:$0x7] =	stream.linear.gather [hbm4b:s22+s2], $0x80, $0x38;
	[tilespmem:$0x14000] =	vst v63  }
0x91: {  	s24 =	sadd.s32 $0x780, s1;
	s26 =	simm.s32 $0x1F00  }
0x92: {  	[tilespmem:s26], [sflag:$0x7] =	stream.linear.gather [hbm4b:s24+s2], $0x80, $0x38;
	[tilespmem:$0x14000] =	vst v63  }
0x93: {  	s1 =	simm.s32 $0x0;
	_ =	swait.ge [sflag:s7], $0x800  }
0x94: {  	s28 =	sand.u32 $0x70, s1;
	s29 =	sand.u32 $0x1E00, s2;
	[sflag:s7] =	ssyncset.done $0x0  }
0x95: {  	s0 =	sor.u32 s28, s29;
	[sflag:s7] =	ssyncadd.s32 $0xFFFFF800  }
0x96: {  	v2 =	vld [tilespmem:s0+$0x0]  }
0x97: {  	v1 =	vld [tilespmem:s0+$0x80]  }
0x98: {  	s6 =	simm.s32 $0x0;
	v0 =	vld [tilespmem:s0+$0x100]  }
.LBB2_2:
0x99: {  	s1 =	sadd.s32 $0x10, s1  }
0x9a: {  	s6 =	sadd.s32 $0x40, s6;
	p0 =	slt.u32 s1, $0x7F0  }
.Ltmp2:
0x9b: {  	s7 =	sand.u32 $0x70, s1;
	s12 =	sand.u32 $0x1E00, s6;
	(pc) =	sbr.rel @p0 .LBB2_2-.Ltmp2, $4  }
0x9c: {  	s7 =	sor.u32 s7, s12;
	v3 =	vand.u32 $0xFFFF, v2  }
0x9d: {  	v2 =	vld [tilespmem:s7+$0x0];
	[tilespmem:s0+$0x2000] =	vst v3;
	v3 =	vand.u32 $0xFFFF, v1  }
0x9e: {  	v1 =	vld [tilespmem:s7+$0x80];
	[tilespmem:s0+$0x2080] =	vst v3;
	v3 =	vand.u32 $0xFFFF, v0  }
0x9f: {  	v0 =	vld [tilespmem:s7+$0x100];
	[tilespmem:s0+$0x2100] =	vst v3;
	s0 =	smov.u32 s7  }
0xa0: {  	_ =	sdelay $0x1  }
0xa1: {  	v2 =	vand.u32 $0xFFFF, v2  }
0xa2: {  	[tilespmem:s0+$0x2000] =	vst v2;
	v1 =	vand.u32 $0xFFFF, v1  }
0xa3: {  	[tilespmem:s0+$0x2080] =	vst v1;
	v0 =	vand.u32 $0xFFFF, v0  }
0xa4: {  	s23 =	simm.s32 $0x2000;
	s1 =	simm.s32 $0x4000;
	[tilespmem:s0+$0x2100] =	vst v0  }
0xa5: {  	[tilespmem:s1], [sflag:$0x1] =	stream.indirect.gather [hbm4b:s3+s30], $0x80, s23, s30, $0xb8;
	[tilespmem:$0x14000] =	vst v63  }
0xa6: {  	s24 =	simm.s32 $0x2080;
	s26 =	simm.s32 $0x5000  }
0xa7: {  	[tilespmem:s26], [sflag:$0x1] =	stream.indirect.gather [hbm4b:s3+s30], $0x80, s24, s30, $0xb8;
	[tilespmem:$0x14000] =	vst v63  }
0xa8: {  	s28 =	simm.s32 $0x2100;
	s29 =	simm.s32 $0x6000  }
0xa9: {  	[tilespmem:s29], [sflag:$0x1] =	stream.indirect.gather [hbm4b:s3+s30], $0x80, s28, s30, $0xb8;
	[tilespmem:$0x14000] =	vst v63  }
0xaa: {  	s6 =	simm.s32 $0x2020;
	s7 =	simm.s32 $0x7000  }
0xab: {  	[tilespmem:s7], [sflag:$0x2] =	stream.indirect.gather [hbm4b:s3+s30], $0x80, s6, s30, $0xb8;
	[tilespmem:$0x14000] =	vst v63  }
0xac: {  	s12 =	simm.s32 $0x20A0;
	s13 =	simm.s32 $0x8000  }
0xad: {  	[tilespmem:s13], [sflag:$0x2] =	stream.indirect.gather [hbm4b:s3+s30], $0x80, s12, s30, $0xb8;
	[tilespmem:$0x14000] =	vst v63  }
0xae: {  	s14 =	simm.s32 $0x2120;
	s15 =	simm.s32 $0x9000  }
0xaf: {  	[tilespmem:s15], [sflag:$0x2] =	stream.indirect.gather [hbm4b:s3+s30], $0x80, s14, s30, $0xb8;
	[tilespmem:$0x14000] =	vst v63  }
0xb0: {  	s16 =	simm.s32 $0x2040;
	s17 =	simm.s32 $0xA000  }
0xb1: {  	[tilespmem:s17], [sflag:$0x3] =	stream.indirect.gather [hbm4b:s3+s30], $0x80, s16, s30, $0xb8;
	[tilespmem:$0x14000] =	vst v63  }
0xb2: {  	s18 =	simm.s32 $0x20C0;
	s19 =	simm.s32 $0xB000  }
0xb3: {  	[tilespmem:s19], [sflag:$0x3] =	stream.indirect.gather [hbm4b:s3+s30], $0x80, s18, s30, $0xb8;
	[tilespmem:$0x14000] =	vst v63  }
0xb4: {  	s20 =	simm.s32 $0x2140;
	s21 =	simm.s32 $0xC000  }
0xb5: {  	[tilespmem:s21], [sflag:$0x3] =	stream.indirect.gather [hbm4b:s3+s30], $0x80, s20, s30, $0xb8;
	[tilespmem:$0x14000] =	vst v63  }
0xb6: {  	s22 =	simm.s32 $0x2060;
	s23 =	simm.s32 $0xD000  }
0xb7: {  	[tilespmem:s23], [sflag:$0x4] =	stream.indirect.gather [hbm4b:s3+s30], $0x80, s22, s30, $0xb8;
	[tilespmem:$0x14000] =	vst v63  }
0xb8: {  	s24 =	simm.s32 $0x20E0;
	s26 =	simm.s32 $0xE000;
	s28 =	simm.s32 $0x2160  }
0xb9: {  	[tilespmem:s26], [sflag:$0x4] =	stream.indirect.gather [hbm4b:s3+s30], $0x80, s24, s30, $0xb8;
	[tilespmem:$0x14000] =	vst v63  }
0xba: {  	s29 =	simm.s32 $0xF000;
	s14 =	simm.s32 $0x0;
	s15 =	simm.s32 $0x0  }
0xbb: {  	[tilespmem:s29], [sflag:$0x4] =	stream.indirect.gather [hbm4b:s3+s30], $0x80, s28, s30, $0xb8;
	[tilespmem:$0x14000] =	vst v63  }
.LBB2_4:
0xbc: {  	_ =	swait.ge [sflag:s4], $0x1000  }
0xbd: {  	[sflag:s4] =	ssyncset.done $0x0  }
0xbe: {  	s0 =	sadd.s32 $0xFFFFFFFE, s14;
	[sflag:s4] =	ssyncadd.s32 $0xFFFFF000  }
0xbf: {  	s1 =	sadd.s32 $0x3, s0;
	_ =	swait.ge [sflag:s4], $0x1000  }
0xc0: {  	v0 =	vmov s1;
	[sflag:s4] =	ssyncset.done $0x0  }
0xc1: {  	v1 =	vshll.u32 v0, $0x2;
	[sflag:s4] =	ssyncadd.s32 $0xFFFFF000  }
0xc2: {  	v0 =	vand.u32 $0x1F, v0;
	v1 =	vand.u32 $0x1E00, v1;
	_ =	swait.ge [sflag:s4], $0x1000  }
0xc3: {  	p1 =	seq.s32 s15, $0x0;
	v0 =	vor.u32 v0, v1;
	[sflag:s4] =	ssyncset.done $0x0  }
0xc4: {  	s1 =	simm.s32 @!p1 $0x5;
	v1 =	vor.u32 $0x100, v0;
	[sflag:s4] =	ssyncadd.s32 $0xFFFFF000  }
0xc5: {  	v2 =	vor.u32 $0x80, v0;
	_ =	swait.ge @!p1 [sflag:s1], $0x2000  }
0xc6: {  	[sflag:s1] =	ssyncset.done @!p1 $0x0  }
0xc7: {  	[sflag:s1] =	ssyncadd.s32 @!p1 $0xFFFFE000  }
0xc8: {  	v0 =	vld.idx.msk [tilespmem:v0+s2+$0x0], $0xffff  }
0xc9: {  	s0 =	sadd.s32 $0x2, s0;
	v1 =	vld.idx.msk [tilespmem:v1+s2+$0x0], $0xffff  }
0xca: {  	s18 =	simm.s32 $0x5080;
	v3 =	vmov s0;
	v2 =	vld.idx.msk [tilespmem:v2+s2+$0x0], $0xffff  }
0xcb: {  	v4 =	vshll.u32 v3, $0x2;
	v5 =	vld [tilespmem:s18+$0xFFFFF000]  }
0xcc: {  	v3 =	vand.u32 $0x1E, v3;
	v4 =	vand.u32 $0x1E00, v4;
	v6 =	vld [tilespmem:s18+$0x0]  }
0xcd: {  	v3 =	vor.u32 v3, v4  }
0xce: {  	v4 =	vor.u32 $0x80, v3;
	v8 =	vld [tilespmem:s18+$0x1000];
	v7 =	vand.u32 $0xFFFF0000, v0  }
0xcf: {  	v0 =	vshrl.u32 v0, $0x10;
	v9 =	vand.u32 $0xFFFF0000, v2;
	v2 =	vshrl.u32 v2, $0x10  }
0xd0: {  	v12 =	vor.u32 v0, v7;
	v0 =	vand.u32 $0xFFFF0000, v1;
	v13 =	vor.u32 v2, v9  }
0xd1: {  	v1 =	vshrl.u32 v1, $0x10;
	v2 =	vmul.bf16 v12, v5;
	v5 =	vmul.bf16 v13, v6  }
0xd2: {  	v6 =	vor.u32 $0x100, v3;
	v11 =	vor.u32 v1, v0  }
0xd3: {  	v1 =	vmul.bf16 v11, v8;
	v0 =	vadd.bf16 v5, v2  }
0xd4: {  	s21 =	simm.s32 $0x0;
	v3 =	vld.idx.msk [tilespmem:v3+s2+$0x0], $0xffff  }
0xd5: {  	s20 =	simm.s32 $0x80;
	s1 =	sand.u32 $0x1800, s21;
	v2 =	vld.idx.msk [tilespmem:v4+s2+$0x0], $0xffff;
	v0 =	vadd.bf16 v1, v0  }
0xd6: {  	s0 =	sand.u32 $0x380, s20;
	s1 =	sor.u32 $0x10000, s1;
	v1 =	vld [tilespmem:s18+$0xFFFFEF80]  }
0xd7: {  	s6 =	sor.u32 s0, s1;
	v4 =	vld.idx.msk [tilespmem:v6+s2+$0x0], $0xffff;
	v5 =	vunpack.i.l.bf16.f32 v0  }
0xd8: {  	v6 =	vld [tilespmem:s18+$0xFFFFFF80];
	v0 =	vunpack.i.u.bf16.f32 v0;
	[tilespmem:s6+$0x0] =	vst v5  }
0xd9: {  	v5 =	vld [tilespmem:s18+$0xF80];
	[tilespmem:s6+$0x400] =	vst v0  }
0xda: {  	v7 =	vld [tilespmem:s18+$0xFFFFF010]  }
0xdb: {  	v0 =	vand.u32 $0xFFFF0000, v3;
	v3 =	vshrl.u32 v3, $0x10;
	v8 =	vld [tilespmem:s18+$0x10]  }
0xdc: {  	v9 =	vand.u32 $0xFFFF0000, v2;
	v2 =	vshrl.u32 v2, $0x10;
	v15 =	vor.u32 v3, v0  }
0xdd: {  	v0 =	vor.u32 v2, v9;
	v2 =	vand.u32 $0xFFFF0000, v4;
	v3 =	vshrl.u32 v4, $0x10;
	v4 =	vld [tilespmem:s18+$0x1010]  }
0xde: {  	v9 =	vmul.bf16 v15, v1;
	v6 =	vmul.bf16 v0, v6;
	v1 =	vor.u32 v3, v2  }
0xdf: {  	v2 =	vmul.bf16 v1, v5  }
0xe0: {  	v3 =	vadd.bf16 v6, v9;
	v5 =	vmul.bf16 v12, v7;
	v6 =	vmul.bf16 v13, v8;
	_ =	sdelay $0x1  }
0xe1: {  	s22 =	simm.s32 $0x0;
	v2 =	vadd.bf16 v2, v3;
	v3 =	vadd.bf16 v6, v5;
	v4 =	vmul.bf16 v11, v4  }
0xe2: {  	s0 =	sand.u32 $0x300, s22  }
0xe3: {  	s17 =	sor.u32 s0, s1;
	v5 =	vunpack.i.u.bf16.f32 v2;
	v3 =	vadd.bf16 v4, v3  }
0xe4: {  	v2 =	vunpack.i.l.bf16.f32 v2;
	[tilespmem:s17+$0x400] =	vst v5  }
0xe5: {  	[tilespmem:s17+$0x0] =	vst v2;
	v2 =	vunpack.i.l.bf16.f32 v3  }
0xe6: {  	v3 =	vunpack.i.u.bf16.f32 v3;
	[tilespmem:s6+$0x10] =	vst v2  }
0xe7: {  	v5 =	vld [tilespmem:s18+$0xFFFFFF90];
	[tilespmem:s6+$0x410] =	vst v3  }
0xe8: {  	v3 =	vld [tilespmem:s18+$0xFFFFF020]  }
0xe9: {  	v4 =	vld [tilespmem:s18+$0x20]  }
0xea: {  	v2 =	vld [tilespmem:s18+$0xFFFFEF90]  }
0xeb: {  	v6 =	vld [tilespmem:s18+$0x1020];
	_ =	sdelay $0x1  }
0xec: {  	v7 =	vld [tilespmem:s18+$0xF90]  }
0xed: {  	v3 =	vmul.bf16 v12, v3;
	v4 =	vmul.bf16 v13, v4  }
0xee: {  	v5 =	vmul.bf16 v0, v5  }
0xef: {  	v2 =	vmul.bf16 v15, v2;
	v3 =	vadd.bf16 v4, v3;
	v4 =	vmul.bf16 v11, v6  }
0xf0: {  	s23 =	sadd.s32 $0x0, s14  }
0xf1: {  	s0 =	sadd.s32 $0x2, s23;
	v2 =	vadd.bf16 v5, v2;
	v6 =	vmul.bf16 v1, v7;
	v3 =	vadd.bf16 v4, v3  }
0xf2: {  	s24 =	sadd.s32 $0x3, s23;
	v9 =	vmov s0  }
0xf3: {  	v4 =	vmov s24;
	v2 =	vadd.bf16 v6, v2;
	v6 =	vunpack.i.l.bf16.f32 v3  }
0xf4: {  	v10 =	vand.u32 $0x1E, v9;
	v5 =	vshll.u32 v4, $0x2;
	v3 =	vunpack.i.u.bf16.f32 v3;
	[tilespmem:s6+$0x20] =	vst v6  }
0xf5: {  	v4 =	vand.u32 $0x1F, v4;
	v5 =	vand.u32 $0x1E00, v5;
	v6 =	vunpack.i.l.bf16.f32 v2;
	[tilespmem:s6+$0x420] =	vst v3  }
0xf6: {  	v9 =	vshll.u32 v9, $0x2;
	v4 =	vor.u32 v4, v5;
	v2 =	vunpack.i.u.bf16.f32 v2;
	[tilespmem:s17+$0x10] =	vst v6;
	v5 =	vld [tilespmem:s18+$0xFFFFF030]  }
0xf7: {  	s19 =	simm.s32 $0x5180;
	v9 =	vand.u32 $0x1E00, v9;
	[tilespmem:s17+$0x410] =	vst v2;
	v2 =	vor.u32 $0x80, v4;
	v6 =	vld [tilespmem:s18+$0x30]  }
0xf8: {  	v9 =	vor.u32 v10, v9;
	v10 =	vld [tilespmem:s19+$0xFFFFF000];
	v3 =	vor.u32 $0x100, v4  }
0xf9: {  	v8 =	vld [tilespmem:s18+$0x1030]  }
0xfa: {  	v7 =	vld [tilespmem:s18+$0xFFFFEFA0]  }
0xfb: {  	v4 =	vld.idx.msk [tilespmem:v4+s2+$0x0], $0xffff  }
0xfc: {  	v2 =	vld.idx.msk [tilespmem:v2+s2+$0x0], $0xffff;
	v5 =	vmul.bf16 v12, v5;
	v6 =	vmul.bf16 v13, v6  }
0xfd: {  	v3 =	vld.idx.msk [tilespmem:v3+s2+$0x0], $0xffff  }
0xfe: {  	v5 =	vadd.bf16 v6, v5;
	v6 =	vmul.bf16 v11, v8;
	v8 =	vld [tilespmem:s19+$0x0]  }
0xff: {  	v16 =	vor.u32 $0x80, v9;
	v20 =	vor.u32 $0x100, v9;
	v19 =	vld [tilespmem:s18+$0xFFFFFFA0]  }
0x100: {  	v14 =	vand.u32 $0xFFFF0000, v4;
	v4 =	vshrl.u32 v4, $0x10;
	v5 =	vadd.bf16 v6, v5;
	v6 =	vld [tilespmem:s19+$0x1000]  }
0x101: {  	v14 =	vor.u32 v4, v14;
	v4 =	vand.u32 $0xFFFF0000, v2;
	v2 =	vshrl.u32 v2, $0x10  }
0x102: {  	v9 =	vld.idx.msk [tilespmem:v9+s2+$0x0], $0xffff;
	v7 =	vmul.bf16 v15, v7;
	v18 =	vand.u32 $0xFFFF0000, v3;
	v17 =	vor.u32 v2, v4  }
0x103: {  	v21 =	vld [tilespmem:s18+$0xFA0];
	v3 =	vshrl.u32 v3, $0x10;
	v4 =	vmul.bf16 v14, v10;
	v8 =	vmul.bf16 v17, v8  }
0x104: {  	v22 =	vunpack.i.l.bf16.f32 v5;
	v2 =	vld.idx.msk [tilespmem:v16+s2+$0x0], $0xffff;
	v5 =	vunpack.i.u.bf16.f32 v5;
	v18 =	vor.u32 v3, v18  }
0x105: {  	v3 =	vmul.bf16 v0, v19;
	v10 =	vld [tilespmem:s19+$0xFFFFEF80];
	[tilespmem:s6+$0x430] =	vst v5;
	v4 =	vadd.bf16 v8, v4;
	v5 =	vmul.bf16 v18, v6  }
0x106: {  	s26 =	simm.s32 $0x200;
	v19 =	vld [tilespmem:s19+$0xFFFFFF80];
	[tilespmem:s6+$0x30] =	vst v22  }
0x107: {  	s28 =	simm.s32 $0x180;
	s0 =	sand.u32 $0x1800, s26;
	v3 =	vadd.bf16 v3, v7;
	v7 =	vld [tilespmem:s18+$0x40];
	v4 =	vadd.bf16 v5, v4  }
0x108: {  	s1 =	sand.u32 $0x380, s28;
	s0 =	sor.u32 $0x10000, s0;
	v6 =	vld [tilespmem:s18+$0xFFFFF040];
	v8 =	vmul.bf16 v1, v21  }
0x109: {  	s7 =	sor.u32 s1, s0;
	v5 =	vld.idx.msk [tilespmem:v20+s2+$0x0], $0xffff;
	v16 =	vunpack.i.l.bf16.f32 v4  }
0x10a: {  	v8 =	vadd.bf16 v8, v3;
	v3 =	vld [tilespmem:s18+$0x1040];
	v4 =	vunpack.i.u.bf16.f32 v4;
	[tilespmem:s7+$0x0] =	vst v16  }
0x10b: {  	v20 =	vld [tilespmem:s19+$0xF80];
	v21 =	vshrl.u32 v2, $0x10;
	[tilespmem:s7+$0x400] =	vst v4  }
0x10c: {  	v7 =	vmul.bf16 v13, v7;
	v16 =	vunpack.i.u.bf16.f32 v8;
	v4 =	vand.u32 $0xFFFF0000, v2;
	v22 =	vld [tilespmem:s19+$0xFFFFF010]  }
0x10d: {  	v2 =	vand.u32 $0xFFFF0000, v9;
	v9 =	vshrl.u32 v9, $0x10;
	v6 =	vmul.bf16 v12, v6;
	v23 =	vld [tilespmem:s19+$0x10]  }
0x10e: {  	v2 =	vor.u32 v9, v2;
	v4 =	vor.u32 v21, v4;
	v9 =	vand.u32 $0xFFFF0000, v5  }
0x10f: {  	v6 =	vadd.bf16 v7, v6;
	v7 =	vmul.bf16 v11, v3;
	v3 =	vshrl.u32 v5, $0x10;
	v5 =	vld [tilespmem:s19+$0x1010]  }
0x110: {  	v10 =	vmul.bf16 v2, v10;
	v19 =	vmul.bf16 v4, v19;
	v3 =	vor.u32 v3, v9  }
0x111: {  	v8 =	vunpack.i.l.bf16.f32 v8;
	v6 =	vadd.bf16 v7, v6;
	v7 =	vmul.bf16 v3, v20  }
0x112: {  	[tilespmem:s17+$0x420] =	vst v16;
	v9 =	vadd.bf16 v19, v10;
	v10 =	vmul.bf16 v14, v22;
	v16 =	vmul.bf16 v17, v23  }
0x113: {  	[tilespmem:s17+$0x20] =	vst v8;
	v8 =	vunpack.i.l.bf16.f32 v6  }
0x114: {  	s29 =	simm.s32 $0x100;
	v19 =	vld [tilespmem:s18+$0xFFFFEFB0];
	v7 =	vadd.bf16 v7, v9;
	v5 =	vmul.bf16 v18, v5;
	v9 =	vadd.bf16 v16, v10  }
0x115: {  	s1 =	sand.u32 $0x300, s29;
	v6 =	vunpack.i.u.bf16.f32 v6;
	[tilespmem:s6+$0x40] =	vst v8;
	v10 =	vld [tilespmem:s18+$0xFFFFFFB0]  }
0x116: {  	s20 =	sor.u32 s1, s0;
	v8 =	vld [tilespmem:s18+$0xFB0];
	[tilespmem:s6+$0x440] =	vst v6;
	v6 =	vunpack.i.u.bf16.f32 v7;
	v5 =	vadd.bf16 v5, v9  }
0x117: {  	v7 =	vunpack.i.l.bf16.f32 v7;
	[tilespmem:s20+$0x400] =	vst v6;
	v6 =	vld [tilespmem:s18+$0x50]  }
0x118: {  	[tilespmem:s20+$0x0] =	vst v7;
	v9 =	vld [tilespmem:s18+$0xFFFFF050];
	v7 =	vunpack.i.l.bf16.f32 v5  }
0x119: {  	v16 =	vld [tilespmem:s18+$0x1050];
	v5 =	vunpack.i.u.bf16.f32 v5;
	[tilespmem:s7+$0x10] =	vst v7  }
0x11a: {  	v20 =	vld [tilespmem:s19+$0xFFFFFF90];
	v7 =	vmul.bf16 v15, v19;
	v10 =	vmul.bf16 v0, v10;
	[tilespmem:s7+$0x410] =	vst v5  }
0x11b: {  	v5 =	vld [tilespmem:s19+$0xFFFFF020]  }
0x11c: {  	v8 =	vmul.bf16 v1, v8;
	v7 =	vadd.bf16 v10, v7;
	v10 =	vld [tilespmem:s19+$0x20]  }
0x11d: {  	v19 =	vld [tilespmem:s19+$0xFFFFEF90];
	v6 =	vmul.bf16 v13, v6;
	v9 =	vmul.bf16 v12, v9  }
0x11e: {  	v7 =	vadd.bf16 v8, v7;
	v8 =	vld [tilespmem:s19+$0x1020]  }
0x11f: {  	v6 =	vadd.bf16 v6, v9;
	v9 =	vmul.bf16 v11, v16  }
0x120: {  	v21 =	vld [tilespmem:s19+$0xF90];
	v16 =	vunpack.i.l.bf16.f32 v7  }
0x121: {  	v6 =	vadd.bf16 v9, v6;
	v5 =	vmul.bf16 v14, v5;
	v9 =	vmul.bf16 v17, v10  }
0x122: {  	v7 =	vunpack.i.u.bf16.f32 v7;
	[tilespmem:s17+$0x30] =	vst v16;
	v10 =	vmul.bf16 v2, v19;
	v16 =	vmul.bf16 v4, v20  }
0x123: {  	s21 =	simm.s32 $0x5280;
	[tilespmem:s17+$0x430] =	vst v7;
	v7 =	vunpack.i.l.bf16.f32 v6;
	v5 =	vadd.bf16 v9, v5;
	v8 =	vmul.bf16 v18, v8  }
0x124: {  	v29 =	vld [tilespmem:s21+$0x1000];
	v6 =	vunpack.i.u.bf16.f32 v6;
	[tilespmem:s6+$0x50] =	vst v7  }
0x125: {  	v57 =	vld [tilespmem:s21+$0xFFFFEF80];
	v7 =	vmul.bf16 v3, v21;
	v10 =	vadd.bf16 v16, v10;
	[tilespmem:s6+$0x450] =	vst v6;
	v5 =	vadd.bf16 v8, v5  }
0x126: {  	s12 =	sadd.s32 $0x2, s14;
	v6 =	vld [tilespmem:s18+$0xFFFFF060]  }
0x127: {  	s13 =	sadd.s32 $0x3, s12;
	v7 =	vadd.bf16 v7, v10;
	v8 =	vld [tilespmem:s18+$0x60];
	v10 =	vunpack.i.l.bf16.f32 v5  }
0x128: {  	v20 =	vld [tilespmem:s18+$0xFFFFFFC0];
	v16 =	vmov s13;
	v5 =	vunpack.i.u.bf16.f32 v5;
	[tilespmem:s7+$0x20] =	vst v10  }
0x129: {  	v19 =	vshll.u32 v16, $0x2;
	v22 =	vld [tilespmem:s18+$0x1060];
	v10 =	vunpack.i.l.bf16.f32 v7;
	[tilespmem:s7+$0x420] =	vst v5  }
0x12a: {  	v5 =	vunpack.i.u.bf16.f32 v7;
	v7 =	vand.u32 $0x1F, v16;
	[tilespmem:s20+$0x10] =	vst v10;
	v10 =	vand.u32 $0x1E00, v19;
	v16 =	vld [tilespmem:s19+$0xFFFFF030]  }
0x12b: {  	[tilespmem:s20+$0x410] =	vst v5;
	v5 =	vor.u32 v7, v10;
	v7 =	vld [tilespmem:s19+$0x30]  }
0x12c: {  	s0 =	sadd.s32 $0x2, s12;
	v6 =	vmul.bf16 v12, v6;
	v25 =	vld [tilespmem:s19+$0x1030];
	v8 =	vmul.bf16 v13, v8;
	v19 =	vor.u32 $0x100, v5  }
0x12d: {  	v23 =	vmov s0;
	v10 =	vld [tilespmem:s19+$0xFFFFEFA0];
	v24 =	vor.u32 $0x80, v5  }
0x12e: {  	v26 =	vshll.u32 v23, $0x2;
	v27 =	vld [tilespmem:s19+$0xFFFFFFA0];
	v6 =	vadd.bf16 v8, v6;
	v8 =	vmul.bf16 v11, v22  }
0x12f: {  	v26 =	vand.u32 $0x1E00, v26;
	v22 =	vand.u32 $0x1E, v23;
	v23 =	vld [tilespmem:s19+$0xFA0]  }
0x130: {  	v6 =	vadd.bf16 v8, v6;
	v8 =	vmul.bf16 v14, v16;
	v5 =	vld.idx.msk [tilespmem:v5+s2+$0x0], $0xffff;
	v7 =	vmul.bf16 v17, v7  }
0x131: {  	v22 =	vor.u32 v22, v26;
	v26 =	vld.idx.msk [tilespmem:v19+s2+$0x0], $0xffff  }
0x132: {  	v10 =	vmul.bf16 v2, v10;
	v24 =	vld.idx.msk [tilespmem:v24+s2+$0x0], $0xffff;
	v7 =	vadd.bf16 v7, v8;
	v8 =	vmul.bf16 v18, v25  }
0x133: {  	s16 =	simm.s32 $0x400;
	v16 =	vunpack.i.l.bf16.f32 v6;
	v19 =	vmul.bf16 v4, v27;
	v6 =	vunpack.i.u.bf16.f32 v6;
	v27 =	vld [tilespmem:s21+$0xFFFFF000]  }
0x134: {  	s22 =	simm.s32 $0x280;
	s23 =	simm.s32 $0x200;
	s0 =	sand.u32 $0x1800, s16;
	v20 =	vmul.bf16 v0, v20;
	[tilespmem:s6+$0x460] =	vst v6;
	v6 =	vld [tilespmem:s21+$0x0];
	v7 =	vadd.bf16 v8, v7  }
0x135: {  	s1 =	sand.u32 $0x380, s22;
	s24 =	sadd.s32 $0x4, s14;
	s0 =	sor.u32 $0x10000, s0;
	v9 =	vld [tilespmem:s18+$0xFFFFEFC0];
	v25 =	vor.u32 $0x80, v22;
	v23 =	vmul.bf16 v3, v23;
	v10 =	vadd.bf16 v19, v10  }
0x136: {  	v58 =	vld [tilespmem:s21+$0xF80];
	s26 =	sadd.s32 $0x3, s24;
	s22 =	sor.u32 s1, s0;
	s1 =	sand.u32 $0x300, s23;
	v28 =	vand.u32 $0xFFFF0000, v5;
	v5 =	vshrl.u32 v5, $0x10;
	v30 =	vunpack.i.l.bf16.f32 v7  }
0x137: {  	s23 =	sor.u32 s1, s0;
	s0 =	sadd.s32 $0x2, s24;
	s24 =	simm.s32 $0x5380;
	v21 =	vld [tilespmem:s18+$0xFC0];
	[tilespmem:s6+$0x60] =	vst v16;
	v31 =	vand.u32 $0xFFFF0000, v24;
	v24 =	vshrl.u32 v24, $0x10;
	v32 =	vunpack.i.u.bf16.f32 v7  }
0x138: {  	v35 =	vld [tilespmem:s24+$0x0];
	v5 =	vor.u32 v5, v28;
	v56 =	vand.u32 $0xFFFF0000, v26;
	[tilespmem:s7+$0x30] =	vst v30;
	v7 =	vor.u32 v24, v31  }
0x139: {  	v16 =	vld [tilespmem:s18+$0xFFFFF070];
	[tilespmem:s7+$0x430] =	vst v32;
	v24 =	vshrl.u32 v26, $0x10;
	v26 =	vmul.bf16 v5, v27;
	v27 =	vmul.bf16 v7, v6  }
0x13a: {  	v9 =	vmul.bf16 v15, v9;
	v8 =	vor.u32 $0x100, v22;
	v30 =	vld [tilespmem:s19+$0xFFFFF040];
	v6 =	vor.u32 v24, v56  }
0x13b: {  	v10 =	vadd.bf16 v23, v10;
	v24 =	vld [tilespmem:s19+$0x40];
	v23 =	vadd.bf16 v27, v26;
	v26 =	vmul.bf16 v6, v29  }
0x13c: {  	v9 =	vadd.bf16 v20, v9;
	v20 =	vmul.bf16 v1, v21;
	v21 =	vld [tilespmem:s19+$0x1040]  }
0x13d: {  	v22 =	vld.idx.msk [tilespmem:v22+s2+$0x0], $0xffff;
	v27 =	vunpack.i.u.bf16.f32 v10;
	v23 =	vadd.bf16 v26, v23  }
0x13e: {  	v25 =	vld.idx.msk [tilespmem:v25+s2+$0x0], $0xffff;
	v10 =	vunpack.i.l.bf16.f32 v10;
	[tilespmem:s20+$0x420] =	vst v27  }
0x13f: {  	v9 =	vadd.bf16 v20, v9;
	v20 =	vld.idx.msk [tilespmem:v8+s2+$0x0], $0xffff;
	[tilespmem:s20+$0x20] =	vst v10;
	v8 =	vunpack.i.l.bf16.f32 v23  }
0x140: {  	v10 =	vld [tilespmem:s21+$0xFFFFFF80];
	v26 =	vmul.bf16 v14, v30;
	v24 =	vmul.bf16 v17, v24;
	v23 =	vunpack.i.u.bf16.f32 v23;
	[tilespmem:s22+$0x0] =	vst v8  }
0x141: {  	v59 =	vunpack.i.l.bf16.f32 v9;
	v27 =	vunpack.i.u.bf16.f32 v9;
	v60 =	vld [tilespmem:s19+$0xFFFFEFB0];
	v21 =	vmul.bf16 v18, v21;
	[tilespmem:s22+$0x400] =	vst v23  }
0x142: {  	v9 =	vadd.bf16 v24, v26;
	v8 =	vand.u32 $0xFFFF0000, v22;
	v22 =	vshrl.u32 v22, $0x10;
	v24 =	vld [tilespmem:s21+$0xFFFFF010]  }
0x143: {  	v23 =	vand.u32 $0xFFFF0000, v25;
	v25 =	vshrl.u32 v25, $0x10;
	v8 =	vor.u32 v22, v8;
	v22 =	vld [tilespmem:s21+$0x10]  }
0x144: {  	v26 =	vand.u32 $0xFFFF0000, v20;
	v21 =	vadd.bf16 v21, v9;
	v9 =	vor.u32 v25, v23;
	v25 =	vld [tilespmem:s19+$0xFFFFFFB0]  }
0x145: {  	[tilespmem:s17+$0x440] =	vst v27;
	v20 =	vshrl.u32 v20, $0x10;
	v61 =	vld [tilespmem:s21+$0x1010];
	v23 =	vmul.bf16 v8, v57;
	v27 =	vmul.bf16 v9, v10  }
0x146: {  	[tilespmem:s17+$0x40] =	vst v59;
	v19 =	vld [tilespmem:s18+$0x70];
	v10 =	vor.u32 v20, v26;
	v62 =	vunpack.i.l.bf16.f32 v21  }
0x147: {  	v63 =	vld [tilespmem:s19+$0xFB0];
	v20 =	vunpack.i.u.bf16.f32 v21;
	[tilespmem:s7+$0x40] =	vst v62;
	v21 =	vadd.bf16 v27, v23;
	v23 =	vmul.bf16 v10, v58  }
0x148: {  	v36 =	vld [tilespmem:s18+$0xFFFFFFD0];
	[tilespmem:s7+$0x440] =	vst v20;
	v20 =	vmul.bf16 v5, v24;
	v22 =	vmul.bf16 v7, v22  }
0x149: {  	v27 =	vmul.bf16 v2, v60;
	v24 =	vld [tilespmem:s19+$0xFFFFF050];
	v25 =	vmul.bf16 v4, v25;
	v21 =	vadd.bf16 v23, v21  }
0x14a: {  	v23 =	vld [tilespmem:s19+$0x50];
	v20 =	vadd.bf16 v22, v20;
	v22 =	vmul.bf16 v6, v61  }
0x14b: {  	v26 =	vld [tilespmem:s18+$0xFFFFEFD0];
	v25 =	vadd.bf16 v25, v27;
	v27 =	vunpack.i.u.bf16.f32 v21  }
0x14c: {  	v37 =	vmul.bf16 v3, v63;
	v30 =	vld [tilespmem:s19+$0x1050];
	v21 =	vunpack.i.l.bf16.f32 v21;
	[tilespmem:s23+$0x400] =	vst v27;
	v20 =	vadd.bf16 v22, v20  }
0x14d: {  	v38 =	vld [tilespmem:s18+$0xFD0];
	[tilespmem:s23+$0x0] =	vst v21  }
0x14e: {  	v25 =	vadd.bf16 v37, v25;
	v21 =	vld [tilespmem:s21+$0xFFFFEF90];
	v27 =	vunpack.i.l.bf16.f32 v20  }
0x14f: {  	v24 =	vmul.bf16 v14, v24;
	v40 =	vld [tilespmem:s21+$0xFFFFFF90];
	v23 =	vmul.bf16 v17, v23;
	v20 =	vunpack.i.u.bf16.f32 v20;
	[tilespmem:s22+$0x10] =	vst v27  }
0x150: {  	v39 =	vmul.bf16 v0, v36;
	v26 =	vmul.bf16 v15, v26;
	v41 =	vld [tilespmem:s21+$0xF90];
	v27 =	vunpack.i.l.bf16.f32 v25;
	[tilespmem:s22+$0x410] =	vst v20  }
0x151: {  	v20 =	vadd.bf16 v23, v24;
	v23 =	vmul.bf16 v18, v30;
	v24 =	vunpack.i.u.bf16.f32 v25;
	[tilespmem:s20+$0x30] =	vst v27;
	v27 =	vld [tilespmem:s21+$0xFFFFF020]  }
0x152: {  	v26 =	vadd.bf16 v39, v26;
	v25 =	vmul.bf16 v1, v38;
	[tilespmem:s20+$0x430] =	vst v24;
	v24 =	vld [tilespmem:s21+$0x20]  }
0x153: {  	v57 =	vld [tilespmem:s24+$0xFFFFF000];
	v20 =	vadd.bf16 v23, v20  }
0x154: {  	v42 =	vld [tilespmem:s21+$0x1020];
	v25 =	vadd.bf16 v25, v26;
	v21 =	vmul.bf16 v8, v21;
	v26 =	vmul.bf16 v9, v40  }
0x155: {  	v22 =	vld [tilespmem:s18+$0x1070];
	v46 =	vmul.bf16 v10, v41;
	v43 =	vunpack.i.l.bf16.f32 v20  }
0x156: {  	v23 =	vld [tilespmem:s19+$0xFFFFEFC0];
	v20 =	vunpack.i.u.bf16.f32 v20;
	v45 =	vunpack.i.l.bf16.f32 v25;
	v21 =	vadd.bf16 v26, v21;
	[tilespmem:s7+$0x50] =	vst v43  }
0x157: {  	v44 =	vld [tilespmem:s19+$0xFFFFFFC0];
	[tilespmem:s7+$0x450] =	vst v20;
	v20 =	vunpack.i.u.bf16.f32 v25;
	v25 =	vmul.bf16 v5, v27;
	v24 =	vmul.bf16 v7, v24  }
0x158: {  	v26 =	vld [tilespmem:s19+$0xFFFFF060];
	[tilespmem:s17+$0x450] =	vst v20;
	v20 =	vadd.bf16 v46, v21  }
0x159: {  	v21 =	vld [tilespmem:s19+$0x60];
	v24 =	vadd.bf16 v24, v25;
	v25 =	vmul.bf16 v6, v42  }
0x15a: {  	v48 =	vmov s26;
	v47 =	vld [tilespmem:s19+$0xFC0];
	[tilespmem:s17+$0x50] =	vst v45;
	v49 =	vunpack.i.u.bf16.f32 v20;
	v20 =	vunpack.i.l.bf16.f32 v20  }
0x15b: {  	v50 =	vshll.u32 v48, $0x2;
	v33 =	vld [tilespmem:s19+$0x1060];
	[tilespmem:s23+$0x10] =	vst v20;
	v24 =	vadd.bf16 v25, v24  }
0x15c: {  	v51 =	vand.u32 $0x1E00, v50;
	v12 =	vmul.bf16 v12, v16;
	v27 =	vld [tilespmem:s18+$0xFFFFEFE0];
	v20 =	vand.u32 $0x1F, v48;
	[tilespmem:s23+$0x410] =	vst v49  }
0x15d: {  	v13 =	vmul.bf16 v13, v19;
	v20 =	vor.u32 v20, v51;
	v28 =	vld [tilespmem:s21+$0xFFFFEFA0];
	v52 =	vunpack.i.l.bf16.f32 v24  }
0x15e: {  	v16 =	vld [tilespmem:s21+$0xFFFFFFA0];
	v26 =	vmul.bf16 v14, v26;
	v21 =	vmul.bf16 v17, v21;
	v19 =	vunpack.i.u.bf16.f32 v24;
	[tilespmem:s22+$0x20] =	vst v52  }
0x15f: {  	v12 =	vadd.bf16 v13, v12;
	v11 =	vmul.bf16 v11, v22;
	v24 =	vld [tilespmem:s21+$0xFA0];
	[tilespmem:s22+$0x420] =	vst v19  }
0x160: {  	v30 =	vmul.bf16 v4, v44;
	v19 =	vadd.bf16 v21, v26;
	v21 =	vmul.bf16 v18, v33;
	v22 =	vld [tilespmem:s21+$0xFFFFF030]  }
0x161: {  	v32 =	vmul.bf16 v3, v47;
	v53 =	vor.u32 $0x100, v20;
	v13 =	vor.u32 $0x80, v20;
	v26 =	vld [tilespmem:s21+$0x30]  }
0x162: {  	v27 =	vmul.bf16 v15, v27;
	v54 =	vld [tilespmem:s21+$0x1030];
	v21 =	vadd.bf16 v21, v19;
	v19 =	vadd.bf16 v11, v12  }
0x163: {  	v11 =	vmov s0;
	v12 =	vld.idx.msk [tilespmem:v20+s2+$0x0], $0xffff;
	v20 =	vmul.bf16 v2, v23;
	v28 =	vmul.bf16 v8, v28  }
0x164: {  	v34 =	vld [tilespmem:s18+$0xFFFFFFE0];
	v16 =	vmul.bf16 v9, v16;
	v23 =	vshll.u32 v11, $0x2;
	v11 =	vand.u32 $0x1E, v11  }
0x165: {  	v25 =	vld [tilespmem:s18+$0xFE0];
	v55 =	vunpack.i.l.bf16.f32 v21;
	v23 =	vand.u32 $0x1E00, v23;
	v21 =	vunpack.i.u.bf16.f32 v21  }
0x166: {  	v13 =	vld.idx.msk [tilespmem:v13+s2+$0x0], $0xffff;
	v11 =	vor.u32 v11, v23;
	v22 =	vmul.bf16 v5, v22;
	v23 =	vmul.bf16 v7, v26  }
0x167: {  	v42 =	vld [tilespmem:s24+$0xFFFFFF80];
	v20 =	vadd.bf16 v30, v20;
	v24 =	vmul.bf16 v10, v24;
	v16 =	vadd.bf16 v16, v28;
	[tilespmem:s7+$0x60] =	vst v55  }
0x168: {  	v29 =	vld.idx.msk [tilespmem:v53+s2+$0x0], $0xffff;
	[tilespmem:s7+$0x460] =	vst v21;
	v21 =	vor.u32 $0x80, v11;
	v22 =	vadd.bf16 v23, v22;
	v23 =	vmul.bf16 v6, v54  }
0x169: {  	v58 =	vmul.bf16 v0, v34;
	v26 =	vld [tilespmem:s19+$0xFFFFF070];
	v60 =	vor.u32 $0x100, v11;
	v16 =	vadd.bf16 v24, v16  }
0x16a: {  	v56 =	vld [tilespmem:s19+$0x70];
	v20 =	vadd.bf16 v32, v20;
	v24 =	vand.u32 $0xFFFF0000, v12;
	v22 =	vadd.bf16 v23, v22  }
0x16b: {  	v12 =	vshrl.u32 v12, $0x10;
	v23 =	vmul.bf16 v1, v25;
	v25 =	vadd.bf16 v58, v27;
	v27 =	vld [tilespmem:s24+$0x1000]  }
0x16c: {  	v62 =	vshrl.u32 v13, $0x10;
	v44 =	vunpack.i.u.bf16.f32 v20;
	v36 =	vld.idx.msk [tilespmem:v11+s2+$0x0], $0xffff;
	v61 =	vunpack.i.l.bf16.f32 v22  }
0x16d: {  	v20 =	vunpack.i.l.bf16.f32 v20;
	v11 =	vand.u32 $0xFFFF0000, v13;
	v21 =	vld.idx.msk [tilespmem:v21+s2+$0x0], $0xffff;
	v22 =	vunpack.i.u.bf16.f32 v22;
	[tilespmem:s22+$0x30] =	vst v61  }
0x16e: {  	v13 =	vor.u32 v12, v24;
	v12 =	vand.u32 $0xFFFF0000, v29;
	v11 =	vor.u32 v62, v11;
	v38 =	vld.idx.msk [tilespmem:v60+s2+$0x0], $0xffff;
	[tilespmem:s22+$0x430] =	vst v22  }
0x16f: {  	v63 =	vmul.bf16 v13, v57;
	v31 =	vmul.bf16 v11, v35;
	v22 =	vshrl.u32 v29, $0x10;
	v37 =	vld [tilespmem:s21+$0xFFFFF040]  }
0x170: {  	v26 =	vmul.bf16 v14, v26;
	v23 =	vadd.bf16 v23, v25;
	v12 =	vor.u32 v22, v12;
	v22 =	vld [tilespmem:s21+$0x40]  }
0x171: {  	v24 =	vld [tilespmem:s24+$0xFFFFEF80];
	v25 =	vunpack.i.u.bf16.f32 v16;
	v29 =	vadd.bf16 v31, v63;
	v27 =	vmul.bf16 v12, v27  }
0x172: {  	s1 =	simm.s32 $0x600;
	v16 =	vunpack.i.l.bf16.f32 v16;
	[tilespmem:s23+$0x420] =	vst v25;
	v40 =	vld [tilespmem:s21+$0x1040];
	v25 =	vand.u32 $0xFFFF0000, v36;
	v41 =	vshrl.u32 v36, $0x10  }
0x173: {  	s26 =	simm.s32 $0x380;
	s28 =	sand.u32 $0x1800, s1;
	v59 =	vld [tilespmem:s19+$0x1070];
	v39 =	vand.u32 $0xFFFF0000, v21;
	v21 =	vshrl.u32 v21, $0x10;
	v27 =	vadd.bf16 v27, v29  }
0x174: {  	s29 =	sand.u32 $0x380, s26;
	s12 =	sor.u32 $0x10000, s28;
	[tilespmem:s23+$0x20] =	vst v16;
	v14 =	vor.u32 v41, v25;
	v46 =	vand.u32 $0xFFFF0000, v38;
	v16 =	vor.u32 v21, v39;
	v21 =	vld [tilespmem:s24+$0xF80]  }
0x175: {  	s0 =	sor.u32 s29, s12;
	v43 =	vld [tilespmem:s21+$0xFFFFEFB0];
	v25 =	vunpack.i.l.bf16.f32 v27;
	v33 =	vmul.bf16 v5, v37;
	v22 =	vmul.bf16 v7, v22  }
0x176: {  	v32 =	vshrl.u32 v38, $0x10;
	v24 =	vmul.bf16 v14, v24;
	v27 =	vunpack.i.u.bf16.f32 v27;
	[tilespmem:s0+$0x0] =	vst v25;
	v25 =	vld [tilespmem:s21+$0xFFFFFFB0]  }
0x177: {  	v29 =	vmul.bf16 v16, v42;
	v45 =	vmul.bf16 v6, v40;
	[tilespmem:s0+$0x400] =	vst v27;
	v27 =	vld [tilespmem:s21+$0xFB0];
	v22 =	vadd.bf16 v22, v33  }
0x178: {  	[tilespmem:s20+$0x40] =	vst v20;
	v20 =	vmul.bf16 v17, v56;
	v17 =	vor.u32 v32, v46;
	v47 =	vld [tilespmem:s24+$0xFFFFF010]  }
0x179: {  	[tilespmem:s20+$0x440] =	vst v44;
	v24 =	vadd.bf16 v29, v24;
	v48 =	vld [tilespmem:s24+$0x10];
	v21 =	vmul.bf16 v17, v21;
	v22 =	vadd.bf16 v45, v22  }
0x17a: {  	v49 =	vunpack.i.u.bf16.f32 v19;
	v50 =	vld [tilespmem:s19+$0xFFFFEFD0];
	v20 =	vadd.bf16 v20, v26  }
0x17b: {  	[tilespmem:s6+$0x470] =	vst v49;
	v53 =	vunpack.i.u.bf16.f32 v23;
	v51 =	vld [tilespmem:s24+$0x1010];
	v21 =	vadd.bf16 v21, v24;
	v52 =	vunpack.i.l.bf16.f32 v22  }
0x17c: {  	s16 =	simm.s32 $0x300;
	v26 =	vmul.bf16 v8, v43;
	v24 =	vld [tilespmem:s19+$0xFFFFFFD0];
	v25 =	vmul.bf16 v9, v25;
	v22 =	vunpack.i.u.bf16.f32 v22;
	[tilespmem:s22+$0x40] =	vst v52  }
0x17d: {  	s16 =	sand.u32 $0x300, s16;
	v23 =	vunpack.i.l.bf16.f32 v23;
	v27 =	vmul.bf16 v10, v27;
	[tilespmem:s22+$0x440] =	vst v22;
	v22 =	vld [tilespmem:s19+$0xFD0];
	v55 =	vunpack.i.u.bf16.f32 v21  }
0x17e: {  	s12 =	sor.u32 s16, s12;
	[tilespmem:s17+$0x60] =	vst v23;
	v23 =	vadd.bf16 v25, v26;
	v25 =	vmul.bf16 v13, v47;
	v26 =	vmul.bf16 v11, v48;
	v54 =	vld [tilespmem:s21+$0xFFFFF050]  }
0x17f: {  	v19 =	vunpack.i.l.bf16.f32 v19;
	v18 =	vmul.bf16 v18, v59;
	v21 =	vunpack.i.l.bf16.f32 v21;
	v56 =	vld [tilespmem:s21+$0x50];
	[tilespmem:s12+$0x400] =	vst v55  }
0x180: {  	[tilespmem:s12+$0x0] =	vst v21;
	v21 =	vld [tilespmem:s21+$0x1050];
	v23 =	vadd.bf16 v27, v23;
	v25 =	vadd.bf16 v26, v25;
	v26 =	vmul.bf16 v12, v51  }
0x181: {  	[tilespmem:s17+$0x460] =	vst v53;
	v57 =	vmul.bf16 v2, v50;
	v18 =	vadd.bf16 v18, v20;
	v20 =	vld [tilespmem:s24+$0xFFFFEF90];
	v24 =	vmul.bf16 v4, v24  }
0x182: {  	[tilespmem:s6+$0x70] =	vst v19;
	v27 =	vld [tilespmem:s18+$0xFFFFEFF0];
	v19 =	vunpack.i.l.bf16.f32 v23;
	v25 =	vadd.bf16 v26, v25  }
0x183: {  	v23 =	vunpack.i.u.bf16.f32 v23;
	v24 =	vadd.bf16 v24, v57;
	[tilespmem:s23+$0x30] =	vst v19;
	v19 =	vmul.bf16 v3, v22;
	v22 =	vld [tilespmem:s24+$0xFFFFFF90]  }
0x184: {  	v26 =	vld [tilespmem:s24+$0xF90];
	[tilespmem:s23+$0x430] =	vst v23;
	v58 =	vmul.bf16 v5, v54;
	v59 =	vmul.bf16 v7, v56;
	v23 =	vunpack.i.l.bf16.f32 v25  }
0x185: {  	v60 =	vunpack.i.u.bf16.f32 v18;
	v25 =	vunpack.i.u.bf16.f32 v25;
	v61 =	vld [tilespmem:s21+$0xFFFFEFC0];
	[tilespmem:s0+$0x10] =	vst v23  }
0x186: {  	v21 =	vmul.bf16 v6, v21;
	v62 =	vld [tilespmem:s21+$0xFFFFFFC0];
	v19 =	vadd.bf16 v19, v24;
	[tilespmem:s0+$0x410] =	vst v25;
	v24 =	vadd.bf16 v59, v58  }
0x187: {  	v18 =	vunpack.i.l.bf16.f32 v18;
	[tilespmem:s7+$0x470] =	vst v60;
	v63 =	vmul.bf16 v14, v20;
	v23 =	vld [tilespmem:s24+$0xFFFFF020]  }
0x188: {  	[tilespmem:s7+$0x70] =	vst v18;
	v25 =	vld [tilespmem:s24+$0x20];
	v18 =	vunpack.i.l.bf16.f32 v19;
	v21 =	vadd.bf16 v21, v24;
	v22 =	vmul.bf16 v16, v22  }
0x189: {  	v20 =	vld [tilespmem:s21+$0xFC0];
	v15 =	vmul.bf16 v15, v27;
	v19 =	vunpack.i.u.bf16.f32 v19;
	[tilespmem:s20+$0x50] =	vst v18  }
0x18a: {  	v26 =	vmul.bf16 v17, v26;
	v24 =	vld [tilespmem:s24+$0x1020];
	[tilespmem:s20+$0x450] =	vst v19;
	v18 =	vunpack.i.l.bf16.f32 v21;
	v19 =	vadd.bf16 v22, v63  }
0x18b: {  	v27 =	vunpack.i.u.bf16.f32 v21;
	v21 =	vmul.bf16 v8, v61;
	[tilespmem:s22+$0x50] =	vst v18;
	v18 =	vld [tilespmem:s19+$0xFFFFEFE0];
	v22 =	vmul.bf16 v9, v62  }
0x18c: {  	s16 =	sshll.u32 s15, $0x2;
	s6 =	simm.s32 $0x6;
	[tilespmem:s22+$0x450] =	vst v27;
	v26 =	vadd.bf16 v26, v19;
	v19 =	vld [tilespmem:s19+$0xFFFFFFE0]  }
.LBB2_5:
0x18d: {  	s7 =	sadd.s32 s6, s14;
	v23 =	vmul.bf16 v13, v23;
	v25 =	vmul.bf16 v11, v25;
	v21 =	vadd.bf16 v22, v21;
	v22 =	vld [tilespmem:s21+$0xFFFFF060]  }
0x18e: {  	s29 =	sadd.s32 $0x2, s7;
	s7 =	sadd.s32 $0x3, s7;
	v27 =	vunpack.i.u.bf16.f32 v26;
	v26 =	vunpack.i.l.bf16.f32 v26;
	v20 =	vmul.bf16 v10, v20;
	v28 =	vld [tilespmem:s21+$0x60]  }
0x18f: {  	v29 =	vmov s7;
	[tilespmem:s12+$0x10] =	vst v26;
	v23 =	vadd.bf16 v25, v23;
	v24 =	vmul.bf16 v12, v24;
	v25 =	vld [tilespmem:s19+$0xFE0]  }
0x190: {  	v26 =	vmov s29;
	v30 =	vshll.u32 v29, $0x2;
	[tilespmem:s12+$0x410] =	vst v27;
	v20 =	vadd.bf16 v20, v21;
	v21 =	vld [tilespmem:s21+$0x1060]  }
0x191: {  	v27 =	vand.u32 $0x1F, v29;
	v29 =	vand.u32 $0x1E00, v30;
	v30 =	vld [tilespmem:s24+$0xFFFFEFA0];
	v23 =	vadd.bf16 v24, v23  }
0x192: {  	v24 =	vand.u32 $0x1E, v26;
	v26 =	vshll.u32 v26, $0x2;
	v27 =	vor.u32 v27, v29;
	v29 =	vld [tilespmem:s24+$0xFFFFFFA0]  }
0x193: {  	v22 =	vmul.bf16 v5, v22;
	v31 =	vld [tilespmem:s24+$0xFA0];
	v32 =	vunpack.i.l.bf16.f32 v23;
	v28 =	vmul.bf16 v7, v28  }
0x194: {  	v26 =	vand.u32 $0x1E00, v26;
	v23 =	vunpack.i.u.bf16.f32 v23;
	[tilespmem:s0+$0x20] =	vst v32;
	v32 =	vunpack.i.u.bf16.f32 v20;
	v33 =	vld [tilespmem:s18+$0xFFFFFFF0]  }
0x195: {  	v34 =	vor.u32 $0x100, v27;
	[tilespmem:s0+$0x420] =	vst v23;
	v22 =	vadd.bf16 v28, v22;
	v21 =	vmul.bf16 v6, v21;
	v23 =	vld [tilespmem:s18+$0xFF0];
	s18 =	smov.u32 s19;
	s19 =	smov.u32 s21;
	s21 =	smov.u32 s24  }
0x196: {  	v24 =	vor.u32 v24, v26;
	v26 =	vor.u32 $0x80, v27;
	v28 =	vmul.bf16 v14, v30;
	v30 =	vld [tilespmem:s24+$0xFFFFF030];
	[tilespmem:s23+$0x440] =	vst v32  }
0x197: {  	v35 =	vor.u32 $0x100, v24;
	v32 =	vor.u32 $0x80, v24;
	v36 =	vld [tilespmem:s24+$0x30];
	v21 =	vadd.bf16 v21, v22  }
0x198: {  	v20 =	vunpack.i.l.bf16.f32 v20;
	v22 =	vld.idx.msk [tilespmem:v27+s2+$0x0], $0xffff;
	v27 =	vmul.bf16 v16, v29;
	v29 =	vmul.bf16 v17, v31  }
0x199: {  	v18 =	vmul.bf16 v2, v18;
	v19 =	vmul.bf16 v4, v19;
	v31 =	vld [tilespmem:s24+$0x1030];
	[tilespmem:s23+$0x40] =	vst v20;
	v20 =	vunpack.i.l.bf16.f32 v21  }
0x19a: {  	v21 =	vunpack.i.u.bf16.f32 v21;
	v34 =	vld.idx.msk [tilespmem:v34+s2+$0x0], $0xffff;
	v27 =	vadd.bf16 v27, v28;
	[tilespmem:s22+$0x60] =	vst v20;
	v20 =	vmul.bf16 v3, v25  }
0x19b: {  	v18 =	vadd.bf16 v19, v18;
	v19 =	vmul.bf16 v0, v33;
	v0 =	vmov v4;
	v25 =	vld.idx.msk [tilespmem:v26+s2+$0x0], $0xffff;
	[tilespmem:s22+$0x460] =	vst v21  }
0x19c: {  	v4 =	vmovc v9;
	v26 =	vmul.bf16 v13, v30;
	v21 =	vadd.bf16 v29, v27;
	v27 =	vmul.bf16 v11, v36;
	v28 =	vld [tilespmem:s19+$0xFFFFF070]  }
0x19d: {  	s24 =	sadd.s32 $0x100, s24;
	v9 =	vmovc v16;
	v15 =	vadd.bf16 v19, v15;
	v19 =	vmul.bf16 v1, v23;
	v18 =	vadd.bf16 v20, v18;
	v29 =	vld [tilespmem:s19+$0x70]  }
0x19e: {  	v1 =	vmovc v3;
	v3 =	vmovc v10;
	v16 =	vld [tilespmem:s24+$0xFFFFF000];
	v20 =	vunpack.i.u.bf16.f32 v21;
	v23 =	vadd.bf16 v27, v26;
	v26 =	vmul.bf16 v12, v31  }
0x19f: {  	v10 =	vmovc v17;
	v21 =	vunpack.i.l.bf16.f32 v21;
	v27 =	vunpack.i.u.bf16.f32 v18;
	v18 =	vunpack.i.l.bf16.f32 v18;
	[tilespmem:s12+$0x420] =	vst v20;
	v20 =	vld [tilespmem:s19+$0x1070]  }
0x1a0: {  	s6 =	sadd.s32 $0x2, s6;
	v17 =	vand.u32 $0xFFFF0000, v22;
	v22 =	vshrl.u32 v22, $0x10;
	v30 =	vld [tilespmem:s24+$0x0];
	[tilespmem:s12+$0x20] =	vst v21;
	v21 =	vadd.bf16 v26, v23  }
0x1a1: {  	p0 =	slt.u32 s6, $0x1E;
	v15 =	vadd.bf16 v19, v15;
	v17 =	vor.u32 v22, v17;
	v22 =	vand.u32 $0xFFFF0000, v34;
	v23 =	vld.idx.msk [tilespmem:v32+s2+$0x0], $0xffff;
	[tilespmem:s20+$0x60] =	vst v18  }
0x1a2: {  	v26 =	vmul.bf16 v5, v28;
	v5 =	vmovc v13;
	v18 =	vld [tilespmem:s24+$0x1000];
	v19 =	vunpack.i.l.bf16.f32 v21;
	v28 =	vmul.bf16 v7, v29;
	[tilespmem:s20+$0x460] =	vst v27  }
0x1a3: {  	v13 =	vmovc v17;
	v27 =	vand.u32 $0xFFFF0000, v25;
	v25 =	vshrl.u32 v25, $0x10;
	v21 =	vunpack.i.u.bf16.f32 v21;
	v7 =	vmovc v11;
	v24 =	vld.idx.msk [tilespmem:v24+s2+$0x0], $0xffff;
	[tilespmem:s0+$0x30] =	vst v19  }
0x1a4: {  	v11 =	vor.u32 v25, v27;
	v17 =	vld [tilespmem:s24+$0xFFFFEF80];
	[tilespmem:s0+$0x430] =	vst v21;
	v19 =	vadd.bf16 v28, v26;
	v20 =	vmul.bf16 v6, v20  }
0x1a5: {  	v16 =	vmul.bf16 v13, v16;
	v21 =	vshrl.u32 v34, $0x10;
	v6 =	vmovc v12;
	v25 =	vmul.bf16 v11, v30;
	v26 =	vld [tilespmem:s21+$0xFFFFF040]  }
0x1a6: {  	v12 =	vor.u32 v21, v22;
	v21 =	vld [tilespmem:s21+$0x40];
	v19 =	vadd.bf16 v20, v19;
	v20 =	vunpack.i.u.bf16.f32 v15  }
0x1a7: {  	v22 =	vand.u32 $0xFFFF0000, v23;
	v27 =	vld.idx.msk [tilespmem:v35+s2+$0x0], $0xffff;
	v16 =	vadd.bf16 v25, v16;
	v18 =	vmul.bf16 v12, v18;
	[tilespmem:s17+$0x470] =	vst v20  }
0x1a8: {  	s1 =	sadd.s32 $0x200, s1;
	v15 =	vunpack.i.l.bf16.f32 v15;
	v20 =	vshrl.u32 v23, $0x10;
	v23 =	vld [tilespmem:s21+$0x1040];
	v25 =	vunpack.i.u.bf16.f32 v19  }
0x1a9: {  	s26 =	sadd.s32 $0x100, s26;
	s7 =	sand.u32 $0x1800, s1;
	v28 =	vand.u32 $0xFFFF0000, v24;
	v24 =	vshrl.u32 v24, $0x10;
	v29 =	vld [tilespmem:s24+$0xFFFFFF80];
	v18 =	vadd.bf16 v18, v16;
	[tilespmem:s22+$0x470] =	vst v25  }
0x1aa: {  	s13 =	sand.u32 $0x380, s26;
	s29 =	sadd.s32 $0xFFFFFF80, s26;
	s7 =	sor.u32 $0x10000, s7;
	v19 =	vunpack.i.l.bf16.f32 v19;
	v24 =	vor.u32 v24, v28;
	v16 =	vor.u32 v20, v22;
	v20 =	vld [tilespmem:s24+$0xF80];
	[tilespmem:s17+$0x70] =	vst v15  }
0x1ab: {  	s17 =	sand.u32 $0x300, s29;
	v25 =	vmul.bf16 v5, v26;
	v15 =	vunpack.i.l.bf16.f32 v18;
	v22 =	vld [tilespmem:s21+$0xFFFFEFB0];
	v21 =	vmul.bf16 v7, v21;
	[tilespmem:s22+$0x70] =	vst v19;
	s22 =	smov.u32 s0;
	s0 =	sor.u32 s13, s7  }
0x1ac: {  	v19 =	vmul.bf16 v24, v17;
	s7 =	sor.u32 s17, s7;
	v17 =	vunpack.i.u.bf16.f32 v18;
	s17 =	smov.u32 s20;
	s20 =	smov.u32 s23;
	[tilespmem:s0+$0x0] =	vst v15;
	v15 =	vld [tilespmem:s21+$0xFFFFFFB0]  }
0x1ad: {  	s23 =	smov.u32 s12;
	v18 =	vand.u32 $0xFFFF0000, v27;
	s12 =	smov.u32 s7;
	[tilespmem:s0+$0x400] =	vst v17;
	v26 =	vld [tilespmem:s21+$0xFB0];
	v21 =	vadd.bf16 v21, v25;
	v23 =	vmul.bf16 v6, v23  }
0x1ae: {  	v17 =	vshrl.u32 v27, $0x10;
	v25 =	vmul.bf16 v16, v29;
	v27 =	vld [tilespmem:s24+$0xFFFFF010]  }
0x1af: {  	v17 =	vor.u32 v17, v18;
	v18 =	vld [tilespmem:s24+$0x10];
	v21 =	vadd.bf16 v23, v21  }
0x1b0: {  	v20 =	vmul.bf16 v17, v20;
	v19 =	vadd.bf16 v25, v19;
	v22 =	vmul.bf16 v14, v22;
	v23 =	vld [tilespmem:s19+$0xFFFFEFD0]  }
0x1b1: {  	v25 =	vld [tilespmem:s24+$0x1010];
	v15 =	vmul.bf16 v9, v15;
	v28 =	vunpack.i.l.bf16.f32 v21  }
0x1b2: {  	v21 =	vunpack.i.u.bf16.f32 v21;
	v19 =	vadd.bf16 v20, v19;
	v20 =	vmul.bf16 v10, v26;
	[tilespmem:s22+$0x40] =	vst v28;
	v26 =	vld [tilespmem:s19+$0xFFFFFFD0]  }
0x1b3: {  	v15 =	vadd.bf16 v15, v22;
	[tilespmem:s22+$0x440] =	vst v21;
	v21 =	vld [tilespmem:s19+$0xFD0]  }
0x1b4: {  	v27 =	vmul.bf16 v13, v27;
	v22 =	vunpack.i.u.bf16.f32 v19;
	v18 =	vmul.bf16 v11, v18;
	v28 =	vld [tilespmem:s21+$0xFFFFF050]  }
0x1b5: {  	v19 =	vunpack.i.l.bf16.f32 v19;
	[tilespmem:s12+$0x400] =	vst v22;
	v15 =	vadd.bf16 v20, v15;
	v20 =	vld [tilespmem:s21+$0x50];
	v22 =	vmul.bf16 v8, v23  }
0x1b6: {  	[tilespmem:s12+$0x0] =	vst v19;
	v18 =	vadd.bf16 v18, v27;
	v19 =	vmul.bf16 v12, v25;
	v23 =	vld [tilespmem:s18+$0xFFFFEFF0]  }
0x1b7: {  	v25 =	vunpack.i.u.bf16.f32 v15;
	v15 =	vunpack.i.l.bf16.f32 v15;
	v27 =	vld [tilespmem:s21+$0x1050];
	v26 =	vmul.bf16 v4, v26  }
0x1b8: {  	v29 =	vld [tilespmem:s24+$0xFFFFEF90];
	v18 =	vadd.bf16 v19, v18;
	[tilespmem:s23+$0x30] =	vst v15;
	v15 =	vmul.bf16 v3, v21  }
0x1b9: {  	v19 =	vld [tilespmem:s24+$0xFFFFFF90];
	[tilespmem:s23+$0x430] =	vst v25;
	v21 =	vadd.bf16 v26, v22  }
0x1ba: {  	v26 =	vmul.bf16 v5, v28;
	v22 =	vld [tilespmem:s24+$0xF90];
	v25 =	vunpack.i.l.bf16.f32 v18;
	v20 =	vmul.bf16 v7, v20  }
0x1bb: {  	v18 =	vunpack.i.u.bf16.f32 v18;
	[tilespmem:s0+$0x10] =	vst v25;
	v28 =	vld [tilespmem:s21+$0xFFFFEFC0];
	v21 =	vadd.bf16 v15, v21;
	v15 =	vmul.bf16 v2, v23;
	v2 =	vmovc v8  }
0x1bc: {  	v8 =	vmovc v14;
	v14 =	vmov v24;
	[tilespmem:s0+$0x410] =	vst v18;
	v18 =	vld [tilespmem:s21+$0xFFFFFFC0];
	v20 =	vadd.bf16 v20, v26;
	v26 =	vmul.bf16 v6, v27  }
0x1bd: {  	v24 =	vmul.bf16 v14, v29;
	v23 =	vld [tilespmem:s24+$0xFFFFF020];
	v27 =	vunpack.i.u.bf16.f32 v21;
	v21 =	vunpack.i.l.bf16.f32 v21  }
.Ltmp3:
0x1be: {  	v19 =	vmul.bf16 v16, v19;
	v25 =	vld [tilespmem:s24+$0x20];
	v26 =	vadd.bf16 v26, v20;
	[tilespmem:s20+$0x50] =	vst v21;
	(pc) =	sbr.rel @p0 .LBB2_5-.Ltmp3, $4  }
0x1bf: {  	v29 =	vmul.bf16 v17, v22;
	v20 =	vld [tilespmem:s21+$0xFC0];
	[tilespmem:s20+$0x450] =	vst v27  }
0x1c0: {  	v19 =	vadd.bf16 v19, v24;
	v24 =	vld [tilespmem:s24+$0x1020];
	v21 =	vmul.bf16 v8, v28;
	v27 =	vunpack.i.l.bf16.f32 v26  }
0x1c1: {  	v28 =	vunpack.i.u.bf16.f32 v26;
	v22 =	vmul.bf16 v9, v18;
	[tilespmem:s22+$0x50] =	vst v27;
	v18 =	vld [tilespmem:s19+$0xFFFFEFE0]  }
0x1c2: {  	v26 =	vadd.bf16 v29, v19;
	[tilespmem:s22+$0x450] =	vst v28;
	v19 =	vld [tilespmem:s19+$0xFFFFFFE0]  }
0x1c3: {  	_ = 	snop  }
0x1c4: {  	v27 =	vunpack.i.l.bf16.f32 v26  }
0x1c5: {  	v26 =	vunpack.i.u.bf16.f32 v26;
	[tilespmem:s12+$0x10] =	vst v27  }
0x1c6: {  	[tilespmem:s12+$0x410] =	vst v26  }
0x1c7: {  	v23 =	vmul.bf16 v13, v23;
	v25 =	vmul.bf16 v11, v25;
	v26 =	vld [tilespmem:s24+$0xFFFFEFA0]  }
0x1c8: {  	v27 =	vld [tilespmem:s24+$0xFFFFFFA0]  }
0x1c9: {  	v23 =	vadd.bf16 v25, v23;
	v24 =	vmul.bf16 v12, v24  }
0x1ca: {  	v25 =	vld [tilespmem:s24+$0xFA0]  }
0x1cb: {  	v23 =	vadd.bf16 v24, v23;
	_ =	sdelay $0x1  }
0x1cc: {  	v24 =	vunpack.i.l.bf16.f32 v23;
	v26 =	vmul.bf16 v14, v26;
	v27 =	vmul.bf16 v16, v27  }
0x1cd: {  	v23 =	vunpack.i.u.bf16.f32 v23;
	[tilespmem:s0+$0x20] =	vst v24  }
0x1ce: {  	[tilespmem:s0+$0x420] =	vst v23;
	v23 =	vmul.bf16 v17, v25;
	v24 =	vadd.bf16 v27, v26  }
0x1cf: {  	v25 =	vld [tilespmem:s24+$0xFFFFF030]  }
0x1d0: {  	v26 =	vld [tilespmem:s24+$0x30];
	v23 =	vadd.bf16 v23, v24;
	_ =	sdelay $0x1  }
0x1d1: {  	v24 =	vld [tilespmem:s24+$0x1030];
	v27 =	vunpack.i.u.bf16.f32 v23  }
0x1d2: {  	v23 =	vunpack.i.l.bf16.f32 v23;
	[tilespmem:s12+$0x420] =	vst v27  }
0x1d3: {  	[tilespmem:s12+$0x20] =	vst v23  }
0x1d4: {  	v23 =	vmul.bf16 v13, v25;
	v25 =	vmul.bf16 v11, v26;
	v26 =	vld [tilespmem:s24+$0xFFFFEFB0]  }
0x1d5: {  	v27 =	vld [tilespmem:s24+$0xFFFFFFB0]  }
0x1d6: {  	v23 =	vadd.bf16 v25, v23;
	v24 =	vmul.bf16 v12, v24  }
0x1d7: {  	v25 =	vld [tilespmem:s24+$0xFB0]  }
0x1d8: {  	v23 =	vadd.bf16 v24, v23;
	_ =	sdelay $0x1  }
0x1d9: {  	v24 =	vunpack.i.l.bf16.f32 v23;
	v26 =	vmul.bf16 v14, v26;
	v27 =	vmul.bf16 v16, v27  }
0x1da: {  	v23 =	vunpack.i.u.bf16.f32 v23;
	[tilespmem:s0+$0x30] =	vst v24  }
0x1db: {  	[tilespmem:s0+$0x430] =	vst v23;
	v23 =	vmul.bf16 v17, v25;
	v24 =	vadd.bf16 v27, v26  }
0x1dc: {  	v25 =	vld [tilespmem:s24+$0xFFFFF040]  }
0x1dd: {  	v26 =	vld [tilespmem:s24+$0x40];
	v23 =	vadd.bf16 v23, v24;
	_ =	sdelay $0x1  }
0x1de: {  	v24 =	vld [tilespmem:s24+$0x1040];
	v27 =	vunpack.i.l.bf16.f32 v23  }
0x1df: {  	v23 =	vunpack.i.u.bf16.f32 v23;
	[tilespmem:s12+$0x30] =	vst v27  }
0x1e0: {  	v20 =	vmul.bf16 v10, v20;
	[tilespmem:s12+$0x430] =	vst v23  }
0x1e1: {  	v21 =	vadd.bf16 v22, v21;
	v22 =	vmul.bf16 v13, v25;
	v23 =	vmul.bf16 v11, v26;
	v25 =	vld [tilespmem:s24+$0xFFFFEFC0]  }
0x1e2: {  	v26 =	vld [tilespmem:s24+$0xFFFFFFC0]  }
0x1e3: {  	v20 =	vadd.bf16 v20, v21;
	v21 =	vadd.bf16 v23, v22;
	v22 =	vmul.bf16 v12, v24  }
0x1e4: {  	v23 =	vld [tilespmem:s24+$0xFC0]  }
0x1e5: {  	v24 =	vunpack.i.u.bf16.f32 v20;
	v21 =	vadd.bf16 v22, v21  }
0x1e6: {  	v20 =	vunpack.i.l.bf16.f32 v20;
	[tilespmem:s23+$0x440] =	vst v24  }
0x1e7: {  	[tilespmem:s23+$0x40] =	vst v20;
	v20 =	vunpack.i.l.bf16.f32 v21;
	v22 =	vmul.bf16 v14, v25;
	v24 =	vmul.bf16 v16, v26  }
0x1e8: {  	v21 =	vunpack.i.u.bf16.f32 v21;
	[tilespmem:s0+$0x40] =	vst v20  }
0x1e9: {  	v20 =	vld [tilespmem:s21+$0xFFFFEFD0];
	[tilespmem:s0+$0x440] =	vst v21;
	v21 =	vadd.bf16 v24, v22;
	v22 =	vmul.bf16 v17, v23  }
0x1ea: {  	v23 =	vld [tilespmem:s24+$0xFFFFF050]  }
0x1eb: {  	v24 =	vld [tilespmem:s24+$0x50];
	v21 =	vadd.bf16 v22, v21  }
0x1ec: {  	v22 =	vld [tilespmem:s21+$0xFFFFFFD0]  }
0x1ed: {  	v25 =	vld [tilespmem:s24+$0x1050];
	v26 =	vunpack.i.u.bf16.f32 v21  }
0x1ee: {  	v27 =	vld [tilespmem:s21+$0xFD0];
	v21 =	vunpack.i.l.bf16.f32 v21;
	[tilespmem:s12+$0x440] =	vst v26  }
0x1ef: {  	v29 =	vld [tilespmem:s21+$0x60];
	[tilespmem:s12+$0x40] =	vst v21  }
0x1f0: {  	v21 =	vmul.bf16 v13, v23;
	v23 =	vmul.bf16 v11, v24;
	v24 =	vld [tilespmem:s24+$0xFFFFEFD0]  }
0x1f1: {  	v20 =	vmul.bf16 v8, v20;
	v28 =	vld [tilespmem:s24+$0xFFFFFFD0];
	v22 =	vmul.bf16 v9, v22  }
0x1f2: {  	v26 =	vld [tilespmem:s21+$0xFFFFF060];
	v21 =	vadd.bf16 v23, v21;
	v23 =	vmul.bf16 v12, v25  }
0x1f3: {  	v25 =	vmul.bf16 v10, v27;
	v20 =	vadd.bf16 v22, v20;
	v22 =	vld [tilespmem:s24+$0xFD0]  }
0x1f4: {  	v27 =	vld [tilespmem:s21+$0x1060];
	v21 =	vadd.bf16 v23, v21  }
0x1f5: {  	v20 =	vadd.bf16 v25, v20  }
0x1f6: {  	v30 =	vld [tilespmem:s18+$0xFFFFFFF0];
	v25 =	vunpack.i.l.bf16.f32 v21;
	v24 =	vmul.bf16 v14, v24;
	v28 =	vmul.bf16 v16, v28  }
0x1f7: {  	v29 =	vmul.bf16 v7, v29;
	v23 =	vld [tilespmem:s19+$0xFE0];
	v26 =	vmul.bf16 v5, v26;
	v21 =	vunpack.i.u.bf16.f32 v21;
	[tilespmem:s0+$0x50] =	vst v25  }
0x1f8: {  	v25 =	vld [tilespmem:s18+$0xFF0];
	[tilespmem:s0+$0x450] =	vst v21;
	v31 =	vunpack.i.l.bf16.f32 v20;
	v21 =	vmul.bf16 v17, v22;
	v22 =	vadd.bf16 v28, v24  }
0x1f9: {  	v20 =	vunpack.i.u.bf16.f32 v20;
	v24 =	vadd.bf16 v29, v26;
	v26 =	vmul.bf16 v6, v27;
	[tilespmem:s23+$0x50] =	vst v31;
	v27 =	vld [tilespmem:s24+$0xFFFFF060]  }
0x1fa: {  	[tilespmem:s23+$0x450] =	vst v20;
	v20 =	vld [tilespmem:s24+$0x60];
	v21 =	vadd.bf16 v21, v22  }
0x1fb: {  	v18 =	vmul.bf16 v2, v18;
	v45 =	vld [tilespmem:s21+$0xFFFFFFE0]  }
0x1fc: {  	v19 =	vmul.bf16 v4, v19;
	v22 =	vadd.bf16 v26, v24;
	v26 =	vld [tilespmem:s24+$0x1060];
	v44 =	vunpack.i.l.bf16.f32 v21  }
0x1fd: {  	v24 =	vld [tilespmem:s21+$0xFFFFEFE0];
	v21 =	vunpack.i.u.bf16.f32 v21;
	[tilespmem:s12+$0x50] =	vst v44  }
0x1fe: {  	v18 =	vadd.bf16 v19, v18;
	v23 =	vmul.bf16 v3, v23;
	v19 =	vld [tilespmem:s21+$0xFE0];
	v46 =	vunpack.i.l.bf16.f32 v22;
	[tilespmem:s12+$0x450] =	vst v21  }
0x1ff: {  	v21 =	vunpack.i.u.bf16.f32 v22;
	v22 =	vmul.bf16 v13, v27;
	v20 =	vmul.bf16 v11, v20;
	v27 =	vld [tilespmem:s24+$0xFFFFEFE0]  }
0x200: {  	v18 =	vadd.bf16 v23, v18;
	[tilespmem:s22+$0x460] =	vst v21;
	v21 =	vld [tilespmem:s24+$0xFFFFFFE0]  }
0x201: {  	[tilespmem:s22+$0x60] =	vst v46;
	v48 =	vld [tilespmem:s24+$0xFE0];
	v20 =	vadd.bf16 v20, v22;
	v22 =	vmul.bf16 v12, v26  }
0x202: {  	v47 =	vmul.bf16 v9, v45;
	v23 =	vld [tilespmem:s21+$0xFFFFF070];
	v26 =	vunpack.i.l.bf16.f32 v18;
	v24 =	vmul.bf16 v8, v24  }
0x203: {  	v49 =	vld [tilespmem:s21+$0x70];
	v18 =	vunpack.i.u.bf16.f32 v18;
	[tilespmem:s20+$0x60] =	vst v26;
	v20 =	vadd.bf16 v22, v20  }
0x204: {  	[tilespmem:s20+$0x460] =	vst v18;
	v18 =	vmul.bf16 v10, v19;
	v22 =	vld [tilespmem:s21+$0x1070];
	v19 =	vadd.bf16 v47, v24  }
0x205: {  	v24 =	vld [tilespmem:s19+$0xFFFFEFF0];
	v26 =	vunpack.i.l.bf16.f32 v20;
	v27 =	vmul.bf16 v14, v27;
	v21 =	vmul.bf16 v16, v21  }
0x206: {  	v50 =	vld [tilespmem:s19+$0xFFFFFFF0];
	v20 =	vunpack.i.u.bf16.f32 v20;
	v18 =	vadd.bf16 v18, v19;
	[tilespmem:s0+$0x60] =	vst v26  }
0x207: {  	v19 =	vld [tilespmem:s19+$0xFF0];
	[tilespmem:s0+$0x460] =	vst v20;
	v20 =	vmul.bf16 v17, v48;
	v21 =	vadd.bf16 v21, v27  }
0x208: {  	v26 =	vld [tilespmem:s24+$0xFFFFF070];
	v27 =	vunpack.i.l.bf16.f32 v18  }
0x209: {  	v0 =	vmul.bf16 v0, v30;
	v51 =	vld [tilespmem:s24+$0x70];
	v18 =	vunpack.i.u.bf16.f32 v18;
	[tilespmem:s23+$0x60] =	vst v27;
	v20 =	vadd.bf16 v20, v21  }
0x20a: {  	v5 =	vmul.bf16 v5, v23;
	v7 =	vmul.bf16 v7, v49;
	[tilespmem:s23+$0x460] =	vst v18;
	v21 =	vld [tilespmem:s24+$0x1070]  }
0x20b: {  	v0 =	vadd.bf16 v0, v15;
	v1 =	vmul.bf16 v1, v25;
	v15 =	vld [tilespmem:s21+$0xFFFFEFF0];
	v18 =	vunpack.i.l.bf16.f32 v20  }
0x20c: {  	v5 =	vadd.bf16 v7, v5;
	v6 =	vmul.bf16 v6, v22;
	v7 =	vld [tilespmem:s21+$0xFFFFFFF0];
	v20 =	vunpack.i.u.bf16.f32 v20;
	[tilespmem:s12+$0x60] =	vst v18  }
0x20d: {  	v2 =	vmul.bf16 v2, v24;
	v4 =	vmul.bf16 v4, v50;
	v18 =	vld [tilespmem:s21+$0xFF0];
	[tilespmem:s12+$0x460] =	vst v20  }
0x20e: {  	v0 =	vadd.bf16 v1, v0;
	v1 =	vadd.bf16 v6, v5;
	v3 =	vmul.bf16 v3, v19;
	v5 =	vld [tilespmem:s24+$0xFFFFEFF0]  }
0x20f: {  	v2 =	vadd.bf16 v4, v2;
	v4 =	vmul.bf16 v13, v26;
	v6 =	vmul.bf16 v11, v51;
	v11 =	vld [tilespmem:s24+$0xFFFFFFF0]  }
0x210: {  	v13 =	vunpack.i.u.bf16.f32 v0;
	v19 =	vunpack.i.u.bf16.f32 v1;
	v0 =	vunpack.i.l.bf16.f32 v0  }
0x211: {  	v2 =	vadd.bf16 v3, v2;
	[tilespmem:s17+$0x470] =	vst v13;
	v3 =	vadd.bf16 v6, v4;
	v4 =	vmul.bf16 v12, v21;
	v6 =	vld [tilespmem:s24+$0xFF0]  }
0x212: {  	v1 =	vunpack.i.l.bf16.f32 v1;
	[tilespmem:s22+$0x470] =	vst v19;
	v8 =	vmul.bf16 v8, v15;
	v7 =	vmul.bf16 v9, v7  }
0x213: {  	[tilespmem:s17+$0x70] =	vst v0;
	v0 =	vadd.bf16 v4, v3;
	v3 =	vunpack.i.u.bf16.f32 v2;
	v4 =	vmul.bf16 v10, v18  }
0x214: {  	[tilespmem:s22+$0x70] =	vst v1;
	v1 =	vadd.bf16 v7, v8;
	v5 =	vmul.bf16 v14, v5;
	v7 =	vmul.bf16 v16, v11  }
0x215: {  	v2 =	vunpack.i.l.bf16.f32 v2;
	[tilespmem:s20+$0x470] =	vst v3;
	v3 =	vunpack.i.u.bf16.f32 v0  }
0x216: {  	[tilespmem:s0+$0x470] =	vst v3;
	v1 =	vadd.bf16 v4, v1;
	v4 =	vmul.bf16 v17, v6;
	v3 =	vadd.bf16 v7, v5  }
0x217: {  	[tilespmem:s20+$0x70] =	vst v2;
	v0 =	vunpack.i.l.bf16.f32 v0  }
0x218: {  	[tilespmem:s0+$0x70] =	vst v0;
	v0 =	vunpack.i.u.bf16.f32 v1;
	v2 =	vadd.bf16 v4, v3  }
0x219: {  	[tilespmem:s23+$0x470] =	vst v0;
	v0 =	vunpack.i.l.bf16.f32 v1  }
0x21a: {  	[tilespmem:s23+$0x70] =	vst v0;
	v0 =	vunpack.i.u.bf16.f32 v2  }
0x21b: {  	s26 =	sshll.u32 s15, $0xC;
	p0 =	seq.s32 s15, $0xF;
	[tilespmem:s12+$0x470] =	vst v0;
	v0 =	vunpack.i.l.bf16.f32 v2  }
0x21c: {  	s17 =	sshll.u32 @!p0 s15, $0x9;
	s0 =	sadd.s32 s26, s8;
	[tilespmem:s12+$0x70] =	vst v0  }
0x21d: {  	[hbm4b:s0+s2] =	stream.linear.scatter [tilespmem:s31], [sflag:$0x5], $0x2000, $0x38;
	[tilespmem:$0x14000] =	vst v63  }
0x21e: {  	s0 =	sand.u32 @!p0 $0x3FFFFE00, s17  }
0x21f: {  	s6 =	simm.s32 @!p0 $0x20;
	s7 =	simm.s32 @!p0 $0x4000;
	s1 =	sadd.s32 @!p0 $0x2200, s0  }
0x220: {  	[tilespmem:s7], [sflag:$0x1] =	stream.indirect.gather @!p0 [hbm4b:s3+s6], $0x80, s1, s6, $0xb8;
	[tilespmem:$0x14000] =	vst v63  }
0x221: {  	s1 =	sadd.s32 @!p0 $0x2280, s0;
	s7 =	simm.s32 @!p0 $0x5000  }
0x222: {  	[tilespmem:s7], [sflag:$0x1] =	stream.indirect.gather @!p0 [hbm4b:s3+s6], $0x80, s1, s6, $0xb8;
	[tilespmem:$0x14000] =	vst v63  }
0x223: {  	s0 =	sadd.s32 @!p0 $0x2300, s0;
	s1 =	simm.s32 @!p0 $0x6000  }
0x224: {  	[tilespmem:s1], [sflag:$0x1] =	stream.indirect.gather @!p0 [hbm4b:s3+s6], $0x80, s0, s6, $0xb8;
	[tilespmem:$0x14000] =	vst v63  }
0x225: {  	_ =	swait.ge [sflag:s25], $0x1000  }
0x226: {  	[sflag:s25] =	ssyncset.done $0x0  }
0x227: {  	s28 =	sadd.s32 $0xFFFFFFFE, s14;
	[sflag:s25] =	ssyncadd.s32 $0xFFFFF000  }
0x228: {  	s31 =	sadd.s32 $0x23, s28;
	_ =	swait.ge [sflag:s25], $0x1000  }
0x229: {  	v0 =	vmov s31;
	[sflag:s25] =	ssyncset.done $0x0  }
0x22a: {  	v1 =	vshll.u32 v0, $0x2;
	[sflag:s25] =	ssyncadd.s32 $0xFFFFF000  }
0x22b: {  	v0 =	vand.u32 $0x3F, v0;
	v1 =	vand.u32 $0x7FFFFE00, v1;
	_ =	swait.ge [sflag:s25], $0x1000  }
0x22c: {  	v0 =	vor.u32 v0, v1;
	[sflag:s25] =	ssyncset.done $0x0  }
0x22d: {  	v1 =	vor.u32 $0x100, v0;
	s1 =	simm.s32 @!p1 $0x6;
	[sflag:s25] =	ssyncadd.s32 $0xFFFFF000  }
0x22e: {  	v2 =	vor.u32 $0x80, v0;
	_ =	swait.ge @!p1 [sflag:s1], $0x2000  }
0x22f: {  	[sflag:s1] =	ssyncset.done @!p1 $0x0  }
0x230: {  	[sflag:s1] =	ssyncadd.s32 @!p1 $0xFFFFE000  }
0x231: {  	v0 =	vld.idx.msk [tilespmem:v0+s2+$0x0], $0xffff  }
0x232: {  	s0 =	sadd.s32 $0x22, s28;
	v1 =	vld.idx.msk [tilespmem:v1+s2+$0x0], $0xffff  }
0x233: {  	s19 =	simm.s32 $0x8080;
	v3 =	vmov s0;
	v2 =	vld.idx.msk [tilespmem:v2+s2+$0x0], $0xffff  }
0x234: {  	v4 =	vshll.u32 v3, $0x2;
	v5 =	vld [tilespmem:s19+$0xFFFFF000]  }
0x235: {  	v3 =	vand.u32 $0x3E, v3;
	v4 =	vand.u32 $0x7FFFFE00, v4;
	v6 =	vld [tilespmem:s19+$0x0]  }
0x236: {  	v3 =	vor.u32 v3, v4  }
0x237: {  	v4 =	vor.u32 $0x80, v3;
	v8 =	vld [tilespmem:s19+$0x1000];
	v7 =	vand.u32 $0xFFFF0000, v0  }
0x238: {  	v0 =	vshrl.u32 v0, $0x10;
	v9 =	vand.u32 $0xFFFF0000, v2;
	v2 =	vshrl.u32 v2, $0x10  }
0x239: {  	v12 =	vor.u32 v0, v7;
	v0 =	vand.u32 $0xFFFF0000, v1;
	v13 =	vor.u32 v2, v9  }
0x23a: {  	v1 =	vshrl.u32 v1, $0x10;
	v2 =	vmul.bf16 v12, v5;
	v5 =	vmul.bf16 v13, v6  }
0x23b: {  	v6 =	vor.u32 $0x100, v3;
	v11 =	vor.u32 v1, v0  }
0x23c: {  	v1 =	vmul.bf16 v11, v8;
	v0 =	vadd.bf16 v5, v2  }
0x23d: {  	s6 =	simm.s32 $0x0;
	v3 =	vld.idx.msk [tilespmem:v3+s2+$0x0], $0xffff  }
0x23e: {  	s7 =	simm.s32 $0x80;
	s0 =	sand.u32 $0x1800, s6;
	v2 =	vld.idx.msk [tilespmem:v4+s2+$0x0], $0xffff;
	v0 =	vadd.bf16 v1, v0  }
0x23f: {  	s0 =	sor.u32 $0x12000, s0;
	s1 =	sand.u32 $0x380, s7;
	v1 =	vld [tilespmem:s19+$0xFFFFEF80]  }
0x240: {  	s7 =	sor.u32 s1, s0;
	v4 =	vld.idx.msk [tilespmem:v6+s2+$0x0], $0xffff;
	v5 =	vunpack.i.l.bf16.f32 v0  }
0x241: {  	v6 =	vld [tilespmem:s19+$0xFFFFFF80];
	v0 =	vunpack.i.u.bf16.f32 v0;
	[tilespmem:s7+$0x0] =	vst v5  }
0x242: {  	v5 =	vld [tilespmem:s19+$0xF80];
	[tilespmem:s7+$0x400] =	vst v0  }
0x243: {  	v7 =	vld [tilespmem:s19+$0xFFFFF010]  }
0x244: {  	v0 =	vand.u32 $0xFFFF0000, v3;
	v3 =	vshrl.u32 v3, $0x10;
	v8 =	vld [tilespmem:s19+$0x10]  }
0x245: {  	v9 =	vand.u32 $0xFFFF0000, v2;
	v2 =	vshrl.u32 v2, $0x10;
	v15 =	vor.u32 v3, v0  }
0x246: {  	v0 =	vor.u32 v2, v9;
	v2 =	vand.u32 $0xFFFF0000, v4;
	v3 =	vshrl.u32 v4, $0x10;
	v4 =	vld [tilespmem:s19+$0x1010]  }
0x247: {  	v9 =	vmul.bf16 v15, v1;
	v6 =	vmul.bf16 v0, v6;
	v1 =	vor.u32 v3, v2  }
0x248: {  	v2 =	vmul.bf16 v1, v5  }
0x249: {  	v3 =	vadd.bf16 v6, v9;
	v5 =	vmul.bf16 v12, v7;
	v6 =	vmul.bf16 v13, v8;
	_ =	sdelay $0x1  }
0x24a: {  	s12 =	simm.s32 $0x0;
	v2 =	vadd.bf16 v2, v3;
	v3 =	vadd.bf16 v6, v5;
	v4 =	vmul.bf16 v11, v4  }
0x24b: {  	s1 =	sand.u32 $0x300, s12  }
0x24c: {  	s18 =	sor.u32 s1, s0;
	v5 =	vunpack.i.u.bf16.f32 v2;
	v3 =	vadd.bf16 v4, v3  }
0x24d: {  	v2 =	vunpack.i.l.bf16.f32 v2;
	[tilespmem:s18+$0x400] =	vst v5  }
0x24e: {  	[tilespmem:s18+$0x0] =	vst v2;
	v2 =	vunpack.i.l.bf16.f32 v3  }
0x24f: {  	v3 =	vunpack.i.u.bf16.f32 v3;
	[tilespmem:s7+$0x10] =	vst v2  }
0x250: {  	v5 =	vld [tilespmem:s19+$0xFFFFFF90];
	[tilespmem:s7+$0x410] =	vst v3  }
0x251: {  	v3 =	vld [tilespmem:s19+$0xFFFFF020]  }
0x252: {  	v4 =	vld [tilespmem:s19+$0x20]  }
0x253: {  	v2 =	vld [tilespmem:s19+$0xFFFFEF90]  }
0x254: {  	v6 =	vld [tilespmem:s19+$0x1020];
	_ =	sdelay $0x1  }
0x255: {  	v7 =	vld [tilespmem:s19+$0xF90]  }
0x256: {  	v3 =	vmul.bf16 v12, v3;
	v4 =	vmul.bf16 v13, v4  }
0x257: {  	v5 =	vmul.bf16 v0, v5  }
0x258: {  	v2 =	vmul.bf16 v15, v2;
	v3 =	vadd.bf16 v4, v3;
	v4 =	vmul.bf16 v11, v6  }
0x259: {  	s13 =	sadd.s32 $0x0, s14  }
0x25a: {  	s0 =	sadd.s32 $0x22, s13;
	v2 =	vadd.bf16 v5, v2;
	v6 =	vmul.bf16 v1, v7;
	v3 =	vadd.bf16 v4, v3  }
0x25b: {  	s20 =	sadd.s32 $0x23, s13;
	v9 =	vmov s0  }
0x25c: {  	v4 =	vmov s20;
	v2 =	vadd.bf16 v6, v2;
	v6 =	vunpack.i.l.bf16.f32 v3  }
0x25d: {  	v10 =	vand.u32 $0x3E, v9;
	v5 =	vshll.u32 v4, $0x2;
	v3 =	vunpack.i.u.bf16.f32 v3;
	[tilespmem:s7+$0x20] =	vst v6  }
0x25e: {  	v4 =	vand.u32 $0x3F, v4;
	v5 =	vand.u32 $0x7FFFFE00, v5;
	v6 =	vunpack.i.l.bf16.f32 v2;
	[tilespmem:s7+$0x420] =	vst v3  }
0x25f: {  	v9 =	vshll.u32 v9, $0x2;
	v4 =	vor.u32 v4, v5;
	v2 =	vunpack.i.u.bf16.f32 v2;
	[tilespmem:s18+$0x10] =	vst v6;
	v5 =	vld [tilespmem:s19+$0xFFFFF030]  }
0x260: {  	v9 =	vand.u32 $0x7FFFFE00, v9;
	s20 =	simm.s32 $0x8180;
	[tilespmem:s18+$0x410] =	vst v2;
	v2 =	vor.u32 $0x80, v4;
	v6 =	vld [tilespmem:s19+$0x30]  }
0x261: {  	v9 =	vor.u32 v10, v9;
	v10 =	vld [tilespmem:s20+$0xFFFFF000];
	v3 =	vor.u32 $0x100, v4  }
0x262: {  	v8 =	vld [tilespmem:s19+$0x1030]  }
0x263: {  	v7 =	vld [tilespmem:s19+$0xFFFFEFA0]  }
0x264: {  	v4 =	vld.idx.msk [tilespmem:v4+s2+$0x0], $0xffff  }
0x265: {  	v2 =	vld.idx.msk [tilespmem:v2+s2+$0x0], $0xffff;
	v5 =	vmul.bf16 v12, v5;
	v6 =	vmul.bf16 v13, v6  }
0x266: {  	v3 =	vld.idx.msk [tilespmem:v3+s2+$0x0], $0xffff  }
0x267: {  	v5 =	vadd.bf16 v6, v5;
	v6 =	vmul.bf16 v11, v8;
	v8 =	vld [tilespmem:s20+$0x0]  }
0x268: {  	v16 =	vor.u32 $0x80, v9;
	v20 =	vor.u32 $0x100, v9;
	v19 =	vld [tilespmem:s19+$0xFFFFFFA0]  }
0x269: {  	v14 =	vand.u32 $0xFFFF0000, v4;
	v4 =	vshrl.u32 v4, $0x10;
	v5 =	vadd.bf16 v6, v5;
	v6 =	vld [tilespmem:s20+$0x1000]  }
0x26a: {  	v14 =	vor.u32 v4, v14;
	v4 =	vand.u32 $0xFFFF0000, v2;
	v2 =	vshrl.u32 v2, $0x10  }
0x26b: {  	v9 =	vld.idx.msk [tilespmem:v9+s2+$0x0], $0xffff;
	v7 =	vmul.bf16 v15, v7;
	v18 =	vand.u32 $0xFFFF0000, v3;
	v17 =	vor.u32 v2, v4  }
0x26c: {  	v21 =	vld [tilespmem:s19+$0xFA0];
	v3 =	vshrl.u32 v3, $0x10;
	v4 =	vmul.bf16 v14, v10;
	v8 =	vmul.bf16 v17, v8  }
0x26d: {  	v22 =	vunpack.i.l.bf16.f32 v5;
	v2 =	vld.idx.msk [tilespmem:v16+s2+$0x0], $0xffff;
	v5 =	vunpack.i.u.bf16.f32 v5;
	v18 =	vor.u32 v3, v18  }
0x26e: {  	v3 =	vmul.bf16 v0, v19;
	v10 =	vld [tilespmem:s20+$0xFFFFEF80];
	[tilespmem:s7+$0x430] =	vst v5;
	v4 =	vadd.bf16 v8, v4;
	v5 =	vmul.bf16 v18, v6  }
0x26f: {  	s21 =	simm.s32 $0x200;
	v19 =	vld [tilespmem:s20+$0xFFFFFF80];
	[tilespmem:s7+$0x30] =	vst v22  }
0x270: {  	s22 =	simm.s32 $0x180;
	s0 =	sand.u32 $0x1800, s21;
	v3 =	vadd.bf16 v3, v7;
	v7 =	vld [tilespmem:s19+$0x40];
	v4 =	vadd.bf16 v5, v4  }
0x271: {  	s1 =	sand.u32 $0x380, s22;
	s0 =	sor.u32 $0x12000, s0;
	v6 =	vld [tilespmem:s19+$0xFFFFF040];
	v8 =	vmul.bf16 v1, v21  }
0x272: {  	s1 =	sor.u32 s1, s0;
	v5 =	vld.idx.msk [tilespmem:v20+s2+$0x0], $0xffff;
	v16 =	vunpack.i.l.bf16.f32 v4  }
0x273: {  	v8 =	vadd.bf16 v8, v3;
	v3 =	vld [tilespmem:s19+$0x1040];
	v4 =	vunpack.i.u.bf16.f32 v4;
	[tilespmem:s1+$0x0] =	vst v16  }
0x274: {  	v20 =	vld [tilespmem:s20+$0xF80];
	v21 =	vshrl.u32 v2, $0x10;
	[tilespmem:s1+$0x400] =	vst v4  }
0x275: {  	v7 =	vmul.bf16 v13, v7;
	v16 =	vunpack.i.u.bf16.f32 v8;
	v4 =	vand.u32 $0xFFFF0000, v2;
	v22 =	vld [tilespmem:s20+$0xFFFFF010]  }
0x276: {  	v2 =	vand.u32 $0xFFFF0000, v9;
	v9 =	vshrl.u32 v9, $0x10;
	v6 =	vmul.bf16 v12, v6;
	v23 =	vld [tilespmem:s20+$0x10]  }
0x277: {  	v2 =	vor.u32 v9, v2;
	v4 =	vor.u32 v21, v4;
	v9 =	vand.u32 $0xFFFF0000, v5  }
0x278: {  	v6 =	vadd.bf16 v7, v6;
	v7 =	vmul.bf16 v11, v3;
	v3 =	vshrl.u32 v5, $0x10;
	v5 =	vld [tilespmem:s20+$0x1010]  }
0x279: {  	v10 =	vmul.bf16 v2, v10;
	v19 =	vmul.bf16 v4, v19;
	v3 =	vor.u32 v3, v9  }
0x27a: {  	v8 =	vunpack.i.l.bf16.f32 v8;
	v6 =	vadd.bf16 v7, v6;
	v7 =	vmul.bf16 v3, v20  }
0x27b: {  	[tilespmem:s18+$0x420] =	vst v16;
	v9 =	vadd.bf16 v19, v10;
	v10 =	vmul.bf16 v14, v22;
	v16 =	vmul.bf16 v17, v23  }
0x27c: {  	[tilespmem:s18+$0x20] =	vst v8;
	v8 =	vunpack.i.l.bf16.f32 v6  }
0x27d: {  	s23 =	simm.s32 $0x100;
	v19 =	vld [tilespmem:s19+$0xFFFFEFB0];
	v7 =	vadd.bf16 v7, v9;
	v5 =	vmul.bf16 v18, v5;
	v9 =	vadd.bf16 v16, v10  }
0x27e: {  	s6 =	sand.u32 $0x300, s23;
	v6 =	vunpack.i.u.bf16.f32 v6;
	[tilespmem:s7+$0x40] =	vst v8;
	v10 =	vld [tilespmem:s19+$0xFFFFFFB0]  }
0x27f: {  	s21 =	sor.u32 s6, s0;
	v8 =	vld [tilespmem:s19+$0xFB0];
	[tilespmem:s7+$0x440] =	vst v6;
	v6 =	vunpack.i.u.bf16.f32 v7;
	v5 =	vadd.bf16 v5, v9  }
0x280: {  	v7 =	vunpack.i.l.bf16.f32 v7;
	[tilespmem:s21+$0x400] =	vst v6;
	v6 =	vld [tilespmem:s19+$0x50]  }
0x281: {  	[tilespmem:s21+$0x0] =	vst v7;
	v9 =	vld [tilespmem:s19+$0xFFFFF050];
	v7 =	vunpack.i.l.bf16.f32 v5  }
0x282: {  	v16 =	vld [tilespmem:s19+$0x1050];
	v5 =	vunpack.i.u.bf16.f32 v5;
	[tilespmem:s1+$0x10] =	vst v7  }
0x283: {  	v20 =	vld [tilespmem:s20+$0xFFFFFF90];
	v7 =	vmul.bf16 v15, v19;
	v10 =	vmul.bf16 v0, v10;
	[tilespmem:s1+$0x410] =	vst v5  }
0x284: {  	v5 =	vld [tilespmem:s20+$0xFFFFF020]  }
0x285: {  	v8 =	vmul.bf16 v1, v8;
	v7 =	vadd.bf16 v10, v7;
	v10 =	vld [tilespmem:s20+$0x20]  }
0x286: {  	v19 =	vld [tilespmem:s20+$0xFFFFEF90];
	v6 =	vmul.bf16 v13, v6;
	v9 =	vmul.bf16 v12, v9  }
0x287: {  	v7 =	vadd.bf16 v8, v7;
	v8 =	vld [tilespmem:s20+$0x1020]  }
0x288: {  	v6 =	vadd.bf16 v6, v9;
	v9 =	vmul.bf16 v11, v16  }
0x289: {  	v21 =	vld [tilespmem:s20+$0xF90];
	v16 =	vunpack.i.l.bf16.f32 v7  }
0x28a: {  	v6 =	vadd.bf16 v9, v6;
	v5 =	vmul.bf16 v14, v5;
	v9 =	vmul.bf16 v17, v10  }
0x28b: {  	v7 =	vunpack.i.u.bf16.f32 v7;
	[tilespmem:s18+$0x30] =	vst v16;
	v10 =	vmul.bf16 v2, v19;
	v16 =	vmul.bf16 v4, v20  }
0x28c: {  	s22 =	simm.s32 $0x8280;
	[tilespmem:s18+$0x430] =	vst v7;
	v7 =	vunpack.i.l.bf16.f32 v6;
	v5 =	vadd.bf16 v9, v5;
	v8 =	vmul.bf16 v18, v8  }
0x28d: {  	v53 =	vld [tilespmem:s22+$0x1000];
	v6 =	vunpack.i.u.bf16.f32 v6;
	[tilespmem:s7+$0x50] =	vst v7  }
0x28e: {  	v57 =	vld [tilespmem:s22+$0xFFFFEF80];
	v7 =	vmul.bf16 v3, v21;
	v10 =	vadd.bf16 v16, v10;
	[tilespmem:s7+$0x450] =	vst v6;
	v5 =	vadd.bf16 v8, v5  }
0x28f: {  	s24 =	sadd.s32 $0x2, s14;
	v6 =	vld [tilespmem:s19+$0xFFFFF060]  }
0x290: {  	s26 =	sadd.s32 $0x23, s24;
	v7 =	vadd.bf16 v7, v10;
	v8 =	vld [tilespmem:s19+$0x60];
	v10 =	vunpack.i.l.bf16.f32 v5  }
0x291: {  	v20 =	vld [tilespmem:s19+$0xFFFFFFC0];
	v16 =	vmov s26;
	v5 =	vunpack.i.u.bf16.f32 v5;
	[tilespmem:s1+$0x20] =	vst v10  }
0x292: {  	v19 =	vshll.u32 v16, $0x2;
	v22 =	vld [tilespmem:s19+$0x1060];
	v10 =	vunpack.i.l.bf16.f32 v7;
	[tilespmem:s1+$0x420] =	vst v5  }
0x293: {  	v5 =	vunpack.i.u.bf16.f32 v7;
	v7 =	vand.u32 $0x3F, v16;
	[tilespmem:s21+$0x10] =	vst v10;
	v10 =	vand.u32 $0x7FFFFE00, v19;
	v16 =	vld [tilespmem:s20+$0xFFFFF030]  }
0x294: {  	[tilespmem:s21+$0x410] =	vst v5;
	v5 =	vor.u32 v7, v10;
	v7 =	vld [tilespmem:s20+$0x30]  }
0x295: {  	s0 =	sadd.s32 $0x22, s24;
	v6 =	vmul.bf16 v12, v6;
	v25 =	vld [tilespmem:s20+$0x1030];
	v8 =	vmul.bf16 v13, v8;
	v19 =	vor.u32 $0x100, v5  }
0x296: {  	v23 =	vmov s0;
	v10 =	vld [tilespmem:s20+$0xFFFFEFA0];
	v24 =	vor.u32 $0x80, v5  }
0x297: {  	v26 =	vshll.u32 v23, $0x2;
	v27 =	vld [tilespmem:s20+$0xFFFFFFA0];
	v6 =	vadd.bf16 v8, v6;
	v8 =	vmul.bf16 v11, v22  }
0x298: {  	v26 =	vand.u32 $0x7FFFFE00, v26;
	v22 =	vand.u32 $0x3E, v23;
	v23 =	vld [tilespmem:s20+$0xFA0]  }
0x299: {  	v6 =	vadd.bf16 v8, v6;
	v8 =	vmul.bf16 v14, v16;
	v5 =	vld.idx.msk [tilespmem:v5+s2+$0x0], $0xffff;
	v7 =	vmul.bf16 v17, v7  }
0x29a: {  	v22 =	vor.u32 v22, v26;
	v26 =	vld.idx.msk [tilespmem:v19+s2+$0x0], $0xffff  }
0x29b: {  	v10 =	vmul.bf16 v2, v10;
	v24 =	vld.idx.msk [tilespmem:v24+s2+$0x0], $0xffff;
	v7 =	vadd.bf16 v7, v8;
	v8 =	vmul.bf16 v18, v25  }
0x29c: {  	v16 =	vunpack.i.l.bf16.f32 v6;
	v19 =	vmul.bf16 v4, v27;
	v6 =	vunpack.i.u.bf16.f32 v6;
	v27 =	vld [tilespmem:s22+$0xFFFFF000]  }
0x29d: {  	v20 =	vmul.bf16 v0, v20;
	[tilespmem:s7+$0x460] =	vst v6;
	v6 =	vld [tilespmem:s22+$0x0];
	v7 =	vadd.bf16 v8, v7  }
0x29e: {  	v9 =	vld [tilespmem:s19+$0xFFFFEFC0];
	v25 =	vor.u32 $0x80, v22;
	v23 =	vmul.bf16 v3, v23;
	v10 =	vadd.bf16 v19, v10  }
0x29f: {  	v58 =	vld [tilespmem:s22+$0xF80];
	[tilespmem:s7+$0x60] =	vst v16;
	v52 =	vand.u32 $0xFFFF0000, v5;
	v5 =	vshrl.u32 v5, $0x10;
	v54 =	vunpack.i.l.bf16.f32 v7  }
0x2a0: {  	v21 =	vld [tilespmem:s19+$0xFC0];
	v55 =	vand.u32 $0xFFFF0000, v24;
	v24 =	vshrl.u32 v24, $0x10;
	v32 =	vunpack.i.u.bf16.f32 v7;
	[tilespmem:s1+$0x30] =	vst v54  }
0x2a1: {  	v16 =	vld [tilespmem:s19+$0xFFFFF070];
	v5 =	vor.u32 v5, v52;
	v56 =	vand.u32 $0xFFFF0000, v26;
	v7 =	vor.u32 v24, v55;
	[tilespmem:s1+$0x430] =	vst v32  }
0x2a2: {  	v24 =	vshrl.u32 v26, $0x10;
	v26 =	vmul.bf16 v5, v27;
	v27 =	vmul.bf16 v7, v6;
	v30 =	vld [tilespmem:s20+$0xFFFFF040]  }
0x2a3: {  	v9 =	vmul.bf16 v15, v9;
	v8 =	vor.u32 $0x100, v22;
	v6 =	vor.u32 v24, v56;
	v24 =	vld [tilespmem:s20+$0x40]  }
0x2a4: {  	v22 =	vld.idx.msk [tilespmem:v22+s2+$0x0], $0xffff;
	v10 =	vadd.bf16 v23, v10;
	v23 =	vadd.bf16 v27, v26;
	v26 =	vmul.bf16 v6, v53  }
0x2a5: {  	s28 =	simm.s32 $0x400;
	v9 =	vadd.bf16 v20, v9;
	v20 =	vmul.bf16 v1, v21;
	v21 =	vld [tilespmem:s20+$0x1040]  }
0x2a6: {  	s31 =	simm.s32 $0x280;
	s0 =	sand.u32 $0x1800, s28;
	v25 =	vld.idx.msk [tilespmem:v25+s2+$0x0], $0xffff;
	v27 =	vunpack.i.u.bf16.f32 v10;
	v23 =	vadd.bf16 v26, v23  }
0x2a7: {  	s6 =	sand.u32 $0x380, s31;
	s0 =	sor.u32 $0x12000, s0;
	v9 =	vadd.bf16 v20, v9;
	v19 =	vld [tilespmem:s19+$0x70];
	v10 =	vunpack.i.l.bf16.f32 v10;
	[tilespmem:s21+$0x420] =	vst v27  }
0x2a8: {  	s23 =	sor.u32 s6, s0;
	v20 =	vld.idx.msk [tilespmem:v8+s2+$0x0], $0xffff;
	[tilespmem:s21+$0x20] =	vst v10;
	v26 =	vmul.bf16 v14, v30;
	v24 =	vmul.bf16 v17, v24;
	v8 =	vunpack.i.l.bf16.f32 v23  }
0x2a9: {  	v59 =	vunpack.i.l.bf16.f32 v9;
	v10 =	vld [tilespmem:s22+$0xFFFFFF80];
	v23 =	vunpack.i.u.bf16.f32 v23;
	[tilespmem:s23+$0x0] =	vst v8  }
0x2aa: {  	v27 =	vunpack.i.u.bf16.f32 v9;
	v60 =	vld [tilespmem:s20+$0xFFFFEFB0];
	v21 =	vmul.bf16 v18, v21;
	[tilespmem:s23+$0x400] =	vst v23;
	v9 =	vadd.bf16 v24, v26  }
0x2ab: {  	v23 =	vand.u32 $0xFFFF0000, v25;
	v8 =	vand.u32 $0xFFFF0000, v22;
	v22 =	vshrl.u32 v22, $0x10;
	v24 =	vld [tilespmem:s22+$0xFFFFF010]  }
0x2ac: {  	v25 =	vshrl.u32 v25, $0x10;
	v8 =	vor.u32 v22, v8;
	v22 =	vld [tilespmem:s22+$0x10];
	v21 =	vadd.bf16 v21, v9  }
0x2ad: {  	[tilespmem:s18+$0x40] =	vst v59;
	v26 =	vand.u32 $0xFFFF0000, v20;
	v20 =	vshrl.u32 v20, $0x10;
	v9 =	vor.u32 v25, v23;
	v25 =	vld [tilespmem:s20+$0xFFFFFFB0]  }
0x2ae: {  	[tilespmem:s18+$0x440] =	vst v27;
	v61 =	vld [tilespmem:s22+$0x1010];
	v23 =	vmul.bf16 v8, v57;
	v27 =	vmul.bf16 v9, v10;
	v62 =	vunpack.i.l.bf16.f32 v21  }
0x2af: {  	v63 =	vld [tilespmem:s20+$0xFB0];
	v10 =	vor.u32 v20, v26;
	v20 =	vunpack.i.u.bf16.f32 v21;
	[tilespmem:s1+$0x40] =	vst v62  }
0x2b0: {  	v36 =	vld [tilespmem:s19+$0xFFFFFFD0];
	v21 =	vadd.bf16 v27, v23;
	v23 =	vmul.bf16 v10, v58;
	[tilespmem:s1+$0x440] =	vst v20  }
0x2b1: {  	v20 =	vmul.bf16 v5, v24;
	v22 =	vmul.bf16 v7, v22;
	v24 =	vld [tilespmem:s20+$0xFFFFF050]  }
0x2b2: {  	s12 =	simm.s32 $0x200;
	v27 =	vmul.bf16 v2, v60;
	v25 =	vmul.bf16 v4, v25;
	v21 =	vadd.bf16 v23, v21;
	v23 =	vld [tilespmem:s20+$0x50]  }
0x2b3: {  	s6 =	sand.u32 $0x300, s12;
	v26 =	vld [tilespmem:s19+$0xFFFFEFD0];
	v20 =	vadd.bf16 v22, v20;
	v22 =	vmul.bf16 v6, v61  }
0x2b4: {  	s24 =	sor.u32 s6, s0;
	v37 =	vmul.bf16 v3, v63;
	v30 =	vld [tilespmem:s20+$0x1050];
	v25 =	vadd.bf16 v25, v27;
	v27 =	vunpack.i.u.bf16.f32 v21  }
0x2b5: {  	v38 =	vld [tilespmem:s19+$0xFD0];
	v21 =	vunpack.i.l.bf16.f32 v21;
	[tilespmem:s24+$0x400] =	vst v27;
	v20 =	vadd.bf16 v22, v20  }
0x2b6: {  	v22 =	vld [tilespmem:s19+$0x1070];
	[tilespmem:s24+$0x0] =	vst v21;
	v25 =	vadd.bf16 v37, v25  }
0x2b7: {  	v21 =	vld [tilespmem:s22+$0xFFFFEF90];
	v24 =	vmul.bf16 v14, v24;
	v27 =	vunpack.i.l.bf16.f32 v20;
	v23 =	vmul.bf16 v17, v23  }
0x2b8: {  	v39 =	vmul.bf16 v0, v36;
	v26 =	vmul.bf16 v15, v26;
	v40 =	vld [tilespmem:s22+$0xFFFFFF90];
	v20 =	vunpack.i.u.bf16.f32 v20;
	[tilespmem:s23+$0x10] =	vst v27  }
0x2b9: {  	v41 =	vld [tilespmem:s22+$0xF90];
	v27 =	vunpack.i.l.bf16.f32 v25;
	[tilespmem:s23+$0x410] =	vst v20;
	v20 =	vadd.bf16 v23, v24;
	v23 =	vmul.bf16 v18, v30  }
0x2ba: {  	v26 =	vadd.bf16 v39, v26;
	v24 =	vunpack.i.u.bf16.f32 v25;
	[tilespmem:s21+$0x30] =	vst v27;
	v25 =	vmul.bf16 v1, v38;
	v27 =	vld [tilespmem:s22+$0xFFFFF020]  }
0x2bb: {  	[tilespmem:s21+$0x430] =	vst v24;
	v24 =	vld [tilespmem:s22+$0x20];
	v20 =	vadd.bf16 v23, v20  }
0x2bc: {  	v42 =	vld [tilespmem:s22+$0x1020];
	v25 =	vadd.bf16 v25, v26  }
0x2bd: {  	v23 =	vld [tilespmem:s20+$0xFFFFEFC0];
	v21 =	vmul.bf16 v8, v21;
	v26 =	vmul.bf16 v9, v40;
	v43 =	vunpack.i.l.bf16.f32 v20  }
0x2be: {  	v44 =	vld [tilespmem:s20+$0xFFFFFFC0];
	v20 =	vunpack.i.u.bf16.f32 v20;
	[tilespmem:s1+$0x50] =	vst v43  }
0x2bf: {  	v46 =	vmul.bf16 v10, v41;
	v47 =	vld [tilespmem:s20+$0xFC0];
	v45 =	vunpack.i.l.bf16.f32 v25;
	v21 =	vadd.bf16 v26, v21;
	[tilespmem:s1+$0x450] =	vst v20  }
0x2c0: {  	v20 =	vunpack.i.u.bf16.f32 v25;
	v25 =	vmul.bf16 v5, v27;
	v24 =	vmul.bf16 v7, v24;
	v26 =	vld [tilespmem:s20+$0xFFFFF060]  }
0x2c1: {  	s13 =	sadd.s32 $0x4, s14;
	[tilespmem:s18+$0x450] =	vst v20;
	v20 =	vadd.bf16 v46, v21;
	v21 =	vld [tilespmem:s20+$0x60]  }
0x2c2: {  	s26 =	sadd.s32 $0x23, s13;
	[tilespmem:s18+$0x50] =	vst v45;
	v33 =	vld [tilespmem:s20+$0x1060];
	v24 =	vadd.bf16 v24, v25;
	v25 =	vmul.bf16 v6, v42  }
0x2c3: {  	v48 =	vmov s26;
	v27 =	vld [tilespmem:s19+$0xFFFFEFE0];
	v49 =	vunpack.i.u.bf16.f32 v20;
	v20 =	vunpack.i.l.bf16.f32 v20  }
0x2c4: {  	v50 =	vshll.u32 v48, $0x2;
	v34 =	vld [tilespmem:s19+$0xFFFFFFE0];
	[tilespmem:s24+$0x10] =	vst v20;
	v24 =	vadd.bf16 v25, v24  }
0x2c5: {  	v51 =	vand.u32 $0x7FFFFE00, v50;
	v12 =	vmul.bf16 v12, v16;
	v20 =	vand.u32 $0x3F, v48;
	[tilespmem:s24+$0x410] =	vst v49;
	v25 =	vld [tilespmem:s19+$0xFE0]  }
0x2c6: {  	v13 =	vmul.bf16 v13, v19;
	v20 =	vor.u32 v20, v51;
	v28 =	vld [tilespmem:s22+$0xFFFFEFA0];
	v52 =	vunpack.i.l.bf16.f32 v24  }
0x2c7: {  	v16 =	vld [tilespmem:s22+$0xFFFFFFA0];
	v26 =	vmul.bf16 v14, v26;
	v21 =	vmul.bf16 v17, v21;
	v19 =	vunpack.i.u.bf16.f32 v24;
	[tilespmem:s23+$0x20] =	vst v52  }
0x2c8: {  	v12 =	vadd.bf16 v13, v12;
	v11 =	vmul.bf16 v11, v22;
	v53 =	vor.u32 $0x100, v20;
	v24 =	vld [tilespmem:s22+$0xFA0];
	[tilespmem:s23+$0x420] =	vst v19  }
0x2c9: {  	v13 =	vor.u32 $0x80, v20;
	v19 =	vadd.bf16 v21, v26;
	v21 =	vmul.bf16 v18, v33;
	v22 =	vld [tilespmem:s22+$0xFFFFF030]  }
0x2ca: {  	v30 =	vmul.bf16 v4, v44;
	v32 =	vmul.bf16 v3, v47;
	v26 =	vld [tilespmem:s22+$0x30]  }
0x2cb: {  	s0 =	sadd.s32 $0x22, s13;
	v27 =	vmul.bf16 v15, v27;
	v54 =	vld [tilespmem:s22+$0x1030];
	v21 =	vadd.bf16 v21, v19;
	v19 =	vadd.bf16 v11, v12  }
0x2cc: {  	v11 =	vmov s0;
	v12 =	vld.idx.msk [tilespmem:v20+s2+$0x0], $0xffff;
	v20 =	vmul.bf16 v2, v23;
	v28 =	vmul.bf16 v8, v28  }
0x2cd: {  	v16 =	vmul.bf16 v9, v16;
	v23 =	vshll.u32 v11, $0x2;
	v11 =	vand.u32 $0x3E, v11;
	v29 =	vld.idx.msk [tilespmem:v53+s2+$0x0], $0xffff  }
0x2ce: {  	s0 =	simm.s32 $0x8380;
	v13 =	vld.idx.msk [tilespmem:v13+s2+$0x0], $0xffff;
	v55 =	vunpack.i.l.bf16.f32 v21;
	v23 =	vand.u32 $0x7FFFFE00, v23;
	v21 =	vunpack.i.u.bf16.f32 v21  }
0x2cf: {  	v57 =	vld [tilespmem:s0+$0xFFFFF000];
	v11 =	vor.u32 v11, v23;
	v22 =	vmul.bf16 v5, v22;
	v23 =	vmul.bf16 v7, v26  }
0x2d0: {  	v35 =	vld [tilespmem:s0+$0x0];
	v20 =	vadd.bf16 v30, v20;
	v24 =	vmul.bf16 v10, v24;
	v16 =	vadd.bf16 v16, v28;
	[tilespmem:s1+$0x60] =	vst v55  }
0x2d1: {  	v42 =	vld [tilespmem:s0+$0xFFFFFF80];
	[tilespmem:s1+$0x460] =	vst v21;
	v21 =	vor.u32 $0x80, v11;
	v22 =	vadd.bf16 v23, v22;
	v23 =	vmul.bf16 v6, v54  }
0x2d2: {  	v58 =	vmul.bf16 v0, v34;
	v26 =	vld [tilespmem:s20+$0xFFFFF070];
	v60 =	vor.u32 $0x100, v11;
	v16 =	vadd.bf16 v24, v16  }
0x2d3: {  	v56 =	vld [tilespmem:s20+$0x70];
	v20 =	vadd.bf16 v32, v20;
	v24 =	vand.u32 $0xFFFF0000, v12;
	v22 =	vadd.bf16 v23, v22  }
0x2d4: {  	v12 =	vshrl.u32 v12, $0x10;
	v23 =	vmul.bf16 v1, v25;
	v25 =	vadd.bf16 v58, v27;
	v27 =	vld [tilespmem:s0+$0x1000]  }
0x2d5: {  	v62 =	vshrl.u32 v13, $0x10;
	v44 =	vunpack.i.u.bf16.f32 v20;
	v36 =	vld.idx.msk [tilespmem:v11+s2+$0x0], $0xffff;
	v61 =	vunpack.i.l.bf16.f32 v22  }
0x2d6: {  	v20 =	vunpack.i.l.bf16.f32 v20;
	v11 =	vand.u32 $0xFFFF0000, v13;
	v21 =	vld.idx.msk [tilespmem:v21+s2+$0x0], $0xffff;
	v22 =	vunpack.i.u.bf16.f32 v22;
	[tilespmem:s23+$0x30] =	vst v61  }
0x2d7: {  	v13 =	vor.u32 v12, v24;
	v12 =	vand.u32 $0xFFFF0000, v29;
	v11 =	vor.u32 v62, v11;
	v38 =	vld.idx.msk [tilespmem:v60+s2+$0x0], $0xffff;
	[tilespmem:s23+$0x430] =	vst v22  }
0x2d8: {  	v63 =	vmul.bf16 v13, v57;
	v31 =	vmul.bf16 v11, v35;
	v22 =	vshrl.u32 v29, $0x10;
	v37 =	vld [tilespmem:s22+$0xFFFFF040]  }
0x2d9: {  	v26 =	vmul.bf16 v14, v26;
	v23 =	vadd.bf16 v23, v25;
	v12 =	vor.u32 v22, v12;
	v22 =	vld [tilespmem:s22+$0x40]  }
0x2da: {  	v24 =	vld [tilespmem:s0+$0xFFFFEF80];
	v25 =	vunpack.i.u.bf16.f32 v16;
	v29 =	vadd.bf16 v31, v63;
	v27 =	vmul.bf16 v12, v27  }
0x2db: {  	s26 =	simm.s32 $0x600;
	v16 =	vunpack.i.l.bf16.f32 v16;
	[tilespmem:s24+$0x420] =	vst v25;
	v40 =	vld [tilespmem:s22+$0x1040];
	v25 =	vand.u32 $0xFFFF0000, v36;
	v41 =	vshrl.u32 v36, $0x10  }
0x2dc: {  	s29 =	simm.s32 $0x380;
	s28 =	sand.u32 $0x1800, s26;
	v59 =	vld [tilespmem:s20+$0x1070];
	v39 =	vand.u32 $0xFFFF0000, v21;
	v21 =	vshrl.u32 v21, $0x10;
	v27 =	vadd.bf16 v27, v29  }
0x2dd: {  	s31 =	sand.u32 $0x380, s29;
	s6 =	sor.u32 $0x12000, s28;
	[tilespmem:s24+$0x20] =	vst v16;
	v14 =	vor.u32 v41, v25;
	v46 =	vand.u32 $0xFFFF0000, v38;
	v16 =	vor.u32 v21, v39;
	v21 =	vld [tilespmem:s0+$0xF80]  }
0x2de: {  	s12 =	sor.u32 s31, s6;
	v43 =	vld [tilespmem:s22+$0xFFFFEFB0];
	v25 =	vunpack.i.l.bf16.f32 v27;
	v33 =	vmul.bf16 v5, v37;
	v22 =	vmul.bf16 v7, v22  }
0x2df: {  	v32 =	vshrl.u32 v38, $0x10;
	v24 =	vmul.bf16 v14, v24;
	v27 =	vunpack.i.u.bf16.f32 v27;
	[tilespmem:s12+$0x0] =	vst v25;
	v25 =	vld [tilespmem:s22+$0xFFFFFFB0]  }
0x2e0: {  	v29 =	vmul.bf16 v16, v42;
	v45 =	vmul.bf16 v6, v40;
	[tilespmem:s12+$0x400] =	vst v27;
	v27 =	vld [tilespmem:s22+$0xFB0];
	v22 =	vadd.bf16 v22, v33  }
0x2e1: {  	[tilespmem:s21+$0x40] =	vst v20;
	v20 =	vmul.bf16 v17, v56;
	v17 =	vor.u32 v32, v46;
	v47 =	vld [tilespmem:s0+$0xFFFFF010]  }
0x2e2: {  	[tilespmem:s21+$0x440] =	vst v44;
	v24 =	vadd.bf16 v29, v24;
	v48 =	vld [tilespmem:s0+$0x10];
	v21 =	vmul.bf16 v17, v21;
	v22 =	vadd.bf16 v45, v22  }
0x2e3: {  	v49 =	vunpack.i.u.bf16.f32 v19;
	v50 =	vld [tilespmem:s20+$0xFFFFEFD0];
	v20 =	vadd.bf16 v20, v26  }
0x2e4: {  	[tilespmem:s7+$0x470] =	vst v49;
	v53 =	vunpack.i.u.bf16.f32 v23;
	v51 =	vld [tilespmem:s0+$0x1010];
	v21 =	vadd.bf16 v21, v24;
	v52 =	vunpack.i.l.bf16.f32 v22  }
0x2e5: {  	s13 =	simm.s32 $0x300;
	v26 =	vmul.bf16 v8, v43;
	v24 =	vld [tilespmem:s20+$0xFFFFFFD0];
	v25 =	vmul.bf16 v9, v25;
	v22 =	vunpack.i.u.bf16.f32 v22;
	[tilespmem:s23+$0x40] =	vst v52  }
0x2e6: {  	s13 =	sand.u32 $0x300, s13;
	v23 =	vunpack.i.l.bf16.f32 v23;
	v27 =	vmul.bf16 v10, v27;
	[tilespmem:s23+$0x440] =	vst v22;
	v22 =	vld [tilespmem:s20+$0xFD0];
	v55 =	vunpack.i.u.bf16.f32 v21  }
0x2e7: {  	s6 =	sor.u32 s13, s6;
	[tilespmem:s18+$0x60] =	vst v23;
	v23 =	vadd.bf16 v25, v26;
	v25 =	vmul.bf16 v13, v47;
	v26 =	vmul.bf16 v11, v48;
	v54 =	vld [tilespmem:s22+$0xFFFFF050]  }
0x2e8: {  	v19 =	vunpack.i.l.bf16.f32 v19;
	v18 =	vmul.bf16 v18, v59;
	v21 =	vunpack.i.l.bf16.f32 v21;
	v56 =	vld [tilespmem:s22+$0x50];
	[tilespmem:s6+$0x400] =	vst v55  }
0x2e9: {  	[tilespmem:s6+$0x0] =	vst v21;
	v21 =	vld [tilespmem:s22+$0x1050];
	v23 =	vadd.bf16 v27, v23;
	v25 =	vadd.bf16 v26, v25;
	v26 =	vmul.bf16 v12, v51  }
0x2ea: {  	[tilespmem:s18+$0x460] =	vst v53;
	v57 =	vmul.bf16 v2, v50;
	v18 =	vadd.bf16 v18, v20;
	v20 =	vld [tilespmem:s0+$0xFFFFEF90];
	v24 =	vmul.bf16 v4, v24  }
0x2eb: {  	[tilespmem:s7+$0x70] =	vst v19;
	v27 =	vld [tilespmem:s19+$0xFFFFEFF0];
	v19 =	vunpack.i.l.bf16.f32 v23;
	v25 =	vadd.bf16 v26, v25  }
0x2ec: {  	v23 =	vunpack.i.u.bf16.f32 v23;
	v24 =	vadd.bf16 v24, v57;
	[tilespmem:s24+$0x30] =	vst v19;
	v19 =	vmul.bf16 v3, v22;
	v22 =	vld [tilespmem:s0+$0xFFFFFF90]  }
0x2ed: {  	v26 =	vld [tilespmem:s0+$0xF90];
	[tilespmem:s24+$0x430] =	vst v23;
	v58 =	vmul.bf16 v5, v54;
	v59 =	vmul.bf16 v7, v56;
	v23 =	vunpack.i.l.bf16.f32 v25  }
0x2ee: {  	v60 =	vunpack.i.u.bf16.f32 v18;
	v25 =	vunpack.i.u.bf16.f32 v25;
	v61 =	vld [tilespmem:s22+$0xFFFFEFC0];
	[tilespmem:s12+$0x10] =	vst v23  }
0x2ef: {  	v21 =	vmul.bf16 v6, v21;
	v62 =	vld [tilespmem:s22+$0xFFFFFFC0];
	v19 =	vadd.bf16 v19, v24;
	[tilespmem:s12+$0x410] =	vst v25;
	v24 =	vadd.bf16 v59, v58  }
0x2f0: {  	v18 =	vunpack.i.l.bf16.f32 v18;
	[tilespmem:s1+$0x470] =	vst v60;
	v63 =	vmul.bf16 v14, v20;
	v23 =	vld [tilespmem:s0+$0xFFFFF020]  }
0x2f1: {  	[tilespmem:s1+$0x70] =	vst v18;
	v25 =	vld [tilespmem:s0+$0x20];
	v18 =	vunpack.i.l.bf16.f32 v19;
	v21 =	vadd.bf16 v21, v24;
	v22 =	vmul.bf16 v16, v22  }
0x2f2: {  	v20 =	vld [tilespmem:s22+$0xFC0];
	v15 =	vmul.bf16 v15, v27;
	v19 =	vunpack.i.u.bf16.f32 v19;
	[tilespmem:s21+$0x50] =	vst v18  }
0x2f3: {  	v26 =	vmul.bf16 v17, v26;
	v24 =	vld [tilespmem:s0+$0x1020];
	[tilespmem:s21+$0x450] =	vst v19;
	v18 =	vunpack.i.l.bf16.f32 v21;
	v19 =	vadd.bf16 v22, v63  }
0x2f4: {  	v27 =	vunpack.i.u.bf16.f32 v21;
	v21 =	vmul.bf16 v8, v61;
	[tilespmem:s23+$0x50] =	vst v18;
	v18 =	vld [tilespmem:s20+$0xFFFFEFE0];
	v22 =	vmul.bf16 v9, v62  }
0x2f5: {  	s7 =	sor.u32 $0x1, s16;
	s1 =	simm.s32 $0x6;
	[tilespmem:s23+$0x450] =	vst v27;
	v26 =	vadd.bf16 v26, v19;
	v19 =	vld [tilespmem:s20+$0xFFFFFFE0]  }
.LBB2_7:
0x2f6: {  	s13 =	sadd.s32 s1, s14;
	v23 =	vmul.bf16 v13, v23;
	v25 =	vmul.bf16 v11, v25;
	v21 =	vadd.bf16 v22, v21;
	v22 =	vld [tilespmem:s22+$0xFFFFF060]  }
0x2f7: {  	s31 =	sadd.s32 $0x22, s13;
	s13 =	sadd.s32 $0x23, s13;
	v27 =	vunpack.i.u.bf16.f32 v26;
	v26 =	vunpack.i.l.bf16.f32 v26;
	v20 =	vmul.bf16 v10, v20;
	v28 =	vld [tilespmem:s22+$0x60]  }
0x2f8: {  	v29 =	vmov s13;
	[tilespmem:s6+$0x10] =	vst v26;
	v23 =	vadd.bf16 v25, v23;
	v24 =	vmul.bf16 v12, v24;
	v25 =	vld [tilespmem:s20+$0xFE0]  }
0x2f9: {  	v26 =	vmov s31;
	v30 =	vshll.u32 v29, $0x2;
	[tilespmem:s6+$0x410] =	vst v27;
	v20 =	vadd.bf16 v20, v21;
	v21 =	vld [tilespmem:s22+$0x1060]  }
0x2fa: {  	v27 =	vand.u32 $0x3F, v29;
	v29 =	vand.u32 $0x7FFFFE00, v30;
	v30 =	vld [tilespmem:s0+$0xFFFFEFA0];
	v23 =	vadd.bf16 v24, v23  }
0x2fb: {  	v24 =	vand.u32 $0x3E, v26;
	v26 =	vshll.u32 v26, $0x2;
	v27 =	vor.u32 v27, v29;
	v29 =	vld [tilespmem:s0+$0xFFFFFFA0]  }
0x2fc: {  	v22 =	vmul.bf16 v5, v22;
	v31 =	vld [tilespmem:s0+$0xFA0];
	v32 =	vunpack.i.l.bf16.f32 v23;
	v28 =	vmul.bf16 v7, v28  }
0x2fd: {  	v26 =	vand.u32 $0x7FFFFE00, v26;
	v23 =	vunpack.i.u.bf16.f32 v23;
	[tilespmem:s12+$0x20] =	vst v32;
	v32 =	vunpack.i.u.bf16.f32 v20;
	v33 =	vld [tilespmem:s19+$0xFFFFFFF0]  }
0x2fe: {  	v34 =	vor.u32 $0x100, v27;
	[tilespmem:s12+$0x420] =	vst v23;
	v22 =	vadd.bf16 v28, v22;
	v21 =	vmul.bf16 v6, v21;
	v23 =	vld [tilespmem:s19+$0xFF0];
	s19 =	smov.u32 s20;
	s20 =	smov.u32 s22;
	s22 =	smov.u32 s0  }
0x2ff: {  	v24 =	vor.u32 v24, v26;
	v26 =	vor.u32 $0x80, v27;
	v28 =	vmul.bf16 v14, v30;
	v30 =	vld [tilespmem:s0+$0xFFFFF030];
	[tilespmem:s24+$0x440] =	vst v32  }
0x300: {  	v35 =	vor.u32 $0x100, v24;
	v32 =	vor.u32 $0x80, v24;
	v36 =	vld [tilespmem:s0+$0x30];
	v21 =	vadd.bf16 v21, v22  }
0x301: {  	v20 =	vunpack.i.l.bf16.f32 v20;
	v22 =	vld.idx.msk [tilespmem:v27+s2+$0x0], $0xffff;
	v27 =	vmul.bf16 v16, v29;
	v29 =	vmul.bf16 v17, v31  }
0x302: {  	v18 =	vmul.bf16 v2, v18;
	v19 =	vmul.bf16 v4, v19;
	v31 =	vld [tilespmem:s0+$0x1030];
	[tilespmem:s24+$0x40] =	vst v20;
	v20 =	vunpack.i.l.bf16.f32 v21  }
0x303: {  	v21 =	vunpack.i.u.bf16.f32 v21;
	v34 =	vld.idx.msk [tilespmem:v34+s2+$0x0], $0xffff;
	v27 =	vadd.bf16 v27, v28;
	[tilespmem:s23+$0x60] =	vst v20;
	v20 =	vmul.bf16 v3, v25  }
0x304: {  	v18 =	vadd.bf16 v19, v18;
	v19 =	vmul.bf16 v0, v33;
	v0 =	vmov v4;
	v25 =	vld.idx.msk [tilespmem:v26+s2+$0x0], $0xffff;
	[tilespmem:s23+$0x460] =	vst v21  }
0x305: {  	v4 =	vmovc v9;
	v26 =	vmul.bf16 v13, v30;
	v21 =	vadd.bf16 v29, v27;
	v27 =	vmul.bf16 v11, v36;
	v28 =	vld [tilespmem:s20+$0xFFFFF070]  }
0x306: {  	s0 =	sadd.s32 $0x100, s0;
	v9 =	vmovc v16;
	v15 =	vadd.bf16 v19, v15;
	v19 =	vmul.bf16 v1, v23;
	v18 =	vadd.bf16 v20, v18;
	v29 =	vld [tilespmem:s20+$0x70]  }
0x307: {  	v1 =	vmovc v3;
	v3 =	vmovc v10;
	v16 =	vld [tilespmem:s0+$0xFFFFF000];
	v20 =	vunpack.i.u.bf16.f32 v21;
	v23 =	vadd.bf16 v27, v26;
	v26 =	vmul.bf16 v12, v31  }
0x308: {  	v10 =	vmovc v17;
	v21 =	vunpack.i.l.bf16.f32 v21;
	v27 =	vunpack.i.u.bf16.f32 v18;
	v18 =	vunpack.i.l.bf16.f32 v18;
	[tilespmem:s6+$0x420] =	vst v20;
	v20 =	vld [tilespmem:s20+$0x1070]  }
0x309: {  	s1 =	sadd.s32 $0x2, s1;
	v17 =	vand.u32 $0xFFFF0000, v22;
	v22 =	vshrl.u32 v22, $0x10;
	v30 =	vld [tilespmem:s0+$0x0];
	[tilespmem:s6+$0x20] =	vst v21;
	v21 =	vadd.bf16 v26, v23  }
0x30a: {  	p1 =	slt.u32 s1, $0x1E;
	v15 =	vadd.bf16 v19, v15;
	v17 =	vor.u32 v22, v17;
	v22 =	vand.u32 $0xFFFF0000, v34;
	v23 =	vld.idx.msk [tilespmem:v32+s2+$0x0], $0xffff;
	[tilespmem:s21+$0x60] =	vst v18  }
0x30b: {  	v26 =	vmul.bf16 v5, v28;
	v5 =	vmovc v13;
	v18 =	vld [tilespmem:s0+$0x1000];
	v19 =	vunpack.i.l.bf16.f32 v21;
	v28 =	vmul.bf16 v7, v29;
	[tilespmem:s21+$0x460] =	vst v27  }
0x30c: {  	v13 =	vmovc v17;
	v27 =	vand.u32 $0xFFFF0000, v25;
	v25 =	vshrl.u32 v25, $0x10;
	v21 =	vunpack.i.u.bf16.f32 v21;
	v7 =	vmovc v11;
	v24 =	vld.idx.msk [tilespmem:v24+s2+$0x0], $0xffff;
	[tilespmem:s12+$0x30] =	vst v19  }
0x30d: {  	v11 =	vor.u32 v25, v27;
	v17 =	vld [tilespmem:s0+$0xFFFFEF80];
	[tilespmem:s12+$0x430] =	vst v21;
	v19 =	vadd.bf16 v28, v26;
	v20 =	vmul.bf16 v6, v20  }
0x30e: {  	v16 =	vmul.bf16 v13, v16;
	v21 =	vshrl.u32 v34, $0x10;
	v6 =	vmovc v12;
	v25 =	vmul.bf16 v11, v30;
	v26 =	vld [tilespmem:s22+$0xFFFFF040]  }
0x30f: {  	v12 =	vor.u32 v21, v22;
	v21 =	vld [tilespmem:s22+$0x40];
	v19 =	vadd.bf16 v20, v19;
	v20 =	vunpack.i.u.bf16.f32 v15  }
0x310: {  	v22 =	vand.u32 $0xFFFF0000, v23;
	v27 =	vld.idx.msk [tilespmem:v35+s2+$0x0], $0xffff;
	v16 =	vadd.bf16 v25, v16;
	v18 =	vmul.bf16 v12, v18;
	[tilespmem:s18+$0x470] =	vst v20  }
0x311: {  	s26 =	sadd.s32 $0x200, s26;
	v15 =	vunpack.i.l.bf16.f32 v15;
	v20 =	vshrl.u32 v23, $0x10;
	v23 =	vld [tilespmem:s22+$0x1040];
	v25 =	vunpack.i.u.bf16.f32 v19  }
0x312: {  	s29 =	sadd.s32 $0x100, s29;
	s13 =	sand.u32 $0x1800, s26;
	v28 =	vand.u32 $0xFFFF0000, v24;
	v24 =	vshrl.u32 v24, $0x10;
	v29 =	vld [tilespmem:s0+$0xFFFFFF80];
	v18 =	vadd.bf16 v18, v16;
	[tilespmem:s23+$0x470] =	vst v25  }
0x313: {  	s28 =	sand.u32 $0x380, s29;
	s31 =	sadd.s32 $0xFFFFFF80, s29;
	s13 =	sor.u32 $0x12000, s13;
	v19 =	vunpack.i.l.bf16.f32 v19;
	v24 =	vor.u32 v24, v28;
	v16 =	vor.u32 v20, v22;
	v20 =	vld [tilespmem:s0+$0xF80];
	[tilespmem:s18+$0x70] =	vst v15  }
0x314: {  	s18 =	sand.u32 $0x300, s31;
	v25 =	vmul.bf16 v5, v26;
	v15 =	vunpack.i.l.bf16.f32 v18;
	v22 =	vld [tilespmem:s22+$0xFFFFEFB0];
	v21 =	vmul.bf16 v7, v21;
	[tilespmem:s23+$0x70] =	vst v19;
	s23 =	smov.u32 s12;
	s12 =	sor.u32 s28, s13  }
0x315: {  	v19 =	vmul.bf16 v24, v17;
	s13 =	sor.u32 s18, s13;
	v17 =	vunpack.i.u.bf16.f32 v18;
	s18 =	smov.u32 s21;
	s21 =	smov.u32 s24;
	[tilespmem:s12+$0x0] =	vst v15;
	v15 =	vld [tilespmem:s22+$0xFFFFFFB0]  }
0x316: {  	s24 =	smov.u32 s6;
	v18 =	vand.u32 $0xFFFF0000, v27;
	s6 =	smov.u32 s13;
	[tilespmem:s12+$0x400] =	vst v17;
	v26 =	vld [tilespmem:s22+$0xFB0];
	v21 =	vadd.bf16 v21, v25;
	v23 =	vmul.bf16 v6, v23  }
0x317: {  	v17 =	vshrl.u32 v27, $0x10;
	v25 =	vmul.bf16 v16, v29;
	v27 =	vld [tilespmem:s0+$0xFFFFF010]  }
0x318: {  	v17 =	vor.u32 v17, v18;
	v18 =	vld [tilespmem:s0+$0x10];
	v21 =	vadd.bf16 v23, v21  }
0x319: {  	v20 =	vmul.bf16 v17, v20;
	v19 =	vadd.bf16 v25, v19;
	v22 =	vmul.bf16 v14, v22;
	v23 =	vld [tilespmem:s20+$0xFFFFEFD0]  }
0x31a: {  	v25 =	vld [tilespmem:s0+$0x1010];
	v15 =	vmul.bf16 v9, v15;
	v28 =	vunpack.i.l.bf16.f32 v21  }
0x31b: {  	v21 =	vunpack.i.u.bf16.f32 v21;
	v19 =	vadd.bf16 v20, v19;
	v20 =	vmul.bf16 v10, v26;
	[tilespmem:s23+$0x40] =	vst v28;
	v26 =	vld [tilespmem:s20+$0xFFFFFFD0]  }
0x31c: {  	v15 =	vadd.bf16 v15, v22;
	[tilespmem:s23+$0x440] =	vst v21;
	v21 =	vld [tilespmem:s20+$0xFD0]  }
0x31d: {  	v27 =	vmul.bf16 v13, v27;
	v22 =	vunpack.i.u.bf16.f32 v19;
	v18 =	vmul.bf16 v11, v18;
	v28 =	vld [tilespmem:s22+$0xFFFFF050]  }
0x31e: {  	v19 =	vunpack.i.l.bf16.f32 v19;
	[tilespmem:s6+$0x400] =	vst v22;
	v15 =	vadd.bf16 v20, v15;
	v20 =	vld [tilespmem:s22+$0x50];
	v22 =	vmul.bf16 v8, v23  }
0x31f: {  	[tilespmem:s6+$0x0] =	vst v19;
	v18 =	vadd.bf16 v18, v27;
	v19 =	vmul.bf16 v12, v25;
	v23 =	vld [tilespmem:s19+$0xFFFFEFF0]  }
0x320: {  	v25 =	vunpack.i.u.bf16.f32 v15;
	v15 =	vunpack.i.l.bf16.f32 v15;
	v27 =	vld [tilespmem:s22+$0x1050];
	v26 =	vmul.bf16 v4, v26  }
0x321: {  	v29 =	vld [tilespmem:s0+$0xFFFFEF90];
	v18 =	vadd.bf16 v19, v18;
	[tilespmem:s24+$0x30] =	vst v15;
	v15 =	vmul.bf16 v3, v21  }
0x322: {  	v19 =	vld [tilespmem:s0+$0xFFFFFF90];
	[tilespmem:s24+$0x430] =	vst v25;
	v21 =	vadd.bf16 v26, v22  }
0x323: {  	v26 =	vmul.bf16 v5, v28;
	v22 =	vld [tilespmem:s0+$0xF90];
	v25 =	vunpack.i.l.bf16.f32 v18;
	v20 =	vmul.bf16 v7, v20  }
0x324: {  	v18 =	vunpack.i.u.bf16.f32 v18;
	[tilespmem:s12+$0x10] =	vst v25;
	v28 =	vld [tilespmem:s22+$0xFFFFEFC0];
	v21 =	vadd.bf16 v15, v21;
	v15 =	vmul.bf16 v2, v23;
	v2 =	vmovc v8  }
0x325: {  	v8 =	vmovc v14;
	v14 =	vmov v24;
	[tilespmem:s12+$0x410] =	vst v18;
	v18 =	vld [tilespmem:s22+$0xFFFFFFC0];
	v20 =	vadd.bf16 v20, v26;
	v26 =	vmul.bf16 v6, v27  }
0x326: {  	v24 =	vmul.bf16 v14, v29;
	v23 =	vld [tilespmem:s0+$0xFFFFF020];
	v27 =	vunpack.i.u.bf16.f32 v21;
	v21 =	vunpack.i.l.bf16.f32 v21  }
.Ltmp4:
0x327: {  	v19 =	vmul.bf16 v16, v19;
	v25 =	vld [tilespmem:s0+$0x20];
	v26 =	vadd.bf16 v26, v20;
	[tilespmem:s21+$0x50] =	vst v21;
	(pc) =	sbr.rel @p1 .LBB2_7-.Ltmp4, $4  }
0x328: {  	v29 =	vmul.bf16 v17, v22;
	v20 =	vld [tilespmem:s22+$0xFC0];
	[tilespmem:s21+$0x450] =	vst v27  }
0x329: {  	v19 =	vadd.bf16 v19, v24;
	v24 =	vld [tilespmem:s0+$0x1020];
	v21 =	vmul.bf16 v8, v28;
	v27 =	vunpack.i.l.bf16.f32 v26  }
0x32a: {  	v28 =	vunpack.i.u.bf16.f32 v26;
	v22 =	vmul.bf16 v9, v18;
	[tilespmem:s23+$0x50] =	vst v27;
	v18 =	vld [tilespmem:s20+$0xFFFFEFE0]  }
0x32b: {  	v26 =	vadd.bf16 v29, v19;
	[tilespmem:s23+$0x450] =	vst v28;
	v19 =	vld [tilespmem:s20+$0xFFFFFFE0]  }
0x32c: {  	_ = 	snop  }
0x32d: {  	v27 =	vunpack.i.l.bf16.f32 v26  }
0x32e: {  	v26 =	vunpack.i.u.bf16.f32 v26;
	[tilespmem:s6+$0x10] =	vst v27  }
0x32f: {  	[tilespmem:s6+$0x410] =	vst v26  }
0x330: {  	v23 =	vmul.bf16 v13, v23;
	v25 =	vmul.bf16 v11, v25;
	v26 =	vld [tilespmem:s0+$0xFFFFEFA0]  }
0x331: {  	v27 =	vld [tilespmem:s0+$0xFFFFFFA0]  }
0x332: {  	v23 =	vadd.bf16 v25, v23;
	v24 =	vmul.bf16 v12, v24  }
0x333: {  	v25 =	vld [tilespmem:s0+$0xFA0]  }
0x334: {  	v23 =	vadd.bf16 v24, v23;
	_ =	sdelay $0x1  }
0x335: {  	v24 =	vunpack.i.l.bf16.f32 v23;
	v26 =	vmul.bf16 v14, v26;
	v27 =	vmul.bf16 v16, v27  }
0x336: {  	v23 =	vunpack.i.u.bf16.f32 v23;
	[tilespmem:s12+$0x20] =	vst v24  }
0x337: {  	[tilespmem:s12+$0x420] =	vst v23;
	v23 =	vmul.bf16 v17, v25;
	v24 =	vadd.bf16 v27, v26  }
0x338: {  	v25 =	vld [tilespmem:s0+$0xFFFFF030]  }
0x339: {  	v26 =	vld [tilespmem:s0+$0x30];
	v23 =	vadd.bf16 v23, v24;
	_ =	sdelay $0x1  }
0x33a: {  	v24 =	vld [tilespmem:s0+$0x1030];
	v27 =	vunpack.i.u.bf16.f32 v23  }
0x33b: {  	v23 =	vunpack.i.l.bf16.f32 v23;
	[tilespmem:s6+$0x420] =	vst v27  }
0x33c: {  	[tilespmem:s6+$0x20] =	vst v23  }
0x33d: {  	v23 =	vmul.bf16 v13, v25;
	v25 =	vmul.bf16 v11, v26;
	v26 =	vld [tilespmem:s0+$0xFFFFEFB0]  }
0x33e: {  	v27 =	vld [tilespmem:s0+$0xFFFFFFB0]  }
0x33f: {  	v23 =	vadd.bf16 v25, v23;
	v24 =	vmul.bf16 v12, v24  }
0x340: {  	v25 =	vld [tilespmem:s0+$0xFB0]  }
0x341: {  	v23 =	vadd.bf16 v24, v23;
	_ =	sdelay $0x1  }
0x342: {  	v24 =	vunpack.i.l.bf16.f32 v23;
	v26 =	vmul.bf16 v14, v26;
	v27 =	vmul.bf16 v16, v27  }
0x343: {  	v23 =	vunpack.i.u.bf16.f32 v23;
	[tilespmem:s12+$0x30] =	vst v24  }
0x344: {  	[tilespmem:s12+$0x430] =	vst v23;
	v23 =	vmul.bf16 v17, v25;
	v24 =	vadd.bf16 v27, v26  }
0x345: {  	v25 =	vld [tilespmem:s0+$0xFFFFF040]  }
0x346: {  	v26 =	vld [tilespmem:s0+$0x40];
	v23 =	vadd.bf16 v23, v24;
	_ =	sdelay $0x1  }
0x347: {  	v24 =	vld [tilespmem:s0+$0x1040];
	v27 =	vunpack.i.l.bf16.f32 v23  }
0x348: {  	v23 =	vunpack.i.u.bf16.f32 v23;
	[tilespmem:s6+$0x30] =	vst v27  }
0x349: {  	v20 =	vmul.bf16 v10, v20;
	[tilespmem:s6+$0x430] =	vst v23  }
0x34a: {  	v21 =	vadd.bf16 v22, v21;
	v22 =	vmul.bf16 v13, v25;
	v23 =	vmul.bf16 v11, v26;
	v25 =	vld [tilespmem:s0+$0xFFFFEFC0]  }
0x34b: {  	v26 =	vld [tilespmem:s0+$0xFFFFFFC0]  }
0x34c: {  	v20 =	vadd.bf16 v20, v21;
	v21 =	vadd.bf16 v23, v22;
	v22 =	vmul.bf16 v12, v24  }
0x34d: {  	v23 =	vld [tilespmem:s0+$0xFC0]  }
0x34e: {  	v24 =	vunpack.i.u.bf16.f32 v20;
	v21 =	vadd.bf16 v22, v21  }
0x34f: {  	v20 =	vunpack.i.l.bf16.f32 v20;
	[tilespmem:s24+$0x440] =	vst v24  }
0x350: {  	[tilespmem:s24+$0x40] =	vst v20;
	v20 =	vunpack.i.l.bf16.f32 v21;
	v22 =	vmul.bf16 v14, v25;
	v24 =	vmul.bf16 v16, v26  }
0x351: {  	v21 =	vunpack.i.u.bf16.f32 v21;
	[tilespmem:s12+$0x40] =	vst v20  }
0x352: {  	v20 =	vld [tilespmem:s22+$0xFFFFEFD0];
	[tilespmem:s12+$0x440] =	vst v21;
	v21 =	vadd.bf16 v24, v22;
	v22 =	vmul.bf16 v17, v23  }
0x353: {  	v23 =	vld [tilespmem:s0+$0xFFFFF050]  }
0x354: {  	v24 =	vld [tilespmem:s0+$0x50];
	v21 =	vadd.bf16 v22, v21  }
0x355: {  	v22 =	vld [tilespmem:s22+$0xFFFFFFD0]  }
0x356: {  	v25 =	vld [tilespmem:s0+$0x1050];
	v26 =	vunpack.i.u.bf16.f32 v21  }
0x357: {  	v27 =	vld [tilespmem:s22+$0xFD0];
	v21 =	vunpack.i.l.bf16.f32 v21;
	[tilespmem:s6+$0x440] =	vst v26  }
0x358: {  	v29 =	vld [tilespmem:s22+$0x60];
	[tilespmem:s6+$0x40] =	vst v21  }
0x359: {  	v21 =	vmul.bf16 v13, v23;
	v23 =	vmul.bf16 v11, v24;
	v24 =	vld [tilespmem:s0+$0xFFFFEFD0]  }
0x35a: {  	v20 =	vmul.bf16 v8, v20;
	v28 =	vld [tilespmem:s0+$0xFFFFFFD0];
	v22 =	vmul.bf16 v9, v22  }
0x35b: {  	v26 =	vld [tilespmem:s22+$0xFFFFF060];
	v21 =	vadd.bf16 v23, v21;
	v23 =	vmul.bf16 v12, v25  }
0x35c: {  	v25 =	vmul.bf16 v10, v27;
	v20 =	vadd.bf16 v22, v20;
	v22 =	vld [tilespmem:s0+$0xFD0]  }
0x35d: {  	v27 =	vld [tilespmem:s22+$0x1060];
	v21 =	vadd.bf16 v23, v21  }
0x35e: {  	v20 =	vadd.bf16 v25, v20  }
0x35f: {  	v30 =	vld [tilespmem:s19+$0xFFFFFFF0];
	v25 =	vunpack.i.l.bf16.f32 v21;
	v24 =	vmul.bf16 v14, v24;
	v28 =	vmul.bf16 v16, v28  }
0x360: {  	v29 =	vmul.bf16 v7, v29;
	v23 =	vld [tilespmem:s20+$0xFE0];
	v26 =	vmul.bf16 v5, v26;
	v21 =	vunpack.i.u.bf16.f32 v21;
	[tilespmem:s12+$0x50] =	vst v25  }
0x361: {  	v25 =	vld [tilespmem:s19+$0xFF0];
	[tilespmem:s12+$0x450] =	vst v21;
	v31 =	vunpack.i.l.bf16.f32 v20;
	v21 =	vmul.bf16 v17, v22;
	v22 =	vadd.bf16 v28, v24  }
0x362: {  	v20 =	vunpack.i.u.bf16.f32 v20;
	v24 =	vadd.bf16 v29, v26;
	v26 =	vmul.bf16 v6, v27;
	[tilespmem:s24+$0x50] =	vst v31;
	v27 =	vld [tilespmem:s0+$0xFFFFF060]  }
0x363: {  	[tilespmem:s24+$0x450] =	vst v20;
	v20 =	vld [tilespmem:s0+$0x60];
	v21 =	vadd.bf16 v21, v22  }
0x364: {  	v18 =	vmul.bf16 v2, v18;
	v45 =	vld [tilespmem:s22+$0xFFFFFFE0]  }
0x365: {  	v19 =	vmul.bf16 v4, v19;
	v22 =	vadd.bf16 v26, v24;
	v26 =	vld [tilespmem:s0+$0x1060];
	v44 =	vunpack.i.l.bf16.f32 v21  }
0x366: {  	v24 =	vld [tilespmem:s22+$0xFFFFEFE0];
	v21 =	vunpack.i.u.bf16.f32 v21;
	[tilespmem:s6+$0x50] =	vst v44  }
0x367: {  	v18 =	vadd.bf16 v19, v18;
	v23 =	vmul.bf16 v3, v23;
	v19 =	vld [tilespmem:s22+$0xFE0];
	v46 =	vunpack.i.l.bf16.f32 v22;
	[tilespmem:s6+$0x450] =	vst v21  }
0x368: {  	v21 =	vunpack.i.u.bf16.f32 v22;
	v22 =	vmul.bf16 v13, v27;
	v20 =	vmul.bf16 v11, v20;
	v27 =	vld [tilespmem:s0+$0xFFFFEFE0]  }
0x369: {  	v18 =	vadd.bf16 v23, v18;
	[tilespmem:s23+$0x460] =	vst v21;
	v21 =	vld [tilespmem:s0+$0xFFFFFFE0]  }
0x36a: {  	[tilespmem:s23+$0x60] =	vst v46;
	v48 =	vld [tilespmem:s0+$0xFE0];
	v20 =	vadd.bf16 v20, v22;
	v22 =	vmul.bf16 v12, v26  }
0x36b: {  	v47 =	vmul.bf16 v9, v45;
	v23 =	vld [tilespmem:s22+$0xFFFFF070];
	v26 =	vunpack.i.l.bf16.f32 v18;
	v24 =	vmul.bf16 v8, v24  }
0x36c: {  	v49 =	vld [tilespmem:s22+$0x70];
	v18 =	vunpack.i.u.bf16.f32 v18;
	[tilespmem:s21+$0x60] =	vst v26;
	v20 =	vadd.bf16 v22, v20  }
0x36d: {  	[tilespmem:s21+$0x460] =	vst v18;
	v18 =	vmul.bf16 v10, v19;
	v22 =	vld [tilespmem:s22+$0x1070];
	v19 =	vadd.bf16 v47, v24  }
0x36e: {  	v24 =	vld [tilespmem:s20+$0xFFFFEFF0];
	v26 =	vunpack.i.l.bf16.f32 v20;
	v27 =	vmul.bf16 v14, v27;
	v21 =	vmul.bf16 v16, v21  }
0x36f: {  	v50 =	vld [tilespmem:s20+$0xFFFFFFF0];
	v20 =	vunpack.i.u.bf16.f32 v20;
	v18 =	vadd.bf16 v18, v19;
	[tilespmem:s12+$0x60] =	vst v26  }
0x370: {  	v19 =	vld [tilespmem:s20+$0xFF0];
	[tilespmem:s12+$0x460] =	vst v20;
	v20 =	vmul.bf16 v17, v48;
	v21 =	vadd.bf16 v21, v27  }
0x371: {  	v26 =	vld [tilespmem:s0+$0xFFFFF070];
	v27 =	vunpack.i.l.bf16.f32 v18  }
0x372: {  	v0 =	vmul.bf16 v0, v30;
	v51 =	vld [tilespmem:s0+$0x70];
	v18 =	vunpack.i.u.bf16.f32 v18;
	[tilespmem:s24+$0x60] =	vst v27;
	v20 =	vadd.bf16 v20, v21  }
0x373: {  	v5 =	vmul.bf16 v5, v23;
	v7 =	vmul.bf16 v7, v49;
	[tilespmem:s24+$0x460] =	vst v18;
	v21 =	vld [tilespmem:s0+$0x1070]  }
0x374: {  	v0 =	vadd.bf16 v0, v15;
	v1 =	vmul.bf16 v1, v25;
	v15 =	vld [tilespmem:s22+$0xFFFFEFF0];
	v18 =	vunpack.i.l.bf16.f32 v20  }
0x375: {  	v5 =	vadd.bf16 v7, v5;
	v6 =	vmul.bf16 v6, v22;
	v7 =	vld [tilespmem:s22+$0xFFFFFFF0];
	v20 =	vunpack.i.u.bf16.f32 v20;
	[tilespmem:s6+$0x60] =	vst v18  }
0x376: {  	v2 =	vmul.bf16 v2, v24;
	v4 =	vmul.bf16 v4, v50;
	v18 =	vld [tilespmem:s22+$0xFF0];
	[tilespmem:s6+$0x460] =	vst v20  }
0x377: {  	v0 =	vadd.bf16 v1, v0;
	v1 =	vadd.bf16 v6, v5;
	v3 =	vmul.bf16 v3, v19;
	v5 =	vld [tilespmem:s0+$0xFFFFEFF0]  }
0x378: {  	v2 =	vadd.bf16 v4, v2;
	v4 =	vmul.bf16 v13, v26;
	v6 =	vmul.bf16 v11, v51;
	v11 =	vld [tilespmem:s0+$0xFFFFFFF0]  }
0x379: {  	v13 =	vunpack.i.u.bf16.f32 v0;
	v19 =	vunpack.i.u.bf16.f32 v1;
	v0 =	vunpack.i.l.bf16.f32 v0  }
0x37a: {  	v2 =	vadd.bf16 v3, v2;
	[tilespmem:s18+$0x470] =	vst v13;
	v3 =	vadd.bf16 v6, v4;
	v4 =	vmul.bf16 v12, v21;
	v6 =	vld [tilespmem:s0+$0xFF0]  }
0x37b: {  	v1 =	vunpack.i.l.bf16.f32 v1;
	[tilespmem:s23+$0x470] =	vst v19;
	v8 =	vmul.bf16 v8, v15;
	v7 =	vmul.bf16 v9, v7  }
0x37c: {  	[tilespmem:s18+$0x70] =	vst v0;
	v0 =	vadd.bf16 v4, v3;
	v3 =	vunpack.i.u.bf16.f32 v2;
	v4 =	vmul.bf16 v10, v18  }
0x37d: {  	[tilespmem:s23+$0x70] =	vst v1;
	v1 =	vadd.bf16 v7, v8;
	v5 =	vmul.bf16 v14, v5;
	v7 =	vmul.bf16 v16, v11  }
0x37e: {  	v2 =	vunpack.i.l.bf16.f32 v2;
	[tilespmem:s21+$0x470] =	vst v3;
	v3 =	vunpack.i.u.bf16.f32 v0  }
0x37f: {  	[tilespmem:s12+$0x470] =	vst v3;
	v1 =	vadd.bf16 v4, v1;
	v4 =	vmul.bf16 v17, v6;
	v3 =	vadd.bf16 v7, v5  }
0x380: {  	[tilespmem:s21+$0x70] =	vst v2;
	v0 =	vunpack.i.l.bf16.f32 v0  }
0x381: {  	[tilespmem:s12+$0x70] =	vst v0;
	v0 =	vunpack.i.u.bf16.f32 v1;
	v2 =	vadd.bf16 v4, v3  }
0x382: {  	[tilespmem:s24+$0x470] =	vst v0;
	v0 =	vunpack.i.l.bf16.f32 v1  }
0x383: {  	[tilespmem:s24+$0x70] =	vst v0;
	v0 =	vunpack.i.u.bf16.f32 v2  }
0x384: {  	s26 =	sshll.u32 s7, $0xA;
	[tilespmem:s6+$0x470] =	vst v0;
	v0 =	vunpack.i.l.bf16.f32 v2  }
0x385: {  	s1 =	simm.s32 $0x12000;
	s0 =	sadd.s32 s26, s8;
	[tilespmem:s6+$0x70] =	vst v0  }
0x386: {  	[hbm4b:s0+s2] =	stream.linear.scatter [tilespmem:s1], [sflag:$0x6], $0x2000, $0x38;
	[tilespmem:$0x14000] =	vst v63  }
0x387: {  	s0 =	sadd.s32 @!p0 $0x280, s17  }
0x388: {  	s0 =	sand.u32 @!p0 $0x3E00, s0  }
0x389: {  	s7 =	simm.s32 @!p0 $0x7000;
	s6 =	simm.s32 @!p0 $0x20;
	s1 =	sadd.s32 @!p0 $0x2020, s0  }
0x38a: {  	[tilespmem:s7], [sflag:$0x2] =	stream.indirect.gather @!p0 [hbm4b:s3+s6], $0x80, s1, s6, $0xb8;
	[tilespmem:$0x14000] =	vst v63  }
0x38b: {  	s1 =	sadd.s32 @!p0 $0x22A0, s17;
	s7 =	simm.s32 @!p0 $0x8000  }
0x38c: {  	[tilespmem:s7], [sflag:$0x2] =	stream.indirect.gather @!p0 [hbm4b:s3+s6], $0x80, s1, s6, $0xb8;
	[tilespmem:$0x14000] =	vst v63  }
0x38d: {  	s0 =	sadd.s32 @!p0 $0x2120, s0;
	s1 =	simm.s32 @!p0 $0x9000  }
0x38e: {  	[tilespmem:s1], [sflag:$0x2] =	stream.indirect.gather @!p0 [hbm4b:s3+s6], $0x80, s0, s6, $0xb8;
	[tilespmem:$0x14000] =	vst v63  }
0x38f: {  	_ =	swait.ge [sflag:s5], $0x1000  }
0x390: {  	[sflag:s5] =	ssyncset.done $0x0  }
0x391: {  	s28 =	sadd.s32 $0xFFFFFFFE, s14;
	[sflag:s5] =	ssyncadd.s32 $0xFFFFF000  }
0x392: {  	s31 =	sadd.s32 $0x43, s28;
	_ =	swait.ge [sflag:s5], $0x1000  }
0x393: {  	v0 =	vmov s31;
	[sflag:s5] =	ssyncset.done $0x0  }
0x394: {  	v1 =	vshll.u32 v0, $0x2;
	[sflag:s5] =	ssyncadd.s32 $0xFFFFF000  }
0x395: {  	v0 =	vand.u32 $0x5F, v0;
	v1 =	vand.u32 $0x7FFFFE00, v1;
	_ =	swait.ge [sflag:s5], $0x1000  }
0x396: {  	v0 =	vor.u32 v0, v1;
	[sflag:s5] =	ssyncset.done $0x0  }
0x397: {  	v1 =	vor.u32 $0x100, v0;
	[sflag:s5] =	ssyncadd.s32 $0xFFFFF000  }
0x398: {  	v2 =	vor.u32 $0x80, v0;
	_ =	swait.ge [sflag:s9], $0x2000  }
0x399: {  	[sflag:s9] =	ssyncset.done $0x0  }
0x39a: {  	[sflag:s9] =	ssyncadd.s32 $0xFFFFE000  }
0x39b: {  	v0 =	vld.idx.msk [tilespmem:v0+s2+$0x0], $0xffff  }
0x39c: {  	s0 =	sadd.s32 $0x42, s28;
	v1 =	vld.idx.msk [tilespmem:v1+s2+$0x0], $0xffff  }
0x39d: {  	s19 =	simm.s32 $0xB080;
	v3 =	vmov s0;
	v2 =	vld.idx.msk [tilespmem:v2+s2+$0x0], $0xffff  }
0x39e: {  	v4 =	vshll.u32 v3, $0x2;
	v5 =	vld [tilespmem:s19+$0xFFFFF000]  }
0x39f: {  	v3 =	vand.u32 $0x5E, v3;
	v4 =	vand.u32 $0x7FFFFE00, v4;
	v6 =	vld [tilespmem:s19+$0x0]  }
0x3a0: {  	v3 =	vor.u32 v3, v4  }
0x3a1: {  	v4 =	vor.u32 $0x80, v3;
	v8 =	vld [tilespmem:s19+$0x1000];
	v7 =	vand.u32 $0xFFFF0000, v0  }
0x3a2: {  	v0 =	vshrl.u32 v0, $0x10;
	v9 =	vand.u32 $0xFFFF0000, v2;
	v2 =	vshrl.u32 v2, $0x10  }
0x3a3: {  	v12 =	vor.u32 v0, v7;
	v0 =	vand.u32 $0xFFFF0000, v1;
	v13 =	vor.u32 v2, v9  }
0x3a4: {  	v1 =	vshrl.u32 v1, $0x10;
	v2 =	vmul.bf16 v12, v5;
	v5 =	vmul.bf16 v13, v6  }
0x3a5: {  	v6 =	vor.u32 $0x100, v3;
	v11 =	vor.u32 v1, v0  }
0x3a6: {  	v1 =	vmul.bf16 v11, v8;
	v0 =	vadd.bf16 v5, v2  }
0x3a7: {  	s6 =	simm.s32 $0x0;
	v3 =	vld.idx.msk [tilespmem:v3+s2+$0x0], $0xffff  }
0x3a8: {  	s7 =	simm.s32 $0x80;
	s0 =	sand.u32 $0x1800, s6;
	v2 =	vld.idx.msk [tilespmem:v4+s2+$0x0], $0xffff;
	v0 =	vadd.bf16 v1, v0  }
0x3a9: {  	s1 =	sand.u32 $0x380, s7;
	s0 =	sor.u32 $0x10000, s0;
	v1 =	vld [tilespmem:s19+$0xFFFFEF80]  }
0x3aa: {  	s7 =	sor.u32 s1, s0;
	v4 =	vld.idx.msk [tilespmem:v6+s2+$0x0], $0xffff;
	v5 =	vunpack.i.l.bf16.f32 v0  }
0x3ab: {  	v6 =	vld [tilespmem:s19+$0xFFFFFF80];
	v0 =	vunpack.i.u.bf16.f32 v0;
	[tilespmem:s7+$0x0] =	vst v5  }
0x3ac: {  	v5 =	vld [tilespmem:s19+$0xF80];
	[tilespmem:s7+$0x400] =	vst v0  }
0x3ad: {  	v7 =	vld [tilespmem:s19+$0xFFFFF010]  }
0x3ae: {  	v0 =	vand.u32 $0xFFFF0000, v3;
	v3 =	vshrl.u32 v3, $0x10;
	v8 =	vld [tilespmem:s19+$0x10]  }
0x3af: {  	v9 =	vand.u32 $0xFFFF0000, v2;
	v2 =	vshrl.u32 v2, $0x10;
	v15 =	vor.u32 v3, v0  }
0x3b0: {  	v0 =	vor.u32 v2, v9;
	v2 =	vand.u32 $0xFFFF0000, v4;
	v3 =	vshrl.u32 v4, $0x10;
	v4 =	vld [tilespmem:s19+$0x1010]  }
0x3b1: {  	v9 =	vmul.bf16 v15, v1;
	v6 =	vmul.bf16 v0, v6;
	v1 =	vor.u32 v3, v2  }
0x3b2: {  	v2 =	vmul.bf16 v1, v5  }
0x3b3: {  	v3 =	vadd.bf16 v6, v9;
	v5 =	vmul.bf16 v12, v7;
	v6 =	vmul.bf16 v13, v8;
	_ =	sdelay $0x1  }
0x3b4: {  	s12 =	simm.s32 $0x0;
	v2 =	vadd.bf16 v2, v3;
	v3 =	vadd.bf16 v6, v5;
	v4 =	vmul.bf16 v11, v4  }
0x3b5: {  	s1 =	sand.u32 $0x300, s12  }
0x3b6: {  	s18 =	sor.u32 s1, s0;
	v5 =	vunpack.i.u.bf16.f32 v2;
	v3 =	vadd.bf16 v4, v3  }
0x3b7: {  	v2 =	vunpack.i.l.bf16.f32 v2;
	[tilespmem:s18+$0x400] =	vst v5  }
0x3b8: {  	[tilespmem:s18+$0x0] =	vst v2;
	v2 =	vunpack.i.l.bf16.f32 v3  }
0x3b9: {  	v3 =	vunpack.i.u.bf16.f32 v3;
	[tilespmem:s7+$0x10] =	vst v2  }
0x3ba: {  	v5 =	vld [tilespmem:s19+$0xFFFFFF90];
	[tilespmem:s7+$0x410] =	vst v3  }
0x3bb: {  	v3 =	vld [tilespmem:s19+$0xFFFFF020]  }
0x3bc: {  	v4 =	vld [tilespmem:s19+$0x20]  }
0x3bd: {  	v2 =	vld [tilespmem:s19+$0xFFFFEF90]  }
0x3be: {  	v6 =	vld [tilespmem:s19+$0x1020];
	_ =	sdelay $0x1  }
0x3bf: {  	v7 =	vld [tilespmem:s19+$0xF90]  }
0x3c0: {  	v3 =	vmul.bf16 v12, v3;
	v4 =	vmul.bf16 v13, v4  }
0x3c1: {  	v5 =	vmul.bf16 v0, v5  }
0x3c2: {  	v2 =	vmul.bf16 v15, v2;
	v3 =	vadd.bf16 v4, v3;
	v4 =	vmul.bf16 v11, v6  }
0x3c3: {  	s13 =	sadd.s32 $0x0, s14  }
0x3c4: {  	s0 =	sadd.s32 $0x42, s13;
	v2 =	vadd.bf16 v5, v2;
	v6 =	vmul.bf16 v1, v7;
	v3 =	vadd.bf16 v4, v3  }
0x3c5: {  	s20 =	sadd.s32 $0x43, s13;
	v9 =	vmov s0  }
0x3c6: {  	v4 =	vmov s20;
	v2 =	vadd.bf16 v6, v2;
	v6 =	vunpack.i.l.bf16.f32 v3  }
0x3c7: {  	v10 =	vand.u32 $0x5E, v9;
	v5 =	vshll.u32 v4, $0x2;
	v3 =	vunpack.i.u.bf16.f32 v3;
	[tilespmem:s7+$0x20] =	vst v6  }
0x3c8: {  	v4 =	vand.u32 $0x5F, v4;
	v5 =	vand.u32 $0x7FFFFE00, v5;
	v6 =	vunpack.i.l.bf16.f32 v2;
	[tilespmem:s7+$0x420] =	vst v3  }
0x3c9: {  	v9 =	vshll.u32 v9, $0x2;
	v4 =	vor.u32 v4, v5;
	v2 =	vunpack.i.u.bf16.f32 v2;
	[tilespmem:s18+$0x10] =	vst v6;
	v5 =	vld [tilespmem:s19+$0xFFFFF030]  }
0x3ca: {  	v9 =	vand.u32 $0x7FFFFE00, v9;
	s20 =	simm.s32 $0xB180;
	[tilespmem:s18+$0x410] =	vst v2;
	v2 =	vor.u32 $0x80, v4;
	v6 =	vld [tilespmem:s19+$0x30]  }
0x3cb: {  	v9 =	vor.u32 v10, v9;
	v10 =	vld [tilespmem:s20+$0xFFFFF000];
	v3 =	vor.u32 $0x100, v4  }
0x3cc: {  	v8 =	vld [tilespmem:s19+$0x1030]  }
0x3cd: {  	v7 =	vld [tilespmem:s19+$0xFFFFEFA0]  }
0x3ce: {  	v4 =	vld.idx.msk [tilespmem:v4+s2+$0x0], $0xffff  }
0x3cf: {  	v2 =	vld.idx.msk [tilespmem:v2+s2+$0x0], $0xffff;
	v5 =	vmul.bf16 v12, v5;
	v6 =	vmul.bf16 v13, v6  }
0x3d0: {  	v3 =	vld.idx.msk [tilespmem:v3+s2+$0x0], $0xffff  }
0x3d1: {  	v5 =	vadd.bf16 v6, v5;
	v6 =	vmul.bf16 v11, v8;
	v8 =	vld [tilespmem:s20+$0x0]  }
0x3d2: {  	v16 =	vor.u32 $0x80, v9;
	v20 =	vor.u32 $0x100, v9;
	v19 =	vld [tilespmem:s19+$0xFFFFFFA0]  }
0x3d3: {  	v14 =	vand.u32 $0xFFFF0000, v4;
	v4 =	vshrl.u32 v4, $0x10;
	v5 =	vadd.bf16 v6, v5;
	v6 =	vld [tilespmem:s20+$0x1000]  }
0x3d4: {  	v14 =	vor.u32 v4, v14;
	v4 =	vand.u32 $0xFFFF0000, v2;
	v2 =	vshrl.u32 v2, $0x10  }
0x3d5: {  	v9 =	vld.idx.msk [tilespmem:v9+s2+$0x0], $0xffff;
	v7 =	vmul.bf16 v15, v7;
	v18 =	vand.u32 $0xFFFF0000, v3;
	v17 =	vor.u32 v2, v4  }
0x3d6: {  	v21 =	vld [tilespmem:s19+$0xFA0];
	v3 =	vshrl.u32 v3, $0x10;
	v4 =	vmul.bf16 v14, v10;
	v8 =	vmul.bf16 v17, v8  }
0x3d7: {  	v22 =	vunpack.i.l.bf16.f32 v5;
	v2 =	vld.idx.msk [tilespmem:v16+s2+$0x0], $0xffff;
	v5 =	vunpack.i.u.bf16.f32 v5;
	v18 =	vor.u32 v3, v18  }
0x3d8: {  	v3 =	vmul.bf16 v0, v19;
	v10 =	vld [tilespmem:s20+$0xFFFFEF80];
	[tilespmem:s7+$0x430] =	vst v5;
	v4 =	vadd.bf16 v8, v4;
	v5 =	vmul.bf16 v18, v6  }
0x3d9: {  	s21 =	simm.s32 $0x200;
	v19 =	vld [tilespmem:s20+$0xFFFFFF80];
	[tilespmem:s7+$0x30] =	vst v22  }
0x3da: {  	s22 =	simm.s32 $0x180;
	s0 =	sand.u32 $0x1800, s21;
	v3 =	vadd.bf16 v3, v7;
	v7 =	vld [tilespmem:s19+$0x40];
	v4 =	vadd.bf16 v5, v4  }
0x3db: {  	s1 =	sand.u32 $0x380, s22;
	s0 =	sor.u32 $0x10000, s0;
	v6 =	vld [tilespmem:s19+$0xFFFFF040];
	v8 =	vmul.bf16 v1, v21  }
0x3dc: {  	s1 =	sor.u32 s1, s0;
	v5 =	vld.idx.msk [tilespmem:v20+s2+$0x0], $0xffff;
	v16 =	vunpack.i.l.bf16.f32 v4  }
0x3dd: {  	v8 =	vadd.bf16 v8, v3;
	v3 =	vld [tilespmem:s19+$0x1040];
	v4 =	vunpack.i.u.bf16.f32 v4;
	[tilespmem:s1+$0x0] =	vst v16  }
0x3de: {  	v20 =	vld [tilespmem:s20+$0xF80];
	v21 =	vshrl.u32 v2, $0x10;
	[tilespmem:s1+$0x400] =	vst v4  }
0x3df: {  	v7 =	vmul.bf16 v13, v7;
	v16 =	vunpack.i.u.bf16.f32 v8;
	v4 =	vand.u32 $0xFFFF0000, v2;
	v22 =	vld [tilespmem:s20+$0xFFFFF010]  }
0x3e0: {  	v2 =	vand.u32 $0xFFFF0000, v9;
	v9 =	vshrl.u32 v9, $0x10;
	v6 =	vmul.bf16 v12, v6;
	v23 =	vld [tilespmem:s20+$0x10]  }
0x3e1: {  	v2 =	vor.u32 v9, v2;
	v4 =	vor.u32 v21, v4;
	v9 =	vand.u32 $0xFFFF0000, v5  }
0x3e2: {  	v6 =	vadd.bf16 v7, v6;
	v7 =	vmul.bf16 v11, v3;
	v3 =	vshrl.u32 v5, $0x10;
	v5 =	vld [tilespmem:s20+$0x1010]  }
0x3e3: {  	v10 =	vmul.bf16 v2, v10;
	v19 =	vmul.bf16 v4, v19;
	v3 =	vor.u32 v3, v9  }
0x3e4: {  	v8 =	vunpack.i.l.bf16.f32 v8;
	v6 =	vadd.bf16 v7, v6;
	v7 =	vmul.bf16 v3, v20  }
0x3e5: {  	[tilespmem:s18+$0x420] =	vst v16;
	v9 =	vadd.bf16 v19, v10;
	v10 =	vmul.bf16 v14, v22;
	v16 =	vmul.bf16 v17, v23  }
0x3e6: {  	[tilespmem:s18+$0x20] =	vst v8;
	v8 =	vunpack.i.l.bf16.f32 v6  }
0x3e7: {  	s23 =	simm.s32 $0x100;
	v19 =	vld [tilespmem:s19+$0xFFFFEFB0];
	v7 =	vadd.bf16 v7, v9;
	v5 =	vmul.bf16 v18, v5;
	v9 =	vadd.bf16 v16, v10  }
0x3e8: {  	s6 =	sand.u32 $0x300, s23;
	v6 =	vunpack.i.u.bf16.f32 v6;
	[tilespmem:s7+$0x40] =	vst v8;
	v10 =	vld [tilespmem:s19+$0xFFFFFFB0]  }
0x3e9: {  	s21 =	sor.u32 s6, s0;
	v8 =	vld [tilespmem:s19+$0xFB0];
	[tilespmem:s7+$0x440] =	vst v6;
	v6 =	vunpack.i.u.bf16.f32 v7;
	v5 =	vadd.bf16 v5, v9  }
0x3ea: {  	v7 =	vunpack.i.l.bf16.f32 v7;
	[tilespmem:s21+$0x400] =	vst v6;
	v6 =	vld [tilespmem:s19+$0x50]  }
0x3eb: {  	[tilespmem:s21+$0x0] =	vst v7;
	v9 =	vld [tilespmem:s19+$0xFFFFF050];
	v7 =	vunpack.i.l.bf16.f32 v5  }
0x3ec: {  	v16 =	vld [tilespmem:s19+$0x1050];
	v5 =	vunpack.i.u.bf16.f32 v5;
	[tilespmem:s1+$0x10] =	vst v7  }
0x3ed: {  	v20 =	vld [tilespmem:s20+$0xFFFFFF90];
	v7 =	vmul.bf16 v15, v19;
	v10 =	vmul.bf16 v0, v10;
	[tilespmem:s1+$0x410] =	vst v5  }
0x3ee: {  	v5 =	vld [tilespmem:s20+$0xFFFFF020]  }
0x3ef: {  	v8 =	vmul.bf16 v1, v8;
	v7 =	vadd.bf16 v10, v7;
	v10 =	vld [tilespmem:s20+$0x20]  }
0x3f0: {  	v19 =	vld [tilespmem:s20+$0xFFFFEF90];
	v6 =	vmul.bf16 v13, v6;
	v9 =	vmul.bf16 v12, v9  }
0x3f1: {  	v7 =	vadd.bf16 v8, v7;
	v8 =	vld [tilespmem:s20+$0x1020]  }
0x3f2: {  	v6 =	vadd.bf16 v6, v9;
	v9 =	vmul.bf16 v11, v16  }
0x3f3: {  	v21 =	vld [tilespmem:s20+$0xF90];
	v16 =	vunpack.i.l.bf16.f32 v7  }
0x3f4: {  	v6 =	vadd.bf16 v9, v6;
	v5 =	vmul.bf16 v14, v5;
	v9 =	vmul.bf16 v17, v10  }
0x3f5: {  	v7 =	vunpack.i.u.bf16.f32 v7;
	[tilespmem:s18+$0x30] =	vst v16;
	v10 =	vmul.bf16 v2, v19;
	v16 =	vmul.bf16 v4, v20  }
0x3f6: {  	s22 =	simm.s32 $0xB280;
	[tilespmem:s18+$0x430] =	vst v7;
	v7 =	vunpack.i.l.bf16.f32 v6;
	v5 =	vadd.bf16 v9, v5;
	v8 =	vmul.bf16 v18, v8  }
0x3f7: {  	v53 =	vld [tilespmem:s22+$0x1000];
	v6 =	vunpack.i.u.bf16.f32 v6;
	[tilespmem:s7+$0x50] =	vst v7  }
0x3f8: {  	v57 =	vld [tilespmem:s22+$0xFFFFEF80];
	v7 =	vmul.bf16 v3, v21;
	v10 =	vadd.bf16 v16, v10;
	[tilespmem:s7+$0x450] =	vst v6;
	v5 =	vadd.bf16 v8, v5  }
0x3f9: {  	s24 =	sadd.s32 $0x2, s14;
	v6 =	vld [tilespmem:s19+$0xFFFFF060]  }
0x3fa: {  	s26 =	sadd.s32 $0x43, s24;
	v7 =	vadd.bf16 v7, v10;
	v8 =	vld [tilespmem:s19+$0x60];
	v10 =	vunpack.i.l.bf16.f32 v5  }
0x3fb: {  	v20 =	vld [tilespmem:s19+$0xFFFFFFC0];
	v16 =	vmov s26;
	v5 =	vunpack.i.u.bf16.f32 v5;
	[tilespmem:s1+$0x20] =	vst v10  }
0x3fc: {  	v19 =	vshll.u32 v16, $0x2;
	v22 =	vld [tilespmem:s19+$0x1060];
	v10 =	vunpack.i.l.bf16.f32 v7;
	[tilespmem:s1+$0x420] =	vst v5  }
0x3fd: {  	v5 =	vunpack.i.u.bf16.f32 v7;
	v7 =	vand.u32 $0x5F, v16;
	[tilespmem:s21+$0x10] =	vst v10;
	v10 =	vand.u32 $0x7FFFFE00, v19;
	v16 =	vld [tilespmem:s20+$0xFFFFF030]  }
0x3fe: {  	[tilespmem:s21+$0x410] =	vst v5;
	v5 =	vor.u32 v7, v10;
	v7 =	vld [tilespmem:s20+$0x30]  }
0x3ff: {  	s0 =	sadd.s32 $0x42, s24;
	v6 =	vmul.bf16 v12, v6;
	v25 =	vld [tilespmem:s20+$0x1030];
	v8 =	vmul.bf16 v13, v8;
	v19 =	vor.u32 $0x100, v5  }
0x400: {  	v23 =	vmov s0;
	v10 =	vld [tilespmem:s20+$0xFFFFEFA0];
	v24 =	vor.u32 $0x80, v5  }
0x401: {  	v26 =	vshll.u32 v23, $0x2;
	v27 =	vld [tilespmem:s20+$0xFFFFFFA0];
	v6 =	vadd.bf16 v8, v6;
	v8 =	vmul.bf16 v11, v22  }
0x402: {  	v26 =	vand.u32 $0x7FFFFE00, v26;
	v22 =	vand.u32 $0x5E, v23;
	v23 =	vld [tilespmem:s20+$0xFA0]  }
0x403: {  	v6 =	vadd.bf16 v8, v6;
	v8 =	vmul.bf16 v14, v16;
	v5 =	vld.idx.msk [tilespmem:v5+s2+$0x0], $0xffff;
	v7 =	vmul.bf16 v17, v7  }
0x404: {  	v22 =	vor.u32 v22, v26;
	v26 =	vld.idx.msk [tilespmem:v19+s2+$0x0], $0xffff  }
0x405: {  	v10 =	vmul.bf16 v2, v10;
	v24 =	vld.idx.msk [tilespmem:v24+s2+$0x0], $0xffff;
	v7 =	vadd.bf16 v7, v8;
	v8 =	vmul.bf16 v18, v25  }
0x406: {  	v16 =	vunpack.i.l.bf16.f32 v6;
	v19 =	vmul.bf16 v4, v27;
	v6 =	vunpack.i.u.bf16.f32 v6;
	v27 =	vld [tilespmem:s22+$0xFFFFF000]  }
0x407: {  	v20 =	vmul.bf16 v0, v20;
	[tilespmem:s7+$0x460] =	vst v6;
	v6 =	vld [tilespmem:s22+$0x0];
	v7 =	vadd.bf16 v8, v7  }
0x408: {  	v9 =	vld [tilespmem:s19+$0xFFFFEFC0];
	v25 =	vor.u32 $0x80, v22;
	v23 =	vmul.bf16 v3, v23;
	v10 =	vadd.bf16 v19, v10  }
0x409: {  	v58 =	vld [tilespmem:s22+$0xF80];
	[tilespmem:s7+$0x60] =	vst v16;
	v52 =	vand.u32 $0xFFFF0000, v5;
	v5 =	vshrl.u32 v5, $0x10;
	v54 =	vunpack.i.l.bf16.f32 v7  }
0x40a: {  	v21 =	vld [tilespmem:s19+$0xFC0];
	v55 =	vand.u32 $0xFFFF0000, v24;
	v24 =	vshrl.u32 v24, $0x10;
	v32 =	vunpack.i.u.bf16.f32 v7;
	[tilespmem:s1+$0x30] =	vst v54  }
0x40b: {  	v16 =	vld [tilespmem:s19+$0xFFFFF070];
	v5 =	vor.u32 v5, v52;
	v56 =	vand.u32 $0xFFFF0000, v26;
	v7 =	vor.u32 v24, v55;
	[tilespmem:s1+$0x430] =	vst v32  }
0x40c: {  	v24 =	vshrl.u32 v26, $0x10;
	v26 =	vmul.bf16 v5, v27;
	v27 =	vmul.bf16 v7, v6;
	v30 =	vld [tilespmem:s20+$0xFFFFF040]  }
0x40d: {  	v9 =	vmul.bf16 v15, v9;
	v8 =	vor.u32 $0x100, v22;
	v6 =	vor.u32 v24, v56;
	v24 =	vld [tilespmem:s20+$0x40]  }
0x40e: {  	v22 =	vld.idx.msk [tilespmem:v22+s2+$0x0], $0xffff;
	v10 =	vadd.bf16 v23, v10;
	v23 =	vadd.bf16 v27, v26;
	v26 =	vmul.bf16 v6, v53  }
0x40f: {  	s28 =	simm.s32 $0x400;
	v9 =	vadd.bf16 v20, v9;
	v20 =	vmul.bf16 v1, v21;
	v21 =	vld [tilespmem:s20+$0x1040]  }
0x410: {  	s31 =	simm.s32 $0x280;
	s0 =	sand.u32 $0x1800, s28;
	v25 =	vld.idx.msk [tilespmem:v25+s2+$0x0], $0xffff;
	v27 =	vunpack.i.u.bf16.f32 v10;
	v23 =	vadd.bf16 v26, v23  }
0x411: {  	s6 =	sand.u32 $0x380, s31;
	s0 =	sor.u32 $0x10000, s0;
	v9 =	vadd.bf16 v20, v9;
	v19 =	vld [tilespmem:s19+$0x70];
	v10 =	vunpack.i.l.bf16.f32 v10;
	[tilespmem:s21+$0x420] =	vst v27  }
0x412: {  	s23 =	sor.u32 s6, s0;
	v20 =	vld.idx.msk [tilespmem:v8+s2+$0x0], $0xffff;
	[tilespmem:s21+$0x20] =	vst v10;
	v26 =	vmul.bf16 v14, v30;
	v24 =	vmul.bf16 v17, v24;
	v8 =	vunpack.i.l.bf16.f32 v23  }
0x413: {  	v59 =	vunpack.i.l.bf16.f32 v9;
	v10 =	vld [tilespmem:s22+$0xFFFFFF80];
	v23 =	vunpack.i.u.bf16.f32 v23;
	[tilespmem:s23+$0x0] =	vst v8  }
0x414: {  	v27 =	vunpack.i.u.bf16.f32 v9;
	v60 =	vld [tilespmem:s20+$0xFFFFEFB0];
	v21 =	vmul.bf16 v18, v21;
	[tilespmem:s23+$0x400] =	vst v23;
	v9 =	vadd.bf16 v24, v26  }
0x415: {  	v23 =	vand.u32 $0xFFFF0000, v25;
	v8 =	vand.u32 $0xFFFF0000, v22;
	v22 =	vshrl.u32 v22, $0x10;
	v24 =	vld [tilespmem:s22+$0xFFFFF010]  }
0x416: {  	v25 =	vshrl.u32 v25, $0x10;
	v8 =	vor.u32 v22, v8;
	v22 =	vld [tilespmem:s22+$0x10];
	v21 =	vadd.bf16 v21, v9  }
0x417: {  	[tilespmem:s18+$0x40] =	vst v59;
	v26 =	vand.u32 $0xFFFF0000, v20;
	v20 =	vshrl.u32 v20, $0x10;
	v9 =	vor.u32 v25, v23;
	v25 =	vld [tilespmem:s20+$0xFFFFFFB0]  }
0x418: {  	[tilespmem:s18+$0x440] =	vst v27;
	v61 =	vld [tilespmem:s22+$0x1010];
	v23 =	vmul.bf16 v8, v57;
	v27 =	vmul.bf16 v9, v10;
	v62 =	vunpack.i.l.bf16.f32 v21  }
0x419: {  	v63 =	vld [tilespmem:s20+$0xFB0];
	v10 =	vor.u32 v20, v26;
	v20 =	vunpack.i.u.bf16.f32 v21;
	[tilespmem:s1+$0x40] =	vst v62  }
0x41a: {  	v36 =	vld [tilespmem:s19+$0xFFFFFFD0];
	v21 =	vadd.bf16 v27, v23;
	v23 =	vmul.bf16 v10, v58;
	[tilespmem:s1+$0x440] =	vst v20  }
0x41b: {  	v20 =	vmul.bf16 v5, v24;
	v22 =	vmul.bf16 v7, v22;
	v24 =	vld [tilespmem:s20+$0xFFFFF050]  }
0x41c: {  	s12 =	simm.s32 $0x200;
	v27 =	vmul.bf16 v2, v60;
	v25 =	vmul.bf16 v4, v25;
	v21 =	vadd.bf16 v23, v21;
	v23 =	vld [tilespmem:s20+$0x50]  }
0x41d: {  	s6 =	sand.u32 $0x300, s12;
	v26 =	vld [tilespmem:s19+$0xFFFFEFD0];
	v20 =	vadd.bf16 v22, v20;
	v22 =	vmul.bf16 v6, v61  }
0x41e: {  	s24 =	sor.u32 s6, s0;
	v37 =	vmul.bf16 v3, v63;
	v30 =	vld [tilespmem:s20+$0x1050];
	v25 =	vadd.bf16 v25, v27;
	v27 =	vunpack.i.u.bf16.f32 v21  }
0x41f: {  	v38 =	vld [tilespmem:s19+$0xFD0];
	v21 =	vunpack.i.l.bf16.f32 v21;
	[tilespmem:s24+$0x400] =	vst v27;
	v20 =	vadd.bf16 v22, v20  }
0x420: {  	v22 =	vld [tilespmem:s19+$0x1070];
	[tilespmem:s24+$0x0] =	vst v21;
	v25 =	vadd.bf16 v37, v25  }
0x421: {  	v21 =	vld [tilespmem:s22+$0xFFFFEF90];
	v24 =	vmul.bf16 v14, v24;
	v27 =	vunpack.i.l.bf16.f32 v20;
	v23 =	vmul.bf16 v17, v23  }
0x422: {  	v39 =	vmul.bf16 v0, v36;
	v26 =	vmul.bf16 v15, v26;
	v40 =	vld [tilespmem:s22+$0xFFFFFF90];
	v20 =	vunpack.i.u.bf16.f32 v20;
	[tilespmem:s23+$0x10] =	vst v27  }
0x423: {  	v41 =	vld [tilespmem:s22+$0xF90];
	v27 =	vunpack.i.l.bf16.f32 v25;
	[tilespmem:s23+$0x410] =	vst v20;
	v20 =	vadd.bf16 v23, v24;
	v23 =	vmul.bf16 v18, v30  }
0x424: {  	v26 =	vadd.bf16 v39, v26;
	v24 =	vunpack.i.u.bf16.f32 v25;
	[tilespmem:s21+$0x30] =	vst v27;
	v25 =	vmul.bf16 v1, v38;
	v27 =	vld [tilespmem:s22+$0xFFFFF020]  }
0x425: {  	[tilespmem:s21+$0x430] =	vst v24;
	v24 =	vld [tilespmem:s22+$0x20];
	v20 =	vadd.bf16 v23, v20  }
0x426: {  	v42 =	vld [tilespmem:s22+$0x1020];
	v25 =	vadd.bf16 v25, v26  }
0x427: {  	v23 =	vld [tilespmem:s20+$0xFFFFEFC0];
	v21 =	vmul.bf16 v8, v21;
	v26 =	vmul.bf16 v9, v40;
	v43 =	vunpack.i.l.bf16.f32 v20  }
0x428: {  	v44 =	vld [tilespmem:s20+$0xFFFFFFC0];
	v20 =	vunpack.i.u.bf16.f32 v20;
	[tilespmem:s1+$0x50] =	vst v43  }
0x429: {  	v46 =	vmul.bf16 v10, v41;
	v47 =	vld [tilespmem:s20+$0xFC0];
	v45 =	vunpack.i.l.bf16.f32 v25;
	v21 =	vadd.bf16 v26, v21;
	[tilespmem:s1+$0x450] =	vst v20  }
0x42a: {  	v20 =	vunpack.i.u.bf16.f32 v25;
	v25 =	vmul.bf16 v5, v27;
	v24 =	vmul.bf16 v7, v24;
	v26 =	vld [tilespmem:s20+$0xFFFFF060]  }
0x42b: {  	s13 =	sadd.s32 $0x4, s14;
	[tilespmem:s18+$0x450] =	vst v20;
	v20 =	vadd.bf16 v46, v21;
	v21 =	vld [tilespmem:s20+$0x60]  }
0x42c: {  	s26 =	sadd.s32 $0x43, s13;
	[tilespmem:s18+$0x50] =	vst v45;
	v33 =	vld [tilespmem:s20+$0x1060];
	v24 =	vadd.bf16 v24, v25;
	v25 =	vmul.bf16 v6, v42  }
0x42d: {  	v48 =	vmov s26;
	v27 =	vld [tilespmem:s19+$0xFFFFEFE0];
	v49 =	vunpack.i.u.bf16.f32 v20;
	v20 =	vunpack.i.l.bf16.f32 v20  }
0x42e: {  	v50 =	vshll.u32 v48, $0x2;
	v34 =	vld [tilespmem:s19+$0xFFFFFFE0];
	[tilespmem:s24+$0x10] =	vst v20;
	v24 =	vadd.bf16 v25, v24  }
0x42f: {  	v51 =	vand.u32 $0x7FFFFE00, v50;
	v12 =	vmul.bf16 v12, v16;
	v20 =	vand.u32 $0x5F, v48;
	[tilespmem:s24+$0x410] =	vst v49;
	v25 =	vld [tilespmem:s19+$0xFE0]  }
0x430: {  	v13 =	vmul.bf16 v13, v19;
	v20 =	vor.u32 v20, v51;
	v28 =	vld [tilespmem:s22+$0xFFFFEFA0];
	v52 =	vunpack.i.l.bf16.f32 v24  }
0x431: {  	v16 =	vld [tilespmem:s22+$0xFFFFFFA0];
	v26 =	vmul.bf16 v14, v26;
	v21 =	vmul.bf16 v17, v21;
	v19 =	vunpack.i.u.bf16.f32 v24;
	[tilespmem:s23+$0x20] =	vst v52  }
0x432: {  	v12 =	vadd.bf16 v13, v12;
	v11 =	vmul.bf16 v11, v22;
	v53 =	vor.u32 $0x100, v20;
	v24 =	vld [tilespmem:s22+$0xFA0];
	[tilespmem:s23+$0x420] =	vst v19  }
0x433: {  	v13 =	vor.u32 $0x80, v20;
	v19 =	vadd.bf16 v21, v26;
	v21 =	vmul.bf16 v18, v33;
	v22 =	vld [tilespmem:s22+$0xFFFFF030]  }
0x434: {  	v30 =	vmul.bf16 v4, v44;
	v32 =	vmul.bf16 v3, v47;
	v26 =	vld [tilespmem:s22+$0x30]  }
0x435: {  	s0 =	sadd.s32 $0x42, s13;
	v27 =	vmul.bf16 v15, v27;
	v54 =	vld [tilespmem:s22+$0x1030];
	v21 =	vadd.bf16 v21, v19;
	v19 =	vadd.bf16 v11, v12  }
0x436: {  	v11 =	vmov s0;
	v12 =	vld.idx.msk [tilespmem:v20+s2+$0x0], $0xffff;
	v20 =	vmul.bf16 v2, v23;
	v28 =	vmul.bf16 v8, v28  }
0x437: {  	v16 =	vmul.bf16 v9, v16;
	v23 =	vshll.u32 v11, $0x2;
	v11 =	vand.u32 $0x5E, v11;
	v29 =	vld.idx.msk [tilespmem:v53+s2+$0x0], $0xffff  }
0x438: {  	s0 =	simm.s32 $0xB380;
	v13 =	vld.idx.msk [tilespmem:v13+s2+$0x0], $0xffff;
	v55 =	vunpack.i.l.bf16.f32 v21;
	v23 =	vand.u32 $0x7FFFFE00, v23;
	v21 =	vunpack.i.u.bf16.f32 v21  }
0x439: {  	v57 =	vld [tilespmem:s0+$0xFFFFF000];
	v11 =	vor.u32 v11, v23;
	v22 =	vmul.bf16 v5, v22;
	v23 =	vmul.bf16 v7, v26  }
0x43a: {  	v35 =	vld [tilespmem:s0+$0x0];
	v20 =	vadd.bf16 v30, v20;
	v24 =	vmul.bf16 v10, v24;
	v16 =	vadd.bf16 v16, v28;
	[tilespmem:s1+$0x60] =	vst v55  }
0x43b: {  	v42 =	vld [tilespmem:s0+$0xFFFFFF80];
	[tilespmem:s1+$0x460] =	vst v21;
	v21 =	vor.u32 $0x80, v11;
	v22 =	vadd.bf16 v23, v22;
	v23 =	vmul.bf16 v6, v54  }
0x43c: {  	v58 =	vmul.bf16 v0, v34;
	v26 =	vld [tilespmem:s20+$0xFFFFF070];
	v60 =	vor.u32 $0x100, v11;
	v16 =	vadd.bf16 v24, v16  }
0x43d: {  	v56 =	vld [tilespmem:s20+$0x70];
	v20 =	vadd.bf16 v32, v20;
	v24 =	vand.u32 $0xFFFF0000, v12;
	v22 =	vadd.bf16 v23, v22  }
0x43e: {  	v12 =	vshrl.u32 v12, $0x10;
	v23 =	vmul.bf16 v1, v25;
	v25 =	vadd.bf16 v58, v27;
	v27 =	vld [tilespmem:s0+$0x1000]  }
0x43f: {  	v62 =	vshrl.u32 v13, $0x10;
	v44 =	vunpack.i.u.bf16.f32 v20;
	v36 =	vld.idx.msk [tilespmem:v11+s2+$0x0], $0xffff;
	v61 =	vunpack.i.l.bf16.f32 v22  }
0x440: {  	v20 =	vunpack.i.l.bf16.f32 v20;
	v11 =	vand.u32 $0xFFFF0000, v13;
	v21 =	vld.idx.msk [tilespmem:v21+s2+$0x0], $0xffff;
	v22 =	vunpack.i.u.bf16.f32 v22;
	[tilespmem:s23+$0x30] =	vst v61  }
0x441: {  	v13 =	vor.u32 v12, v24;
	v12 =	vand.u32 $0xFFFF0000, v29;
	v11 =	vor.u32 v62, v11;
	v38 =	vld.idx.msk [tilespmem:v60+s2+$0x0], $0xffff;
	[tilespmem:s23+$0x430] =	vst v22  }
0x442: {  	v63 =	vmul.bf16 v13, v57;
	v31 =	vmul.bf16 v11, v35;
	v22 =	vshrl.u32 v29, $0x10;
	v37 =	vld [tilespmem:s22+$0xFFFFF040]  }
0x443: {  	v26 =	vmul.bf16 v14, v26;
	v23 =	vadd.bf16 v23, v25;
	v12 =	vor.u32 v22, v12;
	v22 =	vld [tilespmem:s22+$0x40]  }
0x444: {  	v24 =	vld [tilespmem:s0+$0xFFFFEF80];
	v25 =	vunpack.i.u.bf16.f32 v16;
	v29 =	vadd.bf16 v31, v63;
	v27 =	vmul.bf16 v12, v27  }
0x445: {  	s26 =	simm.s32 $0x600;
	v16 =	vunpack.i.l.bf16.f32 v16;
	[tilespmem:s24+$0x420] =	vst v25;
	v40 =	vld [tilespmem:s22+$0x1040];
	v25 =	vand.u32 $0xFFFF0000, v36;
	v41 =	vshrl.u32 v36, $0x10  }
0x446: {  	s29 =	simm.s32 $0x380;
	s28 =	sand.u32 $0x1800, s26;
	v59 =	vld [tilespmem:s20+$0x1070];
	v39 =	vand.u32 $0xFFFF0000, v21;
	v21 =	vshrl.u32 v21, $0x10;
	v27 =	vadd.bf16 v27, v29  }
0x447: {  	s31 =	sand.u32 $0x380, s29;
	s6 =	sor.u32 $0x10000, s28;
	[tilespmem:s24+$0x20] =	vst v16;
	v14 =	vor.u32 v41, v25;
	v46 =	vand.u32 $0xFFFF0000, v38;
	v16 =	vor.u32 v21, v39;
	v21 =	vld [tilespmem:s0+$0xF80]  }
0x448: {  	s12 =	sor.u32 s31, s6;
	v43 =	vld [tilespmem:s22+$0xFFFFEFB0];
	v25 =	vunpack.i.l.bf16.f32 v27;
	v33 =	vmul.bf16 v5, v37;
	v22 =	vmul.bf16 v7, v22  }
0x449: {  	v32 =	vshrl.u32 v38, $0x10;
	v24 =	vmul.bf16 v14, v24;
	v27 =	vunpack.i.u.bf16.f32 v27;
	[tilespmem:s12+$0x0] =	vst v25;
	v25 =	vld [tilespmem:s22+$0xFFFFFFB0]  }
0x44a: {  	v29 =	vmul.bf16 v16, v42;
	v45 =	vmul.bf16 v6, v40;
	[tilespmem:s12+$0x400] =	vst v27;
	v27 =	vld [tilespmem:s22+$0xFB0];
	v22 =	vadd.bf16 v22, v33  }
0x44b: {  	[tilespmem:s21+$0x40] =	vst v20;
	v20 =	vmul.bf16 v17, v56;
	v17 =	vor.u32 v32, v46;
	v47 =	vld [tilespmem:s0+$0xFFFFF010]  }
0x44c: {  	[tilespmem:s21+$0x440] =	vst v44;
	v24 =	vadd.bf16 v29, v24;
	v48 =	vld [tilespmem:s0+$0x10];
	v21 =	vmul.bf16 v17, v21;
	v22 =	vadd.bf16 v45, v22  }
0x44d: {  	v49 =	vunpack.i.u.bf16.f32 v19;
	v50 =	vld [tilespmem:s20+$0xFFFFEFD0];
	v20 =	vadd.bf16 v20, v26  }
0x44e: {  	[tilespmem:s7+$0x470] =	vst v49;
	v53 =	vunpack.i.u.bf16.f32 v23;
	v51 =	vld [tilespmem:s0+$0x1010];
	v21 =	vadd.bf16 v21, v24;
	v52 =	vunpack.i.l.bf16.f32 v22  }
0x44f: {  	s13 =	simm.s32 $0x300;
	v26 =	vmul.bf16 v8, v43;
	v24 =	vld [tilespmem:s20+$0xFFFFFFD0];
	v25 =	vmul.bf16 v9, v25;
	v22 =	vunpack.i.u.bf16.f32 v22;
	[tilespmem:s23+$0x40] =	vst v52  }
0x450: {  	s13 =	sand.u32 $0x300, s13;
	v23 =	vunpack.i.l.bf16.f32 v23;
	v27 =	vmul.bf16 v10, v27;
	[tilespmem:s23+$0x440] =	vst v22;
	v22 =	vld [tilespmem:s20+$0xFD0];
	v55 =	vunpack.i.u.bf16.f32 v21  }
0x451: {  	s6 =	sor.u32 s13, s6;
	[tilespmem:s18+$0x60] =	vst v23;
	v23 =	vadd.bf16 v25, v26;
	v25 =	vmul.bf16 v13, v47;
	v26 =	vmul.bf16 v11, v48;
	v54 =	vld [tilespmem:s22+$0xFFFFF050]  }
0x452: {  	v19 =	vunpack.i.l.bf16.f32 v19;
	v18 =	vmul.bf16 v18, v59;
	v21 =	vunpack.i.l.bf16.f32 v21;
	v56 =	vld [tilespmem:s22+$0x50];
	[tilespmem:s6+$0x400] =	vst v55  }
0x453: {  	[tilespmem:s6+$0x0] =	vst v21;
	v21 =	vld [tilespmem:s22+$0x1050];
	v23 =	vadd.bf16 v27, v23;
	v25 =	vadd.bf16 v26, v25;
	v26 =	vmul.bf16 v12, v51  }
0x454: {  	[tilespmem:s18+$0x460] =	vst v53;
	v57 =	vmul.bf16 v2, v50;
	v18 =	vadd.bf16 v18, v20;
	v20 =	vld [tilespmem:s0+$0xFFFFEF90];
	v24 =	vmul.bf16 v4, v24  }
0x455: {  	[tilespmem:s7+$0x70] =	vst v19;
	v27 =	vld [tilespmem:s19+$0xFFFFEFF0];
	v19 =	vunpack.i.l.bf16.f32 v23;
	v25 =	vadd.bf16 v26, v25  }
0x456: {  	v23 =	vunpack.i.u.bf16.f32 v23;
	v24 =	vadd.bf16 v24, v57;
	[tilespmem:s24+$0x30] =	vst v19;
	v19 =	vmul.bf16 v3, v22;
	v22 =	vld [tilespmem:s0+$0xFFFFFF90]  }
0x457: {  	v26 =	vld [tilespmem:s0+$0xF90];
	[tilespmem:s24+$0x430] =	vst v23;
	v58 =	vmul.bf16 v5, v54;
	v59 =	vmul.bf16 v7, v56;
	v23 =	vunpack.i.l.bf16.f32 v25  }
0x458: {  	v60 =	vunpack.i.u.bf16.f32 v18;
	v25 =	vunpack.i.u.bf16.f32 v25;
	v61 =	vld [tilespmem:s22+$0xFFFFEFC0];
	[tilespmem:s12+$0x10] =	vst v23  }
0x459: {  	v21 =	vmul.bf16 v6, v21;
	v62 =	vld [tilespmem:s22+$0xFFFFFFC0];
	v19 =	vadd.bf16 v19, v24;
	[tilespmem:s12+$0x410] =	vst v25;
	v24 =	vadd.bf16 v59, v58  }
0x45a: {  	v18 =	vunpack.i.l.bf16.f32 v18;
	[tilespmem:s1+$0x470] =	vst v60;
	v63 =	vmul.bf16 v14, v20;
	v23 =	vld [tilespmem:s0+$0xFFFFF020]  }
0x45b: {  	[tilespmem:s1+$0x70] =	vst v18;
	v25 =	vld [tilespmem:s0+$0x20];
	v18 =	vunpack.i.l.bf16.f32 v19;
	v21 =	vadd.bf16 v21, v24;
	v22 =	vmul.bf16 v16, v22  }
0x45c: {  	v20 =	vld [tilespmem:s22+$0xFC0];
	v15 =	vmul.bf16 v15, v27;
	v19 =	vunpack.i.u.bf16.f32 v19;
	[tilespmem:s21+$0x50] =	vst v18  }
0x45d: {  	v26 =	vmul.bf16 v17, v26;
	v24 =	vld [tilespmem:s0+$0x1020];
	[tilespmem:s21+$0x450] =	vst v19;
	v18 =	vunpack.i.l.bf16.f32 v21;
	v19 =	vadd.bf16 v22, v63  }
0x45e: {  	v27 =	vunpack.i.u.bf16.f32 v21;
	v21 =	vmul.bf16 v8, v61;
	[tilespmem:s23+$0x50] =	vst v18;
	v18 =	vld [tilespmem:s20+$0xFFFFEFE0];
	v22 =	vmul.bf16 v9, v62  }
0x45f: {  	s7 =	sor.u32 $0x2, s16;
	s1 =	simm.s32 $0x6;
	[tilespmem:s23+$0x450] =	vst v27;
	v26 =	vadd.bf16 v26, v19;
	v19 =	vld [tilespmem:s20+$0xFFFFFFE0]  }
.LBB2_9:
0x460: {  	s13 =	sadd.s32 s1, s14;
	v23 =	vmul.bf16 v13, v23;
	v25 =	vmul.bf16 v11, v25;
	v21 =	vadd.bf16 v22, v21;
	v22 =	vld [tilespmem:s22+$0xFFFFF060]  }
0x461: {  	s28 =	sadd.s32 $0x42, s13;
	s13 =	sadd.s32 $0x43, s13;
	v27 =	vunpack.i.u.bf16.f32 v26;
	v26 =	vunpack.i.l.bf16.f32 v26;
	v20 =	vmul.bf16 v10, v20;
	v28 =	vld [tilespmem:s22+$0x60]  }
0x462: {  	v29 =	vmov s13;
	[tilespmem:s6+$0x10] =	vst v26;
	v23 =	vadd.bf16 v25, v23;
	v24 =	vmul.bf16 v12, v24;
	v25 =	vld [tilespmem:s20+$0xFE0]  }
0x463: {  	v26 =	vmov s28;
	v30 =	vshll.u32 v29, $0x2;
	[tilespmem:s6+$0x410] =	vst v27;
	v20 =	vadd.bf16 v20, v21;
	v21 =	vld [tilespmem:s22+$0x1060]  }
0x464: {  	v27 =	vand.u32 $0x5F, v29;
	v29 =	vand.u32 $0x7FFFFE00, v30;
	v30 =	vld [tilespmem:s0+$0xFFFFEFA0];
	v23 =	vadd.bf16 v24, v23  }
0x465: {  	v24 =	vand.u32 $0x5E, v26;
	v26 =	vshll.u32 v26, $0x2;
	v27 =	vor.u32 v27, v29;
	v29 =	vld [tilespmem:s0+$0xFFFFFFA0]  }
0x466: {  	v22 =	vmul.bf16 v5, v22;
	v31 =	vld [tilespmem:s0+$0xFA0];
	v32 =	vunpack.i.l.bf16.f32 v23;
	v28 =	vmul.bf16 v7, v28  }
0x467: {  	v26 =	vand.u32 $0x7FFFFE00, v26;
	v23 =	vunpack.i.u.bf16.f32 v23;
	[tilespmem:s12+$0x20] =	vst v32;
	v32 =	vunpack.i.u.bf16.f32 v20;
	v33 =	vld [tilespmem:s19+$0xFFFFFFF0]  }
0x468: {  	v34 =	vor.u32 $0x100, v27;
	[tilespmem:s12+$0x420] =	vst v23;
	v22 =	vadd.bf16 v28, v22;
	v21 =	vmul.bf16 v6, v21;
	v23 =	vld [tilespmem:s19+$0xFF0];
	s19 =	smov.u32 s20;
	s20 =	smov.u32 s22;
	s22 =	smov.u32 s0  }
0x469: {  	v24 =	vor.u32 v24, v26;
	v26 =	vor.u32 $0x80, v27;
	v28 =	vmul.bf16 v14, v30;
	v30 =	vld [tilespmem:s0+$0xFFFFF030];
	[tilespmem:s24+$0x440] =	vst v32  }
0x46a: {  	v35 =	vor.u32 $0x100, v24;
	v32 =	vor.u32 $0x80, v24;
	v36 =	vld [tilespmem:s0+$0x30];
	v21 =	vadd.bf16 v21, v22  }
0x46b: {  	v20 =	vunpack.i.l.bf16.f32 v20;
	v22 =	vld.idx.msk [tilespmem:v27+s2+$0x0], $0xffff;
	v27 =	vmul.bf16 v16, v29;
	v29 =	vmul.bf16 v17, v31  }
0x46c: {  	v18 =	vmul.bf16 v2, v18;
	v19 =	vmul.bf16 v4, v19;
	v31 =	vld [tilespmem:s0+$0x1030];
	[tilespmem:s24+$0x40] =	vst v20;
	v20 =	vunpack.i.l.bf16.f32 v21  }
0x46d: {  	v21 =	vunpack.i.u.bf16.f32 v21;
	v34 =	vld.idx.msk [tilespmem:v34+s2+$0x0], $0xffff;
	v27 =	vadd.bf16 v27, v28;
	[tilespmem:s23+$0x60] =	vst v20;
	v20 =	vmul.bf16 v3, v25  }
0x46e: {  	v18 =	vadd.bf16 v19, v18;
	v19 =	vmul.bf16 v0, v33;
	v0 =	vmov v4;
	v25 =	vld.idx.msk [tilespmem:v26+s2+$0x0], $0xffff;
	[tilespmem:s23+$0x460] =	vst v21  }
0x46f: {  	v4 =	vmovc v9;
	v26 =	vmul.bf16 v13, v30;
	v21 =	vadd.bf16 v29, v27;
	v27 =	vmul.bf16 v11, v36;
	v28 =	vld [tilespmem:s20+$0xFFFFF070]  }
0x470: {  	s0 =	sadd.s32 $0x100, s0;
	v9 =	vmovc v16;
	v15 =	vadd.bf16 v19, v15;
	v19 =	vmul.bf16 v1, v23;
	v18 =	vadd.bf16 v20, v18;
	v29 =	vld [tilespmem:s20+$0x70]  }
0x471: {  	v1 =	vmovc v3;
	v3 =	vmovc v10;
	v16 =	vld [tilespmem:s0+$0xFFFFF000];
	v20 =	vunpack.i.u.bf16.f32 v21;
	v23 =	vadd.bf16 v27, v26;
	v26 =	vmul.bf16 v12, v31  }
0x472: {  	v10 =	vmovc v17;
	v21 =	vunpack.i.l.bf16.f32 v21;
	v27 =	vunpack.i.u.bf16.f32 v18;
	v18 =	vunpack.i.l.bf16.f32 v18;
	[tilespmem:s6+$0x420] =	vst v20;
	v20 =	vld [tilespmem:s20+$0x1070]  }
0x473: {  	s1 =	sadd.s32 $0x2, s1;
	v17 =	vand.u32 $0xFFFF0000, v22;
	v22 =	vshrl.u32 v22, $0x10;
	v30 =	vld [tilespmem:s0+$0x0];
	[tilespmem:s6+$0x20] =	vst v21;
	v21 =	vadd.bf16 v26, v23  }
0x474: {  	p1 =	slt.u32 s1, $0x1E;
	v15 =	vadd.bf16 v19, v15;
	v17 =	vor.u32 v22, v17;
	v22 =	vand.u32 $0xFFFF0000, v34;
	v23 =	vld.idx.msk [tilespmem:v32+s2+$0x0], $0xffff;
	[tilespmem:s21+$0x60] =	vst v18  }
0x475: {  	v26 =	vmul.bf16 v5, v28;
	v5 =	vmovc v13;
	v18 =	vld [tilespmem:s0+$0x1000];
	v19 =	vunpack.i.l.bf16.f32 v21;
	v28 =	vmul.bf16 v7, v29;
	[tilespmem:s21+$0x460] =	vst v27  }
0x476: {  	v13 =	vmovc v17;
	v27 =	vand.u32 $0xFFFF0000, v25;
	v25 =	vshrl.u32 v25, $0x10;
	v21 =	vunpack.i.u.bf16.f32 v21;
	v7 =	vmovc v11;
	v24 =	vld.idx.msk [tilespmem:v24+s2+$0x0], $0xffff;
	[tilespmem:s12+$0x30] =	vst v19  }
0x477: {  	v11 =	vor.u32 v25, v27;
	v17 =	vld [tilespmem:s0+$0xFFFFEF80];
	[tilespmem:s12+$0x430] =	vst v21;
	v19 =	vadd.bf16 v28, v26;
	v20 =	vmul.bf16 v6, v20  }
0x478: {  	v16 =	vmul.bf16 v13, v16;
	v21 =	vshrl.u32 v34, $0x10;
	v6 =	vmovc v12;
	v25 =	vmul.bf16 v11, v30;
	v26 =	vld [tilespmem:s22+$0xFFFFF040]  }
0x479: {  	v12 =	vor.u32 v21, v22;
	v21 =	vld [tilespmem:s22+$0x40];
	v19 =	vadd.bf16 v20, v19;
	v20 =	vunpack.i.u.bf16.f32 v15  }
0x47a: {  	v22 =	vand.u32 $0xFFFF0000, v23;
	v27 =	vld.idx.msk [tilespmem:v35+s2+$0x0], $0xffff;
	v16 =	vadd.bf16 v25, v16;
	v18 =	vmul.bf16 v12, v18;
	[tilespmem:s18+$0x470] =	vst v20  }
0x47b: {  	s26 =	sadd.s32 $0x200, s26;
	v15 =	vunpack.i.l.bf16.f32 v15;
	v20 =	vshrl.u32 v23, $0x10;
	v23 =	vld [tilespmem:s22+$0x1040];
	v25 =	vunpack.i.u.bf16.f32 v19  }
0x47c: {  	s29 =	sadd.s32 $0x100, s29;
	s13 =	sand.u32 $0x1800, s26;
	v28 =	vand.u32 $0xFFFF0000, v24;
	v24 =	vshrl.u32 v24, $0x10;
	v29 =	vld [tilespmem:s0+$0xFFFFFF80];
	v18 =	vadd.bf16 v18, v16;
	[tilespmem:s23+$0x470] =	vst v25  }
0x47d: {  	s31 =	sand.u32 $0x380, s29;
	s28 =	sadd.s32 $0xFFFFFF80, s29;
	s13 =	sor.u32 $0x10000, s13;
	v19 =	vunpack.i.l.bf16.f32 v19;
	v24 =	vor.u32 v24, v28;
	v16 =	vor.u32 v20, v22;
	v20 =	vld [tilespmem:s0+$0xF80];
	[tilespmem:s18+$0x70] =	vst v15  }
0x47e: {  	s18 =	sand.u32 $0x300, s28;
	v25 =	vmul.bf16 v5, v26;
	v15 =	vunpack.i.l.bf16.f32 v18;
	v22 =	vld [tilespmem:s22+$0xFFFFEFB0];
	v21 =	vmul.bf16 v7, v21;
	[tilespmem:s23+$0x70] =	vst v19;
	s23 =	smov.u32 s12;
	s12 =	sor.u32 s31, s13  }
0x47f: {  	v19 =	vmul.bf16 v24, v17;
	s13 =	sor.u32 s18, s13;
	v17 =	vunpack.i.u.bf16.f32 v18;
	s18 =	smov.u32 s21;
	s21 =	smov.u32 s24;
	[tilespmem:s12+$0x0] =	vst v15;
	v15 =	vld [tilespmem:s22+$0xFFFFFFB0]  }
0x480: {  	s24 =	smov.u32 s6;
	v18 =	vand.u32 $0xFFFF0000, v27;
	s6 =	smov.u32 s13;
	[tilespmem:s12+$0x400] =	vst v17;
	v26 =	vld [tilespmem:s22+$0xFB0];
	v21 =	vadd.bf16 v21, v25;
	v23 =	vmul.bf16 v6, v23  }
0x481: {  	v17 =	vshrl.u32 v27, $0x10;
	v25 =	vmul.bf16 v16, v29;
	v27 =	vld [tilespmem:s0+$0xFFFFF010]  }
0x482: {  	v17 =	vor.u32 v17, v18;
	v18 =	vld [tilespmem:s0+$0x10];
	v21 =	vadd.bf16 v23, v21  }
0x483: {  	v20 =	vmul.bf16 v17, v20;
	v19 =	vadd.bf16 v25, v19;
	v22 =	vmul.bf16 v14, v22;
	v23 =	vld [tilespmem:s20+$0xFFFFEFD0]  }
0x484: {  	v25 =	vld [tilespmem:s0+$0x1010];
	v15 =	vmul.bf16 v9, v15;
	v28 =	vunpack.i.l.bf16.f32 v21  }
0x485: {  	v21 =	vunpack.i.u.bf16.f32 v21;
	v19 =	vadd.bf16 v20, v19;
	v20 =	vmul.bf16 v10, v26;
	[tilespmem:s23+$0x40] =	vst v28;
	v26 =	vld [tilespmem:s20+$0xFFFFFFD0]  }
0x486: {  	v15 =	vadd.bf16 v15, v22;
	[tilespmem:s23+$0x440] =	vst v21;
	v21 =	vld [tilespmem:s20+$0xFD0]  }
0x487: {  	v27 =	vmul.bf16 v13, v27;
	v22 =	vunpack.i.u.bf16.f32 v19;
	v18 =	vmul.bf16 v11, v18;
	v28 =	vld [tilespmem:s22+$0xFFFFF050]  }
0x488: {  	v19 =	vunpack.i.l.bf16.f32 v19;
	[tilespmem:s6+$0x400] =	vst v22;
	v15 =	vadd.bf16 v20, v15;
	v20 =	vld [tilespmem:s22+$0x50];
	v22 =	vmul.bf16 v8, v23  }
0x489: {  	[tilespmem:s6+$0x0] =	vst v19;
	v18 =	vadd.bf16 v18, v27;
	v19 =	vmul.bf16 v12, v25;
	v23 =	vld [tilespmem:s19+$0xFFFFEFF0]  }
0x48a: {  	v25 =	vunpack.i.u.bf16.f32 v15;
	v15 =	vunpack.i.l.bf16.f32 v15;
	v27 =	vld [tilespmem:s22+$0x1050];
	v26 =	vmul.bf16 v4, v26  }
0x48b: {  	v29 =	vld [tilespmem:s0+$0xFFFFEF90];
	v18 =	vadd.bf16 v19, v18;
	[tilespmem:s24+$0x30] =	vst v15;
	v15 =	vmul.bf16 v3, v21  }
0x48c: {  	v19 =	vld [tilespmem:s0+$0xFFFFFF90];
	[tilespmem:s24+$0x430] =	vst v25;
	v21 =	vadd.bf16 v26, v22  }
0x48d: {  	v26 =	vmul.bf16 v5, v28;
	v22 =	vld [tilespmem:s0+$0xF90];
	v25 =	vunpack.i.l.bf16.f32 v18;
	v20 =	vmul.bf16 v7, v20  }
0x48e: {  	v18 =	vunpack.i.u.bf16.f32 v18;
	[tilespmem:s12+$0x10] =	vst v25;
	v28 =	vld [tilespmem:s22+$0xFFFFEFC0];
	v21 =	vadd.bf16 v15, v21;
	v15 =	vmul.bf16 v2, v23;
	v2 =	vmovc v8  }
0x48f: {  	v8 =	vmovc v14;
	v14 =	vmov v24;
	[tilespmem:s12+$0x410] =	vst v18;
	v18 =	vld [tilespmem:s22+$0xFFFFFFC0];
	v20 =	vadd.bf16 v20, v26;
	v26 =	vmul.bf16 v6, v27  }
0x490: {  	v24 =	vmul.bf16 v14, v29;
	v23 =	vld [tilespmem:s0+$0xFFFFF020];
	v27 =	vunpack.i.u.bf16.f32 v21;
	v21 =	vunpack.i.l.bf16.f32 v21  }
.Ltmp5:
0x491: {  	v19 =	vmul.bf16 v16, v19;
	v25 =	vld [tilespmem:s0+$0x20];
	v26 =	vadd.bf16 v26, v20;
	[tilespmem:s21+$0x50] =	vst v21;
	(pc) =	sbr.rel @p1 .LBB2_9-.Ltmp5, $4  }
0x492: {  	v29 =	vmul.bf16 v17, v22;
	v20 =	vld [tilespmem:s22+$0xFC0];
	[tilespmem:s21+$0x450] =	vst v27  }
0x493: {  	v19 =	vadd.bf16 v19, v24;
	v24 =	vld [tilespmem:s0+$0x1020];
	v21 =	vmul.bf16 v8, v28;
	v27 =	vunpack.i.l.bf16.f32 v26  }
0x494: {  	v28 =	vunpack.i.u.bf16.f32 v26;
	v22 =	vmul.bf16 v9, v18;
	[tilespmem:s23+$0x50] =	vst v27;
	v18 =	vld [tilespmem:s20+$0xFFFFEFE0]  }
0x495: {  	v26 =	vadd.bf16 v29, v19;
	[tilespmem:s23+$0x450] =	vst v28;
	v19 =	vld [tilespmem:s20+$0xFFFFFFE0]  }
0x496: {  	_ = 	snop  }
0x497: {  	v27 =	vunpack.i.l.bf16.f32 v26  }
0x498: {  	v26 =	vunpack.i.u.bf16.f32 v26;
	[tilespmem:s6+$0x10] =	vst v27  }
0x499: {  	[tilespmem:s6+$0x410] =	vst v26  }
0x49a: {  	v23 =	vmul.bf16 v13, v23;
	v25 =	vmul.bf16 v11, v25;
	v26 =	vld [tilespmem:s0+$0xFFFFEFA0]  }
0x49b: {  	v27 =	vld [tilespmem:s0+$0xFFFFFFA0]  }
0x49c: {  	v23 =	vadd.bf16 v25, v23;
	v24 =	vmul.bf16 v12, v24  }
0x49d: {  	v25 =	vld [tilespmem:s0+$0xFA0]  }
0x49e: {  	v23 =	vadd.bf16 v24, v23;
	_ =	sdelay $0x1  }
0x49f: {  	v24 =	vunpack.i.l.bf16.f32 v23;
	v26 =	vmul.bf16 v14, v26;
	v27 =	vmul.bf16 v16, v27  }
0x4a0: {  	v23 =	vunpack.i.u.bf16.f32 v23;
	[tilespmem:s12+$0x20] =	vst v24  }
0x4a1: {  	[tilespmem:s12+$0x420] =	vst v23;
	v23 =	vmul.bf16 v17, v25;
	v24 =	vadd.bf16 v27, v26  }
0x4a2: {  	v25 =	vld [tilespmem:s0+$0xFFFFF030]  }
0x4a3: {  	v26 =	vld [tilespmem:s0+$0x30];
	v23 =	vadd.bf16 v23, v24;
	_ =	sdelay $0x1  }
0x4a4: {  	v24 =	vld [tilespmem:s0+$0x1030];
	v27 =	vunpack.i.u.bf16.f32 v23  }
0x4a5: {  	v23 =	vunpack.i.l.bf16.f32 v23;
	[tilespmem:s6+$0x420] =	vst v27  }
0x4a6: {  	[tilespmem:s6+$0x20] =	vst v23  }
0x4a7: {  	v23 =	vmul.bf16 v13, v25;
	v25 =	vmul.bf16 v11, v26;
	v26 =	vld [tilespmem:s0+$0xFFFFEFB0]  }
0x4a8: {  	v27 =	vld [tilespmem:s0+$0xFFFFFFB0]  }
0x4a9: {  	v23 =	vadd.bf16 v25, v23;
	v24 =	vmul.bf16 v12, v24  }
0x4aa: {  	v25 =	vld [tilespmem:s0+$0xFB0]  }
0x4ab: {  	v23 =	vadd.bf16 v24, v23;
	_ =	sdelay $0x1  }
0x4ac: {  	v24 =	vunpack.i.l.bf16.f32 v23;
	v26 =	vmul.bf16 v14, v26;
	v27 =	vmul.bf16 v16, v27  }
0x4ad: {  	v23 =	vunpack.i.u.bf16.f32 v23;
	[tilespmem:s12+$0x30] =	vst v24  }
0x4ae: {  	[tilespmem:s12+$0x430] =	vst v23;
	v23 =	vmul.bf16 v17, v25;
	v24 =	vadd.bf16 v27, v26  }
0x4af: {  	v25 =	vld [tilespmem:s0+$0xFFFFF040]  }
0x4b0: {  	v26 =	vld [tilespmem:s0+$0x40];
	v23 =	vadd.bf16 v23, v24;
	_ =	sdelay $0x1  }
0x4b1: {  	v24 =	vld [tilespmem:s0+$0x1040];
	v27 =	vunpack.i.l.bf16.f32 v23  }
0x4b2: {  	v23 =	vunpack.i.u.bf16.f32 v23;
	[tilespmem:s6+$0x30] =	vst v27  }
0x4b3: {  	v20 =	vmul.bf16 v10, v20;
	[tilespmem:s6+$0x430] =	vst v23  }
0x4b4: {  	v21 =	vadd.bf16 v22, v21;
	v22 =	vmul.bf16 v13, v25;
	v23 =	vmul.bf16 v11, v26;
	v25 =	vld [tilespmem:s0+$0xFFFFEFC0]  }
0x4b5: {  	v26 =	vld [tilespmem:s0+$0xFFFFFFC0]  }
0x4b6: {  	v20 =	vadd.bf16 v20, v21;
	v21 =	vadd.bf16 v23, v22;
	v22 =	vmul.bf16 v12, v24  }
0x4b7: {  	v23 =	vld [tilespmem:s0+$0xFC0]  }
0x4b8: {  	v24 =	vunpack.i.u.bf16.f32 v20;
	v21 =	vadd.bf16 v22, v21  }
0x4b9: {  	v20 =	vunpack.i.l.bf16.f32 v20;
	[tilespmem:s24+$0x440] =	vst v24  }
0x4ba: {  	[tilespmem:s24+$0x40] =	vst v20;
	v20 =	vunpack.i.l.bf16.f32 v21;
	v22 =	vmul.bf16 v14, v25;
	v24 =	vmul.bf16 v16, v26  }
0x4bb: {  	v21 =	vunpack.i.u.bf16.f32 v21;
	[tilespmem:s12+$0x40] =	vst v20  }
0x4bc: {  	v20 =	vld [tilespmem:s22+$0xFFFFEFD0];
	[tilespmem:s12+$0x440] =	vst v21;
	v21 =	vadd.bf16 v24, v22;
	v22 =	vmul.bf16 v17, v23  }
0x4bd: {  	v23 =	vld [tilespmem:s0+$0xFFFFF050]  }
0x4be: {  	v24 =	vld [tilespmem:s0+$0x50];
	v21 =	vadd.bf16 v22, v21  }
0x4bf: {  	v22 =	vld [tilespmem:s22+$0xFFFFFFD0]  }
0x4c0: {  	v25 =	vld [tilespmem:s0+$0x1050];
	v26 =	vunpack.i.u.bf16.f32 v21  }
0x4c1: {  	v27 =	vld [tilespmem:s22+$0xFD0];
	v21 =	vunpack.i.l.bf16.f32 v21;
	[tilespmem:s6+$0x440] =	vst v26  }
0x4c2: {  	v29 =	vld [tilespmem:s22+$0x60];
	[tilespmem:s6+$0x40] =	vst v21  }
0x4c3: {  	v21 =	vmul.bf16 v13, v23;
	v23 =	vmul.bf16 v11, v24;
	v24 =	vld [tilespmem:s0+$0xFFFFEFD0]  }
0x4c4: {  	v20 =	vmul.bf16 v8, v20;
	v28 =	vld [tilespmem:s0+$0xFFFFFFD0];
	v22 =	vmul.bf16 v9, v22  }
0x4c5: {  	v26 =	vld [tilespmem:s22+$0xFFFFF060];
	v21 =	vadd.bf16 v23, v21;
	v23 =	vmul.bf16 v12, v25  }
0x4c6: {  	v25 =	vmul.bf16 v10, v27;
	v20 =	vadd.bf16 v22, v20;
	v22 =	vld [tilespmem:s0+$0xFD0]  }
0x4c7: {  	v27 =	vld [tilespmem:s22+$0x1060];
	v21 =	vadd.bf16 v23, v21  }
0x4c8: {  	v20 =	vadd.bf16 v25, v20  }
0x4c9: {  	v30 =	vld [tilespmem:s19+$0xFFFFFFF0];
	v25 =	vunpack.i.l.bf16.f32 v21;
	v24 =	vmul.bf16 v14, v24;
	v28 =	vmul.bf16 v16, v28  }
0x4ca: {  	v29 =	vmul.bf16 v7, v29;
	v23 =	vld [tilespmem:s20+$0xFE0];
	v26 =	vmul.bf16 v5, v26;
	v21 =	vunpack.i.u.bf16.f32 v21;
	[tilespmem:s12+$0x50] =	vst v25  }
0x4cb: {  	v25 =	vld [tilespmem:s19+$0xFF0];
	[tilespmem:s12+$0x450] =	vst v21;
	v31 =	vunpack.i.l.bf16.f32 v20;
	v21 =	vmul.bf16 v17, v22;
	v22 =	vadd.bf16 v28, v24  }
0x4cc: {  	v20 =	vunpack.i.u.bf16.f32 v20;
	v24 =	vadd.bf16 v29, v26;
	v26 =	vmul.bf16 v6, v27;
	[tilespmem:s24+$0x50] =	vst v31;
	v27 =	vld [tilespmem:s0+$0xFFFFF060]  }
0x4cd: {  	[tilespmem:s24+$0x450] =	vst v20;
	v20 =	vld [tilespmem:s0+$0x60];
	v21 =	vadd.bf16 v21, v22  }
0x4ce: {  	v18 =	vmul.bf16 v2, v18;
	v45 =	vld [tilespmem:s22+$0xFFFFFFE0]  }
0x4cf: {  	v19 =	vmul.bf16 v4, v19;
	v22 =	vadd.bf16 v26, v24;
	v26 =	vld [tilespmem:s0+$0x1060];
	v44 =	vunpack.i.l.bf16.f32 v21  }
0x4d0: {  	v24 =	vld [tilespmem:s22+$0xFFFFEFE0];
	v21 =	vunpack.i.u.bf16.f32 v21;
	[tilespmem:s6+$0x50] =	vst v44  }
0x4d1: {  	v18 =	vadd.bf16 v19, v18;
	v23 =	vmul.bf16 v3, v23;
	v19 =	vld [tilespmem:s22+$0xFE0];
	v46 =	vunpack.i.l.bf16.f32 v22;
	[tilespmem:s6+$0x450] =	vst v21  }
0x4d2: {  	v21 =	vunpack.i.u.bf16.f32 v22;
	v22 =	vmul.bf16 v13, v27;
	v20 =	vmul.bf16 v11, v20;
	v27 =	vld [tilespmem:s0+$0xFFFFEFE0]  }
0x4d3: {  	v18 =	vadd.bf16 v23, v18;
	[tilespmem:s23+$0x460] =	vst v21;
	v21 =	vld [tilespmem:s0+$0xFFFFFFE0]  }
0x4d4: {  	[tilespmem:s23+$0x60] =	vst v46;
	v48 =	vld [tilespmem:s0+$0xFE0];
	v20 =	vadd.bf16 v20, v22;
	v22 =	vmul.bf16 v12, v26  }
0x4d5: {  	v47 =	vmul.bf16 v9, v45;
	v23 =	vld [tilespmem:s22+$0xFFFFF070];
	v26 =	vunpack.i.l.bf16.f32 v18;
	v24 =	vmul.bf16 v8, v24  }
0x4d6: {  	v49 =	vld [tilespmem:s22+$0x70];
	v18 =	vunpack.i.u.bf16.f32 v18;
	[tilespmem:s21+$0x60] =	vst v26;
	v20 =	vadd.bf16 v22, v20  }
0x4d7: {  	[tilespmem:s21+$0x460] =	vst v18;
	v18 =	vmul.bf16 v10, v19;
	v22 =	vld [tilespmem:s22+$0x1070];
	v19 =	vadd.bf16 v47, v24  }
0x4d8: {  	v24 =	vld [tilespmem:s20+$0xFFFFEFF0];
	v26 =	vunpack.i.l.bf16.f32 v20;
	v27 =	vmul.bf16 v14, v27;
	v21 =	vmul.bf16 v16, v21  }
0x4d9: {  	v50 =	vld [tilespmem:s20+$0xFFFFFFF0];
	v20 =	vunpack.i.u.bf16.f32 v20;
	v18 =	vadd.bf16 v18, v19;
	[tilespmem:s12+$0x60] =	vst v26  }
0x4da: {  	v19 =	vld [tilespmem:s20+$0xFF0];
	[tilespmem:s12+$0x460] =	vst v20;
	v20 =	vmul.bf16 v17, v48;
	v21 =	vadd.bf16 v21, v27  }
0x4db: {  	v26 =	vld [tilespmem:s0+$0xFFFFF070];
	v27 =	vunpack.i.l.bf16.f32 v18  }
0x4dc: {  	v0 =	vmul.bf16 v0, v30;
	v51 =	vld [tilespmem:s0+$0x70];
	v18 =	vunpack.i.u.bf16.f32 v18;
	[tilespmem:s24+$0x60] =	vst v27;
	v20 =	vadd.bf16 v20, v21  }
0x4dd: {  	v5 =	vmul.bf16 v5, v23;
	v7 =	vmul.bf16 v7, v49;
	[tilespmem:s24+$0x460] =	vst v18;
	v21 =	vld [tilespmem:s0+$0x1070]  }
0x4de: {  	v0 =	vadd.bf16 v0, v15;
	v1 =	vmul.bf16 v1, v25;
	v15 =	vld [tilespmem:s22+$0xFFFFEFF0];
	v18 =	vunpack.i.l.bf16.f32 v20  }
0x4df: {  	v5 =	vadd.bf16 v7, v5;
	v6 =	vmul.bf16 v6, v22;
	v7 =	vld [tilespmem:s22+$0xFFFFFFF0];
	v20 =	vunpack.i.u.bf16.f32 v20;
	[tilespmem:s6+$0x60] =	vst v18  }
0x4e0: {  	v2 =	vmul.bf16 v2, v24;
	v4 =	vmul.bf16 v4, v50;
	v18 =	vld [tilespmem:s22+$0xFF0];
	[tilespmem:s6+$0x460] =	vst v20  }
0x4e1: {  	v0 =	vadd.bf16 v1, v0;
	v1 =	vadd.bf16 v6, v5;
	v3 =	vmul.bf16 v3, v19;
	v5 =	vld [tilespmem:s0+$0xFFFFEFF0]  }
0x4e2: {  	v2 =	vadd.bf16 v4, v2;
	v4 =	vmul.bf16 v13, v26;
	v6 =	vmul.bf16 v11, v51;
	v11 =	vld [tilespmem:s0+$0xFFFFFFF0]  }
0x4e3: {  	v13 =	vunpack.i.u.bf16.f32 v0;
	v19 =	vunpack.i.u.bf16.f32 v1;
	v0 =	vunpack.i.l.bf16.f32 v0  }
0x4e4: {  	v2 =	vadd.bf16 v3, v2;
	[tilespmem:s18+$0x470] =	vst v13;
	v3 =	vadd.bf16 v6, v4;
	v4 =	vmul.bf16 v12, v21;
	v6 =	vld [tilespmem:s0+$0xFF0]  }
0x4e5: {  	v1 =	vunpack.i.l.bf16.f32 v1;
	[tilespmem:s23+$0x470] =	vst v19;
	v8 =	vmul.bf16 v8, v15;
	v7 =	vmul.bf16 v9, v7  }
0x4e6: {  	[tilespmem:s18+$0x70] =	vst v0;
	v0 =	vadd.bf16 v4, v3;
	v3 =	vunpack.i.u.bf16.f32 v2;
	v4 =	vmul.bf16 v10, v18  }
0x4e7: {  	[tilespmem:s23+$0x70] =	vst v1;
	v1 =	vadd.bf16 v7, v8;
	v5 =	vmul.bf16 v14, v5;
	v7 =	vmul.bf16 v16, v11  }
0x4e8: {  	v2 =	vunpack.i.l.bf16.f32 v2;
	[tilespmem:s21+$0x470] =	vst v3;
	v3 =	vunpack.i.u.bf16.f32 v0  }
0x4e9: {  	[tilespmem:s12+$0x470] =	vst v3;
	v1 =	vadd.bf16 v4, v1;
	v4 =	vmul.bf16 v17, v6;
	v3 =	vadd.bf16 v7, v5  }
0x4ea: {  	[tilespmem:s21+$0x70] =	vst v2;
	v0 =	vunpack.i.l.bf16.f32 v0  }
0x4eb: {  	[tilespmem:s12+$0x70] =	vst v0;
	v0 =	vunpack.i.u.bf16.f32 v1;
	v2 =	vadd.bf16 v4, v3  }
0x4ec: {  	[tilespmem:s24+$0x470] =	vst v0;
	v0 =	vunpack.i.l.bf16.f32 v1  }
0x4ed: {  	[tilespmem:s24+$0x70] =	vst v0;
	v0 =	vunpack.i.u.bf16.f32 v2  }
0x4ee: {  	s13 =	sshll.u32 s7, $0xA;
	[tilespmem:s6+$0x470] =	vst v0;
	v0 =	vunpack.i.l.bf16.f32 v2  }
0x4ef: {  	s31 =	simm.s32 $0x10000;
	s0 =	sadd.s32 s13, s8;
	[tilespmem:s6+$0x70] =	vst v0  }
0x4f0: {  	[hbm4b:s0+s2] =	stream.linear.scatter [tilespmem:s31], [sflag:$0x5], $0x2000, $0x38;
	[tilespmem:$0x14000] =	vst v63  }
0x4f1: {  	s0 =	sadd.s32 @!p0 $0x300, s17  }
0x4f2: {  	s0 =	sand.u32 @!p0 $0x3E00, s0  }
0x4f3: {  	s7 =	simm.s32 @!p0 $0xA000;
	s6 =	simm.s32 @!p0 $0x20;
	s1 =	sadd.s32 @!p0 $0x2040, s0  }
0x4f4: {  	[tilespmem:s7], [sflag:$0x3] =	stream.indirect.gather @!p0 [hbm4b:s3+s6], $0x80, s1, s6, $0xb8;
	[tilespmem:$0x14000] =	vst v63  }
0x4f5: {  	s0 =	sadd.s32 @!p0 $0x20C0, s0;
	s1 =	simm.s32 @!p0 $0xB000  }
0x4f6: {  	[tilespmem:s1], [sflag:$0x3] =	stream.indirect.gather @!p0 [hbm4b:s3+s6], $0x80, s0, s6, $0xb8;
	[tilespmem:$0x14000] =	vst v63  }
0x4f7: {  	s0 =	sadd.s32 @!p0 $0x2340, s17;
	s1 =	simm.s32 @!p0 $0xC000  }
0x4f8: {  	[tilespmem:s1], [sflag:$0x3] =	stream.indirect.gather @!p0 [hbm4b:s3+s6], $0x80, s0, s6, $0xb8;
	[tilespmem:$0x14000] =	vst v63  }
0x4f9: {  	_ =	swait.ge [sflag:s10], $0x1000  }
0x4fa: {  	[sflag:s10] =	ssyncset.done $0x0  }
0x4fb: {  	s17 =	sadd.s32 $0xFFFFFFFE, s14;
	[sflag:s10] =	ssyncadd.s32 $0xFFFFF000  }
0x4fc: {  	s18 =	sadd.s32 $0x63, s17;
	_ =	swait.ge [sflag:s10], $0x1000  }
0x4fd: {  	v0 =	vmov s18;
	[sflag:s10] =	ssyncset.done $0x0  }
0x4fe: {  	v1 =	vshll.u32 v0, $0x2;
	[sflag:s10] =	ssyncadd.s32 $0xFFFFF000  }
0x4ff: {  	v0 =	vand.u32 $0x7F, v0;
	v1 =	vand.u32 $0x7FFFFE00, v1;
	_ =	swait.ge [sflag:s10], $0x1000  }
0x500: {  	v0 =	vor.u32 v0, v1;
	[sflag:s10] =	ssyncset.done $0x0  }
0x501: {  	v1 =	vor.u32 $0x100, v0;
	[sflag:s10] =	ssyncadd.s32 $0xFFFFF000  }
0x502: {  	v2 =	vor.u32 $0x80, v0;
	_ =	swait.ge [sflag:s11], $0x2000  }
0x503: {  	[sflag:s11] =	ssyncset.done $0x0  }
0x504: {  	[sflag:s11] =	ssyncadd.s32 $0xFFFFE000  }
0x505: {  	v0 =	vld.idx.msk [tilespmem:v0+s2+$0x0], $0xffff  }
0x506: {  	s0 =	sadd.s32 $0x62, s17;
	v1 =	vld.idx.msk [tilespmem:v1+s2+$0x0], $0xffff  }
0x507: {  	s18 =	simm.s32 $0xE080;
	v3 =	vmov s0;
	v2 =	vld.idx.msk [tilespmem:v2+s2+$0x0], $0xffff  }
0x508: {  	v4 =	vshll.u32 v3, $0x2;
	v5 =	vld [tilespmem:s18+$0xFFFFF000]  }
0x509: {  	v3 =	vand.u32 $0x7E, v3;
	v4 =	vand.u32 $0x7FFFFE00, v4;
	v6 =	vld [tilespmem:s18+$0x0]  }
0x50a: {  	v3 =	vor.u32 v3, v4  }
0x50b: {  	v4 =	vor.u32 $0x80, v3;
	v8 =	vld [tilespmem:s18+$0x1000];
	v7 =	vand.u32 $0xFFFF0000, v0  }
0x50c: {  	v0 =	vshrl.u32 v0, $0x10;
	v9 =	vand.u32 $0xFFFF0000, v2;
	v2 =	vshrl.u32 v2, $0x10  }
0x50d: {  	v12 =	vor.u32 v0, v7;
	v0 =	vand.u32 $0xFFFF0000, v1;
	v13 =	vor.u32 v2, v9  }
0x50e: {  	v1 =	vshrl.u32 v1, $0x10;
	v2 =	vmul.bf16 v12, v5;
	v5 =	vmul.bf16 v13, v6  }
0x50f: {  	v6 =	vor.u32 $0x100, v3;
	v11 =	vor.u32 v1, v0  }
0x510: {  	v1 =	vmul.bf16 v11, v8;
	v0 =	vadd.bf16 v5, v2  }
0x511: {  	s19 =	simm.s32 $0x0;
	v3 =	vld.idx.msk [tilespmem:v3+s2+$0x0], $0xffff  }
0x512: {  	s20 =	simm.s32 $0x80;
	s0 =	sand.u32 $0x1800, s19;
	v2 =	vld.idx.msk [tilespmem:v4+s2+$0x0], $0xffff;
	v0 =	vadd.bf16 v1, v0  }
0x513: {  	s1 =	sand.u32 $0x380, s20;
	s0 =	sor.u32 $0x12000, s0;
	v1 =	vld [tilespmem:s18+$0xFFFFEF80]  }
0x514: {  	s7 =	sor.u32 s1, s0;
	v4 =	vld.idx.msk [tilespmem:v6+s2+$0x0], $0xffff;
	v5 =	vunpack.i.l.bf16.f32 v0  }
0x515: {  	v6 =	vld [tilespmem:s18+$0xFFFFFF80];
	v0 =	vunpack.i.u.bf16.f32 v0;
	[tilespmem:s7+$0x0] =	vst v5  }
0x516: {  	v5 =	vld [tilespmem:s18+$0xF80];
	[tilespmem:s7+$0x400] =	vst v0  }
0x517: {  	v7 =	vld [tilespmem:s18+$0xFFFFF010]  }
0x518: {  	v0 =	vand.u32 $0xFFFF0000, v3;
	v3 =	vshrl.u32 v3, $0x10;
	v8 =	vld [tilespmem:s18+$0x10]  }
0x519: {  	v9 =	vand.u32 $0xFFFF0000, v2;
	v2 =	vshrl.u32 v2, $0x10;
	v15 =	vor.u32 v3, v0  }
0x51a: {  	v0 =	vor.u32 v2, v9;
	v2 =	vand.u32 $0xFFFF0000, v4;
	v3 =	vshrl.u32 v4, $0x10;
	v4 =	vld [tilespmem:s18+$0x1010]  }
0x51b: {  	v9 =	vmul.bf16 v15, v1;
	v6 =	vmul.bf16 v0, v6;
	v1 =	vor.u32 v3, v2  }
0x51c: {  	v2 =	vmul.bf16 v1, v5  }
0x51d: {  	v3 =	vadd.bf16 v6, v9;
	v5 =	vmul.bf16 v12, v7;
	v6 =	vmul.bf16 v13, v8;
	_ =	sdelay $0x1  }
0x51e: {  	s21 =	simm.s32 $0x0;
	v2 =	vadd.bf16 v2, v3;
	v3 =	vadd.bf16 v6, v5;
	v4 =	vmul.bf16 v11, v4  }
0x51f: {  	s1 =	sand.u32 $0x300, s21  }
0x520: {  	s17 =	sor.u32 s1, s0;
	v5 =	vunpack.i.u.bf16.f32 v2;
	v3 =	vadd.bf16 v4, v3  }
0x521: {  	v2 =	vunpack.i.l.bf16.f32 v2;
	[tilespmem:s17+$0x400] =	vst v5  }
0x522: {  	[tilespmem:s17+$0x0] =	vst v2;
	v2 =	vunpack.i.l.bf16.f32 v3  }
0x523: {  	v3 =	vunpack.i.u.bf16.f32 v3;
	[tilespmem:s7+$0x10] =	vst v2  }
0x524: {  	v5 =	vld [tilespmem:s18+$0xFFFFFF90];
	[tilespmem:s7+$0x410] =	vst v3  }
0x525: {  	v3 =	vld [tilespmem:s18+$0xFFFFF020]  }
0x526: {  	v4 =	vld [tilespmem:s18+$0x20]  }
0x527: {  	v2 =	vld [tilespmem:s18+$0xFFFFEF90]  }
0x528: {  	v6 =	vld [tilespmem:s18+$0x1020];
	_ =	sdelay $0x1  }
0x529: {  	v7 =	vld [tilespmem:s18+$0xF90]  }
0x52a: {  	v3 =	vmul.bf16 v12, v3;
	v4 =	vmul.bf16 v13, v4  }
0x52b: {  	v5 =	vmul.bf16 v0, v5  }
0x52c: {  	v2 =	vmul.bf16 v15, v2;
	v3 =	vadd.bf16 v4, v3;
	v4 =	vmul.bf16 v11, v6  }
0x52d: {  	s22 =	sadd.s32 $0x0, s14  }
0x52e: {  	s0 =	sadd.s32 $0x62, s22;
	v2 =	vadd.bf16 v5, v2;
	v6 =	vmul.bf16 v1, v7;
	v3 =	vadd.bf16 v4, v3  }
0x52f: {  	s23 =	sadd.s32 $0x63, s22;
	v9 =	vmov s0  }
0x530: {  	v4 =	vmov s23;
	v2 =	vadd.bf16 v6, v2;
	v6 =	vunpack.i.l.bf16.f32 v3  }
0x531: {  	v10 =	vand.u32 $0x7E, v9;
	v5 =	vshll.u32 v4, $0x2;
	v3 =	vunpack.i.u.bf16.f32 v3;
	[tilespmem:s7+$0x20] =	vst v6  }
0x532: {  	v4 =	vand.u32 $0x7F, v4;
	v5 =	vand.u32 $0x7FFFFE00, v5;
	v6 =	vunpack.i.l.bf16.f32 v2;
	[tilespmem:s7+$0x420] =	vst v3  }
0x533: {  	v9 =	vshll.u32 v9, $0x2;
	v4 =	vor.u32 v4, v5;
	v2 =	vunpack.i.u.bf16.f32 v2;
	[tilespmem:s17+$0x10] =	vst v6;
	v5 =	vld [tilespmem:s18+$0xFFFFF030]  }
0x534: {  	s19 =	simm.s32 $0xE180;
	v9 =	vand.u32 $0x7FFFFE00, v9;
	[tilespmem:s17+$0x410] =	vst v2;
	v2 =	vor.u32 $0x80, v4;
	v6 =	vld [tilespmem:s18+$0x30]  }
0x535: {  	v9 =	vor.u32 v10, v9;
	v10 =	vld [tilespmem:s19+$0xFFFFF000];
	v3 =	vor.u32 $0x100, v4  }
0x536: {  	v8 =	vld [tilespmem:s18+$0x1030]  }
0x537: {  	v7 =	vld [tilespmem:s18+$0xFFFFEFA0]  }
0x538: {  	v4 =	vld.idx.msk [tilespmem:v4+s2+$0x0], $0xffff  }
0x539: {  	v2 =	vld.idx.msk [tilespmem:v2+s2+$0x0], $0xffff;
	v5 =	vmul.bf16 v12, v5;
	v6 =	vmul.bf16 v13, v6  }
0x53a: {  	v3 =	vld.idx.msk [tilespmem:v3+s2+$0x0], $0xffff  }
0x53b: {  	v5 =	vadd.bf16 v6, v5;
	v6 =	vmul.bf16 v11, v8;
	v8 =	vld [tilespmem:s19+$0x0]  }
0x53c: {  	v16 =	vor.u32 $0x80, v9;
	v20 =	vor.u32 $0x100, v9;
	v19 =	vld [tilespmem:s18+$0xFFFFFFA0]  }
0x53d: {  	v14 =	vand.u32 $0xFFFF0000, v4;
	v4 =	vshrl.u32 v4, $0x10;
	v5 =	vadd.bf16 v6, v5;
	v6 =	vld [tilespmem:s19+$0x1000]  }
0x53e: {  	v14 =	vor.u32 v4, v14;
	v4 =	vand.u32 $0xFFFF0000, v2;
	v2 =	vshrl.u32 v2, $0x10  }
0x53f: {  	v9 =	vld.idx.msk [tilespmem:v9+s2+$0x0], $0xffff;
	v7 =	vmul.bf16 v15, v7;
	v18 =	vand.u32 $0xFFFF0000, v3;
	v17 =	vor.u32 v2, v4  }
0x540: {  	v21 =	vld [tilespmem:s18+$0xFA0];
	v3 =	vshrl.u32 v3, $0x10;
	v4 =	vmul.bf16 v14, v10;
	v8 =	vmul.bf16 v17, v8  }
0x541: {  	v22 =	vunpack.i.l.bf16.f32 v5;
	v2 =	vld.idx.msk [tilespmem:v16+s2+$0x0], $0xffff;
	v5 =	vunpack.i.u.bf16.f32 v5;
	v18 =	vor.u32 v3, v18  }
0x542: {  	v3 =	vmul.bf16 v0, v19;
	v10 =	vld [tilespmem:s19+$0xFFFFEF80];
	[tilespmem:s7+$0x430] =	vst v5;
	v4 =	vadd.bf16 v8, v4;
	v5 =	vmul.bf16 v18, v6  }
0x543: {  	s24 =	simm.s32 $0x200;
	v19 =	vld [tilespmem:s19+$0xFFFFFF80];
	[tilespmem:s7+$0x30] =	vst v22  }
0x544: {  	s26 =	simm.s32 $0x180;
	s0 =	sand.u32 $0x1800, s24;
	v3 =	vadd.bf16 v3, v7;
	v7 =	vld [tilespmem:s18+$0x40];
	v4 =	vadd.bf16 v5, v4  }
0x545: {  	s1 =	sand.u32 $0x380, s26;
	s0 =	sor.u32 $0x12000, s0;
	v6 =	vld [tilespmem:s18+$0xFFFFF040];
	v8 =	vmul.bf16 v1, v21  }
0x546: {  	s1 =	sor.u32 s1, s0;
	v5 =	vld.idx.msk [tilespmem:v20+s2+$0x0], $0xffff;
	v16 =	vunpack.i.l.bf16.f32 v4  }
0x547: {  	v8 =	vadd.bf16 v8, v3;
	v3 =	vld [tilespmem:s18+$0x1040];
	v4 =	vunpack.i.u.bf16.f32 v4;
	[tilespmem:s1+$0x0] =	vst v16  }
0x548: {  	v20 =	vld [tilespmem:s19+$0xF80];
	v21 =	vshrl.u32 v2, $0x10;
	[tilespmem:s1+$0x400] =	vst v4  }
0x549: {  	v7 =	vmul.bf16 v13, v7;
	v16 =	vunpack.i.u.bf16.f32 v8;
	v4 =	vand.u32 $0xFFFF0000, v2;
	v22 =	vld [tilespmem:s19+$0xFFFFF010]  }
0x54a: {  	v2 =	vand.u32 $0xFFFF0000, v9;
	v9 =	vshrl.u32 v9, $0x10;
	v6 =	vmul.bf16 v12, v6;
	v23 =	vld [tilespmem:s19+$0x10]  }
0x54b: {  	v2 =	vor.u32 v9, v2;
	v4 =	vor.u32 v21, v4;
	v9 =	vand.u32 $0xFFFF0000, v5  }
0x54c: {  	v6 =	vadd.bf16 v7, v6;
	v7 =	vmul.bf16 v11, v3;
	v3 =	vshrl.u32 v5, $0x10;
	v5 =	vld [tilespmem:s19+$0x1010]  }
0x54d: {  	v10 =	vmul.bf16 v2, v10;
	v19 =	vmul.bf16 v4, v19;
	v3 =	vor.u32 v3, v9  }
0x54e: {  	v8 =	vunpack.i.l.bf16.f32 v8;
	v6 =	vadd.bf16 v7, v6;
	v7 =	vmul.bf16 v3, v20  }
0x54f: {  	[tilespmem:s17+$0x420] =	vst v16;
	v9 =	vadd.bf16 v19, v10;
	v10 =	vmul.bf16 v14, v22;
	v16 =	vmul.bf16 v17, v23  }
0x550: {  	[tilespmem:s17+$0x20] =	vst v8;
	v8 =	vunpack.i.l.bf16.f32 v6  }
0x551: {  	s28 =	simm.s32 $0x100;
	v19 =	vld [tilespmem:s18+$0xFFFFEFB0];
	v7 =	vadd.bf16 v7, v9;
	v5 =	vmul.bf16 v18, v5;
	v9 =	vadd.bf16 v16, v10  }
0x552: {  	s6 =	sand.u32 $0x300, s28;
	v6 =	vunpack.i.u.bf16.f32 v6;
	[tilespmem:s7+$0x40] =	vst v8;
	v10 =	vld [tilespmem:s18+$0xFFFFFFB0]  }
0x553: {  	s20 =	sor.u32 s6, s0;
	v8 =	vld [tilespmem:s18+$0xFB0];
	[tilespmem:s7+$0x440] =	vst v6;
	v6 =	vunpack.i.u.bf16.f32 v7;
	v5 =	vadd.bf16 v5, v9  }
0x554: {  	v7 =	vunpack.i.l.bf16.f32 v7;
	[tilespmem:s20+$0x400] =	vst v6;
	v6 =	vld [tilespmem:s18+$0x50]  }
0x555: {  	[tilespmem:s20+$0x0] =	vst v7;
	v9 =	vld [tilespmem:s18+$0xFFFFF050];
	v7 =	vunpack.i.l.bf16.f32 v5  }
0x556: {  	v16 =	vld [tilespmem:s18+$0x1050];
	v5 =	vunpack.i.u.bf16.f32 v5;
	[tilespmem:s1+$0x10] =	vst v7  }
0x557: {  	v20 =	vld [tilespmem:s19+$0xFFFFFF90];
	v7 =	vmul.bf16 v15, v19;
	v10 =	vmul.bf16 v0, v10;
	[tilespmem:s1+$0x410] =	vst v5  }
0x558: {  	v5 =	vld [tilespmem:s19+$0xFFFFF020]  }
0x559: {  	v8 =	vmul.bf16 v1, v8;
	v7 =	vadd.bf16 v10, v7;
	v10 =	vld [tilespmem:s19+$0x20]  }
0x55a: {  	v19 =	vld [tilespmem:s19+$0xFFFFEF90];
	v6 =	vmul.bf16 v13, v6;
	v9 =	vmul.bf16 v12, v9  }
0x55b: {  	v7 =	vadd.bf16 v8, v7;
	v8 =	vld [tilespmem:s19+$0x1020]  }
0x55c: {  	v6 =	vadd.bf16 v6, v9;
	v9 =	vmul.bf16 v11, v16  }
0x55d: {  	v21 =	vld [tilespmem:s19+$0xF90];
	v16 =	vunpack.i.l.bf16.f32 v7  }
0x55e: {  	v6 =	vadd.bf16 v9, v6;
	v5 =	vmul.bf16 v14, v5;
	v9 =	vmul.bf16 v17, v10  }
0x55f: {  	v7 =	vunpack.i.u.bf16.f32 v7;
	[tilespmem:s17+$0x30] =	vst v16;
	v10 =	vmul.bf16 v2, v19;
	v16 =	vmul.bf16 v4, v20  }
0x560: {  	s21 =	simm.s32 $0xE280;
	[tilespmem:s17+$0x430] =	vst v7;
	v7 =	vunpack.i.l.bf16.f32 v6;
	v5 =	vadd.bf16 v9, v5;
	v8 =	vmul.bf16 v18, v8  }
0x561: {  	v53 =	vld [tilespmem:s21+$0x1000];
	v6 =	vunpack.i.u.bf16.f32 v6;
	[tilespmem:s7+$0x50] =	vst v7  }
0x562: {  	v57 =	vld [tilespmem:s21+$0xFFFFEF80];
	v7 =	vmul.bf16 v3, v21;
	v10 =	vadd.bf16 v16, v10;
	[tilespmem:s7+$0x450] =	vst v6;
	v5 =	vadd.bf16 v8, v5  }
0x563: {  	s29 =	sadd.s32 $0x2, s14;
	v6 =	vld [tilespmem:s18+$0xFFFFF060]  }
0x564: {  	s12 =	sadd.s32 $0x63, s29;
	v7 =	vadd.bf16 v7, v10;
	v8 =	vld [tilespmem:s18+$0x60];
	v10 =	vunpack.i.l.bf16.f32 v5  }
0x565: {  	v20 =	vld [tilespmem:s18+$0xFFFFFFC0];
	v16 =	vmov s12;
	v5 =	vunpack.i.u.bf16.f32 v5;
	[tilespmem:s1+$0x20] =	vst v10  }
0x566: {  	v19 =	vshll.u32 v16, $0x2;
	v22 =	vld [tilespmem:s18+$0x1060];
	v10 =	vunpack.i.l.bf16.f32 v7;
	[tilespmem:s1+$0x420] =	vst v5  }
0x567: {  	v5 =	vunpack.i.u.bf16.f32 v7;
	v7 =	vand.u32 $0x7F, v16;
	[tilespmem:s20+$0x10] =	vst v10;
	v10 =	vand.u32 $0x7FFFFE00, v19;
	v16 =	vld [tilespmem:s19+$0xFFFFF030]  }
0x568: {  	[tilespmem:s20+$0x410] =	vst v5;
	v5 =	vor.u32 v7, v10;
	v7 =	vld [tilespmem:s19+$0x30]  }
0x569: {  	s0 =	sadd.s32 $0x62, s29;
	v6 =	vmul.bf16 v12, v6;
	v25 =	vld [tilespmem:s19+$0x1030];
	v8 =	vmul.bf16 v13, v8;
	v19 =	vor.u32 $0x100, v5  }
0x56a: {  	v23 =	vmov s0;
	v10 =	vld [tilespmem:s19+$0xFFFFEFA0];
	v24 =	vor.u32 $0x80, v5  }
0x56b: {  	v26 =	vshll.u32 v23, $0x2;
	v27 =	vld [tilespmem:s19+$0xFFFFFFA0];
	v6 =	vadd.bf16 v8, v6;
	v8 =	vmul.bf16 v11, v22  }
0x56c: {  	v26 =	vand.u32 $0x7FFFFE00, v26;
	v22 =	vand.u32 $0x7E, v23;
	v23 =	vld [tilespmem:s19+$0xFA0]  }
0x56d: {  	v6 =	vadd.bf16 v8, v6;
	v8 =	vmul.bf16 v14, v16;
	v5 =	vld.idx.msk [tilespmem:v5+s2+$0x0], $0xffff;
	v7 =	vmul.bf16 v17, v7  }
0x56e: {  	v22 =	vor.u32 v22, v26;
	v26 =	vld.idx.msk [tilespmem:v19+s2+$0x0], $0xffff  }
0x56f: {  	v10 =	vmul.bf16 v2, v10;
	v24 =	vld.idx.msk [tilespmem:v24+s2+$0x0], $0xffff;
	v7 =	vadd.bf16 v7, v8;
	v8 =	vmul.bf16 v18, v25  }
0x570: {  	v16 =	vunpack.i.l.bf16.f32 v6;
	v19 =	vmul.bf16 v4, v27;
	v6 =	vunpack.i.u.bf16.f32 v6;
	v27 =	vld [tilespmem:s21+$0xFFFFF000]  }
0x571: {  	v20 =	vmul.bf16 v0, v20;
	[tilespmem:s7+$0x460] =	vst v6;
	v6 =	vld [tilespmem:s21+$0x0];
	v7 =	vadd.bf16 v8, v7  }
0x572: {  	v9 =	vld [tilespmem:s18+$0xFFFFEFC0];
	v25 =	vor.u32 $0x80, v22;
	v23 =	vmul.bf16 v3, v23;
	v10 =	vadd.bf16 v19, v10  }
0x573: {  	v58 =	vld [tilespmem:s21+$0xF80];
	[tilespmem:s7+$0x60] =	vst v16;
	v52 =	vand.u32 $0xFFFF0000, v5;
	v5 =	vshrl.u32 v5, $0x10;
	v54 =	vunpack.i.l.bf16.f32 v7  }
0x574: {  	v21 =	vld [tilespmem:s18+$0xFC0];
	v55 =	vand.u32 $0xFFFF0000, v24;
	v24 =	vshrl.u32 v24, $0x10;
	v32 =	vunpack.i.u.bf16.f32 v7;
	[tilespmem:s1+$0x30] =	vst v54  }
0x575: {  	v16 =	vld [tilespmem:s18+$0xFFFFF070];
	v5 =	vor.u32 v5, v52;
	v56 =	vand.u32 $0xFFFF0000, v26;
	v7 =	vor.u32 v24, v55;
	[tilespmem:s1+$0x430] =	vst v32  }
0x576: {  	v24 =	vshrl.u32 v26, $0x10;
	v26 =	vmul.bf16 v5, v27;
	v27 =	vmul.bf16 v7, v6;
	v30 =	vld [tilespmem:s19+$0xFFFFF040]  }
0x577: {  	v9 =	vmul.bf16 v15, v9;
	v8 =	vor.u32 $0x100, v22;
	v6 =	vor.u32 v24, v56;
	v24 =	vld [tilespmem:s19+$0x40]  }
0x578: {  	v22 =	vld.idx.msk [tilespmem:v22+s2+$0x0], $0xffff;
	v10 =	vadd.bf16 v23, v10;
	v23 =	vadd.bf16 v27, v26;
	v26 =	vmul.bf16 v6, v53  }
0x579: {  	s13 =	simm.s32 $0x400;
	v9 =	vadd.bf16 v20, v9;
	v20 =	vmul.bf16 v1, v21;
	v21 =	vld [tilespmem:s19+$0x1040]  }
0x57a: {  	s22 =	simm.s32 $0x280;
	s0 =	sand.u32 $0x1800, s13;
	v25 =	vld.idx.msk [tilespmem:v25+s2+$0x0], $0xffff;
	v27 =	vunpack.i.u.bf16.f32 v10;
	v23 =	vadd.bf16 v26, v23  }
0x57b: {  	s6 =	sand.u32 $0x380, s22;
	s0 =	sor.u32 $0x12000, s0;
	v9 =	vadd.bf16 v20, v9;
	v19 =	vld [tilespmem:s18+$0x70];
	v10 =	vunpack.i.l.bf16.f32 v10;
	[tilespmem:s20+$0x420] =	vst v27  }
0x57c: {  	s22 =	sor.u32 s6, s0;
	v20 =	vld.idx.msk [tilespmem:v8+s2+$0x0], $0xffff;
	[tilespmem:s20+$0x20] =	vst v10;
	v26 =	vmul.bf16 v14, v30;
	v24 =	vmul.bf16 v17, v24;
	v8 =	vunpack.i.l.bf16.f32 v23  }
0x57d: {  	v59 =	vunpack.i.l.bf16.f32 v9;
	v10 =	vld [tilespmem:s21+$0xFFFFFF80];
	v23 =	vunpack.i.u.bf16.f32 v23;
	[tilespmem:s22+$0x0] =	vst v8  }
0x57e: {  	v27 =	vunpack.i.u.bf16.f32 v9;
	v60 =	vld [tilespmem:s19+$0xFFFFEFB0];
	v21 =	vmul.bf16 v18, v21;
	[tilespmem:s22+$0x400] =	vst v23;
	v9 =	vadd.bf16 v24, v26  }
0x57f: {  	v23 =	vand.u32 $0xFFFF0000, v25;
	v8 =	vand.u32 $0xFFFF0000, v22;
	v22 =	vshrl.u32 v22, $0x10;
	v24 =	vld [tilespmem:s21+$0xFFFFF010]  }
0x580: {  	v25 =	vshrl.u32 v25, $0x10;
	v8 =	vor.u32 v22, v8;
	v22 =	vld [tilespmem:s21+$0x10];
	v21 =	vadd.bf16 v21, v9  }
0x581: {  	[tilespmem:s17+$0x40] =	vst v59;
	v26 =	vand.u32 $0xFFFF0000, v20;
	v20 =	vshrl.u32 v20, $0x10;
	v9 =	vor.u32 v25, v23;
	v25 =	vld [tilespmem:s19+$0xFFFFFFB0]  }
0x582: {  	[tilespmem:s17+$0x440] =	vst v27;
	v61 =	vld [tilespmem:s21+$0x1010];
	v23 =	vmul.bf16 v8, v57;
	v27 =	vmul.bf16 v9, v10;
	v62 =	vunpack.i.l.bf16.f32 v21  }
0x583: {  	v63 =	vld [tilespmem:s19+$0xFB0];
	v10 =	vor.u32 v20, v26;
	v20 =	vunpack.i.u.bf16.f32 v21;
	[tilespmem:s1+$0x40] =	vst v62  }
0x584: {  	v36 =	vld [tilespmem:s18+$0xFFFFFFD0];
	v21 =	vadd.bf16 v27, v23;
	v23 =	vmul.bf16 v10, v58;
	[tilespmem:s1+$0x440] =	vst v20  }
0x585: {  	v20 =	vmul.bf16 v5, v24;
	v22 =	vmul.bf16 v7, v22;
	v24 =	vld [tilespmem:s19+$0xFFFFF050]  }
0x586: {  	s23 =	simm.s32 $0x200;
	v27 =	vmul.bf16 v2, v60;
	v25 =	vmul.bf16 v4, v25;
	v21 =	vadd.bf16 v23, v21;
	v23 =	vld [tilespmem:s19+$0x50]  }
0x587: {  	s6 =	sand.u32 $0x300, s23;
	v26 =	vld [tilespmem:s18+$0xFFFFEFD0];
	v20 =	vadd.bf16 v22, v20;
	v22 =	vmul.bf16 v6, v61  }
0x588: {  	s23 =	sor.u32 s6, s0;
	v37 =	vmul.bf16 v3, v63;
	v30 =	vld [tilespmem:s19+$0x1050];
	v25 =	vadd.bf16 v25, v27;
	v27 =	vunpack.i.u.bf16.f32 v21  }
0x589: {  	v38 =	vld [tilespmem:s18+$0xFD0];
	v21 =	vunpack.i.l.bf16.f32 v21;
	[tilespmem:s23+$0x400] =	vst v27;
	v20 =	vadd.bf16 v22, v20  }
0x58a: {  	v22 =	vld [tilespmem:s18+$0x1070];
	[tilespmem:s23+$0x0] =	vst v21;
	v25 =	vadd.bf16 v37, v25  }
0x58b: {  	v21 =	vld [tilespmem:s21+$0xFFFFEF90];
	v24 =	vmul.bf16 v14, v24;
	v27 =	vunpack.i.l.bf16.f32 v20;
	v23 =	vmul.bf16 v17, v23  }
0x58c: {  	v39 =	vmul.bf16 v0, v36;
	v26 =	vmul.bf16 v15, v26;
	v40 =	vld [tilespmem:s21+$0xFFFFFF90];
	v20 =	vunpack.i.u.bf16.f32 v20;
	[tilespmem:s22+$0x10] =	vst v27  }
0x58d: {  	v41 =	vld [tilespmem:s21+$0xF90];
	v27 =	vunpack.i.l.bf16.f32 v25;
	[tilespmem:s22+$0x410] =	vst v20;
	v20 =	vadd.bf16 v23, v24;
	v23 =	vmul.bf16 v18, v30  }
0x58e: {  	v26 =	vadd.bf16 v39, v26;
	v24 =	vunpack.i.u.bf16.f32 v25;
	[tilespmem:s20+$0x30] =	vst v27;
	v25 =	vmul.bf16 v1, v38;
	v27 =	vld [tilespmem:s21+$0xFFFFF020]  }
0x58f: {  	[tilespmem:s20+$0x430] =	vst v24;
	v24 =	vld [tilespmem:s21+$0x20];
	v20 =	vadd.bf16 v23, v20  }
0x590: {  	v42 =	vld [tilespmem:s21+$0x1020];
	v25 =	vadd.bf16 v25, v26  }
0x591: {  	v23 =	vld [tilespmem:s19+$0xFFFFEFC0];
	v21 =	vmul.bf16 v8, v21;
	v26 =	vmul.bf16 v9, v40;
	v43 =	vunpack.i.l.bf16.f32 v20  }
0x592: {  	v44 =	vld [tilespmem:s19+$0xFFFFFFC0];
	v20 =	vunpack.i.u.bf16.f32 v20;
	[tilespmem:s1+$0x50] =	vst v43  }
0x593: {  	v46 =	vmul.bf16 v10, v41;
	v47 =	vld [tilespmem:s19+$0xFC0];
	v45 =	vunpack.i.l.bf16.f32 v25;
	v21 =	vadd.bf16 v26, v21;
	[tilespmem:s1+$0x450] =	vst v20  }
0x594: {  	v20 =	vunpack.i.u.bf16.f32 v25;
	v25 =	vmul.bf16 v5, v27;
	v24 =	vmul.bf16 v7, v24;
	v26 =	vld [tilespmem:s19+$0xFFFFF060]  }
0x595: {  	s24 =	sadd.s32 $0x4, s14;
	[tilespmem:s17+$0x450] =	vst v20;
	v20 =	vadd.bf16 v46, v21;
	v21 =	vld [tilespmem:s19+$0x60]  }
0x596: {  	s26 =	sadd.s32 $0x63, s24;
	[tilespmem:s17+$0x50] =	vst v45;
	v33 =	vld [tilespmem:s19+$0x1060];
	v24 =	vadd.bf16 v24, v25;
	v25 =	vmul.bf16 v6, v42  }
0x597: {  	v48 =	vmov s26;
	v27 =	vld [tilespmem:s18+$0xFFFFEFE0];
	v49 =	vunpack.i.u.bf16.f32 v20;
	v20 =	vunpack.i.l.bf16.f32 v20  }
0x598: {  	v50 =	vshll.u32 v48, $0x2;
	v34 =	vld [tilespmem:s18+$0xFFFFFFE0];
	[tilespmem:s23+$0x10] =	vst v20;
	v24 =	vadd.bf16 v25, v24  }
0x599: {  	v51 =	vand.u32 $0x7FFFFE00, v50;
	v12 =	vmul.bf16 v12, v16;
	v20 =	vand.u32 $0x7F, v48;
	[tilespmem:s23+$0x410] =	vst v49;
	v25 =	vld [tilespmem:s18+$0xFE0]  }
0x59a: {  	v13 =	vmul.bf16 v13, v19;
	v20 =	vor.u32 v20, v51;
	v28 =	vld [tilespmem:s21+$0xFFFFEFA0];
	v52 =	vunpack.i.l.bf16.f32 v24  }
0x59b: {  	v16 =	vld [tilespmem:s21+$0xFFFFFFA0];
	v26 =	vmul.bf16 v14, v26;
	v21 =	vmul.bf16 v17, v21;
	v19 =	vunpack.i.u.bf16.f32 v24;
	[tilespmem:s22+$0x20] =	vst v52  }
0x59c: {  	v12 =	vadd.bf16 v13, v12;
	v11 =	vmul.bf16 v11, v22;
	v53 =	vor.u32 $0x100, v20;
	v24 =	vld [tilespmem:s21+$0xFA0];
	[tilespmem:s22+$0x420] =	vst v19  }
0x59d: {  	v13 =	vor.u32 $0x80, v20;
	v19 =	vadd.bf16 v21, v26;
	v21 =	vmul.bf16 v18, v33;
	v22 =	vld [tilespmem:s21+$0xFFFFF030]  }
0x59e: {  	v30 =	vmul.bf16 v4, v44;
	v32 =	vmul.bf16 v3, v47;
	v26 =	vld [tilespmem:s21+$0x30]  }
0x59f: {  	s0 =	sadd.s32 $0x62, s24;
	v27 =	vmul.bf16 v15, v27;
	v54 =	vld [tilespmem:s21+$0x1030];
	v21 =	vadd.bf16 v21, v19;
	v19 =	vadd.bf16 v11, v12  }
0x5a0: {  	v11 =	vmov s0;
	v12 =	vld.idx.msk [tilespmem:v20+s2+$0x0], $0xffff;
	v20 =	vmul.bf16 v2, v23;
	v28 =	vmul.bf16 v8, v28  }
0x5a1: {  	v16 =	vmul.bf16 v9, v16;
	v23 =	vshll.u32 v11, $0x2;
	v11 =	vand.u32 $0x7E, v11;
	v29 =	vld.idx.msk [tilespmem:v53+s2+$0x0], $0xffff  }
0x5a2: {  	s0 =	simm.s32 $0xE380;
	v13 =	vld.idx.msk [tilespmem:v13+s2+$0x0], $0xffff;
	v55 =	vunpack.i.l.bf16.f32 v21;
	v23 =	vand.u32 $0x7FFFFE00, v23;
	v21 =	vunpack.i.u.bf16.f32 v21  }
0x5a3: {  	v57 =	vld [tilespmem:s0+$0xFFFFF000];
	v11 =	vor.u32 v11, v23;
	v22 =	vmul.bf16 v5, v22;
	v23 =	vmul.bf16 v7, v26  }
0x5a4: {  	v35 =	vld [tilespmem:s0+$0x0];
	v20 =	vadd.bf16 v30, v20;
	v24 =	vmul.bf16 v10, v24;
	v16 =	vadd.bf16 v16, v28;
	[tilespmem:s1+$0x60] =	vst v55  }
0x5a5: {  	v42 =	vld [tilespmem:s0+$0xFFFFFF80];
	[tilespmem:s1+$0x460] =	vst v21;
	v21 =	vor.u32 $0x80, v11;
	v22 =	vadd.bf16 v23, v22;
	v23 =	vmul.bf16 v6, v54  }
0x5a6: {  	v58 =	vmul.bf16 v0, v34;
	v26 =	vld [tilespmem:s19+$0xFFFFF070];
	v60 =	vor.u32 $0x100, v11;
	v16 =	vadd.bf16 v24, v16  }
0x5a7: {  	v56 =	vld [tilespmem:s19+$0x70];
	v20 =	vadd.bf16 v32, v20;
	v24 =	vand.u32 $0xFFFF0000, v12;
	v22 =	vadd.bf16 v23, v22  }
0x5a8: {  	v12 =	vshrl.u32 v12, $0x10;
	v23 =	vmul.bf16 v1, v25;
	v25 =	vadd.bf16 v58, v27;
	v27 =	vld [tilespmem:s0+$0x1000]  }
0x5a9: {  	v62 =	vshrl.u32 v13, $0x10;
	v44 =	vunpack.i.u.bf16.f32 v20;
	v36 =	vld.idx.msk [tilespmem:v11+s2+$0x0], $0xffff;
	v61 =	vunpack.i.l.bf16.f32 v22  }
0x5aa: {  	v20 =	vunpack.i.l.bf16.f32 v20;
	v11 =	vand.u32 $0xFFFF0000, v13;
	v21 =	vld.idx.msk [tilespmem:v21+s2+$0x0], $0xffff;
	v22 =	vunpack.i.u.bf16.f32 v22;
	[tilespmem:s22+$0x30] =	vst v61  }
0x5ab: {  	v13 =	vor.u32 v12, v24;
	v12 =	vand.u32 $0xFFFF0000, v29;
	v11 =	vor.u32 v62, v11;
	v38 =	vld.idx.msk [tilespmem:v60+s2+$0x0], $0xffff;
	[tilespmem:s22+$0x430] =	vst v22  }
0x5ac: {  	v63 =	vmul.bf16 v13, v57;
	v31 =	vmul.bf16 v11, v35;
	v22 =	vshrl.u32 v29, $0x10;
	v37 =	vld [tilespmem:s21+$0xFFFFF040]  }
0x5ad: {  	v26 =	vmul.bf16 v14, v26;
	v23 =	vadd.bf16 v23, v25;
	v12 =	vor.u32 v22, v12;
	v22 =	vld [tilespmem:s21+$0x40]  }
0x5ae: {  	v24 =	vld [tilespmem:s0+$0xFFFFEF80];
	v25 =	vunpack.i.u.bf16.f32 v16;
	v29 =	vadd.bf16 v31, v63;
	v27 =	vmul.bf16 v12, v27  }
0x5af: {  	s24 =	simm.s32 $0x600;
	v16 =	vunpack.i.l.bf16.f32 v16;
	[tilespmem:s23+$0x420] =	vst v25;
	v40 =	vld [tilespmem:s21+$0x1040];
	v25 =	vand.u32 $0xFFFF0000, v36;
	v41 =	vshrl.u32 v36, $0x10  }
0x5b0: {  	s26 =	simm.s32 $0x380;
	s28 =	sand.u32 $0x1800, s24;
	v59 =	vld [tilespmem:s19+$0x1070];
	v39 =	vand.u32 $0xFFFF0000, v21;
	v21 =	vshrl.u32 v21, $0x10;
	v27 =	vadd.bf16 v27, v29  }
0x5b1: {  	s29 =	sand.u32 $0x380, s26;
	s6 =	sor.u32 $0x12000, s28;
	[tilespmem:s23+$0x20] =	vst v16;
	v14 =	vor.u32 v41, v25;
	v46 =	vand.u32 $0xFFFF0000, v38;
	v16 =	vor.u32 v21, v39;
	v21 =	vld [tilespmem:s0+$0xF80]  }
0x5b2: {  	s12 =	sor.u32 s29, s6;
	v43 =	vld [tilespmem:s21+$0xFFFFEFB0];
	v25 =	vunpack.i.l.bf16.f32 v27;
	v33 =	vmul.bf16 v5, v37;
	v22 =	vmul.bf16 v7, v22  }
0x5b3: {  	v32 =	vshrl.u32 v38, $0x10;
	v24 =	vmul.bf16 v14, v24;
	v27 =	vunpack.i.u.bf16.f32 v27;
	[tilespmem:s12+$0x0] =	vst v25;
	v25 =	vld [tilespmem:s21+$0xFFFFFFB0]  }
0x5b4: {  	v29 =	vmul.bf16 v16, v42;
	v45 =	vmul.bf16 v6, v40;
	[tilespmem:s12+$0x400] =	vst v27;
	v27 =	vld [tilespmem:s21+$0xFB0];
	v22 =	vadd.bf16 v22, v33  }
0x5b5: {  	[tilespmem:s20+$0x40] =	vst v20;
	v20 =	vmul.bf16 v17, v56;
	v17 =	vor.u32 v32, v46;
	v47 =	vld [tilespmem:s0+$0xFFFFF010]  }
0x5b6: {  	[tilespmem:s20+$0x440] =	vst v44;
	v24 =	vadd.bf16 v29, v24;
	v48 =	vld [tilespmem:s0+$0x10];
	v21 =	vmul.bf16 v17, v21;
	v22 =	vadd.bf16 v45, v22  }
0x5b7: {  	v49 =	vunpack.i.u.bf16.f32 v19;
	v50 =	vld [tilespmem:s19+$0xFFFFEFD0];
	v20 =	vadd.bf16 v20, v26  }
0x5b8: {  	[tilespmem:s7+$0x470] =	vst v49;
	v53 =	vunpack.i.u.bf16.f32 v23;
	v51 =	vld [tilespmem:s0+$0x1010];
	v21 =	vadd.bf16 v21, v24;
	v52 =	vunpack.i.l.bf16.f32 v22  }
0x5b9: {  	s13 =	simm.s32 $0x300;
	v26 =	vmul.bf16 v8, v43;
	v24 =	vld [tilespmem:s19+$0xFFFFFFD0];
	v25 =	vmul.bf16 v9, v25;
	v22 =	vunpack.i.u.bf16.f32 v22;
	[tilespmem:s22+$0x40] =	vst v52  }
0x5ba: {  	s13 =	sand.u32 $0x300, s13;
	v23 =	vunpack.i.l.bf16.f32 v23;
	v27 =	vmul.bf16 v10, v27;
	[tilespmem:s22+$0x440] =	vst v22;
	v22 =	vld [tilespmem:s19+$0xFD0];
	v55 =	vunpack.i.u.bf16.f32 v21  }
0x5bb: {  	s6 =	sor.u32 s13, s6;
	[tilespmem:s17+$0x60] =	vst v23;
	v23 =	vadd.bf16 v25, v26;
	v25 =	vmul.bf16 v13, v47;
	v26 =	vmul.bf16 v11, v48;
	v54 =	vld [tilespmem:s21+$0xFFFFF050]  }
0x5bc: {  	v19 =	vunpack.i.l.bf16.f32 v19;
	v18 =	vmul.bf16 v18, v59;
	v21 =	vunpack.i.l.bf16.f32 v21;
	v56 =	vld [tilespmem:s21+$0x50];
	[tilespmem:s6+$0x400] =	vst v55  }
0x5bd: {  	[tilespmem:s6+$0x0] =	vst v21;
	v21 =	vld [tilespmem:s21+$0x1050];
	v23 =	vadd.bf16 v27, v23;
	v25 =	vadd.bf16 v26, v25;
	v26 =	vmul.bf16 v12, v51  }
0x5be: {  	[tilespmem:s17+$0x460] =	vst v53;
	v57 =	vmul.bf16 v2, v50;
	v18 =	vadd.bf16 v18, v20;
	v20 =	vld [tilespmem:s0+$0xFFFFEF90];
	v24 =	vmul.bf16 v4, v24  }
0x5bf: {  	[tilespmem:s7+$0x70] =	vst v19;
	v27 =	vld [tilespmem:s18+$0xFFFFEFF0];
	v19 =	vunpack.i.l.bf16.f32 v23;
	v25 =	vadd.bf16 v26, v25  }
0x5c0: {  	v23 =	vunpack.i.u.bf16.f32 v23;
	v24 =	vadd.bf16 v24, v57;
	[tilespmem:s23+$0x30] =	vst v19;
	v19 =	vmul.bf16 v3, v22;
	v22 =	vld [tilespmem:s0+$0xFFFFFF90]  }
0x5c1: {  	v26 =	vld [tilespmem:s0+$0xF90];
	[tilespmem:s23+$0x430] =	vst v23;
	v58 =	vmul.bf16 v5, v54;
	v59 =	vmul.bf16 v7, v56;
	v23 =	vunpack.i.l.bf16.f32 v25  }
0x5c2: {  	v60 =	vunpack.i.u.bf16.f32 v18;
	v25 =	vunpack.i.u.bf16.f32 v25;
	v61 =	vld [tilespmem:s21+$0xFFFFEFC0];
	[tilespmem:s12+$0x10] =	vst v23  }
0x5c3: {  	v21 =	vmul.bf16 v6, v21;
	v62 =	vld [tilespmem:s21+$0xFFFFFFC0];
	v19 =	vadd.bf16 v19, v24;
	[tilespmem:s12+$0x410] =	vst v25;
	v24 =	vadd.bf16 v59, v58  }
0x5c4: {  	v18 =	vunpack.i.l.bf16.f32 v18;
	[tilespmem:s1+$0x470] =	vst v60;
	v63 =	vmul.bf16 v14, v20;
	v23 =	vld [tilespmem:s0+$0xFFFFF020]  }
0x5c5: {  	[tilespmem:s1+$0x70] =	vst v18;
	v25 =	vld [tilespmem:s0+$0x20];
	v18 =	vunpack.i.l.bf16.f32 v19;
	v21 =	vadd.bf16 v21, v24;
	v22 =	vmul.bf16 v16, v22  }
0x5c6: {  	v20 =	vld [tilespmem:s21+$0xFC0];
	v15 =	vmul.bf16 v15, v27;
	v19 =	vunpack.i.u.bf16.f32 v19;
	[tilespmem:s20+$0x50] =	vst v18  }
0x5c7: {  	v26 =	vmul.bf16 v17, v26;
	v24 =	vld [tilespmem:s0+$0x1020];
	[tilespmem:s20+$0x450] =	vst v19;
	v18 =	vunpack.i.l.bf16.f32 v21;
	v19 =	vadd.bf16 v22, v63  }
0x5c8: {  	v27 =	vunpack.i.u.bf16.f32 v21;
	v21 =	vmul.bf16 v8, v61;
	[tilespmem:s22+$0x50] =	vst v18;
	v18 =	vld [tilespmem:s19+$0xFFFFEFE0];
	v22 =	vmul.bf16 v9, v62  }
0x5c9: {  	s7 =	sor.u32 $0x3, s16;
	s1 =	simm.s32 $0x6;
	[tilespmem:s22+$0x450] =	vst v27;
	v26 =	vadd.bf16 v26, v19;
	v19 =	vld [tilespmem:s19+$0xFFFFFFE0]  }
.LBB2_11:
0x5ca: {  	s13 =	sadd.s32 s1, s14;
	v23 =	vmul.bf16 v13, v23;
	v25 =	vmul.bf16 v11, v25;
	v21 =	vadd.bf16 v22, v21;
	v22 =	vld [tilespmem:s21+$0xFFFFF060]  }
0x5cb: {  	s16 =	sadd.s32 $0x62, s13;
	s13 =	sadd.s32 $0x63, s13;
	v27 =	vunpack.i.u.bf16.f32 v26;
	v26 =	vunpack.i.l.bf16.f32 v26;
	v20 =	vmul.bf16 v10, v20;
	v28 =	vld [tilespmem:s21+$0x60]  }
0x5cc: {  	v29 =	vmov s13;
	[tilespmem:s6+$0x10] =	vst v26;
	v23 =	vadd.bf16 v25, v23;
	v24 =	vmul.bf16 v12, v24;
	v25 =	vld [tilespmem:s19+$0xFE0]  }
0x5cd: {  	v26 =	vmov s16;
	v30 =	vshll.u32 v29, $0x2;
	[tilespmem:s6+$0x410] =	vst v27;
	v20 =	vadd.bf16 v20, v21;
	v21 =	vld [tilespmem:s21+$0x1060]  }
0x5ce: {  	v27 =	vand.u32 $0x7F, v29;
	v29 =	vand.u32 $0x7FFFFE00, v30;
	v30 =	vld [tilespmem:s0+$0xFFFFEFA0];
	v23 =	vadd.bf16 v24, v23  }
0x5cf: {  	v24 =	vand.u32 $0x7E, v26;
	v26 =	vshll.u32 v26, $0x2;
	v27 =	vor.u32 v27, v29;
	v29 =	vld [tilespmem:s0+$0xFFFFFFA0]  }
0x5d0: {  	v22 =	vmul.bf16 v5, v22;
	v31 =	vld [tilespmem:s0+$0xFA0];
	v32 =	vunpack.i.l.bf16.f32 v23;
	v28 =	vmul.bf16 v7, v28  }
0x5d1: {  	v26 =	vand.u32 $0x7FFFFE00, v26;
	v23 =	vunpack.i.u.bf16.f32 v23;
	[tilespmem:s12+$0x20] =	vst v32;
	v32 =	vunpack.i.u.bf16.f32 v20;
	v33 =	vld [tilespmem:s18+$0xFFFFFFF0]  }
0x5d2: {  	v34 =	vor.u32 $0x100, v27;
	[tilespmem:s12+$0x420] =	vst v23;
	v22 =	vadd.bf16 v28, v22;
	v21 =	vmul.bf16 v6, v21;
	v23 =	vld [tilespmem:s18+$0xFF0];
	s18 =	smov.u32 s19;
	s19 =	smov.u32 s21;
	s21 =	smov.u32 s0  }
0x5d3: {  	v24 =	vor.u32 v24, v26;
	v26 =	vor.u32 $0x80, v27;
	v28 =	vmul.bf16 v14, v30;
	v30 =	vld [tilespmem:s0+$0xFFFFF030];
	[tilespmem:s23+$0x440] =	vst v32  }
0x5d4: {  	v35 =	vor.u32 $0x100, v24;
	v32 =	vor.u32 $0x80, v24;
	v36 =	vld [tilespmem:s0+$0x30];
	v21 =	vadd.bf16 v21, v22  }
0x5d5: {  	v20 =	vunpack.i.l.bf16.f32 v20;
	v22 =	vld.idx.msk [tilespmem:v27+s2+$0x0], $0xffff;
	v27 =	vmul.bf16 v16, v29;
	v29 =	vmul.bf16 v17, v31  }
0x5d6: {  	v18 =	vmul.bf16 v2, v18;
	v19 =	vmul.bf16 v4, v19;
	v31 =	vld [tilespmem:s0+$0x1030];
	[tilespmem:s23+$0x40] =	vst v20;
	v20 =	vunpack.i.l.bf16.f32 v21  }
0x5d7: {  	v21 =	vunpack.i.u.bf16.f32 v21;
	v34 =	vld.idx.msk [tilespmem:v34+s2+$0x0], $0xffff;
	v27 =	vadd.bf16 v27, v28;
	[tilespmem:s22+$0x60] =	vst v20;
	v20 =	vmul.bf16 v3, v25  }
0x5d8: {  	v18 =	vadd.bf16 v19, v18;
	v19 =	vmul.bf16 v0, v33;
	v0 =	vmov v4;
	v25 =	vld.idx.msk [tilespmem:v26+s2+$0x0], $0xffff;
	[tilespmem:s22+$0x460] =	vst v21  }
0x5d9: {  	v4 =	vmovc v9;
	v26 =	vmul.bf16 v13, v30;
	v21 =	vadd.bf16 v29, v27;
	v27 =	vmul.bf16 v11, v36;
	v28 =	vld [tilespmem:s19+$0xFFFFF070]  }
0x5da: {  	s0 =	sadd.s32 $0x100, s0;
	v9 =	vmovc v16;
	v15 =	vadd.bf16 v19, v15;
	v19 =	vmul.bf16 v1, v23;
	v18 =	vadd.bf16 v20, v18;
	v29 =	vld [tilespmem:s19+$0x70]  }
0x5db: {  	v1 =	vmovc v3;
	v3 =	vmovc v10;
	v16 =	vld [tilespmem:s0+$0xFFFFF000];
	v20 =	vunpack.i.u.bf16.f32 v21;
	v23 =	vadd.bf16 v27, v26;
	v26 =	vmul.bf16 v12, v31  }
0x5dc: {  	v10 =	vmovc v17;
	v21 =	vunpack.i.l.bf16.f32 v21;
	v27 =	vunpack.i.u.bf16.f32 v18;
	v18 =	vunpack.i.l.bf16.f32 v18;
	[tilespmem:s6+$0x420] =	vst v20;
	v20 =	vld [tilespmem:s19+$0x1070]  }
0x5dd: {  	s1 =	sadd.s32 $0x2, s1;
	v17 =	vand.u32 $0xFFFF0000, v22;
	v22 =	vshrl.u32 v22, $0x10;
	v30 =	vld [tilespmem:s0+$0x0];
	[tilespmem:s6+$0x20] =	vst v21;
	v21 =	vadd.bf16 v26, v23  }
0x5de: {  	p1 =	slt.u32 s1, $0x1E;
	v15 =	vadd.bf16 v19, v15;
	v17 =	vor.u32 v22, v17;
	v22 =	vand.u32 $0xFFFF0000, v34;
	v23 =	vld.idx.msk [tilespmem:v32+s2+$0x0], $0xffff;
	[tilespmem:s20+$0x60] =	vst v18  }
0x5df: {  	v26 =	vmul.bf16 v5, v28;
	v5 =	vmovc v13;
	v18 =	vld [tilespmem:s0+$0x1000];
	v19 =	vunpack.i.l.bf16.f32 v21;
	v28 =	vmul.bf16 v7, v29;
	[tilespmem:s20+$0x460] =	vst v27  }
0x5e0: {  	v13 =	vmovc v17;
	v27 =	vand.u32 $0xFFFF0000, v25;
	v25 =	vshrl.u32 v25, $0x10;
	v21 =	vunpack.i.u.bf16.f32 v21;
	v7 =	vmovc v11;
	v24 =	vld.idx.msk [tilespmem:v24+s2+$0x0], $0xffff;
	[tilespmem:s12+$0x30] =	vst v19  }
0x5e1: {  	v11 =	vor.u32 v25, v27;
	v17 =	vld [tilespmem:s0+$0xFFFFEF80];
	[tilespmem:s12+$0x430] =	vst v21;
	v19 =	vadd.bf16 v28, v26;
	v20 =	vmul.bf16 v6, v20  }
0x5e2: {  	v16 =	vmul.bf16 v13, v16;
	v21 =	vshrl.u32 v34, $0x10;
	v6 =	vmovc v12;
	v25 =	vmul.bf16 v11, v30;
	v26 =	vld [tilespmem:s21+$0xFFFFF040]  }
0x5e3: {  	v12 =	vor.u32 v21, v22;
	v21 =	vld [tilespmem:s21+$0x40];
	v19 =	vadd.bf16 v20, v19;
	v20 =	vunpack.i.u.bf16.f32 v15  }
0x5e4: {  	v22 =	vand.u32 $0xFFFF0000, v23;
	v27 =	vld.idx.msk [tilespmem:v35+s2+$0x0], $0xffff;
	v16 =	vadd.bf16 v25, v16;
	v18 =	vmul.bf16 v12, v18;
	[tilespmem:s17+$0x470] =	vst v20  }
0x5e5: {  	s24 =	sadd.s32 $0x200, s24;
	v15 =	vunpack.i.l.bf16.f32 v15;
	v20 =	vshrl.u32 v23, $0x10;
	v23 =	vld [tilespmem:s21+$0x1040];
	v25 =	vunpack.i.u.bf16.f32 v19  }
0x5e6: {  	s26 =	sadd.s32 $0x100, s26;
	s13 =	sand.u32 $0x1800, s24;
	v28 =	vand.u32 $0xFFFF0000, v24;
	v24 =	vshrl.u32 v24, $0x10;
	v29 =	vld [tilespmem:s0+$0xFFFFFF80];
	v18 =	vadd.bf16 v18, v16;
	[tilespmem:s22+$0x470] =	vst v25  }
0x5e7: {  	s28 =	sand.u32 $0x380, s26;
	s16 =	sadd.s32 $0xFFFFFF80, s26;
	s13 =	sor.u32 $0x12000, s13;
	v19 =	vunpack.i.l.bf16.f32 v19;
	v24 =	vor.u32 v24, v28;
	v16 =	vor.u32 v20, v22;
	v20 =	vld [tilespmem:s0+$0xF80];
	[tilespmem:s17+$0x70] =	vst v15  }
0x5e8: {  	s16 =	sand.u32 $0x300, s16;
	v25 =	vmul.bf16 v5, v26;
	v15 =	vunpack.i.l.bf16.f32 v18;
	v22 =	vld [tilespmem:s21+$0xFFFFEFB0];
	v21 =	vmul.bf16 v7, v21;
	[tilespmem:s22+$0x70] =	vst v19;
	s22 =	smov.u32 s12;
	s12 =	sor.u32 s28, s13  }
0x5e9: {  	s17 =	smov.u32 s20;
	s20 =	smov.u32 s23;
	v19 =	vmul.bf16 v24, v17;
	s13 =	sor.u32 s16, s13;
	v17 =	vunpack.i.u.bf16.f32 v18;
	[tilespmem:s12+$0x0] =	vst v15;
	v15 =	vld [tilespmem:s21+$0xFFFFFFB0]  }
0x5ea: {  	s23 =	smov.u32 s6;
	v18 =	vand.u32 $0xFFFF0000, v27;
	s6 =	smov.u32 s13;
	[tilespmem:s12+$0x400] =	vst v17;
	v26 =	vld [tilespmem:s21+$0xFB0];
	v21 =	vadd.bf16 v21, v25;
	v23 =	vmul.bf16 v6, v23  }
0x5eb: {  	v17 =	vshrl.u32 v27, $0x10;
	v25 =	vmul.bf16 v16, v29;
	v27 =	vld [tilespmem:s0+$0xFFFFF010]  }
0x5ec: {  	v17 =	vor.u32 v17, v18;
	v18 =	vld [tilespmem:s0+$0x10];
	v21 =	vadd.bf16 v23, v21  }
0x5ed: {  	v20 =	vmul.bf16 v17, v20;
	v19 =	vadd.bf16 v25, v19;
	v22 =	vmul.bf16 v14, v22;
	v23 =	vld [tilespmem:s19+$0xFFFFEFD0]  }
0x5ee: {  	v25 =	vld [tilespmem:s0+$0x1010];
	v15 =	vmul.bf16 v9, v15;
	v28 =	vunpack.i.l.bf16.f32 v21  }
0x5ef: {  	v21 =	vunpack.i.u.bf16.f32 v21;
	v19 =	vadd.bf16 v20, v19;
	v20 =	vmul.bf16 v10, v26;
	[tilespmem:s22+$0x40] =	vst v28;
	v26 =	vld [tilespmem:s19+$0xFFFFFFD0]  }
0x5f0: {  	v15 =	vadd.bf16 v15, v22;
	[tilespmem:s22+$0x440] =	vst v21;
	v21 =	vld [tilespmem:s19+$0xFD0]  }
0x5f1: {  	v27 =	vmul.bf16 v13, v27;
	v22 =	vunpack.i.u.bf16.f32 v19;
	v18 =	vmul.bf16 v11, v18;
	v28 =	vld [tilespmem:s21+$0xFFFFF050]  }
0x5f2: {  	v19 =	vunpack.i.l.bf16.f32 v19;
	[tilespmem:s6+$0x400] =	vst v22;
	v15 =	vadd.bf16 v20, v15;
	v20 =	vld [tilespmem:s21+$0x50];
	v22 =	vmul.bf16 v8, v23  }
0x5f3: {  	[tilespmem:s6+$0x0] =	vst v19;
	v18 =	vadd.bf16 v18, v27;
	v19 =	vmul.bf16 v12, v25;
	v23 =	vld [tilespmem:s18+$0xFFFFEFF0]  }
0x5f4: {  	v25 =	vunpack.i.u.bf16.f32 v15;
	v15 =	vunpack.i.l.bf16.f32 v15;
	v27 =	vld [tilespmem:s21+$0x1050];
	v26 =	vmul.bf16 v4, v26  }
0x5f5: {  	v29 =	vld [tilespmem:s0+$0xFFFFEF90];
	v18 =	vadd.bf16 v19, v18;
	[tilespmem:s23+$0x30] =	vst v15;
	v15 =	vmul.bf16 v3, v21  }
0x5f6: {  	v19 =	vld [tilespmem:s0+$0xFFFFFF90];
	[tilespmem:s23+$0x430] =	vst v25;
	v21 =	vadd.bf16 v26, v22  }
0x5f7: {  	v26 =	vmul.bf16 v5, v28;
	v22 =	vld [tilespmem:s0+$0xF90];
	v25 =	vunpack.i.l.bf16.f32 v18;
	v20 =	vmul.bf16 v7, v20  }
0x5f8: {  	v18 =	vunpack.i.u.bf16.f32 v18;
	[tilespmem:s12+$0x10] =	vst v25;
	v28 =	vld [tilespmem:s21+$0xFFFFEFC0];
	v21 =	vadd.bf16 v15, v21;
	v15 =	vmul.bf16 v2, v23;
	v2 =	vmovc v8  }
0x5f9: {  	v8 =	vmovc v14;
	v14 =	vmov v24;
	[tilespmem:s12+$0x410] =	vst v18;
	v18 =	vld [tilespmem:s21+$0xFFFFFFC0];
	v20 =	vadd.bf16 v20, v26;
	v26 =	vmul.bf16 v6, v27  }
0x5fa: {  	v24 =	vmul.bf16 v14, v29;
	v23 =	vld [tilespmem:s0+$0xFFFFF020];
	v27 =	vunpack.i.u.bf16.f32 v21;
	v21 =	vunpack.i.l.bf16.f32 v21  }
.Ltmp6:
0x5fb: {  	v19 =	vmul.bf16 v16, v19;
	v25 =	vld [tilespmem:s0+$0x20];
	v26 =	vadd.bf16 v26, v20;
	[tilespmem:s20+$0x50] =	vst v21;
	(pc) =	sbr.rel @p1 .LBB2_11-.Ltmp6, $4  }
0x5fc: {  	v29 =	vmul.bf16 v17, v22;
	v20 =	vld [tilespmem:s21+$0xFC0];
	[tilespmem:s20+$0x450] =	vst v27  }
0x5fd: {  	v19 =	vadd.bf16 v19, v24;
	v24 =	vld [tilespmem:s0+$0x1020];
	v21 =	vmul.bf16 v8, v28;
	v27 =	vunpack.i.l.bf16.f32 v26  }
0x5fe: {  	v28 =	vunpack.i.u.bf16.f32 v26;
	v22 =	vmul.bf16 v9, v18;
	[tilespmem:s22+$0x50] =	vst v27;
	v18 =	vld [tilespmem:s19+$0xFFFFEFE0]  }
0x5ff: {  	v26 =	vadd.bf16 v29, v19;
	[tilespmem:s22+$0x450] =	vst v28;
	v19 =	vld [tilespmem:s19+$0xFFFFFFE0]  }
0x600: {  	_ = 	snop  }
0x601: {  	v27 =	vunpack.i.l.bf16.f32 v26  }
0x602: {  	v52 =	vunpack.i.u.bf16.f32 v26;
	[tilespmem:s6+$0x10] =	vst v27  }
0x603: {  	[tilespmem:s6+$0x410] =	vst v52  }
0x604: {  	v26 =	vld [tilespmem:s0+$0xFFFFEFA0]  }
0x605: {  	v27 =	vld [tilespmem:s0+$0xFFFFFFA0];
	_ =	sdelay $0x1  }
0x606: {  	v23 =	vmul.bf16 v13, v23;
	v25 =	vmul.bf16 v11, v25;
	v53 =	vld [tilespmem:s0+$0xFA0];
	_ =	sdelay $0x1  }
0x607: {  	v23 =	vadd.bf16 v25, v23;
	v24 =	vmul.bf16 v12, v24  }
0x608: {  	v26 =	vmul.bf16 v14, v26;
	v27 =	vmul.bf16 v16, v27  }
0x609: {  	v23 =	vadd.bf16 v24, v23  }
0x60a: {  	v54 =	vmul.bf16 v17, v53;
	v55 =	vadd.bf16 v27, v26  }
0x60b: {  	v24 =	vunpack.i.l.bf16.f32 v23;
	v23 =	vunpack.i.u.bf16.f32 v23  }
0x60c: {  	[tilespmem:s12+$0x420] =	vst v23;
	v23 =	vadd.bf16 v54, v55  }
0x60d: {  	[tilespmem:s12+$0x20] =	vst v24  }
0x60e: {  	v56 =	vld [tilespmem:s0+$0xFFFFF030];
	v59 =	vunpack.i.u.bf16.f32 v23  }
0x60f: {  	v57 =	vld [tilespmem:s0+$0x30];
	v23 =	vunpack.i.l.bf16.f32 v23;
	[tilespmem:s6+$0x420] =	vst v59  }
0x610: {  	v58 =	vld [tilespmem:s0+$0x1030];
	[tilespmem:s6+$0x20] =	vst v23  }
0x611: {  	v62 =	vld [tilespmem:s0+$0xFFFFEFB0]  }
0x612: {  	v27 =	vld [tilespmem:s0+$0xFFFFFFB0];
	_ =	sdelay $0x1  }
0x613: {  	v60 =	vmul.bf16 v13, v56;
	v61 =	vmul.bf16 v11, v57;
	v63 =	vld [tilespmem:s0+$0xFB0];
	_ =	sdelay $0x1  }
0x614: {  	v24 =	vmul.bf16 v12, v58;
	v23 =	vadd.bf16 v61, v60  }
0x615: {  	v26 =	vmul.bf16 v14, v62;
	v27 =	vmul.bf16 v16, v27  }
0x616: {  	v23 =	vadd.bf16 v24, v23  }
0x617: {  	v28 =	vmul.bf16 v17, v63;
	v29 =	vadd.bf16 v27, v26  }
0x618: {  	v24 =	vunpack.i.l.bf16.f32 v23;
	v23 =	vunpack.i.u.bf16.f32 v23  }
0x619: {  	[tilespmem:s12+$0x430] =	vst v23;
	v23 =	vadd.bf16 v28, v29  }
0x61a: {  	[tilespmem:s12+$0x30] =	vst v24  }
0x61b: {  	v30 =	vld [tilespmem:s0+$0xFFFFF040];
	v33 =	vunpack.i.l.bf16.f32 v23  }
0x61c: {  	v31 =	vld [tilespmem:s0+$0x40];
	v23 =	vunpack.i.u.bf16.f32 v23;
	[tilespmem:s6+$0x30] =	vst v33  }
0x61d: {  	v32 =	vld [tilespmem:s0+$0x1040];
	[tilespmem:s6+$0x430] =	vst v23  }
0x61e: {  	v36 =	vld [tilespmem:s0+$0xFFFFEFC0]  }
0x61f: {  	v21 =	vadd.bf16 v22, v21;
	v20 =	vmul.bf16 v10, v20;
	v37 =	vld [tilespmem:s0+$0xFFFFFFC0];
	_ =	sdelay $0x1  }
0x620: {  	v20 =	vadd.bf16 v20, v21;
	v34 =	vmul.bf16 v13, v30;
	v35 =	vmul.bf16 v11, v31;
	v40 =	vld [tilespmem:s0+$0xFC0];
	_ =	sdelay $0x1  }
0x621: {  	v41 =	vunpack.i.u.bf16.f32 v20;
	v39 =	vmul.bf16 v12, v32;
	v38 =	vadd.bf16 v35, v34  }
0x622: {  	v20 =	vunpack.i.l.bf16.f32 v20;
	[tilespmem:s23+$0x440] =	vst v41;
	v43 =	vmul.bf16 v14, v36;
	v44 =	vmul.bf16 v16, v37  }
0x623: {  	[tilespmem:s23+$0x40] =	vst v20;
	v21 =	vadd.bf16 v39, v38  }
0x624: {  	v45 =	vld [tilespmem:s21+$0xFFFFEFD0];
	v47 =	vmul.bf16 v17, v40;
	v46 =	vadd.bf16 v44, v43  }
0x625: {  	v50 =	vld [tilespmem:s21+$0xFFFFFFD0];
	v42 =	vunpack.i.l.bf16.f32 v21;
	v21 =	vunpack.i.u.bf16.f32 v21  }
0x626: {  	v53 =	vld [tilespmem:s21+$0xFD0];
	[tilespmem:s12+$0x440] =	vst v21;
	v21 =	vadd.bf16 v47, v46  }
0x627: {  	v54 =	vld [tilespmem:s21+$0xFFFFF060];
	[tilespmem:s12+$0x40] =	vst v42  }
0x628: {  	v48 =	vld [tilespmem:s0+$0xFFFFF050];
	v52 =	vunpack.i.u.bf16.f32 v21  }
0x629: {  	v49 =	vld [tilespmem:s0+$0x50];
	v21 =	vunpack.i.l.bf16.f32 v21;
	[tilespmem:s6+$0x440] =	vst v52  }
0x62a: {  	v51 =	vld [tilespmem:s0+$0x1050];
	[tilespmem:s6+$0x40] =	vst v21  }
0x62b: {  	v20 =	vmul.bf16 v8, v45;
	v22 =	vmul.bf16 v9, v50;
	v57 =	vld [tilespmem:s0+$0xFFFFEFD0]  }
0x62c: {  	v28 =	vld [tilespmem:s0+$0xFFFFFFD0]  }
0x62d: {  	v20 =	vadd.bf16 v22, v20;
	v59 =	vmul.bf16 v10, v53;
	v29 =	vld [tilespmem:s21+$0x60]  }
0x62e: {  	v55 =	vmul.bf16 v13, v48;
	v56 =	vmul.bf16 v11, v49;
	v60 =	vld [tilespmem:s0+$0xFD0]  }
0x62f: {  	v61 =	vld [tilespmem:s21+$0x1060];
	v20 =	vadd.bf16 v59, v20  }
0x630: {  	v18 =	vmul.bf16 v2, v18;
	v58 =	vmul.bf16 v12, v51;
	v21 =	vadd.bf16 v56, v55  }
0x631: {  	v25 =	vld [tilespmem:s18+$0xFF0];
	v33 =	vunpack.i.l.bf16.f32 v20;
	v24 =	vmul.bf16 v14, v57;
	v28 =	vmul.bf16 v16, v28  }
0x632: {  	v62 =	vld [tilespmem:s19+$0xFE0];
	v26 =	vmul.bf16 v5, v54;
	v20 =	vunpack.i.u.bf16.f32 v20;
	[tilespmem:s23+$0x50] =	vst v33;
	v21 =	vadd.bf16 v58, v21  }
0x633: {  	v30 =	vld [tilespmem:s18+$0xFFFFFFF0];
	[tilespmem:s23+$0x450] =	vst v20;
	v29 =	vmul.bf16 v7, v29;
	v22 =	vmul.bf16 v17, v60;
	v24 =	vadd.bf16 v28, v24  }
0x634: {  	v19 =	vmul.bf16 v4, v19;
	v27 =	vmul.bf16 v6, v61;
	v37 =	vld [tilespmem:s21+$0xFFFFEFE0];
	v63 =	vunpack.i.l.bf16.f32 v21  }
0x635: {  	v26 =	vadd.bf16 v29, v26;
	v40 =	vld [tilespmem:s21+$0xFFFFFFE0];
	v21 =	vunpack.i.u.bf16.f32 v21;
	[tilespmem:s12+$0x50] =	vst v63;
	v22 =	vadd.bf16 v22, v24  }
0x636: {  	v18 =	vadd.bf16 v19, v18;
	v42 =	vld [tilespmem:s21+$0xFE0];
	[tilespmem:s12+$0x450] =	vst v21  }
0x637: {  	v23 =	vmul.bf16 v3, v62;
	v36 =	vadd.bf16 v27, v26;
	v34 =	vld [tilespmem:s0+$0xFFFFF060];
	v39 =	vunpack.i.l.bf16.f32 v22  }
0x638: {  	v35 =	vld [tilespmem:s0+$0x60];
	v22 =	vunpack.i.u.bf16.f32 v22;
	[tilespmem:s6+$0x50] =	vst v39  }
0x639: {  	v18 =	vadd.bf16 v23, v18;
	v41 =	vunpack.i.l.bf16.f32 v36;
	v38 =	vld [tilespmem:s0+$0x1060];
	[tilespmem:s6+$0x450] =	vst v22  }
0x63a: {  	v43 =	vunpack.i.u.bf16.f32 v36;
	[tilespmem:s22+$0x60] =	vst v41;
	v26 =	vmul.bf16 v8, v37;
	v49 =	vmul.bf16 v9, v40;
	v44 =	vld [tilespmem:s0+$0xFFFFEFE0]  }
0x63b: {  	[tilespmem:s22+$0x460] =	vst v43;
	v45 =	vld [tilespmem:s0+$0xFFFFFFE0]  }
0x63c: {  	v46 =	vld [tilespmem:s21+$0xFFFFF070];
	v53 =	vmul.bf16 v10, v42;
	v48 =	vunpack.i.l.bf16.f32 v18;
	v54 =	vadd.bf16 v49, v26  }
0x63d: {  	v18 =	vunpack.i.u.bf16.f32 v18;
	v21 =	vmul.bf16 v13, v34;
	v20 =	vmul.bf16 v11, v35;
	v50 =	vld [tilespmem:s0+$0xFE0]  }
0x63e: {  	v51 =	vld [tilespmem:s21+$0x70];
	[tilespmem:s20+$0x460] =	vst v18;
	v18 =	vadd.bf16 v53, v54  }
0x63f: {  	[tilespmem:s20+$0x60] =	vst v48;
	v52 =	vld [tilespmem:s21+$0x1070];
	v47 =	vmul.bf16 v12, v38;
	v20 =	vadd.bf16 v20, v21  }
0x640: {  	v55 =	vld [tilespmem:s19+$0xFFFFEFF0];
	v61 =	vunpack.i.l.bf16.f32 v18;
	v24 =	vmul.bf16 v14, v44;
	v22 =	vmul.bf16 v16, v45  }
0x641: {  	v18 =	vunpack.i.u.bf16.f32 v18;
	[tilespmem:s23+$0x60] =	vst v61;
	v57 =	vld [tilespmem:s19+$0xFFFFFFF0];
	v20 =	vadd.bf16 v47, v20  }
0x642: {  	v58 =	vld [tilespmem:s19+$0xFF0];
	[tilespmem:s23+$0x460] =	vst v18;
	v59 =	vmul.bf16 v17, v50;
	v22 =	vadd.bf16 v22, v24  }
0x643: {  	v32 =	vld [tilespmem:s21+$0xFFFFEFF0];
	v56 =	vunpack.i.l.bf16.f32 v20;
	v20 =	vunpack.i.u.bf16.f32 v20  }
0x644: {  	v0 =	vmul.bf16 v0, v30;
	v35 =	vld [tilespmem:s21+$0xFFFFFFF0];
	[tilespmem:s12+$0x460] =	vst v20;
	v20 =	vadd.bf16 v59, v22  }
0x645: {  	v29 =	vmul.bf16 v7, v51;
	v63 =	vmul.bf16 v5, v46;
	v38 =	vld [tilespmem:s21+$0xFF0];
	[tilespmem:s12+$0x60] =	vst v56  }
0x646: {  	v36 =	vmul.bf16 v2, v55;
	v37 =	vmul.bf16 v4, v57;
	v60 =	vld [tilespmem:s0+$0xFFFFF070];
	v33 =	vunpack.i.l.bf16.f32 v20  }
0x647: {  	v5 =	vadd.bf16 v29, v63;
	v34 =	vmul.bf16 v6, v52;
	v62 =	vld [tilespmem:s0+$0x70];
	v20 =	vunpack.i.u.bf16.f32 v20;
	[tilespmem:s6+$0x60] =	vst v33  }
0x648: {  	v40 =	vmul.bf16 v3, v58;
	v2 =	vadd.bf16 v37, v36;
	v31 =	vld [tilespmem:s0+$0x1070];
	[tilespmem:s6+$0x460] =	vst v20  }
0x649: {  	v1 =	vmul.bf16 v1, v25;
	v0 =	vadd.bf16 v0, v15;
	v39 =	vadd.bf16 v34, v5;
	v41 =	vld [tilespmem:s0+$0xFFFFEFF0]  }
0x64a: {  	v2 =	vadd.bf16 v40, v2;
	v7 =	vmul.bf16 v9, v35;
	v50 =	vmul.bf16 v8, v32;
	v44 =	vld [tilespmem:s0+$0xFFFFFFF0]  }
0x64b: {  	v0 =	vadd.bf16 v1, v0;
	v46 =	vunpack.i.u.bf16.f32 v39;
	v1 =	vunpack.i.l.bf16.f32 v39  }
0x64c: {  	[tilespmem:s22+$0x470] =	vst v46;
	v53 =	vmul.bf16 v10, v38;
	v52 =	vunpack.i.u.bf16.f32 v2;
	v54 =	vadd.bf16 v7, v50;
	v49 =	vld [tilespmem:s0+$0xFF0]  }
0x64d: {  	[tilespmem:s22+$0x70] =	vst v1;
	v2 =	vunpack.i.l.bf16.f32 v2;
	v42 =	vmul.bf16 v13, v60;
	v43 =	vmul.bf16 v11, v62  }
0x64e: {  	[tilespmem:s20+$0x470] =	vst v52;
	v45 =	vunpack.i.u.bf16.f32 v0;
	v1 =	vadd.bf16 v53, v54;
	v48 =	vmul.bf16 v12, v31  }
0x64f: {  	[tilespmem:s20+$0x70] =	vst v2;
	v47 =	vadd.bf16 v43, v42;
	v5 =	vmul.bf16 v14, v41;
	v55 =	vmul.bf16 v16, v44  }
0x650: {  	v0 =	vunpack.i.l.bf16.f32 v0;
	[tilespmem:s17+$0x470] =	vst v45;
	v59 =	vunpack.i.u.bf16.f32 v1  }
0x651: {  	[tilespmem:s17+$0x70] =	vst v0;
	v51 =	vadd.bf16 v48, v47;
	v58 =	vmul.bf16 v17, v49;
	v57 =	vadd.bf16 v55, v5  }
0x652: {  	v61 =	vunpack.i.l.bf16.f32 v1;
	[tilespmem:s23+$0x470] =	vst v59  }
0x653: {  	[tilespmem:s23+$0x70] =	vst v61;
	v56 =	vunpack.i.u.bf16.f32 v51;
	v60 =	vadd.bf16 v58, v57  }
.Ltmp7:
0x654: {  	v0 =	vunpack.i.l.bf16.f32 v51;
	[tilespmem:s12+$0x470] =	vst v56;
	(pc) =	sbr.rel @p0 .LBB2_14-.Ltmp7, $4  }
0x655: {  	[tilespmem:s12+$0x70] =	vst v0;
	v62 =	vunpack.i.u.bf16.f32 v60  }
0x656: {  	s29 =	sshll.u32 s7, $0xA;
	v63 =	vunpack.i.l.bf16.f32 v60;
	[tilespmem:s6+$0x470] =	vst v62  }
0x657: {  	s1 =	simm.s32 $0x12000;
	s0 =	sadd.s32 s29, s8;
	[tilespmem:s6+$0x70] =	vst v63  }
0x658: {  	[hbm4b:s0+s2] =	stream.linear.scatter [tilespmem:s1], [sflag:$0x6], $0x2000, $0x38;
	[tilespmem:$0x14000] =	vst v63  }
0x659: {  	s0 =	sshll.u32 s15, $0x9  }
0x65a: {  	s0 =	sand.u32 $0x3FFFFE00, s0  }
0x65b: {  	s6 =	simm.s32 $0xD000;
	s1 =	sadd.s32 $0x2260, s0  }
0x65c: {  	[tilespmem:s6], [sflag:$0x4] =	stream.indirect.gather [hbm4b:s3+s30], $0x80, s1, s30, $0xb8;
	[tilespmem:$0x14000] =	vst v63  }
.Ltmp8:
0x65d: {  	_ = 	snop;
	(pc) =	sbr.rel .LBB2_4-.Ltmp8, $4  }
0x65e: {  	s28 =	simm.s32 $0xE000;
	s29 =	simm.s32 $0xF000;
	s26 =	sadd.s32 $0x22E0, s0  }
0x65f: {  	[tilespmem:s28], [sflag:$0x4] =	stream.indirect.gather [hbm4b:s3+s30], $0x80, s26, s30, $0xb8;
	[tilespmem:$0x14000] =	vst v63  }
0x660: {  	s15 =	sadd.s32 $0x1, s15;
	s14 =	sadd.s32 $0x80, s14;
	s0 =	sadd.s32 $0x2360, s0  }
0x661: {  	[tilespmem:s29], [sflag:$0x4] =	stream.indirect.gather [hbm4b:s3+s30], $0x80, s0, s30, $0xb8;
	[tilespmem:$0x14000] =	vst v63  }
.LBB2_15:
0x662: {  	_ =	sfence.sel $0x180000  }
0x663: {  	[bflag:$0x0] =	sbarrier.arrive $0xFFFF  }
0x664: {  	_ =	strace $0x90000047  }
0x665: {  	s0 =	stileid.u32;
	[bflag:$0x2] =	sbarrier.arrive $0xFFFF  }
0x666: {  	p0 =	sne.s32 s0, $0x0;
	s0 =	rddreg [dreg:$0x2]  }
0x667: {  	s0 =	sadd.s32 @!p0 $0x100000, s0  }
0x668: {  	[sflag:s0] =	ssyncadd.tile.s32 @!p0 $0x1;
	_ =	shalt  }
.Lfunc_end2:
_tile_overlayer_lowered:
.L_overlay_start_2:
0x669: {  	(tag) =	ssettag $0x2  }
0x66a: {  	s0 =	rddreg [dreg:$0x0];
	s2 =	stileid.u32  }
0x66b: {  	s1 =	rddreg [dreg:$0x1];
	p0 =	sne.s32 s2, $0x0  }
0x66c: {  	s3 =	rddreg [dreg:$0x2];
	[bflag:$0x3] =	sbarrier.arrive $0xFFFF;
	s2 =	simm.s32 @!p0 $0x1C07  }
0x66d: {  	[timem:s3], [sflag:s2] =	dma.local @!p0 [hbm:s0], s1  }
0x66e: {  	s0 =	simm.s32 @!p0 $0x7  }
0x66f: {  	_ =	swait.ge @!p0 [sflag:s0], s1  }
0x670: {  	s1 =	ssub.s32 @!p0 $0x0, s1;
	[sflag:s0] =	ssyncset.done @!p0 $0x0  }
0x671: {  	[sflag:s0] =	ssyncadd.s32 @!p0 s1  }
0x672: {  	[bflag:$0x3] =	sbarrier.arrive $0xFFFF  }
0x673: {  	_ =	shalt  }

</sc_bundles>
